<compile_context>
chip_gen: v7x
topology: tpu7x:2x2x1
jax: 0.10.2.dev20260603
libtpu: 0.0.44.dev20260713+nightly
codegen_flags: <defaults>
</compile_context>

<pallas_src>
import functools

import jax
import jax.numpy as jnp
from jax import lax
from jax.experimental import pallas as pl
from jax.experimental.pallas import tpu as pltpu
from jax.experimental.pallas import tpu_sc as plsc

N = 10000
D = 128
NC = 2
NS = 16
NW = NC * NS
CHUNK = 128
E = 320000
NCHUNKS = 80
EW = NCHUNKS * CHUNK
EP = EW * NW
NBUF = 2
NPAD = 10112
ROWS_PER_SUB = NPAD // NS

_mesh = plsc.VectorSubcoreMesh(
    core_axis_name="c", subcore_axis_name="s", num_cores=NC, num_subcores=NS
)


@functools.partial(
    pl.kernel,
    out_type=jax.ShapeDtypeStruct((NC * NPAD,), jnp.float32),
    mesh=_mesh,
    scratch_types=[
        pltpu.VMEM((NCHUNKS, CHUNK), jnp.int32),
        pltpu.VMEM((CHUNK,), jnp.float32),
        pltpu.VMEM((NPAD,), jnp.float32),
        pltpu.VMEM_SHARED((NPAD,), jnp.float32),
        pltpu.SemaphoreType.DMA,
    ],
)
def _deg_kernel(dst_hbm, ones_hbm, z_hbm, out_hbm, dst_v, ones_v, bounce, hist, sem):
    cid = lax.axis_index("c")
    sid = lax.axis_index("s")
    wid = sid * NC + cid
    base_r = sid * ROWS_PER_SUB
    pltpu.sync_copy(z_hbm, bounce)
    pltpu.sync_copy(bounce.at[pl.ds(0, ROWS_PER_SUB)], hist.at[pl.ds(base_r, ROWS_PER_SUB)])
    pltpu.sync_copy(dst_hbm.at[wid], dst_v)
    pltpu.sync_copy(ones_hbm, ones_v)
    plsc.subcore_barrier()

    def fire(c, carry):
        pltpu.async_copy(ones_v, hist.at[dst_v.at[c]], sem, add=True)
        return carry

    lax.fori_loop(0, NCHUNKS, fire, 0)

    def drain(c, carry):
        pltpu.make_async_copy(ones_v, hist.at[dst_v.at[0]], sem).wait()
        return carry

    lax.fori_loop(0, NCHUNKS, drain, 0)
    plsc.subcore_barrier()
    pltpu.sync_copy(hist.at[pl.ds(base_r, ROWS_PER_SUB)], bounce.at[pl.ds(0, ROWS_PER_SUB)])
    pltpu.sync_copy(
        bounce.at[pl.ds(0, ROWS_PER_SUB)],
        out_hbm.at[pl.ds(cid * NPAD + base_r, ROWS_PER_SUB)],
    )


@functools.partial(
    pl.kernel,
    out_type=jax.ShapeDtypeStruct((NC, NPAD, D), jnp.float32),
    mesh=_mesh,
    scratch_types=[
        [pltpu.VMEM((CHUNK,), jnp.int32)] * 3,
        [pltpu.VMEM((CHUNK,), jnp.int32)] * 3,
        pltpu.VMEM((3, CHUNK, D), jnp.float32),
        pltpu.VMEM_SHARED((NPAD, D), jnp.float32),
        [pltpu.SemaphoreType.DMA] * 3,
        [pltpu.SemaphoreType.DMA] * 3,
        [pltpu.SemaphoreType.DMA] * 3,
        [pltpu.SemaphoreType.DMA] * 3,
    ],
)
def _prop_kernel(hs_hbm, src_hbm, dst_hbm, zrow_hbm, out_hbm,
                 islots, dslots, rows, acc, isems, dsems, gsems, ssems):
    cid = lax.axis_index("c")
    sid = lax.axis_index("s")
    wid = sid * NC + cid
    base_r = sid * ROWS_PER_SUB
    for k in range(ROWS_PER_SUB // 128):
        pltpu.sync_copy(zrow_hbm, acc.at[pl.ds(base_r + k * 128, 128)])
    rem = ROWS_PER_SUB % 128
    if rem:
        pltpu.sync_copy(
            zrow_hbm.at[pl.ds(0, rem)],
            acc.at[pl.ds(base_r + (ROWS_PER_SUB // 128) * 128, rem)],
        )

    def load_src(c, b):
        pltpu.async_copy(src_hbm.at[wid, c], islots[b], isems[b])

    def load_dst(c, b):
        pltpu.async_copy(dst_hbm.at[wid, c], dslots[b], dsems[b])

    def wait_src(b):
        pltpu.make_async_copy(src_hbm.at[wid, 0], islots[b], isems[b]).wait()

    def wait_dst(b):
        pltpu.make_async_copy(dst_hbm.at[wid, 0], dslots[b], dsems[b]).wait()

    def start_gather(b):
        pltpu.async_copy(hs_hbm.at[islots[b]], rows.at[b], gsems[b])

    def wait_gather(b):
        pltpu.make_async_copy(hs_hbm.at[islots[b]], rows.at[b], gsems[b]).wait()

    def fire_scatter(b):
        pltpu.async_copy(rows.at[b], acc.at[dslots[b]], ssems[b], add=True)

    def wait_scatter(b):
        pltpu.make_async_copy(rows.at[b], acc.at[dslots[b]], ssems[b]).wait()

    def visit(v, b, first=False, has_g2=True, has_s3=True):
        b2 = (b + 2) % 3
        wait_gather(b)
        wait_dst(b)
        fire_scatter(b)
        if not first:
            wait_scatter(b2)
        if has_g2:
            wait_src(b2)
            start_gather(b2)
            load_dst(v + 2, b2)
        if has_s3:
            load_src(v + 3, b)

    for k in range(3):
        load_src(k, k)
    for k in range(2):
        load_dst(k, k)
    for k in range(2):
        wait_src(k)
        start_gather(k)
    plsc.subcore_barrier()

    visit(0, 0, first=True)

    def group(g, carry):
        for j in range(3):
            visit(g * 3 + 1 + j, (1 + j) % 3)
        return carry

    lax.fori_loop(0, (NCHUNKS - 4) // 3, group, 0)
    for v in range(NCHUNKS - 4, NCHUNKS):
        visit(v, v % 3, has_g2=(v + 2 < NCHUNKS), has_s3=(v + 3 < NCHUNKS))
    wait_scatter((NCHUNKS - 1) % 3)
    plsc.subcore_barrier()
    pltpu.sync_copy(
        acc.at[pl.ds(base_r, ROWS_PER_SUB)],
        out_hbm.at[cid, pl.ds(base_r, ROWS_PER_SUB)],
    )


def _tc1_body(parts_ref, x_ref, w_ref, dinv_ref, hs_ref):
    deg = parts_ref[0, 0:N] + parts_ref[1, 0:N] + 1.0
    dinv = lax.rsqrt(deg)
    h = jnp.dot(x_ref[...], w_ref[...], preferred_element_type=jnp.float32)
    dinv_ref[...] = dinv
    hs_ref[...] = h * dinv


_tc1 = pl.pallas_call(
    _tc1_body,
    out_shape=(
        jax.ShapeDtypeStruct((N, 1), jnp.float32),
        jax.ShapeDtypeStruct((N, D), jnp.float32),
    ),
)


def _tc_mid_body(p_ref, hs_ref, dinv_ref, b_ref, g_ref, be_ref, w_ref, out_ref):
    dinv = dinv_ref[...]
    o = (p_ref[0, 0:N] + p_ref[1, 0:N] + hs_ref[...]) * dinv + b_ref[...]
    mean = jnp.mean(o, axis=0, keepdims=True)
    cen = o - mean
    var = jnp.mean(cen * cen, axis=0, keepdims=True)
    o = cen * lax.rsqrt(var + 1e-5) * g_ref[...] + be_ref[...]
    o = jnp.maximum(o, 0.0)
    h = jnp.dot(o, w_ref[...], preferred_element_type=jnp.float32)
    out_ref[...] = h * dinv


_tc_mid = pl.pallas_call(
    _tc_mid_body,
    out_shape=jax.ShapeDtypeStruct((N, D), jnp.float32),
)


def _tc_fin_body(p_ref, hs_ref, dinv_ref, b_ref, out_ref):
    out_ref[...] = (p_ref[0, 0:N] + p_ref[1, 0:N] + hs_ref[...]) * dinv_ref[...] + b_ref[...]


_tc_fin = pl.pallas_call(
    _tc_fin_body,
    out_shape=jax.ShapeDtypeStruct((N, D), jnp.float32),
)


def kernel(x, edge_index, W1, b1, g1, be1, W2, b2, g2, be2, W3, b3):
    src = edge_index[0]
    dst = edge_index[1]
    padn = EP - E
    fill = jnp.arange(padn, dtype=jnp.int32)
    src_p = jnp.concatenate([src, fill % N]).reshape(NW, NCHUNKS, CHUNK)
    dst_p = jnp.concatenate([dst, N + (fill % (NPAD - N))]).reshape(NW, NCHUNKS, CHUNK)

    zrow = jnp.zeros((128, D), jnp.float32)
    zcol = jnp.zeros((NPAD,), jnp.float32)
    ones1 = jnp.ones((CHUNK,), jnp.float32)

    b1r, g1r, be1r = b1.reshape(1, D), g1.reshape(1, D), be1.reshape(1, D)
    b2r, g2r, be2r = b2.reshape(1, D), g2.reshape(1, D), be2.reshape(1, D)
    b3r = b3.reshape(1, D)

    deg_parts = _deg_kernel(dst_p, ones1, zcol).reshape(NC, NPAD, 1)
    dinv, hs1 = _tc1(deg_parts, x, W1)
    p1 = _prop_kernel(hs1, src_p, dst_p, zrow)
    hs2 = _tc_mid(p1, hs1, dinv, b1r, g1r, be1r, W2)
    p2 = _prop_kernel(hs2, src_p, dst_p, zrow)
    hs3 = _tc_mid(p2, hs2, dinv, b2r, g2r, be2r, W3)
    p3 = _prop_kernel(hs3, src_p, dst_p, zrow)
    out = _tc_fin(p3, hs3, dinv, b3r)
    return out

# --- scband reference (transcript-rebuilt; emitter-appended) ---
"""Pipeline reference for scband-gnnmodel-12773232738363 (READ-ONLY COPY).

The authoritative reference and input builder live on the scoring server;
editing this copy changes nothing except your own understanding.
"""

import jax, jax.numpy as jnp
import numpy as np

N = 10000
E = 320000
D_IN = 128
D_HID = 128
D_OUT = 128


def _glorot(key, shape):
    lim = float(np.sqrt(6.0 / (shape[0] + shape[1])))
    return jax.random.uniform(key, shape, dtype=jnp.float32, minval=-lim, maxval=lim)


def setup_inputs(seed: int = 0) -> dict:
    key = jax.random.key(seed)
    ks = jax.random.split(key, 12)
    x = jax.random.normal(ks[0], (N, D_IN), dtype=jnp.float32)
    edge_index = jax.random.randint(ks[1], (2, E), 0, N, dtype=jnp.int32)
    W1 = _glorot(ks[2], (D_IN, D_HID))
    b1 = jnp.zeros((D_HID,), dtype=jnp.float32)
    g1 = jnp.ones((D_HID,), dtype=jnp.float32)
    be1 = jnp.zeros((D_HID,), dtype=jnp.float32)
    W2 = _glorot(ks[3], (D_HID, D_HID))
    b2 = jnp.zeros((D_HID,), dtype=jnp.float32)
    g2 = jnp.ones((D_HID,), dtype=jnp.float32)
    be2 = jnp.zeros((D_HID,), dtype=jnp.float32)
    W3 = _glorot(ks[4], (D_HID, D_OUT))
    b3 = jnp.zeros((D_OUT,), dtype=jnp.float32)
    return {"x": x, "edge_index": edge_index, "W1": W1, "b1": b1, "g1": g1, "be1": be1,
            "W2": W2, "b2": b2, "g2": g2, "be2": be2, "W3": W3, "b3": b3}


def gcn_conv(x, W, b, src, dst, num_nodes):
    # PyG GCNConv: linear transform, add self-loops, symmetric normalization, scatter-add
    h = x @ W
    loops = jnp.arange(num_nodes, dtype=src.dtype)
    src_sl = jnp.concatenate([src, loops])
    dst_sl = jnp.concatenate([dst, loops])
    deg = jnp.zeros((num_nodes,), dtype=h.dtype).at[dst_sl].add(1.0)
    dinv = jax.lax.rsqrt(jnp.maximum(deg, 1e-12))
    coef = dinv[src_sl] * dinv[dst_sl]
    msg = h[src_sl] * coef[:, None]
    out = jnp.zeros((num_nodes, h.shape[1]), dtype=h.dtype).at[dst_sl].add(msg)
    return out + b


def batch_norm(x, gamma, beta, eps=1e-5):
    # training-mode BatchNorm1d: batch statistics (biased variance)
    mean = jnp.mean(x, axis=0)
    var = jnp.mean((x - mean) ** 2, axis=0)
    return (x - mean) * jax.lax.rsqrt(var + eps) * gamma + beta


def reference(x, edge_index, W1, b1, g1, be1, W2, b2, g2, be2, W3, b3):
    src = edge_index[0]
    dst = edge_index[1]
    n = x.shape[0]
    h = gcn_conv(x, W1, b1, src, dst, n)
    h = batch_norm(h, g1, be1)
    h = jax.nn.relu(h)
    # dropout is identity in deterministic/eval reference
    h = gcn_conv(h, W2, b2, src, dst, n)
    h = batch_norm(h, g2, be2)
    h = jax.nn.relu(h)
    h = gcn_conv(h, W3, b3, src, dst, n)
    return h

if __name__ == "__main__":
    import jax
    _d = setup_inputs()
    print(jax.jit(kernel)(*tuple(_d.values())))

</pallas_src>

<mosaic_0001>
#map = affine_map<(d0, d1) -> (0, 0, 0)>
#map1 = affine_map<(d0, d1) -> (0)>
module attributes {stable_mosaic.version = 14 : i64} {
  func.func @_deg_kernel(%arg0: i32, %arg1: i32, %arg2: memref<32x80x128xi32, #tpu.memory_space<hbm>>, %arg3: memref<128xf32, #tpu.memory_space<hbm>>, %arg4: memref<10112xf32, #tpu.memory_space<hbm>>, %arg5: memref<20224xf32, #tpu.memory_space<hbm>>, %arg6: memref<80x128xi32, #tpu.memory_space<vmem>>, %arg7: memref<128xf32, #tpu.memory_space<vmem>>, %arg8: memref<10112xf32, #tpu.memory_space<vmem>>, %arg9: memref<10112xf32, #tpu.memory_space<vmem_shared>>, %arg10: memref<!tpu.dma_semaphore, #tpu.memory_space<semaphore_mem>>) attributes {dimension_semantics = [#tpu.dimension_semantics<core_parallel>, #tpu.dimension_semantics<subcore_parallel>], iteration_bounds = array<i64: 2, 16>, scalar_prefetch = 0 : i64, scratch_operands = 5 : i64, tpu.core_type = #tpu.core_type<sc_vector_subcore>, window_params = [{transform_indices = #map}, {transform_indices = #map1}, {transform_indices = #map1}, {transform_indices = #map1}]} {
    %mul3A = arith.constant 2 : i32
    %mul3A_0 = arith.muli %arg1, %mul3A : i32
    %add3A = arith.addi %mul3A_0, %arg0 : i32
    %mul3A_1 = arith.constant 632 : i32
    %mul3A_2 = arith.muli %arg1, %mul3A_1 : i32
    "tpu.region"() ({
      %run_scoped3A = tpu.sem_alloc : memref<!tpu.dma_semaphore, #tpu.memory_space<semaphore_mem>>
      tpu.enqueue_dma source(%arg4 : memref<10112xf32, #tpu.memory_space<hbm>>) target(%arg8 : memref<10112xf32, #tpu.memory_space<vmem>>) target_semaphore(%run_scoped3A : memref<!tpu.dma_semaphore, #tpu.memory_space<semaphore_mem>>)
      tpu.wait_dma2 semaphore(%run_scoped3A : memref<!tpu.dma_semaphore, #tpu.memory_space<semaphore_mem>>) src(%arg4 : memref<10112xf32, #tpu.memory_space<hbm>>) dst(%arg8 : memref<10112xf32, #tpu.memory_space<vmem>>)
      tpu.yield
    }) : () -> ()
    "tpu.region"() ({
      %run_scoped3A = tpu.sem_alloc : memref<!tpu.dma_semaphore, #tpu.memory_space<semaphore_mem>>
      %dma_start3A = arith.constant 0 : i32
      %dma_start3A_18 = tpu.memref_slice %arg8[%dma_start3A] : memref<10112xf32, #tpu.memory_space<vmem>> -> memref<632xf32, #tpu.memory_space<vmem>>
      %dma_start3A_19 = tpu.memref_slice %arg9[%mul3A_2] : memref<10112xf32, #tpu.memory_space<vmem_shared>> -> memref<632xf32, #tpu.memory_space<vmem_shared>>
      %dma_start3A_20 = tpu.memref_slice %arg9[%mul3A_2] : memref<10112xf32, #tpu.memory_space<vmem_shared>> -> memref<632xf32, #tpu.memory_space<vmem_shared>>
      %dma_start3A_21 = arith.constant 0 : i32
      %dma_start3A_22 = tpu.memref_slice %arg8[%dma_start3A_21] : memref<10112xf32, #tpu.memory_space<vmem>> -> memref<632xf32, #tpu.memory_space<vmem>>
      tpu.enqueue_dma source(%dma_start3A_22 : memref<632xf32, #tpu.memory_space<vmem>>) target(%dma_start3A_20 : memref<632xf32, #tpu.memory_space<vmem_shared>>) target_semaphore(%run_scoped3A : memref<!tpu.dma_semaphore, #tpu.memory_space<semaphore_mem>>)
      %dma_wait3A = arith.constant 0 : i32
      %dma_wait3A_23 = tpu.memref_slice %arg8[%dma_wait3A] : memref<10112xf32, #tpu.memory_space<vmem>> -> memref<632xf32, #tpu.memory_space<vmem>>
      %dma_wait3A_24 = tpu.memref_slice %arg9[%mul3A_2] : memref<10112xf32, #tpu.memory_space<vmem_shared>> -> memref<632xf32, #tpu.memory_space<vmem_shared>>
      %dma_wait3A_25 = tpu.memref_slice %arg9[%mul3A_2] : memref<10112xf32, #tpu.memory_space<vmem_shared>> -> memref<632xf32, #tpu.memory_space<vmem_shared>>
      %dma_wait3A_26 = arith.constant 0 : i32
      %dma_wait3A_27 = tpu.memref_slice %arg8[%dma_wait3A_26] : memref<10112xf32, #tpu.memory_space<vmem>> -> memref<632xf32, #tpu.memory_space<vmem>>
      tpu.wait_dma2 semaphore(%run_scoped3A : memref<!tpu.dma_semaphore, #tpu.memory_space<semaphore_mem>>) src(%dma_wait3A_27 : memref<632xf32, #tpu.memory_space<vmem>>) dst(%dma_wait3A_25 : memref<632xf32, #tpu.memory_space<vmem_shared>>)
      tpu.yield
    }) : () -> ()
    "tpu.region"() ({
      %run_scoped3A = tpu.sem_alloc : memref<!tpu.dma_semaphore, #tpu.memory_space<semaphore_mem>>
      %dma_start3A = arith.constant 0 : i32
      %dma_start3A_18 = arith.constant 0 : i32
      %dma_start3A_19 = tpu.memref_slice %arg2[%add3A, %dma_start3A, %dma_start3A_18] : memref<32x80x128xi32, #tpu.memory_space<hbm>> -> memref<1x80x128xi32, #tpu.memory_space<hbm>>
      %dma_start3A_20 = tpu.memref_squeeze %dma_start3A_19 : memref<1x80x128xi32, #tpu.memory_space<hbm>> -> memref<80x128xi32, #tpu.memory_space<hbm>>
      %dma_start3A_21 = arith.constant 0 : i32
      %dma_start3A_22 = arith.constant 0 : i32
      %dma_start3A_23 = tpu.memref_slice %arg2[%add3A, %dma_start3A_21, %dma_start3A_22] : memref<32x80x128xi32, #tpu.memory_space<hbm>> -> memref<1x80x128xi32, #tpu.memory_space<hbm>>
      %dma_start3A_24 = tpu.memref_squeeze %dma_start3A_23 : memref<1x80x128xi32, #tpu.memory_space<hbm>> -> memref<80x128xi32, #tpu.memory_space<hbm>>
      tpu.enqueue_dma source(%dma_start3A_24 : memref<80x128xi32, #tpu.memory_space<hbm>>) target(%arg6 : memref<80x128xi32, #tpu.memory_space<vmem>>) target_semaphore(%run_scoped3A : memref<!tpu.dma_semaphore, #tpu.memory_space<semaphore_mem>>)
      %dma_wait3A = arith.constant 0 : i32
      %dma_wait3A_25 = arith.constant 0 : i32
      %dma_wait3A_26 = tpu.memref_slice %arg2[%add3A, %dma_wait3A, %dma_wait3A_25] : memref<32x80x128xi32, #tpu.memory_space<hbm>> -> memref<1x80x128xi32, #tpu.memory_space<hbm>>
      %dma_wait3A_27 = tpu.memref_squeeze %dma_wait3A_26 : memref<1x80x128xi32, #tpu.memory_space<hbm>> -> memref<80x128xi32, #tpu.memory_space<hbm>>
      %dma_wait3A_28 = arith.constant 0 : i32
      %dma_wait3A_29 = arith.constant 0 : i32
      %dma_wait3A_30 = tpu.memref_slice %arg2[%add3A, %dma_wait3A_28, %dma_wait3A_29] : memref<32x80x128xi32, #tpu.memory_space<hbm>> -> memref<1x80x128xi32, #tpu.memory_space<hbm>>
      %dma_wait3A_31 = tpu.memref_squeeze %dma_wait3A_30 : memref<1x80x128xi32, #tpu.memory_space<hbm>> -> memref<80x128xi32, #tpu.memory_space<hbm>>
      tpu.wait_dma2 semaphore(%run_scoped3A : memref<!tpu.dma_semaphore, #tpu.memory_space<semaphore_mem>>) src(%dma_wait3A_31 : memref<80x128xi32, #tpu.memory_space<hbm>>) dst(%arg6 : memref<80x128xi32, #tpu.memory_space<vmem>>)
      tpu.yield
    }) : () -> ()
    "tpu.region"() ({
      %run_scoped3A = tpu.sem_alloc : memref<!tpu.dma_semaphore, #tpu.memory_space<semaphore_mem>>
      tpu.enqueue_dma source(%arg3 : memref<128xf32, #tpu.memory_space<hbm>>) target(%arg7 : memref<128xf32, #tpu.memory_space<vmem>>) target_semaphore(%run_scoped3A : memref<!tpu.dma_semaphore, #tpu.memory_space<semaphore_mem>>)
      tpu.wait_dma2 semaphore(%run_scoped3A : memref<!tpu.dma_semaphore, #tpu.memory_space<semaphore_mem>>) src(%arg3 : memref<128xf32, #tpu.memory_space<hbm>>) dst(%arg7 : memref<128xf32, #tpu.memory_space<vmem>>)
      tpu.yield
    }) : () -> ()
    %barrier3A = arith.constant 0 : index
    tpu.barrier barrier_id(%barrier3A)
    %scan3A = arith.constant 0 : i32
    %scan3A_3 = arith.constant 0 : i32
    %scan3A_4 = arith.constant 80 : i32
    %scan3A_5 = arith.addi %scan3A_3, %scan3A_4 : i32
    %scan3A_6 = arith.constant 1 : i32
    scf.for %scan3A_18 = %scan3A_3 to %scan3A_5 step %scan3A_6  : i32 {
      %dma_start3A = arith.constant 0 : i32
      %dma_start3A_19 = tpu.memref_slice %arg6[%scan3A_18, %dma_start3A] : memref<80x128xi32, #tpu.memory_space<vmem>> -> memref<1x128xi32, #tpu.memory_space<vmem>>
      %dma_start3A_20 = tpu.memref_squeeze %dma_start3A_19 : memref<1x128xi32, #tpu.memory_space<vmem>> -> memref<128xi32, #tpu.memory_space<vmem>>
      %dma_start3A_21 = arith.constant 0 : i32
      %dma_start3A_22 = tpu.memref_slice %arg9[%dma_start3A_21] : memref<10112xf32, #tpu.memory_space<vmem_shared>> -> memref<10112xf32, #tpu.memory_space<vmem_shared>>
      tpu.enqueue_indirect_dma source(%arg7 : memref<128xf32, #tpu.memory_space<vmem>>) target(%dma_start3A_22 : memref<10112xf32, #tpu.memory_space<vmem_shared>>) offsets(%dma_start3A_20 : memref<128xi32, #tpu.memory_space<vmem>>) semaphore(%arg10 : memref<!tpu.dma_semaphore, #tpu.memory_space<semaphore_mem>>) {add = true}
    }
    %scan3A_7 = arith.constant 80 : i32
    %scan3A_8 = arith.constant 0 : i32
    %scan3A_9 = arith.constant 0 : i32
    %scan3A_10 = arith.constant 80 : i32
    %scan3A_11 = arith.addi %scan3A_9, %scan3A_10 : i32
    %scan3A_12 = arith.constant 1 : i32
    scf.for %scan3A_18 = %scan3A_9 to %scan3A_11 step %scan3A_12  : i32 {
      %dma_wait3A = arith.constant 0 : i32
      %dma_wait3A_19 = arith.constant 0 : i32
      %dma_wait3A_20 = tpu.memref_slice %arg6[%dma_wait3A, %dma_wait3A_19] : memref<80x128xi32, #tpu.memory_space<vmem>> -> memref<1x128xi32, #tpu.memory_space<vmem>>
      %dma_wait3A_21 = tpu.memref_squeeze %dma_wait3A_20 : memref<1x128xi32, #tpu.memory_space<vmem>> -> memref<128xi32, #tpu.memory_space<vmem>>
      %dma_wait3A_22 = arith.constant 0 : i32
      %dma_wait3A_23 = tpu.memref_slice %arg9[%dma_wait3A_22] : memref<10112xf32, #tpu.memory_space<vmem_shared>> -> memref<10112xf32, #tpu.memory_space<vmem_shared>>
      tpu.wait_indirect_dma semaphore(%arg10 : memref<!tpu.dma_semaphore, #tpu.memory_space<semaphore_mem>>) src(%arg7 : memref<128xf32, #tpu.memory_space<vmem>>) dst(%dma_wait3A_23 : memref<10112xf32, #tpu.memory_space<vmem_shared>>)
    }
    %scan3A_13 = arith.constant 80 : i32
    %barrier3A_14 = arith.constant 0 : index
    tpu.barrier barrier_id(%barrier3A_14)
    "tpu.region"() ({
      %run_scoped3A = tpu.sem_alloc : memref<!tpu.dma_semaphore, #tpu.memory_space<semaphore_mem>>
      %dma_start3A = arith.constant 0 : i32
      %dma_start3A_18 = tpu.memref_slice %arg8[%dma_start3A] : memref<10112xf32, #tpu.memory_space<vmem>> -> memref<632xf32, #tpu.memory_space<vmem>>
      %dma_start3A_19 = tpu.memref_slice %arg9[%mul3A_2] : memref<10112xf32, #tpu.memory_space<vmem_shared>> -> memref<632xf32, #tpu.memory_space<vmem_shared>>
      %dma_start3A_20 = arith.constant 0 : i32
      %dma_start3A_21 = tpu.memref_slice %arg8[%dma_start3A_20] : memref<10112xf32, #tpu.memory_space<vmem>> -> memref<632xf32, #tpu.memory_space<vmem>>
      %dma_start3A_22 = tpu.memref_slice %arg9[%mul3A_2] : memref<10112xf32, #tpu.memory_space<vmem_shared>> -> memref<632xf32, #tpu.memory_space<vmem_shared>>
      tpu.enqueue_dma source(%dma_start3A_22 : memref<632xf32, #tpu.memory_space<vmem_shared>>) target(%dma_start3A_21 : memref<632xf32, #tpu.memory_space<vmem>>) target_semaphore(%run_scoped3A : memref<!tpu.dma_semaphore, #tpu.memory_space<semaphore_mem>>)
      %dma_wait3A = arith.constant 0 : i32
      %dma_wait3A_23 = tpu.memref_slice %arg8[%dma_wait3A] : memref<10112xf32, #tpu.memory_space<vmem>> -> memref<632xf32, #tpu.memory_space<vmem>>
      %dma_wait3A_24 = tpu.memref_slice %arg9[%mul3A_2] : memref<10112xf32, #tpu.memory_space<vmem_shared>> -> memref<632xf32, #tpu.memory_space<vmem_shared>>
      %dma_wait3A_25 = arith.constant 0 : i32
      %dma_wait3A_26 = tpu.memref_slice %arg8[%dma_wait3A_25] : memref<10112xf32, #tpu.memory_space<vmem>> -> memref<632xf32, #tpu.memory_space<vmem>>
      %dma_wait3A_27 = tpu.memref_slice %arg9[%mul3A_2] : memref<10112xf32, #tpu.memory_space<vmem_shared>> -> memref<632xf32, #tpu.memory_space<vmem_shared>>
      tpu.wait_dma2 semaphore(%run_scoped3A : memref<!tpu.dma_semaphore, #tpu.memory_space<semaphore_mem>>) src(%dma_wait3A_27 : memref<632xf32, #tpu.memory_space<vmem_shared>>) dst(%dma_wait3A_26 : memref<632xf32, #tpu.memory_space<vmem>>)
      tpu.yield
    }) : () -> ()
    %mul3A_15 = arith.constant 10112 : i32
    %mul3A_16 = arith.muli %arg0, %mul3A_15 : i32
    %add3A_17 = arith.addi %mul3A_16, %mul3A_2 : i32
    "tpu.region"() ({
      %run_scoped3A = tpu.sem_alloc : memref<!tpu.dma_semaphore, #tpu.memory_space<semaphore_mem>>
      %dma_start3A = arith.constant 0 : i32
      %dma_start3A_18 = tpu.memref_slice %arg8[%dma_start3A] : memref<10112xf32, #tpu.memory_space<vmem>> -> memref<632xf32, #tpu.memory_space<vmem>>
      %dma_start3A_19 = tpu.memref_slice %arg5[%add3A_17] : memref<20224xf32, #tpu.memory_space<hbm>> -> memref<632xf32, #tpu.memory_space<hbm>>
      %dma_start3A_20 = tpu.memref_slice %arg5[%add3A_17] : memref<20224xf32, #tpu.memory_space<hbm>> -> memref<632xf32, #tpu.memory_space<hbm>>
      %dma_start3A_21 = arith.constant 0 : i32
      %dma_start3A_22 = tpu.memref_slice %arg8[%dma_start3A_21] : memref<10112xf32, #tpu.memory_space<vmem>> -> memref<632xf32, #tpu.memory_space<vmem>>
      tpu.enqueue_dma source(%dma_start3A_22 : memref<632xf32, #tpu.memory_space<vmem>>) target(%dma_start3A_20 : memref<632xf32, #tpu.memory_space<hbm>>) target_semaphore(%run_scoped3A : memref<!tpu.dma_semaphore, #tpu.memory_space<semaphore_mem>>)
      %dma_wait3A = arith.constant 0 : i32
      %dma_wait3A_23 = tpu.memref_slice %arg8[%dma_wait3A] : memref<10112xf32, #tpu.memory_space<vmem>> -> memref<632xf32, #tpu.memory_space<vmem>>
      %dma_wait3A_24 = tpu.memref_slice %arg5[%add3A_17] : memref<20224xf32, #tpu.memory_space<hbm>> -> memref<632xf32, #tpu.memory_space<hbm>>
      %dma_wait3A_25 = tpu.memref_slice %arg5[%add3A_17] : memref<20224xf32, #tpu.memory_space<hbm>> -> memref<632xf32, #tpu.memory_space<hbm>>
      %dma_wait3A_26 = arith.constant 0 : i32
      %dma_wait3A_27 = tpu.memref_slice %arg8[%dma_wait3A_26] : memref<10112xf32, #tpu.memory_space<vmem>> -> memref<632xf32, #tpu.memory_space<vmem>>
      tpu.wait_dma2 semaphore(%run_scoped3A : memref<!tpu.dma_semaphore, #tpu.memory_space<semaphore_mem>>) src(%dma_wait3A_27 : memref<632xf32, #tpu.memory_space<vmem>>) dst(%dma_wait3A_25 : memref<632xf32, #tpu.memory_space<hbm>>)
      tpu.yield
    }) : () -> ()
    return
  }
}

#map = affine_map<(d0, d1) -> (0, 0)>
#map1 = affine_map<(d0, d1) -> (0, 0, 0)>
module attributes {stable_mosaic.version = 14 : i64} {
  func.func @_prop_kernel(%arg0: i32, %arg1: i32, %arg2: memref<10000x128xf32, #tpu.memory_space<hbm>>, %arg3: memref<32x80x128xi32, #tpu.memory_space<hbm>>, %arg4: memref<32x80x128xi32, #tpu.memory_space<hbm>>, %arg5: memref<128x128xf32, #tpu.memory_space<hbm>>, %arg6: memref<2x10112x128xf32, #tpu.memory_space<hbm>>, %arg7: memref<128xi32, #tpu.memory_space<vmem>>, %arg8: memref<128xi32, #tpu.memory_space<vmem>>, %arg9: memref<128xi32, #tpu.memory_space<vmem>>, %arg10: memref<128xi32, #tpu.memory_space<vmem>>, %arg11: memref<128xi32, #tpu.memory_space<vmem>>, %arg12: memref<128xi32, #tpu.memory_space<vmem>>, %arg13: memref<3x128x128xf32, #tpu.memory_space<vmem>>, %arg14: memref<10112x128xf32, #tpu.memory_space<vmem_shared>>, %arg15: memref<!tpu.dma_semaphore, #tpu.memory_space<semaphore_mem>>, %arg16: memref<!tpu.dma_semaphore, #tpu.memory_space<semaphore_mem>>, %arg17: memref<!tpu.dma_semaphore, #tpu.memory_space<semaphore_mem>>, %arg18: memref<!tpu.dma_semaphore, #tpu.memory_space<semaphore_mem>>, %arg19: memref<!tpu.dma_semaphore, #tpu.memory_space<semaphore_mem>>, %arg20: memref<!tpu.dma_semaphore, #tpu.memory_space<semaphore_mem>>, %arg21: memref<!tpu.dma_semaphore, #tpu.memory_space<semaphore_mem>>, %arg22: memref<!tpu.dma_semaphore, #tpu.memory_space<semaphore_mem>>, %arg23: memref<!tpu.dma_semaphore, #tpu.memory_space<semaphore_mem>>, %arg24: memref<!tpu.dma_semaphore, #tpu.memory_space<semaphore_mem>>, %arg25: memref<!tpu.dma_semaphore, #tpu.memory_space<semaphore_mem>>, %arg26: memref<!tpu.dma_semaphore, #tpu.memory_space<semaphore_mem>>) attributes {dimension_semantics = [#tpu.dimension_semantics<core_parallel>, #tpu.dimension_semantics<subcore_parallel>], iteration_bounds = array<i64: 2, 16>, scalar_prefetch = 0 : i64, scratch_operands = 20 : i64, tpu.core_type = #tpu.core_type<sc_vector_subcore>, window_params = [{transform_indices = #map}, {transform_indices = #map1}, {transform_indices = #map1}, {transform_indices = #map}, {transform_indices = #map1}]} {
    %mul3A = arith.constant 2 : i32
    %mul3A_0 = arith.muli %arg1, %mul3A : i32
    %add3A = arith.addi %mul3A_0, %arg0 : i32
    %mul3A_1 = arith.constant 632 : i32
    %mul3A_2 = arith.muli %arg1, %mul3A_1 : i32
    %add3A_3 = arith.constant 0 : i32
    %add3A_4 = arith.addi %mul3A_2, %add3A_3 : i32
    "tpu.region"() ({
      %run_scoped3A = tpu.sem_alloc : memref<!tpu.dma_semaphore, #tpu.memory_space<semaphore_mem>>
      %dma_start3A_317 = arith.constant 0 : i32
      %dma_start3A_318 = tpu.memref_slice %arg14[%add3A_4, %dma_start3A_317] : memref<10112x128xf32, #tpu.memory_space<vmem_shared>> -> memref<128x128xf32, #tpu.memory_space<vmem_shared>>
      tpu.enqueue_dma source(%arg5 : memref<128x128xf32, #tpu.memory_space<hbm>>) target(%dma_start3A_318 : memref<128x128xf32, #tpu.memory_space<vmem_shared>>) target_semaphore(%run_scoped3A : memref<!tpu.dma_semaphore, #tpu.memory_space<semaphore_mem>>)
      %dma_wait3A_319 = arith.constant 0 : i32
      %dma_wait3A_320 = tpu.memref_slice %arg14[%add3A_4, %dma_wait3A_319] : memref<10112x128xf32, #tpu.memory_space<vmem_shared>> -> memref<128x128xf32, #tpu.memory_space<vmem_shared>>
      tpu.wait_dma2 semaphore(%run_scoped3A : memref<!tpu.dma_semaphore, #tpu.memory_space<semaphore_mem>>) src(%arg5 : memref<128x128xf32, #tpu.memory_space<hbm>>) dst(%dma_wait3A_320 : memref<128x128xf32, #tpu.memory_space<vmem_shared>>)
      tpu.yield
    }) : () -> ()
    %add3A_5 = arith.constant 128 : i32
    %add3A_6 = arith.addi %mul3A_2, %add3A_5 : i32
    "tpu.region"() ({
      %run_scoped3A = tpu.sem_alloc : memref<!tpu.dma_semaphore, #tpu.memory_space<semaphore_mem>>
      %dma_start3A_317 = arith.constant 0 : i32
      %dma_start3A_318 = tpu.memref_slice %arg14[%add3A_6, %dma_start3A_317] : memref<10112x128xf32, #tpu.memory_space<vmem_shared>> -> memref<128x128xf32, #tpu.memory_space<vmem_shared>>
      tpu.enqueue_dma source(%arg5 : memref<128x128xf32, #tpu.memory_space<hbm>>) target(%dma_start3A_318 : memref<128x128xf32, #tpu.memory_space<vmem_shared>>) target_semaphore(%run_scoped3A : memref<!tpu.dma_semaphore, #tpu.memory_space<semaphore_mem>>)
      %dma_wait3A_319 = arith.constant 0 : i32
      %dma_wait3A_320 = tpu.memref_slice %arg14[%add3A_6, %dma_wait3A_319] : memref<10112x128xf32, #tpu.memory_space<vmem_shared>> -> memref<128x128xf32, #tpu.memory_space<vmem_shared>>
      tpu.wait_dma2 semaphore(%run_scoped3A : memref<!tpu.dma_semaphore, #tpu.memory_space<semaphore_mem>>) src(%arg5 : memref<128x128xf32, #tpu.memory_space<hbm>>) dst(%dma_wait3A_320 : memref<128x128xf32, #tpu.memory_space<vmem_shared>>)
      tpu.yield
    }) : () -> ()
    %add3A_7 = arith.constant 256 : i32
    %add3A_8 = arith.addi %mul3A_2, %add3A_7 : i32
    "tpu.region"() ({
      %run_scoped3A = tpu.sem_alloc : memref<!tpu.dma_semaphore, #tpu.memory_space<semaphore_mem>>
      %dma_start3A_317 = arith.constant 0 : i32
      %dma_start3A_318 = tpu.memref_slice %arg14[%add3A_8, %dma_start3A_317] : memref<10112x128xf32, #tpu.memory_space<vmem_shared>> -> memref<128x128xf32, #tpu.memory_space<vmem_shared>>
      tpu.enqueue_dma source(%arg5 : memref<128x128xf32, #tpu.memory_space<hbm>>) target(%dma_start3A_318 : memref<128x128xf32, #tpu.memory_space<vmem_shared>>) target_semaphore(%run_scoped3A : memref<!tpu.dma_semaphore, #tpu.memory_space<semaphore_mem>>)
      %dma_wait3A_319 = arith.constant 0 : i32
      %dma_wait3A_320 = tpu.memref_slice %arg14[%add3A_8, %dma_wait3A_319] : memref<10112x128xf32, #tpu.memory_space<vmem_shared>> -> memref<128x128xf32, #tpu.memory_space<vmem_shared>>
      tpu.wait_dma2 semaphore(%run_scoped3A : memref<!tpu.dma_semaphore, #tpu.memory_space<semaphore_mem>>) src(%arg5 : memref<128x128xf32, #tpu.memory_space<hbm>>) dst(%dma_wait3A_320 : memref<128x128xf32, #tpu.memory_space<vmem_shared>>)
      tpu.yield
    }) : () -> ()
    %add3A_9 = arith.constant 384 : i32
    %add3A_10 = arith.addi %mul3A_2, %add3A_9 : i32
    "tpu.region"() ({
      %run_scoped3A = tpu.sem_alloc : memref<!tpu.dma_semaphore, #tpu.memory_space<semaphore_mem>>
      %dma_start3A_317 = arith.constant 0 : i32
      %dma_start3A_318 = tpu.memref_slice %arg14[%add3A_10, %dma_start3A_317] : memref<10112x128xf32, #tpu.memory_space<vmem_shared>> -> memref<128x128xf32, #tpu.memory_space<vmem_shared>>
      tpu.enqueue_dma source(%arg5 : memref<128x128xf32, #tpu.memory_space<hbm>>) target(%dma_start3A_318 : memref<128x128xf32, #tpu.memory_space<vmem_shared>>) target_semaphore(%run_scoped3A : memref<!tpu.dma_semaphore, #tpu.memory_space<semaphore_mem>>)
      %dma_wait3A_319 = arith.constant 0 : i32
      %dma_wait3A_320 = tpu.memref_slice %arg14[%add3A_10, %dma_wait3A_319] : memref<10112x128xf32, #tpu.memory_space<vmem_shared>> -> memref<128x128xf32, #tpu.memory_space<vmem_shared>>
      tpu.wait_dma2 semaphore(%run_scoped3A : memref<!tpu.dma_semaphore, #tpu.memory_space<semaphore_mem>>) src(%arg5 : memref<128x128xf32, #tpu.memory_space<hbm>>) dst(%dma_wait3A_320 : memref<128x128xf32, #tpu.memory_space<vmem_shared>>)
      tpu.yield
    }) : () -> ()
    %add3A_11 = arith.constant 512 : i32
    %add3A_12 = arith.addi %mul3A_2, %add3A_11 : i32
    "tpu.region"() ({
      %run_scoped3A = tpu.sem_alloc : memref<!tpu.dma_semaphore, #tpu.memory_space<semaphore_mem>>
      %dma_start3A_317 = arith.constant 0 : i32
      %dma_start3A_318 = tpu.memref_slice %arg14[%add3A_12, %dma_start3A_317] : memref<10112x128xf32, #tpu.memory_space<vmem_shared>> -> memref<120x128xf32, #tpu.memory_space<vmem_shared>>
      %dma_start3A_319 = arith.constant 0 : i32
      %dma_start3A_320 = arith.constant 0 : i32
      %dma_start3A_321 = tpu.memref_slice %arg5[%dma_start3A_319, %dma_start3A_320] : memref<128x128xf32, #tpu.memory_space<hbm>> -> memref<120x128xf32, #tpu.memory_space<hbm>>
      tpu.enqueue_dma source(%dma_start3A_321 : memref<120x128xf32, #tpu.memory_space<hbm>>) target(%dma_start3A_318 : memref<120x128xf32, #tpu.memory_space<vmem_shared>>) target_semaphore(%run_scoped3A : memref<!tpu.dma_semaphore, #tpu.memory_space<semaphore_mem>>)
      %dma_wait3A_322 = arith.constant 0 : i32
      %dma_wait3A_323 = tpu.memref_slice %arg14[%add3A_12, %dma_wait3A_322] : memref<10112x128xf32, #tpu.memory_space<vmem_shared>> -> memref<120x128xf32, #tpu.memory_space<vmem_shared>>
      %dma_wait3A_324 = arith.constant 0 : i32
      %dma_wait3A_325 = arith.constant 0 : i32
      %dma_wait3A_326 = tpu.memref_slice %arg5[%dma_wait3A_324, %dma_wait3A_325] : memref<128x128xf32, #tpu.memory_space<hbm>> -> memref<120x128xf32, #tpu.memory_space<hbm>>
      tpu.wait_dma2 semaphore(%run_scoped3A : memref<!tpu.dma_semaphore, #tpu.memory_space<semaphore_mem>>) src(%dma_wait3A_326 : memref<120x128xf32, #tpu.memory_space<hbm>>) dst(%dma_wait3A_323 : memref<120x128xf32, #tpu.memory_space<vmem_shared>>)
      tpu.yield
    }) : () -> ()
    %dma_start3A = arith.constant 0 : i32
    %dma_start3A_13 = arith.constant 0 : i32
    %dma_start3A_14 = tpu.memref_slice %arg3[%add3A, %dma_start3A, %dma_start3A_13] : memref<32x80x128xi32, #tpu.memory_space<hbm>> -> memref<1x1x128xi32, #tpu.memory_space<hbm>>
    %dma_start3A_15 = tpu.memref_squeeze %dma_start3A_14 : memref<1x1x128xi32, #tpu.memory_space<hbm>> -> memref<128xi32, #tpu.memory_space<hbm>>
    %dma_start3A_16 = arith.constant 0 : i32
    %dma_start3A_17 = tpu.memref_slice %arg3[%add3A, %dma_start3A, %dma_start3A_16] : memref<32x80x128xi32, #tpu.memory_space<hbm>> -> memref<1x1x128xi32, #tpu.memory_space<hbm>>
    %dma_start3A_18 = tpu.memref_squeeze %dma_start3A_17 : memref<1x1x128xi32, #tpu.memory_space<hbm>> -> memref<128xi32, #tpu.memory_space<hbm>>
    tpu.enqueue_dma source(%dma_start3A_18 : memref<128xi32, #tpu.memory_space<hbm>>) target(%arg7 : memref<128xi32, #tpu.memory_space<vmem>>) target_semaphore(%arg15 : memref<!tpu.dma_semaphore, #tpu.memory_space<semaphore_mem>>)
    %dma_start3A_19 = arith.constant 1 : i32
    %dma_start3A_20 = arith.constant 0 : i32
    %dma_start3A_21 = tpu.memref_slice %arg3[%add3A, %dma_start3A_19, %dma_start3A_20] : memref<32x80x128xi32, #tpu.memory_space<hbm>> -> memref<1x1x128xi32, #tpu.memory_space<hbm>>
    %dma_start3A_22 = tpu.memref_squeeze %dma_start3A_21 : memref<1x1x128xi32, #tpu.memory_space<hbm>> -> memref<128xi32, #tpu.memory_space<hbm>>
    %dma_start3A_23 = arith.constant 0 : i32
    %dma_start3A_24 = tpu.memref_slice %arg3[%add3A, %dma_start3A_19, %dma_start3A_23] : memref<32x80x128xi32, #tpu.memory_space<hbm>> -> memref<1x1x128xi32, #tpu.memory_space<hbm>>
    %dma_start3A_25 = tpu.memref_squeeze %dma_start3A_24 : memref<1x1x128xi32, #tpu.memory_space<hbm>> -> memref<128xi32, #tpu.memory_space<hbm>>
    tpu.enqueue_dma source(%dma_start3A_25 : memref<128xi32, #tpu.memory_space<hbm>>) target(%arg8 : memref<128xi32, #tpu.memory_space<vmem>>) target_semaphore(%arg16 : memref<!tpu.dma_semaphore, #tpu.memory_space<semaphore_mem>>)
    %dma_start3A_26 = arith.constant 2 : i32
    %dma_start3A_27 = arith.constant 0 : i32
    %dma_start3A_28 = tpu.memref_slice %arg3[%add3A, %dma_start3A_26, %dma_start3A_27] : memref<32x80x128xi32, #tpu.memory_space<hbm>> -> memref<1x1x128xi32, #tpu.memory_space<hbm>>
    %dma_start3A_29 = tpu.memref_squeeze %dma_start3A_28 : memref<1x1x128xi32, #tpu.memory_space<hbm>> -> memref<128xi32, #tpu.memory_space<hbm>>
    %dma_start3A_30 = arith.constant 0 : i32
    %dma_start3A_31 = tpu.memref_slice %arg3[%add3A, %dma_start3A_26, %dma_start3A_30] : memref<32x80x128xi32, #tpu.memory_space<hbm>> -> memref<1x1x128xi32, #tpu.memory_space<hbm>>
    %dma_start3A_32 = tpu.memref_squeeze %dma_start3A_31 : memref<1x1x128xi32, #tpu.memory_space<hbm>> -> memref<128xi32, #tpu.memory_space<hbm>>
    tpu.enqueue_dma source(%dma_start3A_32 : memref<128xi32, #tpu.memory_space<hbm>>) target(%arg9 : memref<128xi32, #tpu.memory_space<vmem>>) target_semaphore(%arg17 : memref<!tpu.dma_semaphore, #tpu.memory_space<semaphore_mem>>)
    %dma_start3A_33 = arith.constant 0 : i32
    %dma_start3A_34 = arith.constant 0 : i32
    %dma_start3A_35 = tpu.memref_slice %arg4[%add3A, %dma_start3A_33, %dma_start3A_34] : memref<32x80x128xi32, #tpu.memory_space<hbm>> -> memref<1x1x128xi32, #tpu.memory_space<hbm>>
    %dma_start3A_36 = tpu.memref_squeeze %dma_start3A_35 : memref<1x1x128xi32, #tpu.memory_space<hbm>> -> memref<128xi32, #tpu.memory_space<hbm>>
    %dma_start3A_37 = arith.constant 0 : i32
    %dma_start3A_38 = tpu.memref_slice %arg4[%add3A, %dma_start3A_33, %dma_start3A_37] : memref<32x80x128xi32, #tpu.memory_space<hbm>> -> memref<1x1x128xi32, #tpu.memory_space<hbm>>
    %dma_start3A_39 = tpu.memref_squeeze %dma_start3A_38 : memref<1x1x128xi32, #tpu.memory_space<hbm>> -> memref<128xi32, #tpu.memory_space<hbm>>
    tpu.enqueue_dma source(%dma_start3A_39 : memref<128xi32, #tpu.memory_space<hbm>>) target(%arg10 : memref<128xi32, #tpu.memory_space<vmem>>) target_semaphore(%arg18 : memref<!tpu.dma_semaphore, #tpu.memory_space<semaphore_mem>>)
    %dma_start3A_40 = arith.constant 1 : i32
    %dma_start3A_41 = arith.constant 0 : i32
    %dma_start3A_42 = tpu.memref_slice %arg4[%add3A, %dma_start3A_40, %dma_start3A_41] : memref<32x80x128xi32, #tpu.memory_space<hbm>> -> memref<1x1x128xi32, #tpu.memory_space<hbm>>
    %dma_start3A_43 = tpu.memref_squeeze %dma_start3A_42 : memref<1x1x128xi32, #tpu.memory_space<hbm>> -> memref<128xi32, #tpu.memory_space<hbm>>
    %dma_start3A_44 = arith.constant 0 : i32
    %dma_start3A_45 = tpu.memref_slice %arg4[%add3A, %dma_start3A_40, %dma_start3A_44] : memref<32x80x128xi32, #tpu.memory_space<hbm>> -> memref<1x1x128xi32, #tpu.memory_space<hbm>>
    %dma_start3A_46 = tpu.memref_squeeze %dma_start3A_45 : memref<1x1x128xi32, #tpu.memory_space<hbm>> -> memref<128xi32, #tpu.memory_space<hbm>>
    tpu.enqueue_dma source(%dma_start3A_46 : memref<128xi32, #tpu.memory_space<hbm>>) target(%arg11 : memref<128xi32, #tpu.memory_space<vmem>>) target_semaphore(%arg19 : memref<!tpu.dma_semaphore, #tpu.memory_space<semaphore_mem>>)
    %dma_wait3A = arith.constant 0 : i32
    %dma_wait3A_47 = arith.constant 0 : i32
    %dma_wait3A_48 = tpu.memref_slice %arg3[%add3A, %dma_wait3A, %dma_wait3A_47] : memref<32x80x128xi32, #tpu.memory_space<hbm>> -> memref<1x1x128xi32, #tpu.memory_space<hbm>>
    %dma_wait3A_49 = tpu.memref_squeeze %dma_wait3A_48 : memref<1x1x128xi32, #tpu.memory_space<hbm>> -> memref<128xi32, #tpu.memory_space<hbm>>
    %dma_wait3A_50 = arith.constant 0 : i32
    %dma_wait3A_51 = tpu.memref_slice %arg3[%add3A, %dma_wait3A, %dma_wait3A_50] : memref<32x80x128xi32, #tpu.memory_space<hbm>> -> memref<1x1x128xi32, #tpu.memory_space<hbm>>
    %dma_wait3A_52 = tpu.memref_squeeze %dma_wait3A_51 : memref<1x1x128xi32, #tpu.memory_space<hbm>> -> memref<128xi32, #tpu.memory_space<hbm>>
    tpu.wait_dma2 semaphore(%arg15 : memref<!tpu.dma_semaphore, #tpu.memory_space<semaphore_mem>>) src(%dma_wait3A_52 : memref<128xi32, #tpu.memory_space<hbm>>) dst(%arg7 : memref<128xi32, #tpu.memory_space<vmem>>)
    %dma_start3A_53 = arith.constant 0 : i32
    %dma_start3A_54 = arith.constant 0 : i32
    %dma_start3A_55 = arith.constant 0 : i32
    %dma_start3A_56 = tpu.memref_slice %arg13[%dma_start3A_53, %dma_start3A_54, %dma_start3A_55] : memref<3x128x128xf32, #tpu.memory_space<vmem>> -> memref<1x128x128xf32, #tpu.memory_space<vmem>>
    %dma_start3A_57 = tpu.memref_squeeze %dma_start3A_56 : memref<1x128x128xf32, #tpu.memory_space<vmem>> -> memref<128x128xf32, #tpu.memory_space<vmem>>
    %dma_start3A_58 = arith.constant 0 : i32
    %dma_start3A_59 = arith.constant 0 : i32
    %dma_start3A_60 = tpu.memref_slice %arg2[%dma_start3A_58, %dma_start3A_59] : memref<10000x128xf32, #tpu.memory_space<hbm>> -> memref<10000x128xf32, #tpu.memory_space<hbm>>
    tpu.enqueue_indirect_dma source(%dma_start3A_60 : memref<10000x128xf32, #tpu.memory_space<hbm>>) target(%dma_start3A_57 : memref<128x128xf32, #tpu.memory_space<vmem>>) offsets(%arg7 : memref<128xi32, #tpu.memory_space<vmem>>) semaphore(%arg21 : memref<!tpu.dma_semaphore, #tpu.memory_space<semaphore_mem>>)
    %dma_wait3A_61 = arith.constant 0 : i32
    %dma_wait3A_62 = arith.constant 0 : i32
    %dma_wait3A_63 = tpu.memref_slice %arg3[%add3A, %dma_wait3A_61, %dma_wait3A_62] : memref<32x80x128xi32, #tpu.memory_space<hbm>> -> memref<1x1x128xi32, #tpu.memory_space<hbm>>
    %dma_wait3A_64 = tpu.memref_squeeze %dma_wait3A_63 : memref<1x1x128xi32, #tpu.memory_space<hbm>> -> memref<128xi32, #tpu.memory_space<hbm>>
    %dma_wait3A_65 = arith.constant 0 : i32
    %dma_wait3A_66 = tpu.memref_slice %arg3[%add3A, %dma_wait3A_61, %dma_wait3A_65] : memref<32x80x128xi32, #tpu.memory_space<hbm>> -> memref<1x1x128xi32, #tpu.memory_space<hbm>>
    %dma_wait3A_67 = tpu.memref_squeeze %dma_wait3A_66 : memref<1x1x128xi32, #tpu.memory_space<hbm>> -> memref<128xi32, #tpu.memory_space<hbm>>
    tpu.wait_dma2 semaphore(%arg16 : memref<!tpu.dma_semaphore, #tpu.memory_space<semaphore_mem>>) src(%dma_wait3A_67 : memref<128xi32, #tpu.memory_space<hbm>>) dst(%arg8 : memref<128xi32, #tpu.memory_space<vmem>>)
    %dma_start3A_68 = arith.constant 1 : i32
    %dma_start3A_69 = arith.constant 0 : i32
    %dma_start3A_70 = arith.constant 0 : i32
    %dma_start3A_71 = tpu.memref_slice %arg13[%dma_start3A_68, %dma_start3A_69, %dma_start3A_70] : memref<3x128x128xf32, #tpu.memory_space<vmem>> -> memref<1x128x128xf32, #tpu.memory_space<vmem>>
    %dma_start3A_72 = tpu.memref_squeeze %dma_start3A_71 : memref<1x128x128xf32, #tpu.memory_space<vmem>> -> memref<128x128xf32, #tpu.memory_space<vmem>>
    %dma_start3A_73 = arith.constant 0 : i32
    %dma_start3A_74 = arith.constant 0 : i32
    %dma_start3A_75 = tpu.memref_slice %arg2[%dma_start3A_73, %dma_start3A_74] : memref<10000x128xf32, #tpu.memory_space<hbm>> -> memref<10000x128xf32, #tpu.memory_space<hbm>>
    tpu.enqueue_indirect_dma source(%dma_start3A_75 : memref<10000x128xf32, #tpu.memory_space<hbm>>) target(%dma_start3A_72 : memref<128x128xf32, #tpu.memory_space<vmem>>) offsets(%arg8 : memref<128xi32, #tpu.memory_space<vmem>>) semaphore(%arg22 : memref<!tpu.dma_semaphore, #tpu.memory_space<semaphore_mem>>)
    %barrier3A = arith.constant 0 : index
    tpu.barrier barrier_id(%barrier3A)
    %dma_wait3A_76 = arith.constant 0 : i32
    %dma_wait3A_77 = arith.constant 0 : i32
    %dma_wait3A_78 = arith.constant 0 : i32
    %dma_wait3A_79 = tpu.memref_slice %arg13[%dma_wait3A_76, %dma_wait3A_77, %dma_wait3A_78] : memref<3x128x128xf32, #tpu.memory_space<vmem>> -> memref<1x128x128xf32, #tpu.memory_space<vmem>>
    %dma_wait3A_80 = tpu.memref_squeeze %dma_wait3A_79 : memref<1x128x128xf32, #tpu.memory_space<vmem>> -> memref<128x128xf32, #tpu.memory_space<vmem>>
    %dma_wait3A_81 = arith.constant 0 : i32
    %dma_wait3A_82 = arith.constant 0 : i32
    %dma_wait3A_83 = tpu.memref_slice %arg2[%dma_wait3A_81, %dma_wait3A_82] : memref<10000x128xf32, #tpu.memory_space<hbm>> -> memref<10000x128xf32, #tpu.memory_space<hbm>>
    tpu.wait_indirect_dma semaphore(%arg21 : memref<!tpu.dma_semaphore, #tpu.memory_space<semaphore_mem>>) src(%dma_wait3A_83 : memref<10000x128xf32, #tpu.memory_space<hbm>>) dst(%dma_wait3A_80 : memref<128x128xf32, #tpu.memory_space<vmem>>)
    %dma_wait3A_84 = arith.constant 0 : i32
    %dma_wait3A_85 = arith.constant 0 : i32
    %dma_wait3A_86 = tpu.memref_slice %arg4[%add3A, %dma_wait3A_84, %dma_wait3A_85] : memref<32x80x128xi32, #tpu.memory_space<hbm>> -> memref<1x1x128xi32, #tpu.memory_space<hbm>>
    %dma_wait3A_87 = tpu.memref_squeeze %dma_wait3A_86 : memref<1x1x128xi32, #tpu.memory_space<hbm>> -> memref<128xi32, #tpu.memory_space<hbm>>
    %dma_wait3A_88 = arith.constant 0 : i32
    %dma_wait3A_89 = tpu.memref_slice %arg4[%add3A, %dma_wait3A_84, %dma_wait3A_88] : memref<32x80x128xi32, #tpu.memory_space<hbm>> -> memref<1x1x128xi32, #tpu.memory_space<hbm>>
    %dma_wait3A_90 = tpu.memref_squeeze %dma_wait3A_89 : memref<1x1x128xi32, #tpu.memory_space<hbm>> -> memref<128xi32, #tpu.memory_space<hbm>>
    tpu.wait_dma2 semaphore(%arg18 : memref<!tpu.dma_semaphore, #tpu.memory_space<semaphore_mem>>) src(%dma_wait3A_90 : memref<128xi32, #tpu.memory_space<hbm>>) dst(%arg10 : memref<128xi32, #tpu.memory_space<vmem>>)
    %dma_start3A_91 = arith.constant 0 : i32
    %dma_start3A_92 = arith.constant 0 : i32
    %dma_start3A_93 = arith.constant 0 : i32
    %dma_start3A_94 = tpu.memref_slice %arg13[%dma_start3A_91, %dma_start3A_92, %dma_start3A_93] : memref<3x128x128xf32, #tpu.memory_space<vmem>> -> memref<1x128x128xf32, #tpu.memory_space<vmem>>
    %dma_start3A_95 = tpu.memref_squeeze %dma_start3A_94 : memref<1x128x128xf32, #tpu.memory_space<vmem>> -> memref<128x128xf32, #tpu.memory_space<vmem>>
    %dma_start3A_96 = arith.constant 0 : i32
    %dma_start3A_97 = arith.constant 0 : i32
    %dma_start3A_98 = tpu.memref_slice %arg14[%dma_start3A_96, %dma_start3A_97] : memref<10112x128xf32, #tpu.memory_space<vmem_shared>> -> memref<10112x128xf32, #tpu.memory_space<vmem_shared>>
    tpu.enqueue_indirect_dma source(%dma_start3A_95 : memref<128x128xf32, #tpu.memory_space<vmem>>) target(%dma_start3A_98 : memref<10112x128xf32, #tpu.memory_space<vmem_shared>>) offsets(%arg10 : memref<128xi32, #tpu.memory_space<vmem>>) semaphore(%arg24 : memref<!tpu.dma_semaphore, #tpu.memory_space<semaphore_mem>>) {add = true}
    %dma_wait3A_99 = arith.constant 0 : i32
    %dma_wait3A_100 = arith.constant 0 : i32
    %dma_wait3A_101 = tpu.memref_slice %arg3[%add3A, %dma_wait3A_99, %dma_wait3A_100] : memref<32x80x128xi32, #tpu.memory_space<hbm>> -> memref<1x1x128xi32, #tpu.memory_space<hbm>>
    %dma_wait3A_102 = tpu.memref_squeeze %dma_wait3A_101 : memref<1x1x128xi32, #tpu.memory_space<hbm>> -> memref<128xi32, #tpu.memory_space<hbm>>
    %dma_wait3A_103 = arith.constant 0 : i32
    %dma_wait3A_104 = tpu.memref_slice %arg3[%add3A, %dma_wait3A_99, %dma_wait3A_103] : memref<32x80x128xi32, #tpu.memory_space<hbm>> -> memref<1x1x128xi32, #tpu.memory_space<hbm>>
    %dma_wait3A_105 = tpu.memref_squeeze %dma_wait3A_104 : memref<1x1x128xi32, #tpu.memory_space<hbm>> -> memref<128xi32, #tpu.memory_space<hbm>>
    tpu.wait_dma2 semaphore(%arg17 : memref<!tpu.dma_semaphore, #tpu.memory_space<semaphore_mem>>) src(%dma_wait3A_105 : memref<128xi32, #tpu.memory_space<hbm>>) dst(%arg9 : memref<128xi32, #tpu.memory_space<vmem>>)
    %dma_start3A_106 = arith.constant 2 : i32
    %dma_start3A_107 = arith.constant 0 : i32
    %dma_start3A_108 = arith.constant 0 : i32
    %dma_start3A_109 = tpu.memref_slice %arg13[%dma_start3A_106, %dma_start3A_107, %dma_start3A_108] : memref<3x128x128xf32, #tpu.memory_space<vmem>> -> memref<1x128x128xf32, #tpu.memory_space<vmem>>
    %dma_start3A_110 = tpu.memref_squeeze %dma_start3A_109 : memref<1x128x128xf32, #tpu.memory_space<vmem>> -> memref<128x128xf32, #tpu.memory_space<vmem>>
    %dma_start3A_111 = arith.constant 0 : i32
    %dma_start3A_112 = arith.constant 0 : i32
    %dma_start3A_113 = tpu.memref_slice %arg2[%dma_start3A_111, %dma_start3A_112] : memref<10000x128xf32, #tpu.memory_space<hbm>> -> memref<10000x128xf32, #tpu.memory_space<hbm>>
    tpu.enqueue_indirect_dma source(%dma_start3A_113 : memref<10000x128xf32, #tpu.memory_space<hbm>>) target(%dma_start3A_110 : memref<128x128xf32, #tpu.memory_space<vmem>>) offsets(%arg9 : memref<128xi32, #tpu.memory_space<vmem>>) semaphore(%arg23 : memref<!tpu.dma_semaphore, #tpu.memory_space<semaphore_mem>>)
    %dma_start3A_114 = arith.constant 2 : i32
    %dma_start3A_115 = arith.constant 0 : i32
    %dma_start3A_116 = tpu.memref_slice %arg4[%add3A, %dma_start3A_114, %dma_start3A_115] : memref<32x80x128xi32, #tpu.memory_space<hbm>> -> memref<1x1x128xi32, #tpu.memory_space<hbm>>
    %dma_start3A_117 = tpu.memref_squeeze %dma_start3A_116 : memref<1x1x128xi32, #tpu.memory_space<hbm>> -> memref<128xi32, #tpu.memory_space<hbm>>
    %dma_start3A_118 = arith.constant 0 : i32
    %dma_start3A_119 = tpu.memref_slice %arg4[%add3A, %dma_start3A_114, %dma_start3A_118] : memref<32x80x128xi32, #tpu.memory_space<hbm>> -> memref<1x1x128xi32, #tpu.memory_space<hbm>>
    %dma_start3A_120 = tpu.memref_squeeze %dma_start3A_119 : memref<1x1x128xi32, #tpu.memory_space<hbm>> -> memref<128xi32, #tpu.memory_space<hbm>>
    tpu.enqueue_dma source(%dma_start3A_120 : memref<128xi32, #tpu.memory_space<hbm>>) target(%arg12 : memref<128xi32, #tpu.memory_space<vmem>>) target_semaphore(%arg20 : memref<!tpu.dma_semaphore, #tpu.memory_space<semaphore_mem>>)
    %dma_start3A_121 = arith.constant 3 : i32
    %dma_start3A_122 = arith.constant 0 : i32
    %dma_start3A_123 = tpu.memref_slice %arg3[%add3A, %dma_start3A_121, %dma_start3A_122] : memref<32x80x128xi32, #tpu.memory_space<hbm>> -> memref<1x1x128xi32, #tpu.memory_space<hbm>>
    %dma_start3A_124 = tpu.memref_squeeze %dma_start3A_123 : memref<1x1x128xi32, #tpu.memory_space<hbm>> -> memref<128xi32, #tpu.memory_space<hbm>>
    %dma_start3A_125 = arith.constant 0 : i32
    %dma_start3A_126 = tpu.memref_slice %arg3[%add3A, %dma_start3A_121, %dma_start3A_125] : memref<32x80x128xi32, #tpu.memory_space<hbm>> -> memref<1x1x128xi32, #tpu.memory_space<hbm>>
    %dma_start3A_127 = tpu.memref_squeeze %dma_start3A_126 : memref<1x1x128xi32, #tpu.memory_space<hbm>> -> memref<128xi32, #tpu.memory_space<hbm>>
    tpu.enqueue_dma source(%dma_start3A_127 : memref<128xi32, #tpu.memory_space<hbm>>) target(%arg7 : memref<128xi32, #tpu.memory_space<vmem>>) target_semaphore(%arg15 : memref<!tpu.dma_semaphore, #tpu.memory_space<semaphore_mem>>)
    %scan3A = arith.constant 0 : i32
    %scan3A_128 = arith.constant 0 : i32
    %scan3A_129 = arith.constant 25 : i32
    %scan3A_130 = arith.addi %scan3A_128, %scan3A_129 : i32
    %scan3A_131 = arith.constant 1 : i32
    scf.for %scan3A_317 = %scan3A_128 to %scan3A_130 step %scan3A_131  : i32 {
      %mul3A_318 = arith.constant 3 : i32
      %mul3A_319 = arith.muli %scan3A_317, %mul3A_318 : i32
      %add3A_320 = arith.constant 1 : i32
      %add3A_321 = arith.addi %mul3A_319, %add3A_320 : i32
      %add3A_322 = arith.constant 0 : i32
      %add3A_323 = arith.addi %add3A_321, %add3A_322 : i32
      %dma_wait3A_324 = arith.constant 1 : i32
      %dma_wait3A_325 = arith.constant 0 : i32
      %dma_wait3A_326 = arith.constant 0 : i32
      %dma_wait3A_327 = tpu.memref_slice %arg13[%dma_wait3A_324, %dma_wait3A_325, %dma_wait3A_326] : memref<3x128x128xf32, #tpu.memory_space<vmem>> -> memref<1x128x128xf32, #tpu.memory_space<vmem>>
      %dma_wait3A_328 = tpu.memref_squeeze %dma_wait3A_327 : memref<1x128x128xf32, #tpu.memory_space<vmem>> -> memref<128x128xf32, #tpu.memory_space<vmem>>
      %dma_wait3A_329 = arith.constant 0 : i32
      %dma_wait3A_330 = arith.constant 0 : i32
      %dma_wait3A_331 = tpu.memref_slice %arg2[%dma_wait3A_329, %dma_wait3A_330] : memref<10000x128xf32, #tpu.memory_space<hbm>> -> memref<10000x128xf32, #tpu.memory_space<hbm>>
      tpu.wait_indirect_dma semaphore(%arg22 : memref<!tpu.dma_semaphore, #tpu.memory_space<semaphore_mem>>) src(%dma_wait3A_331 : memref<10000x128xf32, #tpu.memory_space<hbm>>) dst(%dma_wait3A_328 : memref<128x128xf32, #tpu.memory_space<vmem>>)
      %dma_wait3A_332 = arith.constant 0 : i32
      %dma_wait3A_333 = arith.constant 0 : i32
      %dma_wait3A_334 = tpu.memref_slice %arg4[%add3A, %dma_wait3A_332, %dma_wait3A_333] : memref<32x80x128xi32, #tpu.memory_space<hbm>> -> memref<1x1x128xi32, #tpu.memory_space<hbm>>
      %dma_wait3A_335 = tpu.memref_squeeze %dma_wait3A_334 : memref<1x1x128xi32, #tpu.memory_space<hbm>> -> memref<128xi32, #tpu.memory_space<hbm>>
      %dma_wait3A_336 = arith.constant 0 : i32
      %dma_wait3A_337 = tpu.memref_slice %arg4[%add3A, %dma_wait3A_332, %dma_wait3A_336] : memref<32x80x128xi32, #tpu.memory_space<hbm>> -> memref<1x1x128xi32, #tpu.memory_space<hbm>>
      %dma_wait3A_338 = tpu.memref_squeeze %dma_wait3A_337 : memref<1x1x128xi32, #tpu.memory_space<hbm>> -> memref<128xi32, #tpu.memory_space<hbm>>
      tpu.wait_dma2 semaphore(%arg19 : memref<!tpu.dma_semaphore, #tpu.memory_space<semaphore_mem>>) src(%dma_wait3A_338 : memref<128xi32, #tpu.memory_space<hbm>>) dst(%arg11 : memref<128xi32, #tpu.memory_space<vmem>>)
      %dma_start3A_339 = arith.constant 1 : i32
      %dma_start3A_340 = arith.constant 0 : i32
      %dma_start3A_341 = arith.constant 0 : i32
      %dma_start3A_342 = tpu.memref_slice %arg13[%dma_start3A_339, %dma_start3A_340, %dma_start3A_341] : memref<3x128x128xf32, #tpu.memory_space<vmem>> -> memref<1x128x128xf32, #tpu.memory_space<vmem>>
      %dma_start3A_343 = tpu.memref_squeeze %dma_start3A_342 : memref<1x128x128xf32, #tpu.memory_space<vmem>> -> memref<128x128xf32, #tpu.memory_space<vmem>>
      %dma_start3A_344 = arith.constant 0 : i32
      %dma_start3A_345 = arith.constant 0 : i32
      %dma_start3A_346 = tpu.memref_slice %arg14[%dma_start3A_344, %dma_start3A_345] : memref<10112x128xf32, #tpu.memory_space<vmem_shared>> -> memref<10112x128xf32, #tpu.memory_space<vmem_shared>>
      tpu.enqueue_indirect_dma source(%dma_start3A_343 : memref<128x128xf32, #tpu.memory_space<vmem>>) target(%dma_start3A_346 : memref<10112x128xf32, #tpu.memory_space<vmem_shared>>) offsets(%arg11 : memref<128xi32, #tpu.memory_space<vmem>>) semaphore(%arg25 : memref<!tpu.dma_semaphore, #tpu.memory_space<semaphore_mem>>) {add = true}
      %dma_wait3A_347 = arith.constant 0 : i32
      %dma_wait3A_348 = arith.constant 0 : i32
      %dma_wait3A_349 = arith.constant 0 : i32
      %dma_wait3A_350 = tpu.memref_slice %arg13[%dma_wait3A_347, %dma_wait3A_348, %dma_wait3A_349] : memref<3x128x128xf32, #tpu.memory_space<vmem>> -> memref<1x128x128xf32, #tpu.memory_space<vmem>>
      %dma_wait3A_351 = tpu.memref_squeeze %dma_wait3A_350 : memref<1x128x128xf32, #tpu.memory_space<vmem>> -> memref<128x128xf32, #tpu.memory_space<vmem>>
      %dma_wait3A_352 = arith.constant 0 : i32
      %dma_wait3A_353 = arith.constant 0 : i32
      %dma_wait3A_354 = tpu.memref_slice %arg14[%dma_wait3A_352, %dma_wait3A_353] : memref<10112x128xf32, #tpu.memory_space<vmem_shared>> -> memref<10112x128xf32, #tpu.memory_space<vmem_shared>>
      tpu.wait_indirect_dma semaphore(%arg24 : memref<!tpu.dma_semaphore, #tpu.memory_space<semaphore_mem>>) src(%dma_wait3A_351 : memref<128x128xf32, #tpu.memory_space<vmem>>) dst(%dma_wait3A_354 : memref<10112x128xf32, #tpu.memory_space<vmem_shared>>)
      %dma_wait3A_355 = arith.constant 0 : i32
      %dma_wait3A_356 = arith.constant 0 : i32
      %dma_wait3A_357 = tpu.memref_slice %arg3[%add3A, %dma_wait3A_355, %dma_wait3A_356] : memref<32x80x128xi32, #tpu.memory_space<hbm>> -> memref<1x1x128xi32, #tpu.memory_space<hbm>>
      %dma_wait3A_358 = tpu.memref_squeeze %dma_wait3A_357 : memref<1x1x128xi32, #tpu.memory_space<hbm>> -> memref<128xi32, #tpu.memory_space<hbm>>
      %dma_wait3A_359 = arith.constant 0 : i32
      %dma_wait3A_360 = tpu.memref_slice %arg3[%add3A, %dma_wait3A_355, %dma_wait3A_359] : memref<32x80x128xi32, #tpu.memory_space<hbm>> -> memref<1x1x128xi32, #tpu.memory_space<hbm>>
      %dma_wait3A_361 = tpu.memref_squeeze %dma_wait3A_360 : memref<1x1x128xi32, #tpu.memory_space<hbm>> -> memref<128xi32, #tpu.memory_space<hbm>>
      tpu.wait_dma2 semaphore(%arg15 : memref<!tpu.dma_semaphore, #tpu.memory_space<semaphore_mem>>) src(%dma_wait3A_361 : memref<128xi32, #tpu.memory_space<hbm>>) dst(%arg7 : memref<128xi32, #tpu.memory_space<vmem>>)
      %dma_start3A_362 = arith.constant 0 : i32
      %dma_start3A_363 = arith.constant 0 : i32
      %dma_start3A_364 = arith.constant 0 : i32
      %dma_start3A_365 = tpu.memref_slice %arg13[%dma_start3A_362, %dma_start3A_363, %dma_start3A_364] : memref<3x128x128xf32, #tpu.memory_space<vmem>> -> memref<1x128x128xf32, #tpu.memory_space<vmem>>
      %dma_start3A_366 = tpu.memref_squeeze %dma_start3A_365 : memref<1x128x128xf32, #tpu.memory_space<vmem>> -> memref<128x128xf32, #tpu.memory_space<vmem>>
      %dma_start3A_367 = arith.constant 0 : i32
      %dma_start3A_368 = arith.constant 0 : i32
      %dma_start3A_369 = tpu.memref_slice %arg2[%dma_start3A_367, %dma_start3A_368] : memref<10000x128xf32, #tpu.memory_space<hbm>> -> memref<10000x128xf32, #tpu.memory_space<hbm>>
      tpu.enqueue_indirect_dma source(%dma_start3A_369 : memref<10000x128xf32, #tpu.memory_space<hbm>>) target(%dma_start3A_366 : memref<128x128xf32, #tpu.memory_space<vmem>>) offsets(%arg7 : memref<128xi32, #tpu.memory_space<vmem>>) semaphore(%arg21 : memref<!tpu.dma_semaphore, #tpu.memory_space<semaphore_mem>>)
      %add3A_370 = arith.constant 2 : i32
      %add3A_371 = arith.addi %add3A_323, %add3A_370 : i32
      %dma_start3A_372 = arith.constant 0 : i32
      %dma_start3A_373 = tpu.memref_slice %arg4[%add3A, %add3A_371, %dma_start3A_372] : memref<32x80x128xi32, #tpu.memory_space<hbm>> -> memref<1x1x128xi32, #tpu.memory_space<hbm>>
      %dma_start3A_374 = tpu.memref_squeeze %dma_start3A_373 : memref<1x1x128xi32, #tpu.memory_space<hbm>> -> memref<128xi32, #tpu.memory_space<hbm>>
      %dma_start3A_375 = arith.constant 0 : i32
      %dma_start3A_376 = tpu.memref_slice %arg4[%add3A, %add3A_371, %dma_start3A_375] : memref<32x80x128xi32, #tpu.memory_space<hbm>> -> memref<1x1x128xi32, #tpu.memory_space<hbm>>
      %dma_start3A_377 = tpu.memref_squeeze %dma_start3A_376 : memref<1x1x128xi32, #tpu.memory_space<hbm>> -> memref<128xi32, #tpu.memory_space<hbm>>
      tpu.enqueue_dma source(%dma_start3A_377 : memref<128xi32, #tpu.memory_space<hbm>>) target(%arg10 : memref<128xi32, #tpu.memory_space<vmem>>) target_semaphore(%arg18 : memref<!tpu.dma_semaphore, #tpu.memory_space<semaphore_mem>>)
      %add3A_378 = arith.constant 3 : i32
      %add3A_379 = arith.addi %add3A_323, %add3A_378 : i32
      %dma_start3A_380 = arith.constant 0 : i32
      %dma_start3A_381 = tpu.memref_slice %arg3[%add3A, %add3A_379, %dma_start3A_380] : memref<32x80x128xi32, #tpu.memory_space<hbm>> -> memref<1x1x128xi32, #tpu.memory_space<hbm>>
      %dma_start3A_382 = tpu.memref_squeeze %dma_start3A_381 : memref<1x1x128xi32, #tpu.memory_space<hbm>> -> memref<128xi32, #tpu.memory_space<hbm>>
      %dma_start3A_383 = arith.constant 0 : i32
      %dma_start3A_384 = tpu.memref_slice %arg3[%add3A, %add3A_379, %dma_start3A_383] : memref<32x80x128xi32, #tpu.memory_space<hbm>> -> memref<1x1x128xi32, #tpu.memory_space<hbm>>
      %dma_start3A_385 = tpu.memref_squeeze %dma_start3A_384 : memref<1x1x128xi32, #tpu.memory_space<hbm>> -> memref<128xi32, #tpu.memory_space<hbm>>
      tpu.enqueue_dma source(%dma_start3A_385 : memref<128xi32, #tpu.memory_space<hbm>>) target(%arg8 : memref<128xi32, #tpu.memory_space<vmem>>) target_semaphore(%arg16 : memref<!tpu.dma_semaphore, #tpu.memory_space<semaphore_mem>>)
      %mul3A_386 = arith.constant 3 : i32
      %mul3A_387 = arith.muli %scan3A_317, %mul3A_386 : i32
      %add3A_388 = arith.constant 1 : i32
      %add3A_389 = arith.addi %mul3A_387, %add3A_388 : i32
      %add3A_390 = arith.constant 1 : i32
      %add3A_391 = arith.addi %add3A_389, %add3A_390 : i32
      %dma_wait3A_392 = arith.constant 2 : i32
      %dma_wait3A_393 = arith.constant 0 : i32
      %dma_wait3A_394 = arith.constant 0 : i32
      %dma_wait3A_395 = tpu.memref_slice %arg13[%dma_wait3A_392, %dma_wait3A_393, %dma_wait3A_394] : memref<3x128x128xf32, #tpu.memory_space<vmem>> -> memref<1x128x128xf32, #tpu.memory_space<vmem>>
      %dma_wait3A_396 = tpu.memref_squeeze %dma_wait3A_395 : memref<1x128x128xf32, #tpu.memory_space<vmem>> -> memref<128x128xf32, #tpu.memory_space<vmem>>
      %dma_wait3A_397 = arith.constant 0 : i32
      %dma_wait3A_398 = arith.constant 0 : i32
      %dma_wait3A_399 = tpu.memref_slice %arg2[%dma_wait3A_397, %dma_wait3A_398] : memref<10000x128xf32, #tpu.memory_space<hbm>> -> memref<10000x128xf32, #tpu.memory_space<hbm>>
      tpu.wait_indirect_dma semaphore(%arg23 : memref<!tpu.dma_semaphore, #tpu.memory_space<semaphore_mem>>) src(%dma_wait3A_399 : memref<10000x128xf32, #tpu.memory_space<hbm>>) dst(%dma_wait3A_396 : memref<128x128xf32, #tpu.memory_space<vmem>>)
      %dma_wait3A_400 = arith.constant 0 : i32
      %dma_wait3A_401 = arith.constant 0 : i32
      %dma_wait3A_402 = tpu.memref_slice %arg4[%add3A, %dma_wait3A_400, %dma_wait3A_401] : memref<32x80x128xi32, #tpu.memory_space<hbm>> -> memref<1x1x128xi32, #tpu.memory_space<hbm>>
      %dma_wait3A_403 = tpu.memref_squeeze %dma_wait3A_402 : memref<1x1x128xi32, #tpu.memory_space<hbm>> -> memref<128xi32, #tpu.memory_space<hbm>>
      %dma_wait3A_404 = arith.constant 0 : i32
      %dma_wait3A_405 = tpu.memref_slice %arg4[%add3A, %dma_wait3A_400, %dma_wait3A_404] : memref<32x80x128xi32, #tpu.memory_space<hbm>> -> memref<1x1x128xi32, #tpu.memory_space<hbm>>
      %dma_wait3A_406 = tpu.memref_squeeze %dma_wait3A_405 : memref<1x1x128xi32, #tpu.memory_space<hbm>> -> memref<128xi32, #tpu.memory_space<hbm>>
      tpu.wait_dma2 semaphore(%arg20 : memref<!tpu.dma_semaphore, #tpu.memory_space<semaphore_mem>>) src(%dma_wait3A_406 : memref<128xi32, #tpu.memory_space<hbm>>) dst(%arg12 : memref<128xi32, #tpu.memory_space<vmem>>)
      %dma_start3A_407 = arith.constant 2 : i32
      %dma_start3A_408 = arith.constant 0 : i32
      %dma_start3A_409 = arith.constant 0 : i32
      %dma_start3A_410 = tpu.memref_slice %arg13[%dma_start3A_407, %dma_start3A_408, %dma_start3A_409] : memref<3x128x128xf32, #tpu.memory_space<vmem>> -> memref<1x128x128xf32, #tpu.memory_space<vmem>>
      %dma_start3A_411 = tpu.memref_squeeze %dma_start3A_410 : memref<1x128x128xf32, #tpu.memory_space<vmem>> -> memref<128x128xf32, #tpu.memory_space<vmem>>
      %dma_start3A_412 = arith.constant 0 : i32
      %dma_start3A_413 = arith.constant 0 : i32
      %dma_start3A_414 = tpu.memref_slice %arg14[%dma_start3A_412, %dma_start3A_413] : memref<10112x128xf32, #tpu.memory_space<vmem_shared>> -> memref<10112x128xf32, #tpu.memory_space<vmem_shared>>
      tpu.enqueue_indirect_dma source(%dma_start3A_411 : memref<128x128xf32, #tpu.memory_space<vmem>>) target(%dma_start3A_414 : memref<10112x128xf32, #tpu.memory_space<vmem_shared>>) offsets(%arg12 : memref<128xi32, #tpu.memory_space<vmem>>) semaphore(%arg26 : memref<!tpu.dma_semaphore, #tpu.memory_space<semaphore_mem>>) {add = true}
      %dma_wait3A_415 = arith.constant 1 : i32
      %dma_wait3A_416 = arith.constant 0 : i32
      %dma_wait3A_417 = arith.constant 0 : i32
      %dma_wait3A_418 = tpu.memref_slice %arg13[%dma_wait3A_415, %dma_wait3A_416, %dma_wait3A_417] : memref<3x128x128xf32, #tpu.memory_space<vmem>> -> memref<1x128x128xf32, #tpu.memory_space<vmem>>
      %dma_wait3A_419 = tpu.memref_squeeze %dma_wait3A_418 : memref<1x128x128xf32, #tpu.memory_space<vmem>> -> memref<128x128xf32, #tpu.memory_space<vmem>>
      %dma_wait3A_420 = arith.constant 0 : i32
      %dma_wait3A_421 = arith.constant 0 : i32
      %dma_wait3A_422 = tpu.memref_slice %arg14[%dma_wait3A_420, %dma_wait3A_421] : memref<10112x128xf32, #tpu.memory_space<vmem_shared>> -> memref<10112x128xf32, #tpu.memory_space<vmem_shared>>
      tpu.wait_indirect_dma semaphore(%arg25 : memref<!tpu.dma_semaphore, #tpu.memory_space<semaphore_mem>>) src(%dma_wait3A_419 : memref<128x128xf32, #tpu.memory_space<vmem>>) dst(%dma_wait3A_422 : memref<10112x128xf32, #tpu.memory_space<vmem_shared>>)
      %dma_wait3A_423 = arith.constant 0 : i32
      %dma_wait3A_424 = arith.constant 0 : i32
      %dma_wait3A_425 = tpu.memref_slice %arg3[%add3A, %dma_wait3A_423, %dma_wait3A_424] : memref<32x80x128xi32, #tpu.memory_space<hbm>> -> memref<1x1x128xi32, #tpu.memory_space<hbm>>
      %dma_wait3A_426 = tpu.memref_squeeze %dma_wait3A_425 : memref<1x1x128xi32, #tpu.memory_space<hbm>> -> memref<128xi32, #tpu.memory_space<hbm>>
      %dma_wait3A_427 = arith.constant 0 : i32
      %dma_wait3A_428 = tpu.memref_slice %arg3[%add3A, %dma_wait3A_423, %dma_wait3A_427] : memref<32x80x128xi32, #tpu.memory_space<hbm>> -> memref<1x1x128xi32, #tpu.memory_space<hbm>>
      %dma_wait3A_429 = tpu.memref_squeeze %dma_wait3A_428 : memref<1x1x128xi32, #tpu.memory_space<hbm>> -> memref<128xi32, #tpu.memory_space<hbm>>
      tpu.wait_dma2 semaphore(%arg16 : memref<!tpu.dma_semaphore, #tpu.memory_space<semaphore_mem>>) src(%dma_wait3A_429 : memref<128xi32, #tpu.memory_space<hbm>>) dst(%arg8 : memref<128xi32, #tpu.memory_space<vmem>>)
      %dma_start3A_430 = arith.constant 1 : i32
      %dma_start3A_431 = arith.constant 0 : i32
      %dma_start3A_432 = arith.constant 0 : i32
      %dma_start3A_433 = tpu.memref_slice %arg13[%dma_start3A_430, %dma_start3A_431, %dma_start3A_432] : memref<3x128x128xf32, #tpu.memory_space<vmem>> -> memref<1x128x128xf32, #tpu.memory_space<vmem>>
      %dma_start3A_434 = tpu.memref_squeeze %dma_start3A_433 : memref<1x128x128xf32, #tpu.memory_space<vmem>> -> memref<128x128xf32, #tpu.memory_space<vmem>>
      %dma_start3A_435 = arith.constant 0 : i32
      %dma_start3A_436 = arith.constant 0 : i32
      %dma_start3A_437 = tpu.memref_slice %arg2[%dma_start3A_435, %dma_start3A_436] : memref<10000x128xf32, #tpu.memory_space<hbm>> -> memref<10000x128xf32, #tpu.memory_space<hbm>>
      tpu.enqueue_indirect_dma source(%dma_start3A_437 : memref<10000x128xf32, #tpu.memory_space<hbm>>) target(%dma_start3A_434 : memref<128x128xf32, #tpu.memory_space<vmem>>) offsets(%arg8 : memref<128xi32, #tpu.memory_space<vmem>>) semaphore(%arg22 : memref<!tpu.dma_semaphore, #tpu.memory_space<semaphore_mem>>)
      %add3A_438 = arith.constant 2 : i32
      %add3A_439 = arith.addi %add3A_391, %add3A_438 : i32
      %dma_start3A_440 = arith.constant 0 : i32
      %dma_start3A_441 = tpu.memref_slice %arg4[%add3A, %add3A_439, %dma_start3A_440] : memref<32x80x128xi32, #tpu.memory_space<hbm>> -> memref<1x1x128xi32, #tpu.memory_space<hbm>>
      %dma_start3A_442 = tpu.memref_squeeze %dma_start3A_441 : memref<1x1x128xi32, #tpu.memory_space<hbm>> -> memref<128xi32, #tpu.memory_space<hbm>>
      %dma_start3A_443 = arith.constant 0 : i32
      %dma_start3A_444 = tpu.memref_slice %arg4[%add3A, %add3A_439, %dma_start3A_443] : memref<32x80x128xi32, #tpu.memory_space<hbm>> -> memref<1x1x128xi32, #tpu.memory_space<hbm>>
      %dma_start3A_445 = tpu.memref_squeeze %dma_start3A_444 : memref<1x1x128xi32, #tpu.memory_space<hbm>> -> memref<128xi32, #tpu.memory_space<hbm>>
      tpu.enqueue_dma source(%dma_start3A_445 : memref<128xi32, #tpu.memory_space<hbm>>) target(%arg11 : memref<128xi32, #tpu.memory_space<vmem>>) target_semaphore(%arg19 : memref<!tpu.dma_semaphore, #tpu.memory_space<semaphore_mem>>)
      %add3A_446 = arith.constant 3 : i32
      %add3A_447 = arith.addi %add3A_391, %add3A_446 : i32
      %dma_start3A_448 = arith.constant 0 : i32
      %dma_start3A_449 = tpu.memref_slice %arg3[%add3A, %add3A_447, %dma_start3A_448] : memref<32x80x128xi32, #tpu.memory_space<hbm>> -> memref<1x1x128xi32, #tpu.memory_space<hbm>>
      %dma_start3A_450 = tpu.memref_squeeze %dma_start3A_449 : memref<1x1x128xi32, #tpu.memory_space<hbm>> -> memref<128xi32, #tpu.memory_space<hbm>>
      %dma_start3A_451 = arith.constant 0 : i32
      %dma_start3A_452 = tpu.memref_slice %arg3[%add3A, %add3A_447, %dma_start3A_451] : memref<32x80x128xi32, #tpu.memory_space<hbm>> -> memref<1x1x128xi32, #tpu.memory_space<hbm>>
      %dma_start3A_453 = tpu.memref_squeeze %dma_start3A_452 : memref<1x1x128xi32, #tpu.memory_space<hbm>> -> memref<128xi32, #tpu.memory_space<hbm>>
      tpu.enqueue_dma source(%dma_start3A_453 : memref<128xi32, #tpu.memory_space<hbm>>) target(%arg9 : memref<128xi32, #tpu.memory_space<vmem>>) target_semaphore(%arg17 : memref<!tpu.dma_semaphore, #tpu.memory_space<semaphore_mem>>)
      %mul3A_454 = arith.constant 3 : i32
      %mul3A_455 = arith.muli %scan3A_317, %mul3A_454 : i32
      %add3A_456 = arith.constant 1 : i32
      %add3A_457 = arith.addi %mul3A_455, %add3A_456 : i32
      %add3A_458 = arith.constant 2 : i32
      %add3A_459 = arith.addi %add3A_457, %add3A_458 : i32
      %dma_wait3A_460 = arith.constant 0 : i32
      %dma_wait3A_461 = arith.constant 0 : i32
      %dma_wait3A_462 = arith.constant 0 : i32
      %dma_wait3A_463 = tpu.memref_slice %arg13[%dma_wait3A_460, %dma_wait3A_461, %dma_wait3A_462] : memref<3x128x128xf32, #tpu.memory_space<vmem>> -> memref<1x128x128xf32, #tpu.memory_space<vmem>>
      %dma_wait3A_464 = tpu.memref_squeeze %dma_wait3A_463 : memref<1x128x128xf32, #tpu.memory_space<vmem>> -> memref<128x128xf32, #tpu.memory_space<vmem>>
      %dma_wait3A_465 = arith.constant 0 : i32
      %dma_wait3A_466 = arith.constant 0 : i32
      %dma_wait3A_467 = tpu.memref_slice %arg2[%dma_wait3A_465, %dma_wait3A_466] : memref<10000x128xf32, #tpu.memory_space<hbm>> -> memref<10000x128xf32, #tpu.memory_space<hbm>>
      tpu.wait_indirect_dma semaphore(%arg21 : memref<!tpu.dma_semaphore, #tpu.memory_space<semaphore_mem>>) src(%dma_wait3A_467 : memref<10000x128xf32, #tpu.memory_space<hbm>>) dst(%dma_wait3A_464 : memref<128x128xf32, #tpu.memory_space<vmem>>)
      %dma_wait3A_468 = arith.constant 0 : i32
      %dma_wait3A_469 = arith.constant 0 : i32
      %dma_wait3A_470 = tpu.memref_slice %arg4[%add3A, %dma_wait3A_468, %dma_wait3A_469] : memref<32x80x128xi32, #tpu.memory_space<hbm>> -> memref<1x1x128xi32, #tpu.memory_space<hbm>>
      %dma_wait3A_471 = tpu.memref_squeeze %dma_wait3A_470 : memref<1x1x128xi32, #tpu.memory_space<hbm>> -> memref<128xi32, #tpu.memory_space<hbm>>
      %dma_wait3A_472 = arith.constant 0 : i32
      %dma_wait3A_473 = tpu.memref_slice %arg4[%add3A, %dma_wait3A_468, %dma_wait3A_472] : memref<32x80x128xi32, #tpu.memory_space<hbm>> -> memref<1x1x128xi32, #tpu.memory_space<hbm>>
      %dma_wait3A_474 = tpu.memref_squeeze %dma_wait3A_473 : memref<1x1x128xi32, #tpu.memory_space<hbm>> -> memref<128xi32, #tpu.memory_space<hbm>>
      tpu.wait_dma2 semaphore(%arg18 : memref<!tpu.dma_semaphore, #tpu.memory_space<semaphore_mem>>) src(%dma_wait3A_474 : memref<128xi32, #tpu.memory_space<hbm>>) dst(%arg10 : memref<128xi32, #tpu.memory_space<vmem>>)
      %dma_start3A_475 = arith.constant 0 : i32
      %dma_start3A_476 = arith.constant 0 : i32
      %dma_start3A_477 = arith.constant 0 : i32
      %dma_start3A_478 = tpu.memref_slice %arg13[%dma_start3A_475, %dma_start3A_476, %dma_start3A_477] : memref<3x128x128xf32, #tpu.memory_space<vmem>> -> memref<1x128x128xf32, #tpu.memory_space<vmem>>
      %dma_start3A_479 = tpu.memref_squeeze %dma_start3A_478 : memref<1x128x128xf32, #tpu.memory_space<vmem>> -> memref<128x128xf32, #tpu.memory_space<vmem>>
      %dma_start3A_480 = arith.constant 0 : i32
      %dma_start3A_481 = arith.constant 0 : i32
      %dma_start3A_482 = tpu.memref_slice %arg14[%dma_start3A_480, %dma_start3A_481] : memref<10112x128xf32, #tpu.memory_space<vmem_shared>> -> memref<10112x128xf32, #tpu.memory_space<vmem_shared>>
      tpu.enqueue_indirect_dma source(%dma_start3A_479 : memref<128x128xf32, #tpu.memory_space<vmem>>) target(%dma_start3A_482 : memref<10112x128xf32, #tpu.memory_space<vmem_shared>>) offsets(%arg10 : memref<128xi32, #tpu.memory_space<vmem>>) semaphore(%arg24 : memref<!tpu.dma_semaphore, #tpu.memory_space<semaphore_mem>>) {add = true}
      %dma_wait3A_483 = arith.constant 2 : i32
      %dma_wait3A_484 = arith.constant 0 : i32
      %dma_wait3A_485 = arith.constant 0 : i32
      %dma_wait3A_486 = tpu.memref_slice %arg13[%dma_wait3A_483, %dma_wait3A_484, %dma_wait3A_485] : memref<3x128x128xf32, #tpu.memory_space<vmem>> -> memref<1x128x128xf32, #tpu.memory_space<vmem>>
      %dma_wait3A_487 = tpu.memref_squeeze %dma_wait3A_486 : memref<1x128x128xf32, #tpu.memory_space<vmem>> -> memref<128x128xf32, #tpu.memory_space<vmem>>
      %dma_wait3A_488 = arith.constant 0 : i32
      %dma_wait3A_489 = arith.constant 0 : i32
      %dma_wait3A_490 = tpu.memref_slice %arg14[%dma_wait3A_488, %dma_wait3A_489] : memref<10112x128xf32, #tpu.memory_space<vmem_shared>> -> memref<10112x128xf32, #tpu.memory_space<vmem_shared>>
      tpu.wait_indirect_dma semaphore(%arg26 : memref<!tpu.dma_semaphore, #tpu.memory_space<semaphore_mem>>) src(%dma_wait3A_487 : memref<128x128xf32, #tpu.memory_space<vmem>>) dst(%dma_wait3A_490 : memref<10112x128xf32, #tpu.memory_space<vmem_shared>>)
      %dma_wait3A_491 = arith.constant 0 : i32
      %dma_wait3A_492 = arith.constant 0 : i32
      %dma_wait3A_493 = tpu.memref_slice %arg3[%add3A, %dma_wait3A_491, %dma_wait3A_492] : memref<32x80x128xi32, #tpu.memory_space<hbm>> -> memref<1x1x128xi32, #tpu.memory_space<hbm>>
      %dma_wait3A_494 = tpu.memref_squeeze %dma_wait3A_493 : memref<1x1x128xi32, #tpu.memory_space<hbm>> -> memref<128xi32, #tpu.memory_space<hbm>>
      %dma_wait3A_495 = arith.constant 0 : i32
      %dma_wait3A_496 = tpu.memref_slice %arg3[%add3A, %dma_wait3A_491, %dma_wait3A_495] : memref<32x80x128xi32, #tpu.memory_space<hbm>> -> memref<1x1x128xi32, #tpu.memory_space<hbm>>
      %dma_wait3A_497 = tpu.memref_squeeze %dma_wait3A_496 : memref<1x1x128xi32, #tpu.memory_space<hbm>> -> memref<128xi32, #tpu.memory_space<hbm>>
      tpu.wait_dma2 semaphore(%arg17 : memref<!tpu.dma_semaphore, #tpu.memory_space<semaphore_mem>>) src(%dma_wait3A_497 : memref<128xi32, #tpu.memory_space<hbm>>) dst(%arg9 : memref<128xi32, #tpu.memory_space<vmem>>)
      %dma_start3A_498 = arith.constant 2 : i32
      %dma_start3A_499 = arith.constant 0 : i32
      %dma_start3A_500 = arith.constant 0 : i32
      %dma_start3A_501 = tpu.memref_slice %arg13[%dma_start3A_498, %dma_start3A_499, %dma_start3A_500] : memref<3x128x128xf32, #tpu.memory_space<vmem>> -> memref<1x128x128xf32, #tpu.memory_space<vmem>>
      %dma_start3A_502 = tpu.memref_squeeze %dma_start3A_501 : memref<1x128x128xf32, #tpu.memory_space<vmem>> -> memref<128x128xf32, #tpu.memory_space<vmem>>
      %dma_start3A_503 = arith.constant 0 : i32
      %dma_start3A_504 = arith.constant 0 : i32
      %dma_start3A_505 = tpu.memref_slice %arg2[%dma_start3A_503, %dma_start3A_504] : memref<10000x128xf32, #tpu.memory_space<hbm>> -> memref<10000x128xf32, #tpu.memory_space<hbm>>
      tpu.enqueue_indirect_dma source(%dma_start3A_505 : memref<10000x128xf32, #tpu.memory_space<hbm>>) target(%dma_start3A_502 : memref<128x128xf32, #tpu.memory_space<vmem>>) offsets(%arg9 : memref<128xi32, #tpu.memory_space<vmem>>) semaphore(%arg23 : memref<!tpu.dma_semaphore, #tpu.memory_space<semaphore_mem>>)
      %add3A_506 = arith.constant 2 : i32
      %add3A_507 = arith.addi %add3A_459, %add3A_506 : i32
      %dma_start3A_508 = arith.constant 0 : i32
      %dma_start3A_509 = tpu.memref_slice %arg4[%add3A, %add3A_507, %dma_start3A_508] : memref<32x80x128xi32, #tpu.memory_space<hbm>> -> memref<1x1x128xi32, #tpu.memory_space<hbm>>
      %dma_start3A_510 = tpu.memref_squeeze %dma_start3A_509 : memref<1x1x128xi32, #tpu.memory_space<hbm>> -> memref<128xi32, #tpu.memory_space<hbm>>
      %dma_start3A_511 = arith.constant 0 : i32
      %dma_start3A_512 = tpu.memref_slice %arg4[%add3A, %add3A_507, %dma_start3A_511] : memref<32x80x128xi32, #tpu.memory_space<hbm>> -> memref<1x1x128xi32, #tpu.memory_space<hbm>>
      %dma_start3A_513 = tpu.memref_squeeze %dma_start3A_512 : memref<1x1x128xi32, #tpu.memory_space<hbm>> -> memref<128xi32, #tpu.memory_space<hbm>>
      tpu.enqueue_dma source(%dma_start3A_513 : memref<128xi32, #tpu.memory_space<hbm>>) target(%arg12 : memref<128xi32, #tpu.memory_space<vmem>>) target_semaphore(%arg20 : memref<!tpu.dma_semaphore, #tpu.memory_space<semaphore_mem>>)
      %add3A_514 = arith.constant 3 : i32
      %add3A_515 = arith.addi %add3A_459, %add3A_514 : i32
      %dma_start3A_516 = arith.constant 0 : i32
      %dma_start3A_517 = tpu.memref_slice %arg3[%add3A, %add3A_515, %dma_start3A_516] : memref<32x80x128xi32, #tpu.memory_space<hbm>> -> memref<1x1x128xi32, #tpu.memory_space<hbm>>
      %dma_start3A_518 = tpu.memref_squeeze %dma_start3A_517 : memref<1x1x128xi32, #tpu.memory_space<hbm>> -> memref<128xi32, #tpu.memory_space<hbm>>
      %dma_start3A_519 = arith.constant 0 : i32
      %dma_start3A_520 = tpu.memref_slice %arg3[%add3A, %add3A_515, %dma_start3A_519] : memref<32x80x128xi32, #tpu.memory_space<hbm>> -> memref<1x1x128xi32, #tpu.memory_space<hbm>>
      %dma_start3A_521 = tpu.memref_squeeze %dma_start3A_520 : memref<1x1x128xi32, #tpu.memory_space<hbm>> -> memref<128xi32, #tpu.memory_space<hbm>>
      tpu.enqueue_dma source(%dma_start3A_521 : memref<128xi32, #tpu.memory_space<hbm>>) target(%arg7 : memref<128xi32, #tpu.memory_space<vmem>>) target_semaphore(%arg15 : memref<!tpu.dma_semaphore, #tpu.memory_space<semaphore_mem>>)
    }
    %scan3A_132 = arith.constant 25 : i32
    %dma_wait3A_133 = arith.constant 1 : i32
    %dma_wait3A_134 = arith.constant 0 : i32
    %dma_wait3A_135 = arith.constant 0 : i32
    %dma_wait3A_136 = tpu.memref_slice %arg13[%dma_wait3A_133, %dma_wait3A_134, %dma_wait3A_135] : memref<3x128x128xf32, #tpu.memory_space<vmem>> -> memref<1x128x128xf32, #tpu.memory_space<vmem>>
    %dma_wait3A_137 = tpu.memref_squeeze %dma_wait3A_136 : memref<1x128x128xf32, #tpu.memory_space<vmem>> -> memref<128x128xf32, #tpu.memory_space<vmem>>
    %dma_wait3A_138 = arith.constant 0 : i32
    %dma_wait3A_139 = arith.constant 0 : i32
    %dma_wait3A_140 = tpu.memref_slice %arg2[%dma_wait3A_138, %dma_wait3A_139] : memref<10000x128xf32, #tpu.memory_space<hbm>> -> memref<10000x128xf32, #tpu.memory_space<hbm>>
    tpu.wait_indirect_dma semaphore(%arg22 : memref<!tpu.dma_semaphore, #tpu.memory_space<semaphore_mem>>) src(%dma_wait3A_140 : memref<10000x128xf32, #tpu.memory_space<hbm>>) dst(%dma_wait3A_137 : memref<128x128xf32, #tpu.memory_space<vmem>>)
    %dma_wait3A_141 = arith.constant 0 : i32
    %dma_wait3A_142 = arith.constant 0 : i32
    %dma_wait3A_143 = tpu.memref_slice %arg4[%add3A, %dma_wait3A_141, %dma_wait3A_142] : memref<32x80x128xi32, #tpu.memory_space<hbm>> -> memref<1x1x128xi32, #tpu.memory_space<hbm>>
    %dma_wait3A_144 = tpu.memref_squeeze %dma_wait3A_143 : memref<1x1x128xi32, #tpu.memory_space<hbm>> -> memref<128xi32, #tpu.memory_space<hbm>>
    %dma_wait3A_145 = arith.constant 0 : i32
    %dma_wait3A_146 = tpu.memref_slice %arg4[%add3A, %dma_wait3A_141, %dma_wait3A_145] : memref<32x80x128xi32, #tpu.memory_space<hbm>> -> memref<1x1x128xi32, #tpu.memory_space<hbm>>
    %dma_wait3A_147 = tpu.memref_squeeze %dma_wait3A_146 : memref<1x1x128xi32, #tpu.memory_space<hbm>> -> memref<128xi32, #tpu.memory_space<hbm>>
    tpu.wait_dma2 semaphore(%arg19 : memref<!tpu.dma_semaphore, #tpu.memory_space<semaphore_mem>>) src(%dma_wait3A_147 : memref<128xi32, #tpu.memory_space<hbm>>) dst(%arg11 : memref<128xi32, #tpu.memory_space<vmem>>)
    %dma_start3A_148 = arith.constant 1 : i32
    %dma_start3A_149 = arith.constant 0 : i32
    %dma_start3A_150 = arith.constant 0 : i32
    %dma_start3A_151 = tpu.memref_slice %arg13[%dma_start3A_148, %dma_start3A_149, %dma_start3A_150] : memref<3x128x128xf32, #tpu.memory_space<vmem>> -> memref<1x128x128xf32, #tpu.memory_space<vmem>>
    %dma_start3A_152 = tpu.memref_squeeze %dma_start3A_151 : memref<1x128x128xf32, #tpu.memory_space<vmem>> -> memref<128x128xf32, #tpu.memory_space<vmem>>
    %dma_start3A_153 = arith.constant 0 : i32
    %dma_start3A_154 = arith.constant 0 : i32
    %dma_start3A_155 = tpu.memref_slice %arg14[%dma_start3A_153, %dma_start3A_154] : memref<10112x128xf32, #tpu.memory_space<vmem_shared>> -> memref<10112x128xf32, #tpu.memory_space<vmem_shared>>
    tpu.enqueue_indirect_dma source(%dma_start3A_152 : memref<128x128xf32, #tpu.memory_space<vmem>>) target(%dma_start3A_155 : memref<10112x128xf32, #tpu.memory_space<vmem_shared>>) offsets(%arg11 : memref<128xi32, #tpu.memory_space<vmem>>) semaphore(%arg25 : memref<!tpu.dma_semaphore, #tpu.memory_space<semaphore_mem>>) {add = true}
    %dma_wait3A_156 = arith.constant 0 : i32
    %dma_wait3A_157 = arith.constant 0 : i32
    %dma_wait3A_158 = arith.constant 0 : i32
    %dma_wait3A_159 = tpu.memref_slice %arg13[%dma_wait3A_156, %dma_wait3A_157, %dma_wait3A_158] : memref<3x128x128xf32, #tpu.memory_space<vmem>> -> memref<1x128x128xf32, #tpu.memory_space<vmem>>
    %dma_wait3A_160 = tpu.memref_squeeze %dma_wait3A_159 : memref<1x128x128xf32, #tpu.memory_space<vmem>> -> memref<128x128xf32, #tpu.memory_space<vmem>>
    %dma_wait3A_161 = arith.constant 0 : i32
    %dma_wait3A_162 = arith.constant 0 : i32
    %dma_wait3A_163 = tpu.memref_slice %arg14[%dma_wait3A_161, %dma_wait3A_162] : memref<10112x128xf32, #tpu.memory_space<vmem_shared>> -> memref<10112x128xf32, #tpu.memory_space<vmem_shared>>
    tpu.wait_indirect_dma semaphore(%arg24 : memref<!tpu.dma_semaphore, #tpu.memory_space<semaphore_mem>>) src(%dma_wait3A_160 : memref<128x128xf32, #tpu.memory_space<vmem>>) dst(%dma_wait3A_163 : memref<10112x128xf32, #tpu.memory_space<vmem_shared>>)
    %dma_wait3A_164 = arith.constant 0 : i32
    %dma_wait3A_165 = arith.constant 0 : i32
    %dma_wait3A_166 = tpu.memref_slice %arg3[%add3A, %dma_wait3A_164, %dma_wait3A_165] : memref<32x80x128xi32, #tpu.memory_space<hbm>> -> memref<1x1x128xi32, #tpu.memory_space<hbm>>
    %dma_wait3A_167 = tpu.memref_squeeze %dma_wait3A_166 : memref<1x1x128xi32, #tpu.memory_space<hbm>> -> memref<128xi32, #tpu.memory_space<hbm>>
    %dma_wait3A_168 = arith.constant 0 : i32
    %dma_wait3A_169 = tpu.memref_slice %arg3[%add3A, %dma_wait3A_164, %dma_wait3A_168] : memref<32x80x128xi32, #tpu.memory_space<hbm>> -> memref<1x1x128xi32, #tpu.memory_space<hbm>>
    %dma_wait3A_170 = tpu.memref_squeeze %dma_wait3A_169 : memref<1x1x128xi32, #tpu.memory_space<hbm>> -> memref<128xi32, #tpu.memory_space<hbm>>
    tpu.wait_dma2 semaphore(%arg15 : memref<!tpu.dma_semaphore, #tpu.memory_space<semaphore_mem>>) src(%dma_wait3A_170 : memref<128xi32, #tpu.memory_space<hbm>>) dst(%arg7 : memref<128xi32, #tpu.memory_space<vmem>>)
    %dma_start3A_171 = arith.constant 0 : i32
    %dma_start3A_172 = arith.constant 0 : i32
    %dma_start3A_173 = arith.constant 0 : i32
    %dma_start3A_174 = tpu.memref_slice %arg13[%dma_start3A_171, %dma_start3A_172, %dma_start3A_173] : memref<3x128x128xf32, #tpu.memory_space<vmem>> -> memref<1x128x128xf32, #tpu.memory_space<vmem>>
    %dma_start3A_175 = tpu.memref_squeeze %dma_start3A_174 : memref<1x128x128xf32, #tpu.memory_space<vmem>> -> memref<128x128xf32, #tpu.memory_space<vmem>>
    %dma_start3A_176 = arith.constant 0 : i32
    %dma_start3A_177 = arith.constant 0 : i32
    %dma_start3A_178 = tpu.memref_slice %arg2[%dma_start3A_176, %dma_start3A_177] : memref<10000x128xf32, #tpu.memory_space<hbm>> -> memref<10000x128xf32, #tpu.memory_space<hbm>>
    tpu.enqueue_indirect_dma source(%dma_start3A_178 : memref<10000x128xf32, #tpu.memory_space<hbm>>) target(%dma_start3A_175 : memref<128x128xf32, #tpu.memory_space<vmem>>) offsets(%arg7 : memref<128xi32, #tpu.memory_space<vmem>>) semaphore(%arg21 : memref<!tpu.dma_semaphore, #tpu.memory_space<semaphore_mem>>)
    %dma_start3A_179 = arith.constant 78 : i32
    %dma_start3A_180 = arith.constant 0 : i32
    %dma_start3A_181 = tpu.memref_slice %arg4[%add3A, %dma_start3A_179, %dma_start3A_180] : memref<32x80x128xi32, #tpu.memory_space<hbm>> -> memref<1x1x128xi32, #tpu.memory_space<hbm>>
    %dma_start3A_182 = tpu.memref_squeeze %dma_start3A_181 : memref<1x1x128xi32, #tpu.memory_space<hbm>> -> memref<128xi32, #tpu.memory_space<hbm>>
    %dma_start3A_183 = arith.constant 0 : i32
    %dma_start3A_184 = tpu.memref_slice %arg4[%add3A, %dma_start3A_179, %dma_start3A_183] : memref<32x80x128xi32, #tpu.memory_space<hbm>> -> memref<1x1x128xi32, #tpu.memory_space<hbm>>
    %dma_start3A_185 = tpu.memref_squeeze %dma_start3A_184 : memref<1x1x128xi32, #tpu.memory_space<hbm>> -> memref<128xi32, #tpu.memory_space<hbm>>
    tpu.enqueue_dma source(%dma_start3A_185 : memref<128xi32, #tpu.memory_space<hbm>>) target(%arg10 : memref<128xi32, #tpu.memory_space<vmem>>) target_semaphore(%arg18 : memref<!tpu.dma_semaphore, #tpu.memory_space<semaphore_mem>>)
    %dma_start3A_186 = arith.constant 79 : i32
    %dma_start3A_187 = arith.constant 0 : i32
    %dma_start3A_188 = tpu.memref_slice %arg3[%add3A, %dma_start3A_186, %dma_start3A_187] : memref<32x80x128xi32, #tpu.memory_space<hbm>> -> memref<1x1x128xi32, #tpu.memory_space<hbm>>
    %dma_start3A_189 = tpu.memref_squeeze %dma_start3A_188 : memref<1x1x128xi32, #tpu.memory_space<hbm>> -> memref<128xi32, #tpu.memory_space<hbm>>
    %dma_start3A_190 = arith.constant 0 : i32
    %dma_start3A_191 = tpu.memref_slice %arg3[%add3A, %dma_start3A_186, %dma_start3A_190] : memref<32x80x128xi32, #tpu.memory_space<hbm>> -> memref<1x1x128xi32, #tpu.memory_space<hbm>>
    %dma_start3A_192 = tpu.memref_squeeze %dma_start3A_191 : memref<1x1x128xi32, #tpu.memory_space<hbm>> -> memref<128xi32, #tpu.memory_space<hbm>>
    tpu.enqueue_dma source(%dma_start3A_192 : memref<128xi32, #tpu.memory_space<hbm>>) target(%arg8 : memref<128xi32, #tpu.memory_space<vmem>>) target_semaphore(%arg16 : memref<!tpu.dma_semaphore, #tpu.memory_space<semaphore_mem>>)
    %dma_wait3A_193 = arith.constant 2 : i32
    %dma_wait3A_194 = arith.constant 0 : i32
    %dma_wait3A_195 = arith.constant 0 : i32
    %dma_wait3A_196 = tpu.memref_slice %arg13[%dma_wait3A_193, %dma_wait3A_194, %dma_wait3A_195] : memref<3x128x128xf32, #tpu.memory_space<vmem>> -> memref<1x128x128xf32, #tpu.memory_space<vmem>>
    %dma_wait3A_197 = tpu.memref_squeeze %dma_wait3A_196 : memref<1x128x128xf32, #tpu.memory_space<vmem>> -> memref<128x128xf32, #tpu.memory_space<vmem>>
    %dma_wait3A_198 = arith.constant 0 : i32
    %dma_wait3A_199 = arith.constant 0 : i32
    %dma_wait3A_200 = tpu.memref_slice %arg2[%dma_wait3A_198, %dma_wait3A_199] : memref<10000x128xf32, #tpu.memory_space<hbm>> -> memref<10000x128xf32, #tpu.memory_space<hbm>>
    tpu.wait_indirect_dma semaphore(%arg23 : memref<!tpu.dma_semaphore, #tpu.memory_space<semaphore_mem>>) src(%dma_wait3A_200 : memref<10000x128xf32, #tpu.memory_space<hbm>>) dst(%dma_wait3A_197 : memref<128x128xf32, #tpu.memory_space<vmem>>)
    %dma_wait3A_201 = arith.constant 0 : i32
    %dma_wait3A_202 = arith.constant 0 : i32
    %dma_wait3A_203 = tpu.memref_slice %arg4[%add3A, %dma_wait3A_201, %dma_wait3A_202] : memref<32x80x128xi32, #tpu.memory_space<hbm>> -> memref<1x1x128xi32, #tpu.memory_space<hbm>>
    %dma_wait3A_204 = tpu.memref_squeeze %dma_wait3A_203 : memref<1x1x128xi32, #tpu.memory_space<hbm>> -> memref<128xi32, #tpu.memory_space<hbm>>
    %dma_wait3A_205 = arith.constant 0 : i32
    %dma_wait3A_206 = tpu.memref_slice %arg4[%add3A, %dma_wait3A_201, %dma_wait3A_205] : memref<32x80x128xi32, #tpu.memory_space<hbm>> -> memref<1x1x128xi32, #tpu.memory_space<hbm>>
    %dma_wait3A_207 = tpu.memref_squeeze %dma_wait3A_206 : memref<1x1x128xi32, #tpu.memory_space<hbm>> -> memref<128xi32, #tpu.memory_space<hbm>>
    tpu.wait_dma2 semaphore(%arg20 : memref<!tpu.dma_semaphore, #tpu.memory_space<semaphore_mem>>) src(%dma_wait3A_207 : memref<128xi32, #tpu.memory_space<hbm>>) dst(%arg12 : memref<128xi32, #tpu.memory_space<vmem>>)
    %dma_start3A_208 = arith.constant 2 : i32
    %dma_start3A_209 = arith.constant 0 : i32
    %dma_start3A_210 = arith.constant 0 : i32
    %dma_start3A_211 = tpu.memref_slice %arg13[%dma_start3A_208, %dma_start3A_209, %dma_start3A_210] : memref<3x128x128xf32, #tpu.memory_space<vmem>> -> memref<1x128x128xf32, #tpu.memory_space<vmem>>
    %dma_start3A_212 = tpu.memref_squeeze %dma_start3A_211 : memref<1x128x128xf32, #tpu.memory_space<vmem>> -> memref<128x128xf32, #tpu.memory_space<vmem>>
    %dma_start3A_213 = arith.constant 0 : i32
    %dma_start3A_214 = arith.constant 0 : i32
    %dma_start3A_215 = tpu.memref_slice %arg14[%dma_start3A_213, %dma_start3A_214] : memref<10112x128xf32, #tpu.memory_space<vmem_shared>> -> memref<10112x128xf32, #tpu.memory_space<vmem_shared>>
    tpu.enqueue_indirect_dma source(%dma_start3A_212 : memref<128x128xf32, #tpu.memory_space<vmem>>) target(%dma_start3A_215 : memref<10112x128xf32, #tpu.memory_space<vmem_shared>>) offsets(%arg12 : memref<128xi32, #tpu.memory_space<vmem>>) semaphore(%arg26 : memref<!tpu.dma_semaphore, #tpu.memory_space<semaphore_mem>>) {add = true}
    %dma_wait3A_216 = arith.constant 1 : i32
    %dma_wait3A_217 = arith.constant 0 : i32
    %dma_wait3A_218 = arith.constant 0 : i32
    %dma_wait3A_219 = tpu.memref_slice %arg13[%dma_wait3A_216, %dma_wait3A_217, %dma_wait3A_218] : memref<3x128x128xf32, #tpu.memory_space<vmem>> -> memref<1x128x128xf32, #tpu.memory_space<vmem>>
    %dma_wait3A_220 = tpu.memref_squeeze %dma_wait3A_219 : memref<1x128x128xf32, #tpu.memory_space<vmem>> -> memref<128x128xf32, #tpu.memory_space<vmem>>
    %dma_wait3A_221 = arith.constant 0 : i32
    %dma_wait3A_222 = arith.constant 0 : i32
    %dma_wait3A_223 = tpu.memref_slice %arg14[%dma_wait3A_221, %dma_wait3A_222] : memref<10112x128xf32, #tpu.memory_space<vmem_shared>> -> memref<10112x128xf32, #tpu.memory_space<vmem_shared>>
    tpu.wait_indirect_dma semaphore(%arg25 : memref<!tpu.dma_semaphore, #tpu.memory_space<semaphore_mem>>) src(%dma_wait3A_220 : memref<128x128xf32, #tpu.memory_space<vmem>>) dst(%dma_wait3A_223 : memref<10112x128xf32, #tpu.memory_space<vmem_shared>>)
    %dma_wait3A_224 = arith.constant 0 : i32
    %dma_wait3A_225 = arith.constant 0 : i32
    %dma_wait3A_226 = tpu.memref_slice %arg3[%add3A, %dma_wait3A_224, %dma_wait3A_225] : memref<32x80x128xi32, #tpu.memory_space<hbm>> -> memref<1x1x128xi32, #tpu.memory_space<hbm>>
    %dma_wait3A_227 = tpu.memref_squeeze %dma_wait3A_226 : memref<1x1x128xi32, #tpu.memory_space<hbm>> -> memref<128xi32, #tpu.memory_space<hbm>>
    %dma_wait3A_228 = arith.constant 0 : i32
    %dma_wait3A_229 = tpu.memref_slice %arg3[%add3A, %dma_wait3A_224, %dma_wait3A_228] : memref<32x80x128xi32, #tpu.memory_space<hbm>> -> memref<1x1x128xi32, #tpu.memory_space<hbm>>
    %dma_wait3A_230 = tpu.memref_squeeze %dma_wait3A_229 : memref<1x1x128xi32, #tpu.memory_space<hbm>> -> memref<128xi32, #tpu.memory_space<hbm>>
    tpu.wait_dma2 semaphore(%arg16 : memref<!tpu.dma_semaphore, #tpu.memory_space<semaphore_mem>>) src(%dma_wait3A_230 : memref<128xi32, #tpu.memory_space<hbm>>) dst(%arg8 : memref<128xi32, #tpu.memory_space<vmem>>)
    %dma_start3A_231 = arith.constant 1 : i32
    %dma_start3A_232 = arith.constant 0 : i32
    %dma_start3A_233 = arith.constant 0 : i32
    %dma_start3A_234 = tpu.memref_slice %arg13[%dma_start3A_231, %dma_start3A_232, %dma_start3A_233] : memref<3x128x128xf32, #tpu.memory_space<vmem>> -> memref<1x128x128xf32, #tpu.memory_space<vmem>>
    %dma_start3A_235 = tpu.memref_squeeze %dma_start3A_234 : memref<1x128x128xf32, #tpu.memory_space<vmem>> -> memref<128x128xf32, #tpu.memory_space<vmem>>
    %dma_start3A_236 = arith.constant 0 : i32
    %dma_start3A_237 = arith.constant 0 : i32
    %dma_start3A_238 = tpu.memref_slice %arg2[%dma_start3A_236, %dma_start3A_237] : memref<10000x128xf32, #tpu.memory_space<hbm>> -> memref<10000x128xf32, #tpu.memory_space<hbm>>
    tpu.enqueue_indirect_dma source(%dma_start3A_238 : memref<10000x128xf32, #tpu.memory_space<hbm>>) target(%dma_start3A_235 : memref<128x128xf32, #tpu.memory_space<vmem>>) offsets(%arg8 : memref<128xi32, #tpu.memory_space<vmem>>) semaphore(%arg22 : memref<!tpu.dma_semaphore, #tpu.memory_space<semaphore_mem>>)
    %dma_start3A_239 = arith.constant 79 : i32
    %dma_start3A_240 = arith.constant 0 : i32
    %dma_start3A_241 = tpu.memref_slice %arg4[%add3A, %dma_start3A_239, %dma_start3A_240] : memref<32x80x128xi32, #tpu.memory_space<hbm>> -> memref<1x1x128xi32, #tpu.memory_space<hbm>>
    %dma_start3A_242 = tpu.memref_squeeze %dma_start3A_241 : memref<1x1x128xi32, #tpu.memory_space<hbm>> -> memref<128xi32, #tpu.memory_space<hbm>>
    %dma_start3A_243 = arith.constant 0 : i32
    %dma_start3A_244 = tpu.memref_slice %arg4[%add3A, %dma_start3A_239, %dma_start3A_243] : memref<32x80x128xi32, #tpu.memory_space<hbm>> -> memref<1x1x128xi32, #tpu.memory_space<hbm>>
    %dma_start3A_245 = tpu.memref_squeeze %dma_start3A_244 : memref<1x1x128xi32, #tpu.memory_space<hbm>> -> memref<128xi32, #tpu.memory_space<hbm>>
    tpu.enqueue_dma source(%dma_start3A_245 : memref<128xi32, #tpu.memory_space<hbm>>) target(%arg11 : memref<128xi32, #tpu.memory_space<vmem>>) target_semaphore(%arg19 : memref<!tpu.dma_semaphore, #tpu.memory_space<semaphore_mem>>)
    %dma_wait3A_246 = arith.constant 0 : i32
    %dma_wait3A_247 = arith.constant 0 : i32
    %dma_wait3A_248 = arith.constant 0 : i32
    %dma_wait3A_249 = tpu.memref_slice %arg13[%dma_wait3A_246, %dma_wait3A_247, %dma_wait3A_248] : memref<3x128x128xf32, #tpu.memory_space<vmem>> -> memref<1x128x128xf32, #tpu.memory_space<vmem>>
    %dma_wait3A_250 = tpu.memref_squeeze %dma_wait3A_249 : memref<1x128x128xf32, #tpu.memory_space<vmem>> -> memref<128x128xf32, #tpu.memory_space<vmem>>
    %dma_wait3A_251 = arith.constant 0 : i32
    %dma_wait3A_252 = arith.constant 0 : i32
    %dma_wait3A_253 = tpu.memref_slice %arg2[%dma_wait3A_251, %dma_wait3A_252] : memref<10000x128xf32, #tpu.memory_space<hbm>> -> memref<10000x128xf32, #tpu.memory_space<hbm>>
    tpu.wait_indirect_dma semaphore(%arg21 : memref<!tpu.dma_semaphore, #tpu.memory_space<semaphore_mem>>) src(%dma_wait3A_253 : memref<10000x128xf32, #tpu.memory_space<hbm>>) dst(%dma_wait3A_250 : memref<128x128xf32, #tpu.memory_space<vmem>>)
    %dma_wait3A_254 = arith.constant 0 : i32
    %dma_wait3A_255 = arith.constant 0 : i32
    %dma_wait3A_256 = tpu.memref_slice %arg4[%add3A, %dma_wait3A_254, %dma_wait3A_255] : memref<32x80x128xi32, #tpu.memory_space<hbm>> -> memref<1x1x128xi32, #tpu.memory_space<hbm>>
    %dma_wait3A_257 = tpu.memref_squeeze %dma_wait3A_256 : memref<1x1x128xi32, #tpu.memory_space<hbm>> -> memref<128xi32, #tpu.memory_space<hbm>>
    %dma_wait3A_258 = arith.constant 0 : i32
    %dma_wait3A_259 = tpu.memref_slice %arg4[%add3A, %dma_wait3A_254, %dma_wait3A_258] : memref<32x80x128xi32, #tpu.memory_space<hbm>> -> memref<1x1x128xi32, #tpu.memory_space<hbm>>
    %dma_wait3A_260 = tpu.memref_squeeze %dma_wait3A_259 : memref<1x1x128xi32, #tpu.memory_space<hbm>> -> memref<128xi32, #tpu.memory_space<hbm>>
    tpu.wait_dma2 semaphore(%arg18 : memref<!tpu.dma_semaphore, #tpu.memory_space<semaphore_mem>>) src(%dma_wait3A_260 : memref<128xi32, #tpu.memory_space<hbm>>) dst(%arg10 : memref<128xi32, #tpu.memory_space<vmem>>)
    %dma_start3A_261 = arith.constant 0 : i32
    %dma_start3A_262 = arith.constant 0 : i32
    %dma_start3A_263 = arith.constant 0 : i32
    %dma_start3A_264 = tpu.memref_slice %arg13[%dma_start3A_261, %dma_start3A_262, %dma_start3A_263] : memref<3x128x128xf32, #tpu.memory_space<vmem>> -> memref<1x128x128xf32, #tpu.memory_space<vmem>>
    %dma_start3A_265 = tpu.memref_squeeze %dma_start3A_264 : memref<1x128x128xf32, #tpu.memory_space<vmem>> -> memref<128x128xf32, #tpu.memory_space<vmem>>
    %dma_start3A_266 = arith.constant 0 : i32
    %dma_start3A_267 = arith.constant 0 : i32
    %dma_start3A_268 = tpu.memref_slice %arg14[%dma_start3A_266, %dma_start3A_267] : memref<10112x128xf32, #tpu.memory_space<vmem_shared>> -> memref<10112x128xf32, #tpu.memory_space<vmem_shared>>
    tpu.enqueue_indirect_dma source(%dma_start3A_265 : memref<128x128xf32, #tpu.memory_space<vmem>>) target(%dma_start3A_268 : memref<10112x128xf32, #tpu.memory_space<vmem_shared>>) offsets(%arg10 : memref<128xi32, #tpu.memory_space<vmem>>) semaphore(%arg24 : memref<!tpu.dma_semaphore, #tpu.memory_space<semaphore_mem>>) {add = true}
    %dma_wait3A_269 = arith.constant 2 : i32
    %dma_wait3A_270 = arith.constant 0 : i32
    %dma_wait3A_271 = arith.constant 0 : i32
    %dma_wait3A_272 = tpu.memref_slice %arg13[%dma_wait3A_269, %dma_wait3A_270, %dma_wait3A_271] : memref<3x128x128xf32, #tpu.memory_space<vmem>> -> memref<1x128x128xf32, #tpu.memory_space<vmem>>
    %dma_wait3A_273 = tpu.memref_squeeze %dma_wait3A_272 : memref<1x128x128xf32, #tpu.memory_space<vmem>> -> memref<128x128xf32, #tpu.memory_space<vmem>>
    %dma_wait3A_274 = arith.constant 0 : i32
    %dma_wait3A_275 = arith.constant 0 : i32
    %dma_wait3A_276 = tpu.memref_slice %arg14[%dma_wait3A_274, %dma_wait3A_275] : memref<10112x128xf32, #tpu.memory_space<vmem_shared>> -> memref<10112x128xf32, #tpu.memory_space<vmem_shared>>
    tpu.wait_indirect_dma semaphore(%arg26 : memref<!tpu.dma_semaphore, #tpu.memory_space<semaphore_mem>>) src(%dma_wait3A_273 : memref<128x128xf32, #tpu.memory_space<vmem>>) dst(%dma_wait3A_276 : memref<10112x128xf32, #tpu.memory_space<vmem_shared>>)
    %dma_wait3A_277 = arith.constant 1 : i32
    %dma_wait3A_278 = arith.constant 0 : i32
    %dma_wait3A_279 = arith.constant 0 : i32
    %dma_wait3A_280 = tpu.memref_slice %arg13[%dma_wait3A_277, %dma_wait3A_278, %dma_wait3A_279] : memref<3x128x128xf32, #tpu.memory_space<vmem>> -> memref<1x128x128xf32, #tpu.memory_space<vmem>>
    %dma_wait3A_281 = tpu.memref_squeeze %dma_wait3A_280 : memref<1x128x128xf32, #tpu.memory_space<vmem>> -> memref<128x128xf32, #tpu.memory_space<vmem>>
    %dma_wait3A_282 = arith.constant 0 : i32
    %dma_wait3A_283 = arith.constant 0 : i32
    %dma_wait3A_284 = tpu.memref_slice %arg2[%dma_wait3A_282, %dma_wait3A_283] : memref<10000x128xf32, #tpu.memory_space<hbm>> -> memref<10000x128xf32, #tpu.memory_space<hbm>>
    tpu.wait_indirect_dma semaphore(%arg22 : memref<!tpu.dma_semaphore, #tpu.memory_space<semaphore_mem>>) src(%dma_wait3A_284 : memref<10000x128xf32, #tpu.memory_space<hbm>>) dst(%dma_wait3A_281 : memref<128x128xf32, #tpu.memory_space<vmem>>)
    %dma_wait3A_285 = arith.constant 0 : i32
    %dma_wait3A_286 = arith.constant 0 : i32
    %dma_wait3A_287 = tpu.memref_slice %arg4[%add3A, %dma_wait3A_285, %dma_wait3A_286] : memref<32x80x128xi32, #tpu.memory_space<hbm>> -> memref<1x1x128xi32, #tpu.memory_space<hbm>>
    %dma_wait3A_288 = tpu.memref_squeeze %dma_wait3A_287 : memref<1x1x128xi32, #tpu.memory_space<hbm>> -> memref<128xi32, #tpu.memory_space<hbm>>
    %dma_wait3A_289 = arith.constant 0 : i32
    %dma_wait3A_290 = tpu.memref_slice %arg4[%add3A, %dma_wait3A_285, %dma_wait3A_289] : memref<32x80x128xi32, #tpu.memory_space<hbm>> -> memref<1x1x128xi32, #tpu.memory_space<hbm>>
    %dma_wait3A_291 = tpu.memref_squeeze %dma_wait3A_290 : memref<1x1x128xi32, #tpu.memory_space<hbm>> -> memref<128xi32, #tpu.memory_space<hbm>>
    tpu.wait_dma2 semaphore(%arg19 : memref<!tpu.dma_semaphore, #tpu.memory_space<semaphore_mem>>) src(%dma_wait3A_291 : memref<128xi32, #tpu.memory_space<hbm>>) dst(%arg11 : memref<128xi32, #tpu.memory_space<vmem>>)
    %dma_start3A_292 = arith.constant 1 : i32
    %dma_start3A_293 = arith.constant 0 : i32
    %dma_start3A_294 = arith.constant 0 : i32
    %dma_start3A_295 = tpu.memref_slice %arg13[%dma_start3A_292, %dma_start3A_293, %dma_start3A_294] : memref<3x128x128xf32, #tpu.memory_space<vmem>> -> memref<1x128x128xf32, #tpu.memory_space<vmem>>
    %dma_start3A_296 = tpu.memref_squeeze %dma_start3A_295 : memref<1x128x128xf32, #tpu.memory_space<vmem>> -> memref<128x128xf32, #tpu.memory_space<vmem>>
    %dma_start3A_297 = arith.constant 0 : i32
    %dma_start3A_298 = arith.constant 0 : i32
    %dma_start3A_299 = tpu.memref_slice %arg14[%dma_start3A_297, %dma_start3A_298] : memref<10112x128xf32, #tpu.memory_space<vmem_shared>> -> memref<10112x128xf32, #tpu.memory_space<vmem_shared>>
    tpu.enqueue_indirect_dma source(%dma_start3A_296 : memref<128x128xf32, #tpu.memory_space<vmem>>) target(%dma_start3A_299 : memref<10112x128xf32, #tpu.memory_space<vmem_shared>>) offsets(%arg11 : memref<128xi32, #tpu.memory_space<vmem>>) semaphore(%arg25 : memref<!tpu.dma_semaphore, #tpu.memory_space<semaphore_mem>>) {add = true}
    %dma_wait3A_300 = arith.constant 0 : i32
    %dma_wait3A_301 = arith.constant 0 : i32
    %dma_wait3A_302 = arith.constant 0 : i32
    %dma_wait3A_303 = tpu.memref_slice %arg13[%dma_wait3A_300, %dma_wait3A_301, %dma_wait3A_302] : memref<3x128x128xf32, #tpu.memory_space<vmem>> -> memref<1x128x128xf32, #tpu.memory_space<vmem>>
    %dma_wait3A_304 = tpu.memref_squeeze %dma_wait3A_303 : memref<1x128x128xf32, #tpu.memory_space<vmem>> -> memref<128x128xf32, #tpu.memory_space<vmem>>
    %dma_wait3A_305 = arith.constant 0 : i32
    %dma_wait3A_306 = arith.constant 0 : i32
    %dma_wait3A_307 = tpu.memref_slice %arg14[%dma_wait3A_305, %dma_wait3A_306] : memref<10112x128xf32, #tpu.memory_space<vmem_shared>> -> memref<10112x128xf32, #tpu.memory_space<vmem_shared>>
    tpu.wait_indirect_dma semaphore(%arg24 : memref<!tpu.dma_semaphore, #tpu.memory_space<semaphore_mem>>) src(%dma_wait3A_304 : memref<128x128xf32, #tpu.memory_space<vmem>>) dst(%dma_wait3A_307 : memref<10112x128xf32, #tpu.memory_space<vmem_shared>>)
    %dma_wait3A_308 = arith.constant 1 : i32
    %dma_wait3A_309 = arith.constant 0 : i32
    %dma_wait3A_310 = arith.constant 0 : i32
    %dma_wait3A_311 = tpu.memref_slice %arg13[%dma_wait3A_308, %dma_wait3A_309, %dma_wait3A_310] : memref<3x128x128xf32, #tpu.memory_space<vmem>> -> memref<1x128x128xf32, #tpu.memory_space<vmem>>
    %dma_wait3A_312 = tpu.memref_squeeze %dma_wait3A_311 : memref<1x128x128xf32, #tpu.memory_space<vmem>> -> memref<128x128xf32, #tpu.memory_space<vmem>>
    %dma_wait3A_313 = arith.constant 0 : i32
    %dma_wait3A_314 = arith.constant 0 : i32
    %dma_wait3A_315 = tpu.memref_slice %arg14[%dma_wait3A_313, %dma_wait3A_314] : memref<10112x128xf32, #tpu.memory_space<vmem_shared>> -> memref<10112x128xf32, #tpu.memory_space<vmem_shared>>
    tpu.wait_indirect_dma semaphore(%arg25 : memref<!tpu.dma_semaphore, #tpu.memory_space<semaphore_mem>>) src(%dma_wait3A_312 : memref<128x128xf32, #tpu.memory_space<vmem>>) dst(%dma_wait3A_315 : memref<10112x128xf32, #tpu.memory_space<vmem_shared>>)
    %barrier3A_316 = arith.constant 0 : index
    tpu.barrier barrier_id(%barrier3A_316)
    "tpu.region"() ({
      %run_scoped3A = tpu.sem_alloc : memref<!tpu.dma_semaphore, #tpu.memory_space<semaphore_mem>>
      %dma_start3A_317 = arith.constant 0 : i32
      %dma_start3A_318 = tpu.memref_slice %arg6[%arg0, %mul3A_2, %dma_start3A_317] : memref<2x10112x128xf32, #tpu.memory_space<hbm>> -> memref<1x632x128xf32, #tpu.memory_space<hbm>>
      %dma_start3A_319 = tpu.memref_squeeze %dma_start3A_318 : memref<1x632x128xf32, #tpu.memory_space<hbm>> -> memref<632x128xf32, #tpu.memory_space<hbm>>
      %dma_start3A_320 = arith.constant 0 : i32
      %dma_start3A_321 = tpu.memref_slice %arg14[%mul3A_2, %dma_start3A_320] : memref<10112x128xf32, #tpu.memory_space<vmem_shared>> -> memref<632x128xf32, #tpu.memory_space<vmem_shared>>
      tpu.enqueue_dma source(%dma_start3A_321 : memref<632x128xf32, #tpu.memory_space<vmem_shared>>) target(%dma_start3A_319 : memref<632x128xf32, #tpu.memory_space<hbm>>) target_semaphore(%run_scoped3A : memref<!tpu.dma_semaphore, #tpu.memory_space<semaphore_mem>>)
      %dma_wait3A_322 = arith.constant 0 : i32
      %dma_wait3A_323 = tpu.memref_slice %arg6[%arg0, %mul3A_2, %dma_wait3A_322] : memref<2x10112x128xf32, #tpu.memory_space<hbm>> -> memref<1x632x128xf32, #tpu.memory_space<hbm>>
      %dma_wait3A_324 = tpu.memref_squeeze %dma_wait3A_323 : memref<1x632x128xf32, #tpu.memory_space<hbm>> -> memref<632x128xf32, #tpu.memory_space<hbm>>
      %dma_wait3A_325 = arith.constant 0 : i32
      %dma_wait3A_326 = tpu.memref_slice %arg14[%mul3A_2, %dma_wait3A_325] : memref<10112x128xf32, #tpu.memory_space<vmem_shared>> -> memref<632x128xf32, #tpu.memory_space<vmem_shared>>
      tpu.wait_dma2 semaphore(%run_scoped3A : memref<!tpu.dma_semaphore, #tpu.memory_space<semaphore_mem>>) src(%dma_wait3A_326 : memref<632x128xf32, #tpu.memory_space<vmem_shared>>) dst(%dma_wait3A_324 : memref<632x128xf32, #tpu.memory_space<hbm>>)
      tpu.yield
    }) : () -> ()
    return
  }
}

#map = affine_map<(d0, d1) -> (0, 0)>
#map1 = affine_map<(d0, d1) -> (0, 0, 0)>
module attributes {stable_mosaic.version = 14 : i64} {
  func.func @_prop_kernel(%arg0: i32, %arg1: i32, %arg2: memref<10000x128xf32, #tpu.memory_space<hbm>>, %arg3: memref<32x80x128xi32, #tpu.memory_space<hbm>>, %arg4: memref<32x80x128xi32, #tpu.memory_space<hbm>>, %arg5: memref<128x128xf32, #tpu.memory_space<hbm>>, %arg6: memref<2x10112x128xf32, #tpu.memory_space<hbm>>, %arg7: memref<128xi32, #tpu.memory_space<vmem>>, %arg8: memref<128xi32, #tpu.memory_space<vmem>>, %arg9: memref<128xi32, #tpu.memory_space<vmem>>, %arg10: memref<128xi32, #tpu.memory_space<vmem>>, %arg11: memref<128xi32, #tpu.memory_space<vmem>>, %arg12: memref<128xi32, #tpu.memory_space<vmem>>, %arg13: memref<3x128x128xf32, #tpu.memory_space<vmem>>, %arg14: memref<10112x128xf32, #tpu.memory_space<vmem_shared>>, %arg15: memref<!tpu.dma_semaphore, #tpu.memory_space<semaphore_mem>>, %arg16: memref<!tpu.dma_semaphore, #tpu.memory_space<semaphore_mem>>, %arg17: memref<!tpu.dma_semaphore, #tpu.memory_space<semaphore_mem>>, %arg18: memref<!tpu.dma_semaphore, #tpu.memory_space<semaphore_mem>>, %arg19: memref<!tpu.dma_semaphore, #tpu.memory_space<semaphore_mem>>, %arg20: memref<!tpu.dma_semaphore, #tpu.memory_space<semaphore_mem>>, %arg21: memref<!tpu.dma_semaphore, #tpu.memory_space<semaphore_mem>>, %arg22: memref<!tpu.dma_semaphore, #tpu.memory_space<semaphore_mem>>, %arg23: memref<!tpu.dma_semaphore, #tpu.memory_space<semaphore_mem>>, %arg24: memref<!tpu.dma_semaphore, #tpu.memory_space<semaphore_mem>>, %arg25: memref<!tpu.dma_semaphore, #tpu.memory_space<semaphore_mem>>, %arg26: memref<!tpu.dma_semaphore, #tpu.memory_space<semaphore_mem>>) attributes {dimension_semantics = [#tpu.dimension_semantics<core_parallel>, #tpu.dimension_semantics<subcore_parallel>], iteration_bounds = array<i64: 2, 16>, scalar_prefetch = 0 : i64, scratch_operands = 20 : i64, tpu.core_type = #tpu.core_type<sc_vector_subcore>, window_params = [{transform_indices = #map}, {transform_indices = #map1}, {transform_indices = #map1}, {transform_indices = #map}, {transform_indices = #map1}]} {
    %mul3A = arith.constant 2 : i32
    %mul3A_0 = arith.muli %arg1, %mul3A : i32
    %add3A = arith.addi %mul3A_0, %arg0 : i32
    %mul3A_1 = arith.constant 632 : i32
    %mul3A_2 = arith.muli %arg1, %mul3A_1 : i32
    %add3A_3 = arith.constant 0 : i32
    %add3A_4 = arith.addi %mul3A_2, %add3A_3 : i32
    "tpu.region"() ({
      %run_scoped3A = tpu.sem_alloc : memref<!tpu.dma_semaphore, #tpu.memory_space<semaphore_mem>>
      %dma_start3A_317 = arith.constant 0 : i32
      %dma_start3A_318 = tpu.memref_slice %arg14[%add3A_4, %dma_start3A_317] : memref<10112x128xf32, #tpu.memory_space<vmem_shared>> -> memref<128x128xf32, #tpu.memory_space<vmem_shared>>
      tpu.enqueue_dma source(%arg5 : memref<128x128xf32, #tpu.memory_space<hbm>>) target(%dma_start3A_318 : memref<128x128xf32, #tpu.memory_space<vmem_shared>>) target_semaphore(%run_scoped3A : memref<!tpu.dma_semaphore, #tpu.memory_space<semaphore_mem>>)
      %dma_wait3A_319 = arith.constant 0 : i32
      %dma_wait3A_320 = tpu.memref_slice %arg14[%add3A_4, %dma_wait3A_319] : memref<10112x128xf32, #tpu.memory_space<vmem_shared>> -> memref<128x128xf32, #tpu.memory_space<vmem_shared>>
      tpu.wait_dma2 semaphore(%run_scoped3A : memref<!tpu.dma_semaphore, #tpu.memory_space<semaphore_mem>>) src(%arg5 : memref<128x128xf32, #tpu.memory_space<hbm>>) dst(%dma_wait3A_320 : memref<128x128xf32, #tpu.memory_space<vmem_shared>>)
      tpu.yield
    }) : () -> ()
    %add3A_5 = arith.constant 128 : i32
    %add3A_6 = arith.addi %mul3A_2, %add3A_5 : i32
    "tpu.region"() ({
      %run_scoped3A = tpu.sem_alloc : memref<!tpu.dma_semaphore, #tpu.memory_space<semaphore_mem>>
      %dma_start3A_317 = arith.constant 0 : i32
      %dma_start3A_318 = tpu.memref_slice %arg14[%add3A_6, %dma_start3A_317] : memref<10112x128xf32, #tpu.memory_space<vmem_shared>> -> memref<128x128xf32, #tpu.memory_space<vmem_shared>>
      tpu.enqueue_dma source(%arg5 : memref<128x128xf32, #tpu.memory_space<hbm>>) target(%dma_start3A_318 : memref<128x128xf32, #tpu.memory_space<vmem_shared>>) target_semaphore(%run_scoped3A : memref<!tpu.dma_semaphore, #tpu.memory_space<semaphore_mem>>)
      %dma_wait3A_319 = arith.constant 0 : i32
      %dma_wait3A_320 = tpu.memref_slice %arg14[%add3A_6, %dma_wait3A_319] : memref<10112x128xf32, #tpu.memory_space<vmem_shared>> -> memref<128x128xf32, #tpu.memory_space<vmem_shared>>
      tpu.wait_dma2 semaphore(%run_scoped3A : memref<!tpu.dma_semaphore, #tpu.memory_space<semaphore_mem>>) src(%arg5 : memref<128x128xf32, #tpu.memory_space<hbm>>) dst(%dma_wait3A_320 : memref<128x128xf32, #tpu.memory_space<vmem_shared>>)
      tpu.yield
    }) : () -> ()
    %add3A_7 = arith.constant 256 : i32
    %add3A_8 = arith.addi %mul3A_2, %add3A_7 : i32
    "tpu.region"() ({
      %run_scoped3A = tpu.sem_alloc : memref<!tpu.dma_semaphore, #tpu.memory_space<semaphore_mem>>
      %dma_start3A_317 = arith.constant 0 : i32
      %dma_start3A_318 = tpu.memref_slice %arg14[%add3A_8, %dma_start3A_317] : memref<10112x128xf32, #tpu.memory_space<vmem_shared>> -> memref<128x128xf32, #tpu.memory_space<vmem_shared>>
      tpu.enqueue_dma source(%arg5 : memref<128x128xf32, #tpu.memory_space<hbm>>) target(%dma_start3A_318 : memref<128x128xf32, #tpu.memory_space<vmem_shared>>) target_semaphore(%run_scoped3A : memref<!tpu.dma_semaphore, #tpu.memory_space<semaphore_mem>>)
      %dma_wait3A_319 = arith.constant 0 : i32
      %dma_wait3A_320 = tpu.memref_slice %arg14[%add3A_8, %dma_wait3A_319] : memref<10112x128xf32, #tpu.memory_space<vmem_shared>> -> memref<128x128xf32, #tpu.memory_space<vmem_shared>>
      tpu.wait_dma2 semaphore(%run_scoped3A : memref<!tpu.dma_semaphore, #tpu.memory_space<semaphore_mem>>) src(%arg5 : memref<128x128xf32, #tpu.memory_space<hbm>>) dst(%dma_wait3A_320 : memref<128x128xf32, #tpu.memory_space<vmem_shared>>)
      tpu.yield
    }) : () -> ()
    %add3A_9 = arith.constant 384 : i32
    %add3A_10 = arith.addi %mul3A_2, %add3A_9 : i32
    "tpu.region"() ({
      %run_scoped3A = tpu.sem_alloc : memref<!tpu.dma_semaphore, #tpu.memory_space<semaphore_mem>>
      %dma_start3A_317 = arith.constant 0 : i32
      %dma_start3A_318 = tpu.memref_slice %arg14[%add3A_10, %dma_start3A_317] : memref<10112x128xf32, #tpu.memory_space<vmem_shared>> -> memref<128x128xf32, #tpu.memory_space<vmem_shared>>
      tpu.enqueue_dma source(%arg5 : memref<128x128xf32, #tpu.memory_space<hbm>>) target(%dma_start3A_318 : memref<128x128xf32, #tpu.memory_space<vmem_shared>>) target_semaphore(%run_scoped3A : memref<!tpu.dma_semaphore, #tpu.memory_space<semaphore_mem>>)
      %dma_wait3A_319 = arith.constant 0 : i32
      %dma_wait3A_320 = tpu.memref_slice %arg14[%add3A_10, %dma_wait3A_319] : memref<10112x128xf32, #tpu.memory_space<vmem_shared>> -> memref<128x128xf32, #tpu.memory_space<vmem_shared>>
      tpu.wait_dma2 semaphore(%run_scoped3A : memref<!tpu.dma_semaphore, #tpu.memory_space<semaphore_mem>>) src(%arg5 : memref<128x128xf32, #tpu.memory_space<hbm>>) dst(%dma_wait3A_320 : memref<128x128xf32, #tpu.memory_space<vmem_shared>>)
      tpu.yield
    }) : () -> ()
    %add3A_11 = arith.constant 512 : i32
    %add3A_12 = arith.addi %mul3A_2, %add3A_11 : i32
    "tpu.region"() ({
      %run_scoped3A = tpu.sem_alloc : memref<!tpu.dma_semaphore, #tpu.memory_space<semaphore_mem>>
      %dma_start3A_317 = arith.constant 0 : i32
      %dma_start3A_318 = tpu.memref_slice %arg14[%add3A_12, %dma_start3A_317] : memref<10112x128xf32, #tpu.memory_space<vmem_shared>> -> memref<120x128xf32, #tpu.memory_space<vmem_shared>>
      %dma_start3A_319 = arith.constant 0 : i32
      %dma_start3A_320 = arith.constant 0 : i32
      %dma_start3A_321 = tpu.memref_slice %arg5[%dma_start3A_319, %dma_start3A_320] : memref<128x128xf32, #tpu.memory_space<hbm>> -> memref<120x128xf32, #tpu.memory_space<hbm>>
      tpu.enqueue_dma source(%dma_start3A_321 : memref<120x128xf32, #tpu.memory_space<hbm>>) target(%dma_start3A_318 : memref<120x128xf32, #tpu.memory_space<vmem_shared>>) target_semaphore(%run_scoped3A : memref<!tpu.dma_semaphore, #tpu.memory_space<semaphore_mem>>)
      %dma_wait3A_322 = arith.constant 0 : i32
      %dma_wait3A_323 = tpu.memref_slice %arg14[%add3A_12, %dma_wait3A_322] : memref<10112x128xf32, #tpu.memory_space<vmem_shared>> -> memref<120x128xf32, #tpu.memory_space<vmem_shared>>
      %dma_wait3A_324 = arith.constant 0 : i32
      %dma_wait3A_325 = arith.constant 0 : i32
      %dma_wait3A_326 = tpu.memref_slice %arg5[%dma_wait3A_324, %dma_wait3A_325] : memref<128x128xf32, #tpu.memory_space<hbm>> -> memref<120x128xf32, #tpu.memory_space<hbm>>
      tpu.wait_dma2 semaphore(%run_scoped3A : memref<!tpu.dma_semaphore, #tpu.memory_space<semaphore_mem>>) src(%dma_wait3A_326 : memref<120x128xf32, #tpu.memory_space<hbm>>) dst(%dma_wait3A_323 : memref<120x128xf32, #tpu.memory_space<vmem_shared>>)
      tpu.yield
    }) : () -> ()
    %dma_start3A = arith.constant 0 : i32
    %dma_start3A_13 = arith.constant 0 : i32
    %dma_start3A_14 = tpu.memref_slice %arg3[%add3A, %dma_start3A, %dma_start3A_13] : memref<32x80x128xi32, #tpu.memory_space<hbm>> -> memref<1x1x128xi32, #tpu.memory_space<hbm>>
    %dma_start3A_15 = tpu.memref_squeeze %dma_start3A_14 : memref<1x1x128xi32, #tpu.memory_space<hbm>> -> memref<128xi32, #tpu.memory_space<hbm>>
    %dma_start3A_16 = arith.constant 0 : i32
    %dma_start3A_17 = tpu.memref_slice %arg3[%add3A, %dma_start3A, %dma_start3A_16] : memref<32x80x128xi32, #tpu.memory_space<hbm>> -> memref<1x1x128xi32, #tpu.memory_space<hbm>>
    %dma_start3A_18 = tpu.memref_squeeze %dma_start3A_17 : memref<1x1x128xi32, #tpu.memory_space<hbm>> -> memref<128xi32, #tpu.memory_space<hbm>>
    tpu.enqueue_dma source(%dma_start3A_18 : memref<128xi32, #tpu.memory_space<hbm>>) target(%arg7 : memref<128xi32, #tpu.memory_space<vmem>>) target_semaphore(%arg15 : memref<!tpu.dma_semaphore, #tpu.memory_space<semaphore_mem>>)
    %dma_start3A_19 = arith.constant 1 : i32
    %dma_start3A_20 = arith.constant 0 : i32
    %dma_start3A_21 = tpu.memref_slice %arg3[%add3A, %dma_start3A_19, %dma_start3A_20] : memref<32x80x128xi32, #tpu.memory_space<hbm>> -> memref<1x1x128xi32, #tpu.memory_space<hbm>>
    %dma_start3A_22 = tpu.memref_squeeze %dma_start3A_21 : memref<1x1x128xi32, #tpu.memory_space<hbm>> -> memref<128xi32, #tpu.memory_space<hbm>>
    %dma_start3A_23 = arith.constant 0 : i32
    %dma_start3A_24 = tpu.memref_slice %arg3[%add3A, %dma_start3A_19, %dma_start3A_23] : memref<32x80x128xi32, #tpu.memory_space<hbm>> -> memref<1x1x128xi32, #tpu.memory_space<hbm>>
    %dma_start3A_25 = tpu.memref_squeeze %dma_start3A_24 : memref<1x1x128xi32, #tpu.memory_space<hbm>> -> memref<128xi32, #tpu.memory_space<hbm>>
    tpu.enqueue_dma source(%dma_start3A_25 : memref<128xi32, #tpu.memory_space<hbm>>) target(%arg8 : memref<128xi32, #tpu.memory_space<vmem>>) target_semaphore(%arg16 : memref<!tpu.dma_semaphore, #tpu.memory_space<semaphore_mem>>)
    %dma_start3A_26 = arith.constant 2 : i32
    %dma_start3A_27 = arith.constant 0 : i32
    %dma_start3A_28 = tpu.memref_slice %arg3[%add3A, %dma_start3A_26, %dma_start3A_27] : memref<32x80x128xi32, #tpu.memory_space<hbm>> -> memref<1x1x128xi32, #tpu.memory_space<hbm>>
    %dma_start3A_29 = tpu.memref_squeeze %dma_start3A_28 : memref<1x1x128xi32, #tpu.memory_space<hbm>> -> memref<128xi32, #tpu.memory_space<hbm>>
    %dma_start3A_30 = arith.constant 0 : i32
    %dma_start3A_31 = tpu.memref_slice %arg3[%add3A, %dma_start3A_26, %dma_start3A_30] : memref<32x80x128xi32, #tpu.memory_space<hbm>> -> memref<1x1x128xi32, #tpu.memory_space<hbm>>
    %dma_start3A_32 = tpu.memref_squeeze %dma_start3A_31 : memref<1x1x128xi32, #tpu.memory_space<hbm>> -> memref<128xi32, #tpu.memory_space<hbm>>
    tpu.enqueue_dma source(%dma_start3A_32 : memref<128xi32, #tpu.memory_space<hbm>>) target(%arg9 : memref<128xi32, #tpu.memory_space<vmem>>) target_semaphore(%arg17 : memref<!tpu.dma_semaphore, #tpu.memory_space<semaphore_mem>>)
    %dma_start3A_33 = arith.constant 0 : i32
    %dma_start3A_34 = arith.constant 0 : i32
    %dma_start3A_35 = tpu.memref_slice %arg4[%add3A, %dma_start3A_33, %dma_start3A_34] : memref<32x80x128xi32, #tpu.memory_space<hbm>> -> memref<1x1x128xi32, #tpu.memory_space<hbm>>
    %dma_start3A_36 = tpu.memref_squeeze %dma_start3A_35 : memref<1x1x128xi32, #tpu.memory_space<hbm>> -> memref<128xi32, #tpu.memory_space<hbm>>
    %dma_start3A_37 = arith.constant 0 : i32
    %dma_start3A_38 = tpu.memref_slice %arg4[%add3A, %dma_start3A_33, %dma_start3A_37] : memref<32x80x128xi32, #tpu.memory_space<hbm>> -> memref<1x1x128xi32, #tpu.memory_space<hbm>>
    %dma_start3A_39 = tpu.memref_squeeze %dma_start3A_38 : memref<1x1x128xi32, #tpu.memory_space<hbm>> -> memref<128xi32, #tpu.memory_space<hbm>>
    tpu.enqueue_dma source(%dma_start3A_39 : memref<128xi32, #tpu.memory_space<hbm>>) target(%arg10 : memref<128xi32, #tpu.memory_space<vmem>>) target_semaphore(%arg18 : memref<!tpu.dma_semaphore, #tpu.memory_space<semaphore_mem>>)
    %dma_start3A_40 = arith.constant 1 : i32
    %dma_start3A_41 = arith.constant 0 : i32
    %dma_start3A_42 = tpu.memref_slice %arg4[%add3A, %dma_start3A_40, %dma_start3A_41] : memref<32x80x128xi32, #tpu.memory_space<hbm>> -> memref<1x1x128xi32, #tpu.memory_space<hbm>>
    %dma_start3A_43 = tpu.memref_squeeze %dma_start3A_42 : memref<1x1x128xi32, #tpu.memory_space<hbm>> -> memref<128xi32, #tpu.memory_space<hbm>>
    %dma_start3A_44 = arith.constant 0 : i32
    %dma_start3A_45 = tpu.memref_slice %arg4[%add3A, %dma_start3A_40, %dma_start3A_44] : memref<32x80x128xi32, #tpu.memory_space<hbm>> -> memref<1x1x128xi32, #tpu.memory_space<hbm>>
    %dma_start3A_46 = tpu.memref_squeeze %dma_start3A_45 : memref<1x1x128xi32, #tpu.memory_space<hbm>> -> memref<128xi32, #tpu.memory_space<hbm>>
    tpu.enqueue_dma source(%dma_start3A_46 : memref<128xi32, #tpu.memory_space<hbm>>) target(%arg11 : memref<128xi32, #tpu.memory_space<vmem>>) target_semaphore(%arg19 : memref<!tpu.dma_semaphore, #tpu.memory_space<semaphore_mem>>)
    %dma_wait3A = arith.constant 0 : i32
    %dma_wait3A_47 = arith.constant 0 : i32
    %dma_wait3A_48 = tpu.memref_slice %arg3[%add3A, %dma_wait3A, %dma_wait3A_47] : memref<32x80x128xi32, #tpu.memory_space<hbm>> -> memref<1x1x128xi32, #tpu.memory_space<hbm>>
    %dma_wait3A_49 = tpu.memref_squeeze %dma_wait3A_48 : memref<1x1x128xi32, #tpu.memory_space<hbm>> -> memref<128xi32, #tpu.memory_space<hbm>>
    %dma_wait3A_50 = arith.constant 0 : i32
    %dma_wait3A_51 = tpu.memref_slice %arg3[%add3A, %dma_wait3A, %dma_wait3A_50] : memref<32x80x128xi32, #tpu.memory_space<hbm>> -> memref<1x1x128xi32, #tpu.memory_space<hbm>>
    %dma_wait3A_52 = tpu.memref_squeeze %dma_wait3A_51 : memref<1x1x128xi32, #tpu.memory_space<hbm>> -> memref<128xi32, #tpu.memory_space<hbm>>
    tpu.wait_dma2 semaphore(%arg15 : memref<!tpu.dma_semaphore, #tpu.memory_space<semaphore_mem>>) src(%dma_wait3A_52 : memref<128xi32, #tpu.memory_space<hbm>>) dst(%arg7 : memref<128xi32, #tpu.memory_space<vmem>>)
    %dma_start3A_53 = arith.constant 0 : i32
    %dma_start3A_54 = arith.constant 0 : i32
    %dma_start3A_55 = arith.constant 0 : i32
    %dma_start3A_56 = tpu.memref_slice %arg13[%dma_start3A_53, %dma_start3A_54, %dma_start3A_55] : memref<3x128x128xf32, #tpu.memory_space<vmem>> -> memref<1x128x128xf32, #tpu.memory_space<vmem>>
    %dma_start3A_57 = tpu.memref_squeeze %dma_start3A_56 : memref<1x128x128xf32, #tpu.memory_space<vmem>> -> memref<128x128xf32, #tpu.memory_space<vmem>>
    %dma_start3A_58 = arith.constant 0 : i32
    %dma_start3A_59 = arith.constant 0 : i32
    %dma_start3A_60 = tpu.memref_slice %arg2[%dma_start3A_58, %dma_start3A_59] : memref<10000x128xf32, #tpu.memory_space<hbm>> -> memref<10000x128xf32, #tpu.memory_space<hbm>>
    tpu.enqueue_indirect_dma source(%dma_start3A_60 : memref<10000x128xf32, #tpu.memory_space<hbm>>) target(%dma_start3A_57 : memref<128x128xf32, #tpu.memory_space<vmem>>) offsets(%arg7 : memref<128xi32, #tpu.memory_space<vmem>>) semaphore(%arg21 : memref<!tpu.dma_semaphore, #tpu.memory_space<semaphore_mem>>)
    %dma_wait3A_61 = arith.constant 0 : i32
    %dma_wait3A_62 = arith.constant 0 : i32
    %dma_wait3A_63 = tpu.memref_slice %arg3[%add3A, %dma_wait3A_61, %dma_wait3A_62] : memref<32x80x128xi32, #tpu.memory_space<hbm>> -> memref<1x1x128xi32, #tpu.memory_space<hbm>>
    %dma_wait3A_64 = tpu.memref_squeeze %dma_wait3A_63 : memref<1x1x128xi32, #tpu.memory_space<hbm>> -> memref<128xi32, #tpu.memory_space<hbm>>
    %dma_wait3A_65 = arith.constant 0 : i32
    %dma_wait3A_66 = tpu.memref_slice %arg3[%add3A, %dma_wait3A_61, %dma_wait3A_65] : memref<32x80x128xi32, #tpu.memory_space<hbm>> -> memref<1x1x128xi32, #tpu.memory_space<hbm>>
    %dma_wait3A_67 = tpu.memref_squeeze %dma_wait3A_66 : memref<1x1x128xi32, #tpu.memory_space<hbm>> -> memref<128xi32, #tpu.memory_space<hbm>>
    tpu.wait_dma2 semaphore(%arg16 : memref<!tpu.dma_semaphore, #tpu.memory_space<semaphore_mem>>) src(%dma_wait3A_67 : memref<128xi32, #tpu.memory_space<hbm>>) dst(%arg8 : memref<128xi32, #tpu.memory_space<vmem>>)
    %dma_start3A_68 = arith.constant 1 : i32
    %dma_start3A_69 = arith.constant 0 : i32
    %dma_start3A_70 = arith.constant 0 : i32
    %dma_start3A_71 = tpu.memref_slice %arg13[%dma_start3A_68, %dma_start3A_69, %dma_start3A_70] : memref<3x128x128xf32, #tpu.memory_space<vmem>> -> memref<1x128x128xf32, #tpu.memory_space<vmem>>
    %dma_start3A_72 = tpu.memref_squeeze %dma_start3A_71 : memref<1x128x128xf32, #tpu.memory_space<vmem>> -> memref<128x128xf32, #tpu.memory_space<vmem>>
    %dma_start3A_73 = arith.constant 0 : i32
    %dma_start3A_74 = arith.constant 0 : i32
    %dma_start3A_75 = tpu.memref_slice %arg2[%dma_start3A_73, %dma_start3A_74] : memref<10000x128xf32, #tpu.memory_space<hbm>> -> memref<10000x128xf32, #tpu.memory_space<hbm>>
    tpu.enqueue_indirect_dma source(%dma_start3A_75 : memref<10000x128xf32, #tpu.memory_space<hbm>>) target(%dma_start3A_72 : memref<128x128xf32, #tpu.memory_space<vmem>>) offsets(%arg8 : memref<128xi32, #tpu.memory_space<vmem>>) semaphore(%arg22 : memref<!tpu.dma_semaphore, #tpu.memory_space<semaphore_mem>>)
    %barrier3A = arith.constant 0 : index
    tpu.barrier barrier_id(%barrier3A)
    %dma_wait3A_76 = arith.constant 0 : i32
    %dma_wait3A_77 = arith.constant 0 : i32
    %dma_wait3A_78 = arith.constant 0 : i32
    %dma_wait3A_79 = tpu.memref_slice %arg13[%dma_wait3A_76, %dma_wait3A_77, %dma_wait3A_78] : memref<3x128x128xf32, #tpu.memory_space<vmem>> -> memref<1x128x128xf32, #tpu.memory_space<vmem>>
    %dma_wait3A_80 = tpu.memref_squeeze %dma_wait3A_79 : memref<1x128x128xf32, #tpu.memory_space<vmem>> -> memref<128x128xf32, #tpu.memory_space<vmem>>
    %dma_wait3A_81 = arith.constant 0 : i32
    %dma_wait3A_82 = arith.constant 0 : i32
    %dma_wait3A_83 = tpu.memref_slice %arg2[%dma_wait3A_81, %dma_wait3A_82] : memref<10000x128xf32, #tpu.memory_space<hbm>> -> memref<10000x128xf32, #tpu.memory_space<hbm>>
    tpu.wait_indirect_dma semaphore(%arg21 : memref<!tpu.dma_semaphore, #tpu.memory_space<semaphore_mem>>) src(%dma_wait3A_83 : memref<10000x128xf32, #tpu.memory_space<hbm>>) dst(%dma_wait3A_80 : memref<128x128xf32, #tpu.memory_space<vmem>>)
    %dma_wait3A_84 = arith.constant 0 : i32
    %dma_wait3A_85 = arith.constant 0 : i32
    %dma_wait3A_86 = tpu.memref_slice %arg4[%add3A, %dma_wait3A_84, %dma_wait3A_85] : memref<32x80x128xi32, #tpu.memory_space<hbm>> -> memref<1x1x128xi32, #tpu.memory_space<hbm>>
    %dma_wait3A_87 = tpu.memref_squeeze %dma_wait3A_86 : memref<1x1x128xi32, #tpu.memory_space<hbm>> -> memref<128xi32, #tpu.memory_space<hbm>>
    %dma_wait3A_88 = arith.constant 0 : i32
    %dma_wait3A_89 = tpu.memref_slice %arg4[%add3A, %dma_wait3A_84, %dma_wait3A_88] : memref<32x80x128xi32, #tpu.memory_space<hbm>> -> memref<1x1x128xi32, #tpu.memory_space<hbm>>
    %dma_wait3A_90 = tpu.memref_squeeze %dma_wait3A_89 : memref<1x1x128xi32, #tpu.memory_space<hbm>> -> memref<128xi32, #tpu.memory_space<hbm>>
    tpu.wait_dma2 semaphore(%arg18 : memref<!tpu.dma_semaphore, #tpu.memory_space<semaphore_mem>>) src(%dma_wait3A_90 : memref<128xi32, #tpu.memory_space<hbm>>) dst(%arg10 : memref<128xi32, #tpu.memory_space<vmem>>)
    %dma_start3A_91 = arith.constant 0 : i32
    %dma_start3A_92 = arith.constant 0 : i32
    %dma_start3A_93 = arith.constant 0 : i32
    %dma_start3A_94 = tpu.memref_slice %arg13[%dma_start3A_91, %dma_start3A_92, %dma_start3A_93] : memref<3x128x128xf32, #tpu.memory_space<vmem>> -> memref<1x128x128xf32, #tpu.memory_space<vmem>>
    %dma_start3A_95 = tpu.memref_squeeze %dma_start3A_94 : memref<1x128x128xf32, #tpu.memory_space<vmem>> -> memref<128x128xf32, #tpu.memory_space<vmem>>
    %dma_start3A_96 = arith.constant 0 : i32
    %dma_start3A_97 = arith.constant 0 : i32
    %dma_start3A_98 = tpu.memref_slice %arg14[%dma_start3A_96, %dma_start3A_97] : memref<10112x128xf32, #tpu.memory_space<vmem_shared>> -> memref<10112x128xf32, #tpu.memory_space<vmem_shared>>
    tpu.enqueue_indirect_dma source(%dma_start3A_95 : memref<128x128xf32, #tpu.memory_space<vmem>>) target(%dma_start3A_98 : memref<10112x128xf32, #tpu.memory_space<vmem_shared>>) offsets(%arg10 : memref<128xi32, #tpu.memory_space<vmem>>) semaphore(%arg24 : memref<!tpu.dma_semaphore, #tpu.memory_space<semaphore_mem>>) {add = true}
    %dma_wait3A_99 = arith.constant 0 : i32
    %dma_wait3A_100 = arith.constant 0 : i32
    %dma_wait3A_101 = tpu.memref_slice %arg3[%add3A, %dma_wait3A_99, %dma_wait3A_100] : memref<32x80x128xi32, #tpu.memory_space<hbm>> -> memref<1x1x128xi32, #tpu.memory_space<hbm>>
    %dma_wait3A_102 = tpu.memref_squeeze %dma_wait3A_101 : memref<1x1x128xi32, #tpu.memory_space<hbm>> -> memref<128xi32, #tpu.memory_space<hbm>>
    %dma_wait3A_103 = arith.constant 0 : i32
    %dma_wait3A_104 = tpu.memref_slice %arg3[%add3A, %dma_wait3A_99, %dma_wait3A_103] : memref<32x80x128xi32, #tpu.memory_space<hbm>> -> memref<1x1x128xi32, #tpu.memory_space<hbm>>
    %dma_wait3A_105 = tpu.memref_squeeze %dma_wait3A_104 : memref<1x1x128xi32, #tpu.memory_space<hbm>> -> memref<128xi32, #tpu.memory_space<hbm>>
    tpu.wait_dma2 semaphore(%arg17 : memref<!tpu.dma_semaphore, #tpu.memory_space<semaphore_mem>>) src(%dma_wait3A_105 : memref<128xi32, #tpu.memory_space<hbm>>) dst(%arg9 : memref<128xi32, #tpu.memory_space<vmem>>)
    %dma_start3A_106 = arith.constant 2 : i32
    %dma_start3A_107 = arith.constant 0 : i32
    %dma_start3A_108 = arith.constant 0 : i32
    %dma_start3A_109 = tpu.memref_slice %arg13[%dma_start3A_106, %dma_start3A_107, %dma_start3A_108] : memref<3x128x128xf32, #tpu.memory_space<vmem>> -> memref<1x128x128xf32, #tpu.memory_space<vmem>>
    %dma_start3A_110 = tpu.memref_squeeze %dma_start3A_109 : memref<1x128x128xf32, #tpu.memory_space<vmem>> -> memref<128x128xf32, #tpu.memory_space<vmem>>
    %dma_start3A_111 = arith.constant 0 : i32
    %dma_start3A_112 = arith.constant 0 : i32
    %dma_start3A_113 = tpu.memref_slice %arg2[%dma_start3A_111, %dma_start3A_112] : memref<10000x128xf32, #tpu.memory_space<hbm>> -> memref<10000x128xf32, #tpu.memory_space<hbm>>
    tpu.enqueue_indirect_dma source(%dma_start3A_113 : memref<10000x128xf32, #tpu.memory_space<hbm>>) target(%dma_start3A_110 : memref<128x128xf32, #tpu.memory_space<vmem>>) offsets(%arg9 : memref<128xi32, #tpu.memory_space<vmem>>) semaphore(%arg23 : memref<!tpu.dma_semaphore, #tpu.memory_space<semaphore_mem>>)
    %dma_start3A_114 = arith.constant 2 : i32
    %dma_start3A_115 = arith.constant 0 : i32
    %dma_start3A_116 = tpu.memref_slice %arg4[%add3A, %dma_start3A_114, %dma_start3A_115] : memref<32x80x128xi32, #tpu.memory_space<hbm>> -> memref<1x1x128xi32, #tpu.memory_space<hbm>>
    %dma_start3A_117 = tpu.memref_squeeze %dma_start3A_116 : memref<1x1x128xi32, #tpu.memory_space<hbm>> -> memref<128xi32, #tpu.memory_space<hbm>>
    %dma_start3A_118 = arith.constant 0 : i32
    %dma_start3A_119 = tpu.memref_slice %arg4[%add3A, %dma_start3A_114, %dma_start3A_118] : memref<32x80x128xi32, #tpu.memory_space<hbm>> -> memref<1x1x128xi32, #tpu.memory_space<hbm>>
    %dma_start3A_120 = tpu.memref_squeeze %dma_start3A_119 : memref<1x1x128xi32, #tpu.memory_space<hbm>> -> memref<128xi32, #tpu.memory_space<hbm>>
    tpu.enqueue_dma source(%dma_start3A_120 : memref<128xi32, #tpu.memory_space<hbm>>) target(%arg12 : memref<128xi32, #tpu.memory_space<vmem>>) target_semaphore(%arg20 : memref<!tpu.dma_semaphore, #tpu.memory_space<semaphore_mem>>)
    %dma_start3A_121 = arith.constant 3 : i32
    %dma_start3A_122 = arith.constant 0 : i32
    %dma_start3A_123 = tpu.memref_slice %arg3[%add3A, %dma_start3A_121, %dma_start3A_122] : memref<32x80x128xi32, #tpu.memory_space<hbm>> -> memref<1x1x128xi32, #tpu.memory_space<hbm>>
    %dma_start3A_124 = tpu.memref_squeeze %dma_start3A_123 : memref<1x1x128xi32, #tpu.memory_space<hbm>> -> memref<128xi32, #tpu.memory_space<hbm>>
    %dma_start3A_125 = arith.constant 0 : i32
    %dma_start3A_126 = tpu.memref_slice %arg3[%add3A, %dma_start3A_121, %dma_start3A_125] : memref<32x80x128xi32, #tpu.memory_space<hbm>> -> memref<1x1x128xi32, #tpu.memory_space<hbm>>
    %dma_start3A_127 = tpu.memref_squeeze %dma_start3A_126 : memref<1x1x128xi32, #tpu.memory_space<hbm>> -> memref<128xi32, #tpu.memory_space<hbm>>
    tpu.enqueue_dma source(%dma_start3A_127 : memref<128xi32, #tpu.memory_space<hbm>>) target(%arg7 : memref<128xi32, #tpu.memory_space<vmem>>) target_semaphore(%arg15 : memref<!tpu.dma_semaphore, #tpu.memory_space<semaphore_mem>>)
    %scan3A = arith.constant 0 : i32
    %scan3A_128 = arith.constant 0 : i32
    %scan3A_129 = arith.constant 25 : i32
    %scan3A_130 = arith.addi %scan3A_128, %scan3A_129 : i32
    %scan3A_131 = arith.constant 1 : i32
    scf.for %scan3A_317 = %scan3A_128 to %scan3A_130 step %scan3A_131  : i32 {
      %mul3A_318 = arith.constant 3 : i32
      %mul3A_319 = arith.muli %scan3A_317, %mul3A_318 : i32
      %add3A_320 = arith.constant 1 : i32
      %add3A_321 = arith.addi %mul3A_319, %add3A_320 : i32
      %add3A_322 = arith.constant 0 : i32
      %add3A_323 = arith.addi %add3A_321, %add3A_322 : i32
      %dma_wait3A_324 = arith.constant 1 : i32
      %dma_wait3A_325 = arith.constant 0 : i32
      %dma_wait3A_326 = arith.constant 0 : i32
      %dma_wait3A_327 = tpu.memref_slice %arg13[%dma_wait3A_324, %dma_wait3A_325, %dma_wait3A_326] : memref<3x128x128xf32, #tpu.memory_space<vmem>> -> memref<1x128x128xf32, #tpu.memory_space<vmem>>
      %dma_wait3A_328 = tpu.memref_squeeze %dma_wait3A_327 : memref<1x128x128xf32, #tpu.memory_space<vmem>> -> memref<128x128xf32, #tpu.memory_space<vmem>>
      %dma_wait3A_329 = arith.constant 0 : i32
      %dma_wait3A_330 = arith.constant 0 : i32
      %dma_wait3A_331 = tpu.memref_slice %arg2[%dma_wait3A_329, %dma_wait3A_330] : memref<10000x128xf32, #tpu.memory_space<hbm>> -> memref<10000x128xf32, #tpu.memory_space<hbm>>
      tpu.wait_indirect_dma semaphore(%arg22 : memref<!tpu.dma_semaphore, #tpu.memory_space<semaphore_mem>>) src(%dma_wait3A_331 : memref<10000x128xf32, #tpu.memory_space<hbm>>) dst(%dma_wait3A_328 : memref<128x128xf32, #tpu.memory_space<vmem>>)
      %dma_wait3A_332 = arith.constant 0 : i32
      %dma_wait3A_333 = arith.constant 0 : i32
      %dma_wait3A_334 = tpu.memref_slice %arg4[%add3A, %dma_wait3A_332, %dma_wait3A_333] : memref<32x80x128xi32, #tpu.memory_space<hbm>> -> memref<1x1x128xi32, #tpu.memory_space<hbm>>
      %dma_wait3A_335 = tpu.memref_squeeze %dma_wait3A_334 : memref<1x1x128xi32, #tpu.memory_space<hbm>> -> memref<128xi32, #tpu.memory_space<hbm>>
      %dma_wait3A_336 = arith.constant 0 : i32
      %dma_wait3A_337 = tpu.memref_slice %arg4[%add3A, %dma_wait3A_332, %dma_wait3A_336] : memref<32x80x128xi32, #tpu.memory_space<hbm>> -> memref<1x1x128xi32, #tpu.memory_space<hbm>>
      %dma_wait3A_338 = tpu.memref_squeeze %dma_wait3A_337 : memref<1x1x128xi32, #tpu.memory_space<hbm>> -> memref<128xi32, #tpu.memory_space<hbm>>
      tpu.wait_dma2 semaphore(%arg19 : memref<!tpu.dma_semaphore, #tpu.memory_space<semaphore_mem>>) src(%dma_wait3A_338 : memref<128xi32, #tpu.memory_space<hbm>>) dst(%arg11 : memref<128xi32, #tpu.memory_space<vmem>>)
      %dma_start3A_339 = arith.constant 1 : i32
      %dma_start3A_340 = arith.constant 0 : i32
      %dma_start3A_341 = arith.constant 0 : i32
      %dma_start3A_342 = tpu.memref_slice %arg13[%dma_start3A_339, %dma_start3A_340, %dma_start3A_341] : memref<3x128x128xf32, #tpu.memory_space<vmem>> -> memref<1x128x128xf32, #tpu.memory_space<vmem>>
      %dma_start3A_343 = tpu.memref_squeeze %dma_start3A_342 : memref<1x128x128xf32, #tpu.memory_space<vmem>> -> memref<128x128xf32, #tpu.memory_space<vmem>>
      %dma_start3A_344 = arith.constant 0 : i32
      %dma_start3A_345 = arith.constant 0 : i32
      %dma_start3A_346 = tpu.memref_slice %arg14[%dma_start3A_344, %dma_start3A_345] : memref<10112x128xf32, #tpu.memory_space<vmem_shared>> -> memref<10112x128xf32, #tpu.memory_space<vmem_shared>>
      tpu.enqueue_indirect_dma source(%dma_start3A_343 : memref<128x128xf32, #tpu.memory_space<vmem>>) target(%dma_start3A_346 : memref<10112x128xf32, #tpu.memory_space<vmem_shared>>) offsets(%arg11 : memref<128xi32, #tpu.memory_space<vmem>>) semaphore(%arg25 : memref<!tpu.dma_semaphore, #tpu.memory_space<semaphore_mem>>) {add = true}
      %dma_wait3A_347 = arith.constant 0 : i32
      %dma_wait3A_348 = arith.constant 0 : i32
      %dma_wait3A_349 = arith.constant 0 : i32
      %dma_wait3A_350 = tpu.memref_slice %arg13[%dma_wait3A_347, %dma_wait3A_348, %dma_wait3A_349] : memref<3x128x128xf32, #tpu.memory_space<vmem>> -> memref<1x128x128xf32, #tpu.memory_space<vmem>>
      %dma_wait3A_351 = tpu.memref_squeeze %dma_wait3A_350 : memref<1x128x128xf32, #tpu.memory_space<vmem>> -> memref<128x128xf32, #tpu.memory_space<vmem>>
      %dma_wait3A_352 = arith.constant 0 : i32
      %dma_wait3A_353 = arith.constant 0 : i32
      %dma_wait3A_354 = tpu.memref_slice %arg14[%dma_wait3A_352, %dma_wait3A_353] : memref<10112x128xf32, #tpu.memory_space<vmem_shared>> -> memref<10112x128xf32, #tpu.memory_space<vmem_shared>>
      tpu.wait_indirect_dma semaphore(%arg24 : memref<!tpu.dma_semaphore, #tpu.memory_space<semaphore_mem>>) src(%dma_wait3A_351 : memref<128x128xf32, #tpu.memory_space<vmem>>) dst(%dma_wait3A_354 : memref<10112x128xf32, #tpu.memory_space<vmem_shared>>)
      %dma_wait3A_355 = arith.constant 0 : i32
      %dma_wait3A_356 = arith.constant 0 : i32
      %dma_wait3A_357 = tpu.memref_slice %arg3[%add3A, %dma_wait3A_355, %dma_wait3A_356] : memref<32x80x128xi32, #tpu.memory_space<hbm>> -> memref<1x1x128xi32, #tpu.memory_space<hbm>>
      %dma_wait3A_358 = tpu.memref_squeeze %dma_wait3A_357 : memref<1x1x128xi32, #tpu.memory_space<hbm>> -> memref<128xi32, #tpu.memory_space<hbm>>
      %dma_wait3A_359 = arith.constant 0 : i32
      %dma_wait3A_360 = tpu.memref_slice %arg3[%add3A, %dma_wait3A_355, %dma_wait3A_359] : memref<32x80x128xi32, #tpu.memory_space<hbm>> -> memref<1x1x128xi32, #tpu.memory_space<hbm>>
      %dma_wait3A_361 = tpu.memref_squeeze %dma_wait3A_360 : memref<1x1x128xi32, #tpu.memory_space<hbm>> -> memref<128xi32, #tpu.memory_space<hbm>>
      tpu.wait_dma2 semaphore(%arg15 : memref<!tpu.dma_semaphore, #tpu.memory_space<semaphore_mem>>) src(%dma_wait3A_361 : memref<128xi32, #tpu.memory_space<hbm>>) dst(%arg7 : memref<128xi32, #tpu.memory_space<vmem>>)
      %dma_start3A_362 = arith.constant 0 : i32
      %dma_start3A_363 = arith.constant 0 : i32
      %dma_start3A_364 = arith.constant 0 : i32
      %dma_start3A_365 = tpu.memref_slice %arg13[%dma_start3A_362, %dma_start3A_363, %dma_start3A_364] : memref<3x128x128xf32, #tpu.memory_space<vmem>> -> memref<1x128x128xf32, #tpu.memory_space<vmem>>
      %dma_start3A_366 = tpu.memref_squeeze %dma_start3A_365 : memref<1x128x128xf32, #tpu.memory_space<vmem>> -> memref<128x128xf32, #tpu.memory_space<vmem>>
      %dma_start3A_367 = arith.constant 0 : i32
      %dma_start3A_368 = arith.constant 0 : i32
      %dma_start3A_369 = tpu.memref_slice %arg2[%dma_start3A_367, %dma_start3A_368] : memref<10000x128xf32, #tpu.memory_space<hbm>> -> memref<10000x128xf32, #tpu.memory_space<hbm>>
      tpu.enqueue_indirect_dma source(%dma_start3A_369 : memref<10000x128xf32, #tpu.memory_space<hbm>>) target(%dma_start3A_366 : memref<128x128xf32, #tpu.memory_space<vmem>>) offsets(%arg7 : memref<128xi32, #tpu.memory_space<vmem>>) semaphore(%arg21 : memref<!tpu.dma_semaphore, #tpu.memory_space<semaphore_mem>>)
      %add3A_370 = arith.constant 2 : i32
      %add3A_371 = arith.addi %add3A_323, %add3A_370 : i32
      %dma_start3A_372 = arith.constant 0 : i32
      %dma_start3A_373 = tpu.memref_slice %arg4[%add3A, %add3A_371, %dma_start3A_372] : memref<32x80x128xi32, #tpu.memory_space<hbm>> -> memref<1x1x128xi32, #tpu.memory_space<hbm>>
      %dma_start3A_374 = tpu.memref_squeeze %dma_start3A_373 : memref<1x1x128xi32, #tpu.memory_space<hbm>> -> memref<128xi32, #tpu.memory_space<hbm>>
      %dma_start3A_375 = arith.constant 0 : i32
      %dma_start3A_376 = tpu.memref_slice %arg4[%add3A, %add3A_371, %dma_start3A_375] : memref<32x80x128xi32, #tpu.memory_space<hbm>> -> memref<1x1x128xi32, #tpu.memory_space<hbm>>
      %dma_start3A_377 = tpu.memref_squeeze %dma_start3A_376 : memref<1x1x128xi32, #tpu.memory_space<hbm>> -> memref<128xi32, #tpu.memory_space<hbm>>
      tpu.enqueue_dma source(%dma_start3A_377 : memref<128xi32, #tpu.memory_space<hbm>>) target(%arg10 : memref<128xi32, #tpu.memory_space<vmem>>) target_semaphore(%arg18 : memref<!tpu.dma_semaphore, #tpu.memory_space<semaphore_mem>>)
      %add3A_378 = arith.constant 3 : i32
      %add3A_379 = arith.addi %add3A_323, %add3A_378 : i32
      %dma_start3A_380 = arith.constant 0 : i32
      %dma_start3A_381 = tpu.memref_slice %arg3[%add3A, %add3A_379, %dma_start3A_380] : memref<32x80x128xi32, #tpu.memory_space<hbm>> -> memref<1x1x128xi32, #tpu.memory_space<hbm>>
      %dma_start3A_382 = tpu.memref_squeeze %dma_start3A_381 : memref<1x1x128xi32, #tpu.memory_space<hbm>> -> memref<128xi32, #tpu.memory_space<hbm>>
      %dma_start3A_383 = arith.constant 0 : i32
      %dma_start3A_384 = tpu.memref_slice %arg3[%add3A, %add3A_379, %dma_start3A_383] : memref<32x80x128xi32, #tpu.memory_space<hbm>> -> memref<1x1x128xi32, #tpu.memory_space<hbm>>
      %dma_start3A_385 = tpu.memref_squeeze %dma_start3A_384 : memref<1x1x128xi32, #tpu.memory_space<hbm>> -> memref<128xi32, #tpu.memory_space<hbm>>
      tpu.enqueue_dma source(%dma_start3A_385 : memref<128xi32, #tpu.memory_space<hbm>>) target(%arg8 : memref<128xi32, #tpu.memory_space<vmem>>) target_semaphore(%arg16 : memref<!tpu.dma_semaphore, #tpu.memory_space<semaphore_mem>>)
      %mul3A_386 = arith.constant 3 : i32
      %mul3A_387 = arith.muli %scan3A_317, %mul3A_386 : i32
      %add3A_388 = arith.constant 1 : i32
      %add3A_389 = arith.addi %mul3A_387, %add3A_388 : i32
      %add3A_390 = arith.constant 1 : i32
      %add3A_391 = arith.addi %add3A_389, %add3A_390 : i32
      %dma_wait3A_392 = arith.constant 2 : i32
      %dma_wait3A_393 = arith.constant 0 : i32
      %dma_wait3A_394 = arith.constant 0 : i32
      %dma_wait3A_395 = tpu.memref_slice %arg13[%dma_wait3A_392, %dma_wait3A_393, %dma_wait3A_394] : memref<3x128x128xf32, #tpu.memory_space<vmem>> -> memref<1x128x128xf32, #tpu.memory_space<vmem>>
      %dma_wait3A_396 = tpu.memref_squeeze %dma_wait3A_395 : memref<1x128x128xf32, #tpu.memory_space<vmem>> -> memref<128x128xf32, #tpu.memory_space<vmem>>
      %dma_wait3A_397 = arith.constant 0 : i32
      %dma_wait3A_398 = arith.constant 0 : i32
      %dma_wait3A_399 = tpu.memref_slice %arg2[%dma_wait3A_397, %dma_wait3A_398] : memref<10000x128xf32, #tpu.memory_space<hbm>> -> memref<10000x128xf32, #tpu.memory_space<hbm>>
      tpu.wait_indirect_dma semaphore(%arg23 : memref<!tpu.dma_semaphore, #tpu.memory_space<semaphore_mem>>) src(%dma_wait3A_399 : memref<10000x128xf32, #tpu.memory_space<hbm>>) dst(%dma_wait3A_396 : memref<128x128xf32, #tpu.memory_space<vmem>>)
      %dma_wait3A_400 = arith.constant 0 : i32
      %dma_wait3A_401 = arith.constant 0 : i32
      %dma_wait3A_402 = tpu.memref_slice %arg4[%add3A, %dma_wait3A_400, %dma_wait3A_401] : memref<32x80x128xi32, #tpu.memory_space<hbm>> -> memref<1x1x128xi32, #tpu.memory_space<hbm>>
      %dma_wait3A_403 = tpu.memref_squeeze %dma_wait3A_402 : memref<1x1x128xi32, #tpu.memory_space<hbm>> -> memref<128xi32, #tpu.memory_space<hbm>>
      %dma_wait3A_404 = arith.constant 0 : i32
      %dma_wait3A_405 = tpu.memref_slice %arg4[%add3A, %dma_wait3A_400, %dma_wait3A_404] : memref<32x80x128xi32, #tpu.memory_space<hbm>> -> memref<1x1x128xi32, #tpu.memory_space<hbm>>
      %dma_wait3A_406 = tpu.memref_squeeze %dma_wait3A_405 : memref<1x1x128xi32, #tpu.memory_space<hbm>> -> memref<128xi32, #tpu.memory_space<hbm>>
      tpu.wait_dma2 semaphore(%arg20 : memref<!tpu.dma_semaphore, #tpu.memory_space<semaphore_mem>>) src(%dma_wait3A_406 : memref<128xi32, #tpu.memory_space<hbm>>) dst(%arg12 : memref<128xi32, #tpu.memory_space<vmem>>)
      %dma_start3A_407 = arith.constant 2 : i32
      %dma_start3A_408 = arith.constant 0 : i32
      %dma_start3A_409 = arith.constant 0 : i32
      %dma_start3A_410 = tpu.memref_slice %arg13[%dma_start3A_407, %dma_start3A_408, %dma_start3A_409] : memref<3x128x128xf32, #tpu.memory_space<vmem>> -> memref<1x128x128xf32, #tpu.memory_space<vmem>>
      %dma_start3A_411 = tpu.memref_squeeze %dma_start3A_410 : memref<1x128x128xf32, #tpu.memory_space<vmem>> -> memref<128x128xf32, #tpu.memory_space<vmem>>
      %dma_start3A_412 = arith.constant 0 : i32
      %dma_start3A_413 = arith.constant 0 : i32
      %dma_start3A_414 = tpu.memref_slice %arg14[%dma_start3A_412, %dma_start3A_413] : memref<10112x128xf32, #tpu.memory_space<vmem_shared>> -> memref<10112x128xf32, #tpu.memory_space<vmem_shared>>
      tpu.enqueue_indirect_dma source(%dma_start3A_411 : memref<128x128xf32, #tpu.memory_space<vmem>>) target(%dma_start3A_414 : memref<10112x128xf32, #tpu.memory_space<vmem_shared>>) offsets(%arg12 : memref<128xi32, #tpu.memory_space<vmem>>) semaphore(%arg26 : memref<!tpu.dma_semaphore, #tpu.memory_space<semaphore_mem>>) {add = true}
      %dma_wait3A_415 = arith.constant 1 : i32
      %dma_wait3A_416 = arith.constant 0 : i32
      %dma_wait3A_417 = arith.constant 0 : i32
      %dma_wait3A_418 = tpu.memref_slice %arg13[%dma_wait3A_415, %dma_wait3A_416, %dma_wait3A_417] : memref<3x128x128xf32, #tpu.memory_space<vmem>> -> memref<1x128x128xf32, #tpu.memory_space<vmem>>
      %dma_wait3A_419 = tpu.memref_squeeze %dma_wait3A_418 : memref<1x128x128xf32, #tpu.memory_space<vmem>> -> memref<128x128xf32, #tpu.memory_space<vmem>>
      %dma_wait3A_420 = arith.constant 0 : i32
      %dma_wait3A_421 = arith.constant 0 : i32
      %dma_wait3A_422 = tpu.memref_slice %arg14[%dma_wait3A_420, %dma_wait3A_421] : memref<10112x128xf32, #tpu.memory_space<vmem_shared>> -> memref<10112x128xf32, #tpu.memory_space<vmem_shared>>
      tpu.wait_indirect_dma semaphore(%arg25 : memref<!tpu.dma_semaphore, #tpu.memory_space<semaphore_mem>>) src(%dma_wait3A_419 : memref<128x128xf32, #tpu.memory_space<vmem>>) dst(%dma_wait3A_422 : memref<10112x128xf32, #tpu.memory_space<vmem_shared>>)
      %dma_wait3A_423 = arith.constant 0 : i32
      %dma_wait3A_424 = arith.constant 0 : i32
      %dma_wait3A_425 = tpu.memref_slice %arg3[%add3A, %dma_wait3A_423, %dma_wait3A_424] : memref<32x80x128xi32, #tpu.memory_space<hbm>> -> memref<1x1x128xi32, #tpu.memory_space<hbm>>
      %dma_wait3A_426 = tpu.memref_squeeze %dma_wait3A_425 : memref<1x1x128xi32, #tpu.memory_space<hbm>> -> memref<128xi32, #tpu.memory_space<hbm>>
      %dma_wait3A_427 = arith.constant 0 : i32
      %dma_wait3A_428 = tpu.memref_slice %arg3[%add3A, %dma_wait3A_423, %dma_wait3A_427] : memref<32x80x128xi32, #tpu.memory_space<hbm>> -> memref<1x1x128xi32, #tpu.memory_space<hbm>>
      %dma_wait3A_429 = tpu.memref_squeeze %dma_wait3A_428 : memref<1x1x128xi32, #tpu.memory_space<hbm>> -> memref<128xi32, #tpu.memory_space<hbm>>
      tpu.wait_dma2 semaphore(%arg16 : memref<!tpu.dma_semaphore, #tpu.memory_space<semaphore_mem>>) src(%dma_wait3A_429 : memref<128xi32, #tpu.memory_space<hbm>>) dst(%arg8 : memref<128xi32, #tpu.memory_space<vmem>>)
      %dma_start3A_430 = arith.constant 1 : i32
      %dma_start3A_431 = arith.constant 0 : i32
      %dma_start3A_432 = arith.constant 0 : i32
      %dma_start3A_433 = tpu.memref_slice %arg13[%dma_start3A_430, %dma_start3A_431, %dma_start3A_432] : memref<3x128x128xf32, #tpu.memory_space<vmem>> -> memref<1x128x128xf32, #tpu.memory_space<vmem>>
      %dma_start3A_434 = tpu.memref_squeeze %dma_start3A_433 : memref<1x128x128xf32, #tpu.memory_space<vmem>> -> memref<128x128xf32, #tpu.memory_space<vmem>>
      %dma_start3A_435 = arith.constant 0 : i32
      %dma_start3A_436 = arith.constant 0 : i32
      %dma_start3A_437 = tpu.memref_slice %arg2[%dma_start3A_435, %dma_start3A_436] : memref<10000x128xf32, #tpu.memory_space<hbm>> -> memref<10000x128xf32, #tpu.memory_space<hbm>>
      tpu.enqueue_indirect_dma source(%dma_start3A_437 : memref<10000x128xf32, #tpu.memory_space<hbm>>) target(%dma_start3A_434 : memref<128x128xf32, #tpu.memory_space<vmem>>) offsets(%arg8 : memref<128xi32, #tpu.memory_space<vmem>>) semaphore(%arg22 : memref<!tpu.dma_semaphore, #tpu.memory_space<semaphore_mem>>)
      %add3A_438 = arith.constant 2 : i32
      %add3A_439 = arith.addi %add3A_391, %add3A_438 : i32
      %dma_start3A_440 = arith.constant 0 : i32
      %dma_start3A_441 = tpu.memref_slice %arg4[%add3A, %add3A_439, %dma_start3A_440] : memref<32x80x128xi32, #tpu.memory_space<hbm>> -> memref<1x1x128xi32, #tpu.memory_space<hbm>>
      %dma_start3A_442 = tpu.memref_squeeze %dma_start3A_441 : memref<1x1x128xi32, #tpu.memory_space<hbm>> -> memref<128xi32, #tpu.memory_space<hbm>>
      %dma_start3A_443 = arith.constant 0 : i32
      %dma_start3A_444 = tpu.memref_slice %arg4[%add3A, %add3A_439, %dma_start3A_443] : memref<32x80x128xi32, #tpu.memory_space<hbm>> -> memref<1x1x128xi32, #tpu.memory_space<hbm>>
      %dma_start3A_445 = tpu.memref_squeeze %dma_start3A_444 : memref<1x1x128xi32, #tpu.memory_space<hbm>> -> memref<128xi32, #tpu.memory_space<hbm>>
      tpu.enqueue_dma source(%dma_start3A_445 : memref<128xi32, #tpu.memory_space<hbm>>) target(%arg11 : memref<128xi32, #tpu.memory_space<vmem>>) target_semaphore(%arg19 : memref<!tpu.dma_semaphore, #tpu.memory_space<semaphore_mem>>)
      %add3A_446 = arith.constant 3 : i32
      %add3A_447 = arith.addi %add3A_391, %add3A_446 : i32
      %dma_start3A_448 = arith.constant 0 : i32
      %dma_start3A_449 = tpu.memref_slice %arg3[%add3A, %add3A_447, %dma_start3A_448] : memref<32x80x128xi32, #tpu.memory_space<hbm>> -> memref<1x1x128xi32, #tpu.memory_space<hbm>>
      %dma_start3A_450 = tpu.memref_squeeze %dma_start3A_449 : memref<1x1x128xi32, #tpu.memory_space<hbm>> -> memref<128xi32, #tpu.memory_space<hbm>>
      %dma_start3A_451 = arith.constant 0 : i32
      %dma_start3A_452 = tpu.memref_slice %arg3[%add3A, %add3A_447, %dma_start3A_451] : memref<32x80x128xi32, #tpu.memory_space<hbm>> -> memref<1x1x128xi32, #tpu.memory_space<hbm>>
      %dma_start3A_453 = tpu.memref_squeeze %dma_start3A_452 : memref<1x1x128xi32, #tpu.memory_space<hbm>> -> memref<128xi32, #tpu.memory_space<hbm>>
      tpu.enqueue_dma source(%dma_start3A_453 : memref<128xi32, #tpu.memory_space<hbm>>) target(%arg9 : memref<128xi32, #tpu.memory_space<vmem>>) target_semaphore(%arg17 : memref<!tpu.dma_semaphore, #tpu.memory_space<semaphore_mem>>)
      %mul3A_454 = arith.constant 3 : i32
      %mul3A_455 = arith.muli %scan3A_317, %mul3A_454 : i32
      %add3A_456 = arith.constant 1 : i32
      %add3A_457 = arith.addi %mul3A_455, %add3A_456 : i32
      %add3A_458 = arith.constant 2 : i32
      %add3A_459 = arith.addi %add3A_457, %add3A_458 : i32
      %dma_wait3A_460 = arith.constant 0 : i32
      %dma_wait3A_461 = arith.constant 0 : i32
      %dma_wait3A_462 = arith.constant 0 : i32
      %dma_wait3A_463 = tpu.memref_slice %arg13[%dma_wait3A_460, %dma_wait3A_461, %dma_wait3A_462] : memref<3x128x128xf32, #tpu.memory_space<vmem>> -> memref<1x128x128xf32, #tpu.memory_space<vmem>>
      %dma_wait3A_464 = tpu.memref_squeeze %dma_wait3A_463 : memref<1x128x128xf32, #tpu.memory_space<vmem>> -> memref<128x128xf32, #tpu.memory_space<vmem>>
      %dma_wait3A_465 = arith.constant 0 : i32
      %dma_wait3A_466 = arith.constant 0 : i32
      %dma_wait3A_467 = tpu.memref_slice %arg2[%dma_wait3A_465, %dma_wait3A_466] : memref<10000x128xf32, #tpu.memory_space<hbm>> -> memref<10000x128xf32, #tpu.memory_space<hbm>>
      tpu.wait_indirect_dma semaphore(%arg21 : memref<!tpu.dma_semaphore, #tpu.memory_space<semaphore_mem>>) src(%dma_wait3A_467 : memref<10000x128xf32, #tpu.memory_space<hbm>>) dst(%dma_wait3A_464 : memref<128x128xf32, #tpu.memory_space<vmem>>)
      %dma_wait3A_468 = arith.constant 0 : i32
      %dma_wait3A_469 = arith.constant 0 : i32
      %dma_wait3A_470 = tpu.memref_slice %arg4[%add3A, %dma_wait3A_468, %dma_wait3A_469] : memref<32x80x128xi32, #tpu.memory_space<hbm>> -> memref<1x1x128xi32, #tpu.memory_space<hbm>>
      %dma_wait3A_471 = tpu.memref_squeeze %dma_wait3A_470 : memref<1x1x128xi32, #tpu.memory_space<hbm>> -> memref<128xi32, #tpu.memory_space<hbm>>
      %dma_wait3A_472 = arith.constant 0 : i32
      %dma_wait3A_473 = tpu.memref_slice %arg4[%add3A, %dma_wait3A_468, %dma_wait3A_472] : memref<32x80x128xi32, #tpu.memory_space<hbm>> -> memref<1x1x128xi32, #tpu.memory_space<hbm>>
      %dma_wait3A_474 = tpu.memref_squeeze %dma_wait3A_473 : memref<1x1x128xi32, #tpu.memory_space<hbm>> -> memref<128xi32, #tpu.memory_space<hbm>>
      tpu.wait_dma2 semaphore(%arg18 : memref<!tpu.dma_semaphore, #tpu.memory_space<semaphore_mem>>) src(%dma_wait3A_474 : memref<128xi32, #tpu.memory_space<hbm>>) dst(%arg10 : memref<128xi32, #tpu.memory_space<vmem>>)
      %dma_start3A_475 = arith.constant 0 : i32
      %dma_start3A_476 = arith.constant 0 : i32
      %dma_start3A_477 = arith.constant 0 : i32
      %dma_start3A_478 = tpu.memref_slice %arg13[%dma_start3A_475, %dma_start3A_476, %dma_start3A_477] : memref<3x128x128xf32, #tpu.memory_space<vmem>> -> memref<1x128x128xf32, #tpu.memory_space<vmem>>
      %dma_start3A_479 = tpu.memref_squeeze %dma_start3A_478 : memref<1x128x128xf32, #tpu.memory_space<vmem>> -> memref<128x128xf32, #tpu.memory_space<vmem>>
      %dma_start3A_480 = arith.constant 0 : i32
      %dma_start3A_481 = arith.constant 0 : i32
      %dma_start3A_482 = tpu.memref_slice %arg14[%dma_start3A_480, %dma_start3A_481] : memref<10112x128xf32, #tpu.memory_space<vmem_shared>> -> memref<10112x128xf32, #tpu.memory_space<vmem_shared>>
      tpu.enqueue_indirect_dma source(%dma_start3A_479 : memref<128x128xf32, #tpu.memory_space<vmem>>) target(%dma_start3A_482 : memref<10112x128xf32, #tpu.memory_space<vmem_shared>>) offsets(%arg10 : memref<128xi32, #tpu.memory_space<vmem>>) semaphore(%arg24 : memref<!tpu.dma_semaphore, #tpu.memory_space<semaphore_mem>>) {add = true}
      %dma_wait3A_483 = arith.constant 2 : i32
      %dma_wait3A_484 = arith.constant 0 : i32
      %dma_wait3A_485 = arith.constant 0 : i32
      %dma_wait3A_486 = tpu.memref_slice %arg13[%dma_wait3A_483, %dma_wait3A_484, %dma_wait3A_485] : memref<3x128x128xf32, #tpu.memory_space<vmem>> -> memref<1x128x128xf32, #tpu.memory_space<vmem>>
      %dma_wait3A_487 = tpu.memref_squeeze %dma_wait3A_486 : memref<1x128x128xf32, #tpu.memory_space<vmem>> -> memref<128x128xf32, #tpu.memory_space<vmem>>
      %dma_wait3A_488 = arith.constant 0 : i32
      %dma_wait3A_489 = arith.constant 0 : i32
      %dma_wait3A_490 = tpu.memref_slice %arg14[%dma_wait3A_488, %dma_wait3A_489] : memref<10112x128xf32, #tpu.memory_space<vmem_shared>> -> memref<10112x128xf32, #tpu.memory_space<vmem_shared>>
      tpu.wait_indirect_dma semaphore(%arg26 : memref<!tpu.dma_semaphore, #tpu.memory_space<semaphore_mem>>) src(%dma_wait3A_487 : memref<128x128xf32, #tpu.memory_space<vmem>>) dst(%dma_wait3A_490 : memref<10112x128xf32, #tpu.memory_space<vmem_shared>>)
      %dma_wait3A_491 = arith.constant 0 : i32
      %dma_wait3A_492 = arith.constant 0 : i32
      %dma_wait3A_493 = tpu.memref_slice %arg3[%add3A, %dma_wait3A_491, %dma_wait3A_492] : memref<32x80x128xi32, #tpu.memory_space<hbm>> -> memref<1x1x128xi32, #tpu.memory_space<hbm>>
      %dma_wait3A_494 = tpu.memref_squeeze %dma_wait3A_493 : memref<1x1x128xi32, #tpu.memory_space<hbm>> -> memref<128xi32, #tpu.memory_space<hbm>>
      %dma_wait3A_495 = arith.constant 0 : i32
      %dma_wait3A_496 = tpu.memref_slice %arg3[%add3A, %dma_wait3A_491, %dma_wait3A_495] : memref<32x80x128xi32, #tpu.memory_space<hbm>> -> memref<1x1x128xi32, #tpu.memory_space<hbm>>
      %dma_wait3A_497 = tpu.memref_squeeze %dma_wait3A_496 : memref<1x1x128xi32, #tpu.memory_space<hbm>> -> memref<128xi32, #tpu.memory_space<hbm>>
      tpu.wait_dma2 semaphore(%arg17 : memref<!tpu.dma_semaphore, #tpu.memory_space<semaphore_mem>>) src(%dma_wait3A_497 : memref<128xi32, #tpu.memory_space<hbm>>) dst(%arg9 : memref<128xi32, #tpu.memory_space<vmem>>)
      %dma_start3A_498 = arith.constant 2 : i32
      %dma_start3A_499 = arith.constant 0 : i32
      %dma_start3A_500 = arith.constant 0 : i32
      %dma_start3A_501 = tpu.memref_slice %arg13[%dma_start3A_498, %dma_start3A_499, %dma_start3A_500] : memref<3x128x128xf32, #tpu.memory_space<vmem>> -> memref<1x128x128xf32, #tpu.memory_space<vmem>>
      %dma_start3A_502 = tpu.memref_squeeze %dma_start3A_501 : memref<1x128x128xf32, #tpu.memory_space<vmem>> -> memref<128x128xf32, #tpu.memory_space<vmem>>
      %dma_start3A_503 = arith.constant 0 : i32
      %dma_start3A_504 = arith.constant 0 : i32
      %dma_start3A_505 = tpu.memref_slice %arg2[%dma_start3A_503, %dma_start3A_504] : memref<10000x128xf32, #tpu.memory_space<hbm>> -> memref<10000x128xf32, #tpu.memory_space<hbm>>
      tpu.enqueue_indirect_dma source(%dma_start3A_505 : memref<10000x128xf32, #tpu.memory_space<hbm>>) target(%dma_start3A_502 : memref<128x128xf32, #tpu.memory_space<vmem>>) offsets(%arg9 : memref<128xi32, #tpu.memory_space<vmem>>) semaphore(%arg23 : memref<!tpu.dma_semaphore, #tpu.memory_space<semaphore_mem>>)
      %add3A_506 = arith.constant 2 : i32
      %add3A_507 = arith.addi %add3A_459, %add3A_506 : i32
      %dma_start3A_508 = arith.constant 0 : i32
      %dma_start3A_509 = tpu.memref_slice %arg4[%add3A, %add3A_507, %dma_start3A_508] : memref<32x80x128xi32, #tpu.memory_space<hbm>> -> memref<1x1x128xi32, #tpu.memory_space<hbm>>
      %dma_start3A_510 = tpu.memref_squeeze %dma_start3A_509 : memref<1x1x128xi32, #tpu.memory_space<hbm>> -> memref<128xi32, #tpu.memory_space<hbm>>
      %dma_start3A_511 = arith.constant 0 : i32
      %dma_start3A_512 = tpu.memref_slice %arg4[%add3A, %add3A_507, %dma_start3A_511] : memref<32x80x128xi32, #tpu.memory_space<hbm>> -> memref<1x1x128xi32, #tpu.memory_space<hbm>>
      %dma_start3A_513 = tpu.memref_squeeze %dma_start3A_512 : memref<1x1x128xi32, #tpu.memory_space<hbm>> -> memref<128xi32, #tpu.memory_space<hbm>>
      tpu.enqueue_dma source(%dma_start3A_513 : memref<128xi32, #tpu.memory_space<hbm>>) target(%arg12 : memref<128xi32, #tpu.memory_space<vmem>>) target_semaphore(%arg20 : memref<!tpu.dma_semaphore, #tpu.memory_space<semaphore_mem>>)
      %add3A_514 = arith.constant 3 : i32
      %add3A_515 = arith.addi %add3A_459, %add3A_514 : i32
      %dma_start3A_516 = arith.constant 0 : i32
      %dma_start3A_517 = tpu.memref_slice %arg3[%add3A, %add3A_515, %dma_start3A_516] : memref<32x80x128xi32, #tpu.memory_space<hbm>> -> memref<1x1x128xi32, #tpu.memory_space<hbm>>
      %dma_start3A_518 = tpu.memref_squeeze %dma_start3A_517 : memref<1x1x128xi32, #tpu.memory_space<hbm>> -> memref<128xi32, #tpu.memory_space<hbm>>
      %dma_start3A_519 = arith.constant 0 : i32
      %dma_start3A_520 = tpu.memref_slice %arg3[%add3A, %add3A_515, %dma_start3A_519] : memref<32x80x128xi32, #tpu.memory_space<hbm>> -> memref<1x1x128xi32, #tpu.memory_space<hbm>>
      %dma_start3A_521 = tpu.memref_squeeze %dma_start3A_520 : memref<1x1x128xi32, #tpu.memory_space<hbm>> -> memref<128xi32, #tpu.memory_space<hbm>>
      tpu.enqueue_dma source(%dma_start3A_521 : memref<128xi32, #tpu.memory_space<hbm>>) target(%arg7 : memref<128xi32, #tpu.memory_space<vmem>>) target_semaphore(%arg15 : memref<!tpu.dma_semaphore, #tpu.memory_space<semaphore_mem>>)
    }
    %scan3A_132 = arith.constant 25 : i32
    %dma_wait3A_133 = arith.constant 1 : i32
    %dma_wait3A_134 = arith.constant 0 : i32
    %dma_wait3A_135 = arith.constant 0 : i32
    %dma_wait3A_136 = tpu.memref_slice %arg13[%dma_wait3A_133, %dma_wait3A_134, %dma_wait3A_135] : memref<3x128x128xf32, #tpu.memory_space<vmem>> -> memref<1x128x128xf32, #tpu.memory_space<vmem>>
    %dma_wait3A_137 = tpu.memref_squeeze %dma_wait3A_136 : memref<1x128x128xf32, #tpu.memory_space<vmem>> -> memref<128x128xf32, #tpu.memory_space<vmem>>
    %dma_wait3A_138 = arith.constant 0 : i32
    %dma_wait3A_139 = arith.constant 0 : i32
    %dma_wait3A_140 = tpu.memref_slice %arg2[%dma_wait3A_138, %dma_wait3A_139] : memref<10000x128xf32, #tpu.memory_space<hbm>> -> memref<10000x128xf32, #tpu.memory_space<hbm>>
    tpu.wait_indirect_dma semaphore(%arg22 : memref<!tpu.dma_semaphore, #tpu.memory_space<semaphore_mem>>) src(%dma_wait3A_140 : memref<10000x128xf32, #tpu.memory_space<hbm>>) dst(%dma_wait3A_137 : memref<128x128xf32, #tpu.memory_space<vmem>>)
    %dma_wait3A_141 = arith.constant 0 : i32
    %dma_wait3A_142 = arith.constant 0 : i32
    %dma_wait3A_143 = tpu.memref_slice %arg4[%add3A, %dma_wait3A_141, %dma_wait3A_142] : memref<32x80x128xi32, #tpu.memory_space<hbm>> -> memref<1x1x128xi32, #tpu.memory_space<hbm>>
    %dma_wait3A_144 = tpu.memref_squeeze %dma_wait3A_143 : memref<1x1x128xi32, #tpu.memory_space<hbm>> -> memref<128xi32, #tpu.memory_space<hbm>>
    %dma_wait3A_145 = arith.constant 0 : i32
    %dma_wait3A_146 = tpu.memref_slice %arg4[%add3A, %dma_wait3A_141, %dma_wait3A_145] : memref<32x80x128xi32, #tpu.memory_space<hbm>> -> memref<1x1x128xi32, #tpu.memory_space<hbm>>
    %dma_wait3A_147 = tpu.memref_squeeze %dma_wait3A_146 : memref<1x1x128xi32, #tpu.memory_space<hbm>> -> memref<128xi32, #tpu.memory_space<hbm>>
    tpu.wait_dma2 semaphore(%arg19 : memref<!tpu.dma_semaphore, #tpu.memory_space<semaphore_mem>>) src(%dma_wait3A_147 : memref<128xi32, #tpu.memory_space<hbm>>) dst(%arg11 : memref<128xi32, #tpu.memory_space<vmem>>)
    %dma_start3A_148 = arith.constant 1 : i32
    %dma_start3A_149 = arith.constant 0 : i32
    %dma_start3A_150 = arith.constant 0 : i32
    %dma_start3A_151 = tpu.memref_slice %arg13[%dma_start3A_148, %dma_start3A_149, %dma_start3A_150] : memref<3x128x128xf32, #tpu.memory_space<vmem>> -> memref<1x128x128xf32, #tpu.memory_space<vmem>>
    %dma_start3A_152 = tpu.memref_squeeze %dma_start3A_151 : memref<1x128x128xf32, #tpu.memory_space<vmem>> -> memref<128x128xf32, #tpu.memory_space<vmem>>
    %dma_start3A_153 = arith.constant 0 : i32
    %dma_start3A_154 = arith.constant 0 : i32
    %dma_start3A_155 = tpu.memref_slice %arg14[%dma_start3A_153, %dma_start3A_154] : memref<10112x128xf32, #tpu.memory_space<vmem_shared>> -> memref<10112x128xf32, #tpu.memory_space<vmem_shared>>
    tpu.enqueue_indirect_dma source(%dma_start3A_152 : memref<128x128xf32, #tpu.memory_space<vmem>>) target(%dma_start3A_155 : memref<10112x128xf32, #tpu.memory_space<vmem_shared>>) offsets(%arg11 : memref<128xi32, #tpu.memory_space<vmem>>) semaphore(%arg25 : memref<!tpu.dma_semaphore, #tpu.memory_space<semaphore_mem>>) {add = true}
    %dma_wait3A_156 = arith.constant 0 : i32
    %dma_wait3A_157 = arith.constant 0 : i32
    %dma_wait3A_158 = arith.constant 0 : i32
    %dma_wait3A_159 = tpu.memref_slice %arg13[%dma_wait3A_156, %dma_wait3A_157, %dma_wait3A_158] : memref<3x128x128xf32, #tpu.memory_space<vmem>> -> memref<1x128x128xf32, #tpu.memory_space<vmem>>
    %dma_wait3A_160 = tpu.memref_squeeze %dma_wait3A_159 : memref<1x128x128xf32, #tpu.memory_space<vmem>> -> memref<128x128xf32, #tpu.memory_space<vmem>>
    %dma_wait3A_161 = arith.constant 0 : i32
    %dma_wait3A_162 = arith.constant 0 : i32
    %dma_wait3A_163 = tpu.memref_slice %arg14[%dma_wait3A_161, %dma_wait3A_162] : memref<10112x128xf32, #tpu.memory_space<vmem_shared>> -> memref<10112x128xf32, #tpu.memory_space<vmem_shared>>
    tpu.wait_indirect_dma semaphore(%arg24 : memref<!tpu.dma_semaphore, #tpu.memory_space<semaphore_mem>>) src(%dma_wait3A_160 : memref<128x128xf32, #tpu.memory_space<vmem>>) dst(%dma_wait3A_163 : memref<10112x128xf32, #tpu.memory_space<vmem_shared>>)
    %dma_wait3A_164 = arith.constant 0 : i32
    %dma_wait3A_165 = arith.constant 0 : i32
    %dma_wait3A_166 = tpu.memref_slice %arg3[%add3A, %dma_wait3A_164, %dma_wait3A_165] : memref<32x80x128xi32, #tpu.memory_space<hbm>> -> memref<1x1x128xi32, #tpu.memory_space<hbm>>
    %dma_wait3A_167 = tpu.memref_squeeze %dma_wait3A_166 : memref<1x1x128xi32, #tpu.memory_space<hbm>> -> memref<128xi32, #tpu.memory_space<hbm>>
    %dma_wait3A_168 = arith.constant 0 : i32
    %dma_wait3A_169 = tpu.memref_slice %arg3[%add3A, %dma_wait3A_164, %dma_wait3A_168] : memref<32x80x128xi32, #tpu.memory_space<hbm>> -> memref<1x1x128xi32, #tpu.memory_space<hbm>>
    %dma_wait3A_170 = tpu.memref_squeeze %dma_wait3A_169 : memref<1x1x128xi32, #tpu.memory_space<hbm>> -> memref<128xi32, #tpu.memory_space<hbm>>
    tpu.wait_dma2 semaphore(%arg15 : memref<!tpu.dma_semaphore, #tpu.memory_space<semaphore_mem>>) src(%dma_wait3A_170 : memref<128xi32, #tpu.memory_space<hbm>>) dst(%arg7 : memref<128xi32, #tpu.memory_space<vmem>>)
    %dma_start3A_171 = arith.constant 0 : i32
    %dma_start3A_172 = arith.constant 0 : i32
    %dma_start3A_173 = arith.constant 0 : i32
    %dma_start3A_174 = tpu.memref_slice %arg13[%dma_start3A_171, %dma_start3A_172, %dma_start3A_173] : memref<3x128x128xf32, #tpu.memory_space<vmem>> -> memref<1x128x128xf32, #tpu.memory_space<vmem>>
    %dma_start3A_175 = tpu.memref_squeeze %dma_start3A_174 : memref<1x128x128xf32, #tpu.memory_space<vmem>> -> memref<128x128xf32, #tpu.memory_space<vmem>>
    %dma_start3A_176 = arith.constant 0 : i32
    %dma_start3A_177 = arith.constant 0 : i32
    %dma_start3A_178 = tpu.memref_slice %arg2[%dma_start3A_176, %dma_start3A_177] : memref<10000x128xf32, #tpu.memory_space<hbm>> -> memref<10000x128xf32, #tpu.memory_space<hbm>>
    tpu.enqueue_indirect_dma source(%dma_start3A_178 : memref<10000x128xf32, #tpu.memory_space<hbm>>) target(%dma_start3A_175 : memref<128x128xf32, #tpu.memory_space<vmem>>) offsets(%arg7 : memref<128xi32, #tpu.memory_space<vmem>>) semaphore(%arg21 : memref<!tpu.dma_semaphore, #tpu.memory_space<semaphore_mem>>)
    %dma_start3A_179 = arith.constant 78 : i32
    %dma_start3A_180 = arith.constant 0 : i32
    %dma_start3A_181 = tpu.memref_slice %arg4[%add3A, %dma_start3A_179, %dma_start3A_180] : memref<32x80x128xi32, #tpu.memory_space<hbm>> -> memref<1x1x128xi32, #tpu.memory_space<hbm>>
    %dma_start3A_182 = tpu.memref_squeeze %dma_start3A_181 : memref<1x1x128xi32, #tpu.memory_space<hbm>> -> memref<128xi32, #tpu.memory_space<hbm>>
    %dma_start3A_183 = arith.constant 0 : i32
    %dma_start3A_184 = tpu.memref_slice %arg4[%add3A, %dma_start3A_179, %dma_start3A_183] : memref<32x80x128xi32, #tpu.memory_space<hbm>> -> memref<1x1x128xi32, #tpu.memory_space<hbm>>
    %dma_start3A_185 = tpu.memref_squeeze %dma_start3A_184 : memref<1x1x128xi32, #tpu.memory_space<hbm>> -> memref<128xi32, #tpu.memory_space<hbm>>
    tpu.enqueue_dma source(%dma_start3A_185 : memref<128xi32, #tpu.memory_space<hbm>>) target(%arg10 : memref<128xi32, #tpu.memory_space<vmem>>) target_semaphore(%arg18 : memref<!tpu.dma_semaphore, #tpu.memory_space<semaphore_mem>>)
    %dma_start3A_186 = arith.constant 79 : i32
    %dma_start3A_187 = arith.constant 0 : i32
    %dma_start3A_188 = tpu.memref_slice %arg3[%add3A, %dma_start3A_186, %dma_start3A_187] : memref<32x80x128xi32, #tpu.memory_space<hbm>> -> memref<1x1x128xi32, #tpu.memory_space<hbm>>
    %dma_start3A_189 = tpu.memref_squeeze %dma_start3A_188 : memref<1x1x128xi32, #tpu.memory_space<hbm>> -> memref<128xi32, #tpu.memory_space<hbm>>
    %dma_start3A_190 = arith.constant 0 : i32
    %dma_start3A_191 = tpu.memref_slice %arg3[%add3A, %dma_start3A_186, %dma_start3A_190] : memref<32x80x128xi32, #tpu.memory_space<hbm>> -> memref<1x1x128xi32, #tpu.memory_space<hbm>>
    %dma_start3A_192 = tpu.memref_squeeze %dma_start3A_191 : memref<1x1x128xi32, #tpu.memory_space<hbm>> -> memref<128xi32, #tpu.memory_space<hbm>>
    tpu.enqueue_dma source(%dma_start3A_192 : memref<128xi32, #tpu.memory_space<hbm>>) target(%arg8 : memref<128xi32, #tpu.memory_space<vmem>>) target_semaphore(%arg16 : memref<!tpu.dma_semaphore, #tpu.memory_space<semaphore_mem>>)
    %dma_wait3A_193 = arith.constant 2 : i32
    %dma_wait3A_194 = arith.constant 0 : i32
    %dma_wait3A_195 = arith.constant 0 : i32
    %dma_wait3A_196 = tpu.memref_slice %arg13[%dma_wait3A_193, %dma_wait3A_194, %dma_wait3A_195] : memref<3x128x128xf32, #tpu.memory_space<vmem>> -> memref<1x128x128xf32, #tpu.memory_space<vmem>>
    %dma_wait3A_197 = tpu.memref_squeeze %dma_wait3A_196 : memref<1x128x128xf32, #tpu.memory_space<vmem>> -> memref<128x128xf32, #tpu.memory_space<vmem>>
    %dma_wait3A_198 = arith.constant 0 : i32
    %dma_wait3A_199 = arith.constant 0 : i32
    %dma_wait3A_200 = tpu.memref_slice %arg2[%dma_wait3A_198, %dma_wait3A_199] : memref<10000x128xf32, #tpu.memory_space<hbm>> -> memref<10000x128xf32, #tpu.memory_space<hbm>>
    tpu.wait_indirect_dma semaphore(%arg23 : memref<!tpu.dma_semaphore, #tpu.memory_space<semaphore_mem>>) src(%dma_wait3A_200 : memref<10000x128xf32, #tpu.memory_space<hbm>>) dst(%dma_wait3A_197 : memref<128x128xf32, #tpu.memory_space<vmem>>)
    %dma_wait3A_201 = arith.constant 0 : i32
    %dma_wait3A_202 = arith.constant 0 : i32
    %dma_wait3A_203 = tpu.memref_slice %arg4[%add3A, %dma_wait3A_201, %dma_wait3A_202] : memref<32x80x128xi32, #tpu.memory_space<hbm>> -> memref<1x1x128xi32, #tpu.memory_space<hbm>>
    %dma_wait3A_204 = tpu.memref_squeeze %dma_wait3A_203 : memref<1x1x128xi32, #tpu.memory_space<hbm>> -> memref<128xi32, #tpu.memory_space<hbm>>
    %dma_wait3A_205 = arith.constant 0 : i32
    %dma_wait3A_206 = tpu.memref_slice %arg4[%add3A, %dma_wait3A_201, %dma_wait3A_205] : memref<32x80x128xi32, #tpu.memory_space<hbm>> -> memref<1x1x128xi32, #tpu.memory_space<hbm>>
    %dma_wait3A_207 = tpu.memref_squeeze %dma_wait3A_206 : memref<1x1x128xi32, #tpu.memory_space<hbm>> -> memref<128xi32, #tpu.memory_space<hbm>>
    tpu.wait_dma2 semaphore(%arg20 : memref<!tpu.dma_semaphore, #tpu.memory_space<semaphore_mem>>) src(%dma_wait3A_207 : memref<128xi32, #tpu.memory_space<hbm>>) dst(%arg12 : memref<128xi32, #tpu.memory_space<vmem>>)
    %dma_start3A_208 = arith.constant 2 : i32
    %dma_start3A_209 = arith.constant 0 : i32
    %dma_start3A_210 = arith.constant 0 : i32
    %dma_start3A_211 = tpu.memref_slice %arg13[%dma_start3A_208, %dma_start3A_209, %dma_start3A_210] : memref<3x128x128xf32, #tpu.memory_space<vmem>> -> memref<1x128x128xf32, #tpu.memory_space<vmem>>
    %dma_start3A_212 = tpu.memref_squeeze %dma_start3A_211 : memref<1x128x128xf32, #tpu.memory_space<vmem>> -> memref<128x128xf32, #tpu.memory_space<vmem>>
    %dma_start3A_213 = arith.constant 0 : i32
    %dma_start3A_214 = arith.constant 0 : i32
    %dma_start3A_215 = tpu.memref_slice %arg14[%dma_start3A_213, %dma_start3A_214] : memref<10112x128xf32, #tpu.memory_space<vmem_shared>> -> memref<10112x128xf32, #tpu.memory_space<vmem_shared>>
    tpu.enqueue_indirect_dma source(%dma_start3A_212 : memref<128x128xf32, #tpu.memory_space<vmem>>) target(%dma_start3A_215 : memref<10112x128xf32, #tpu.memory_space<vmem_shared>>) offsets(%arg12 : memref<128xi32, #tpu.memory_space<vmem>>) semaphore(%arg26 : memref<!tpu.dma_semaphore, #tpu.memory_space<semaphore_mem>>) {add = true}
    %dma_wait3A_216 = arith.constant 1 : i32
    %dma_wait3A_217 = arith.constant 0 : i32
    %dma_wait3A_218 = arith.constant 0 : i32
    %dma_wait3A_219 = tpu.memref_slice %arg13[%dma_wait3A_216, %dma_wait3A_217, %dma_wait3A_218] : memref<3x128x128xf32, #tpu.memory_space<vmem>> -> memref<1x128x128xf32, #tpu.memory_space<vmem>>
    %dma_wait3A_220 = tpu.memref_squeeze %dma_wait3A_219 : memref<1x128x128xf32, #tpu.memory_space<vmem>> -> memref<128x128xf32, #tpu.memory_space<vmem>>
    %dma_wait3A_221 = arith.constant 0 : i32
    %dma_wait3A_222 = arith.constant 0 : i32
    %dma_wait3A_223 = tpu.memref_slice %arg14[%dma_wait3A_221, %dma_wait3A_222] : memref<10112x128xf32, #tpu.memory_space<vmem_shared>> -> memref<10112x128xf32, #tpu.memory_space<vmem_shared>>
    tpu.wait_indirect_dma semaphore(%arg25 : memref<!tpu.dma_semaphore, #tpu.memory_space<semaphore_mem>>) src(%dma_wait3A_220 : memref<128x128xf32, #tpu.memory_space<vmem>>) dst(%dma_wait3A_223 : memref<10112x128xf32, #tpu.memory_space<vmem_shared>>)
    %dma_wait3A_224 = arith.constant 0 : i32
    %dma_wait3A_225 = arith.constant 0 : i32
    %dma_wait3A_226 = tpu.memref_slice %arg3[%add3A, %dma_wait3A_224, %dma_wait3A_225] : memref<32x80x128xi32, #tpu.memory_space<hbm>> -> memref<1x1x128xi32, #tpu.memory_space<hbm>>
    %dma_wait3A_227 = tpu.memref_squeeze %dma_wait3A_226 : memref<1x1x128xi32, #tpu.memory_space<hbm>> -> memref<128xi32, #tpu.memory_space<hbm>>
    %dma_wait3A_228 = arith.constant 0 : i32
    %dma_wait3A_229 = tpu.memref_slice %arg3[%add3A, %dma_wait3A_224, %dma_wait3A_228] : memref<32x80x128xi32, #tpu.memory_space<hbm>> -> memref<1x1x128xi32, #tpu.memory_space<hbm>>
    %dma_wait3A_230 = tpu.memref_squeeze %dma_wait3A_229 : memref<1x1x128xi32, #tpu.memory_space<hbm>> -> memref<128xi32, #tpu.memory_space<hbm>>
    tpu.wait_dma2 semaphore(%arg16 : memref<!tpu.dma_semaphore, #tpu.memory_space<semaphore_mem>>) src(%dma_wait3A_230 : memref<128xi32, #tpu.memory_space<hbm>>) dst(%arg8 : memref<128xi32, #tpu.memory_space<vmem>>)
    %dma_start3A_231 = arith.constant 1 : i32
    %dma_start3A_232 = arith.constant 0 : i32
    %dma_start3A_233 = arith.constant 0 : i32
    %dma_start3A_234 = tpu.memref_slice %arg13[%dma_start3A_231, %dma_start3A_232, %dma_start3A_233] : memref<3x128x128xf32, #tpu.memory_space<vmem>> -> memref<1x128x128xf32, #tpu.memory_space<vmem>>
    %dma_start3A_235 = tpu.memref_squeeze %dma_start3A_234 : memref<1x128x128xf32, #tpu.memory_space<vmem>> -> memref<128x128xf32, #tpu.memory_space<vmem>>
    %dma_start3A_236 = arith.constant 0 : i32
    %dma_start3A_237 = arith.constant 0 : i32
    %dma_start3A_238 = tpu.memref_slice %arg2[%dma_start3A_236, %dma_start3A_237] : memref<10000x128xf32, #tpu.memory_space<hbm>> -> memref<10000x128xf32, #tpu.memory_space<hbm>>
    tpu.enqueue_indirect_dma source(%dma_start3A_238 : memref<10000x128xf32, #tpu.memory_space<hbm>>) target(%dma_start3A_235 : memref<128x128xf32, #tpu.memory_space<vmem>>) offsets(%arg8 : memref<128xi32, #tpu.memory_space<vmem>>) semaphore(%arg22 : memref<!tpu.dma_semaphore, #tpu.memory_space<semaphore_mem>>)
    %dma_start3A_239 = arith.constant 79 : i32
    %dma_start3A_240 = arith.constant 0 : i32
    %dma_start3A_241 = tpu.memref_slice %arg4[%add3A, %dma_start3A_239, %dma_start3A_240] : memref<32x80x128xi32, #tpu.memory_space<hbm>> -> memref<1x1x128xi32, #tpu.memory_space<hbm>>
    %dma_start3A_242 = tpu.memref_squeeze %dma_start3A_241 : memref<1x1x128xi32, #tpu.memory_space<hbm>> -> memref<128xi32, #tpu.memory_space<hbm>>
    %dma_start3A_243 = arith.constant 0 : i32
    %dma_start3A_244 = tpu.memref_slice %arg4[%add3A, %dma_start3A_239, %dma_start3A_243] : memref<32x80x128xi32, #tpu.memory_space<hbm>> -> memref<1x1x128xi32, #tpu.memory_space<hbm>>
    %dma_start3A_245 = tpu.memref_squeeze %dma_start3A_244 : memref<1x1x128xi32, #tpu.memory_space<hbm>> -> memref<128xi32, #tpu.memory_space<hbm>>
    tpu.enqueue_dma source(%dma_start3A_245 : memref<128xi32, #tpu.memory_space<hbm>>) target(%arg11 : memref<128xi32, #tpu.memory_space<vmem>>) target_semaphore(%arg19 : memref<!tpu.dma_semaphore, #tpu.memory_space<semaphore_mem>>)
    %dma_wait3A_246 = arith.constant 0 : i32
    %dma_wait3A_247 = arith.constant 0 : i32
    %dma_wait3A_248 = arith.constant 0 : i32
    %dma_wait3A_249 = tpu.memref_slice %arg13[%dma_wait3A_246, %dma_wait3A_247, %dma_wait3A_248] : memref<3x128x128xf32, #tpu.memory_space<vmem>> -> memref<1x128x128xf32, #tpu.memory_space<vmem>>
    %dma_wait3A_250 = tpu.memref_squeeze %dma_wait3A_249 : memref<1x128x128xf32, #tpu.memory_space<vmem>> -> memref<128x128xf32, #tpu.memory_space<vmem>>
    %dma_wait3A_251 = arith.constant 0 : i32
    %dma_wait3A_252 = arith.constant 0 : i32
    %dma_wait3A_253 = tpu.memref_slice %arg2[%dma_wait3A_251, %dma_wait3A_252] : memref<10000x128xf32, #tpu.memory_space<hbm>> -> memref<10000x128xf32, #tpu.memory_space<hbm>>
    tpu.wait_indirect_dma semaphore(%arg21 : memref<!tpu.dma_semaphore, #tpu.memory_space<semaphore_mem>>) src(%dma_wait3A_253 : memref<10000x128xf32, #tpu.memory_space<hbm>>) dst(%dma_wait3A_250 : memref<128x128xf32, #tpu.memory_space<vmem>>)
    %dma_wait3A_254 = arith.constant 0 : i32
    %dma_wait3A_255 = arith.constant 0 : i32
    %dma_wait3A_256 = tpu.memref_slice %arg4[%add3A, %dma_wait3A_254, %dma_wait3A_255] : memref<32x80x128xi32, #tpu.memory_space<hbm>> -> memref<1x1x128xi32, #tpu.memory_space<hbm>>
    %dma_wait3A_257 = tpu.memref_squeeze %dma_wait3A_256 : memref<1x1x128xi32, #tpu.memory_space<hbm>> -> memref<128xi32, #tpu.memory_space<hbm>>
    %dma_wait3A_258 = arith.constant 0 : i32
    %dma_wait3A_259 = tpu.memref_slice %arg4[%add3A, %dma_wait3A_254, %dma_wait3A_258] : memref<32x80x128xi32, #tpu.memory_space<hbm>> -> memref<1x1x128xi32, #tpu.memory_space<hbm>>
    %dma_wait3A_260 = tpu.memref_squeeze %dma_wait3A_259 : memref<1x1x128xi32, #tpu.memory_space<hbm>> -> memref<128xi32, #tpu.memory_space<hbm>>
    tpu.wait_dma2 semaphore(%arg18 : memref<!tpu.dma_semaphore, #tpu.memory_space<semaphore_mem>>) src(%dma_wait3A_260 : memref<128xi32, #tpu.memory_space<hbm>>) dst(%arg10 : memref<128xi32, #tpu.memory_space<vmem>>)
    %dma_start3A_261 = arith.constant 0 : i32
    %dma_start3A_262 = arith.constant 0 : i32
    %dma_start3A_263 = arith.constant 0 : i32
    %dma_start3A_264 = tpu.memref_slice %arg13[%dma_start3A_261, %dma_start3A_262, %dma_start3A_263] : memref<3x128x128xf32, #tpu.memory_space<vmem>> -> memref<1x128x128xf32, #tpu.memory_space<vmem>>
    %dma_start3A_265 = tpu.memref_squeeze %dma_start3A_264 : memref<1x128x128xf32, #tpu.memory_space<vmem>> -> memref<128x128xf32, #tpu.memory_space<vmem>>
    %dma_start3A_266 = arith.constant 0 : i32
    %dma_start3A_267 = arith.constant 0 : i32
    %dma_start3A_268 = tpu.memref_slice %arg14[%dma_start3A_266, %dma_start3A_267] : memref<10112x128xf32, #tpu.memory_space<vmem_shared>> -> memref<10112x128xf32, #tpu.memory_space<vmem_shared>>
    tpu.enqueue_indirect_dma source(%dma_start3A_265 : memref<128x128xf32, #tpu.memory_space<vmem>>) target(%dma_start3A_268 : memref<10112x128xf32, #tpu.memory_space<vmem_shared>>) offsets(%arg10 : memref<128xi32, #tpu.memory_space<vmem>>) semaphore(%arg24 : memref<!tpu.dma_semaphore, #tpu.memory_space<semaphore_mem>>) {add = true}
    %dma_wait3A_269 = arith.constant 2 : i32
    %dma_wait3A_270 = arith.constant 0 : i32
    %dma_wait3A_271 = arith.constant 0 : i32
    %dma_wait3A_272 = tpu.memref_slice %arg13[%dma_wait3A_269, %dma_wait3A_270, %dma_wait3A_271] : memref<3x128x128xf32, #tpu.memory_space<vmem>> -> memref<1x128x128xf32, #tpu.memory_space<vmem>>
    %dma_wait3A_273 = tpu.memref_squeeze %dma_wait3A_272 : memref<1x128x128xf32, #tpu.memory_space<vmem>> -> memref<128x128xf32, #tpu.memory_space<vmem>>
    %dma_wait3A_274 = arith.constant 0 : i32
    %dma_wait3A_275 = arith.constant 0 : i32
    %dma_wait3A_276 = tpu.memref_slice %arg14[%dma_wait3A_274, %dma_wait3A_275] : memref<10112x128xf32, #tpu.memory_space<vmem_shared>> -> memref<10112x128xf32, #tpu.memory_space<vmem_shared>>
    tpu.wait_indirect_dma semaphore(%arg26 : memref<!tpu.dma_semaphore, #tpu.memory_space<semaphore_mem>>) src(%dma_wait3A_273 : memref<128x128xf32, #tpu.memory_space<vmem>>) dst(%dma_wait3A_276 : memref<10112x128xf32, #tpu.memory_space<vmem_shared>>)
    %dma_wait3A_277 = arith.constant 1 : i32
    %dma_wait3A_278 = arith.constant 0 : i32
    %dma_wait3A_279 = arith.constant 0 : i32
    %dma_wait3A_280 = tpu.memref_slice %arg13[%dma_wait3A_277, %dma_wait3A_278, %dma_wait3A_279] : memref<3x128x128xf32, #tpu.memory_space<vmem>> -> memref<1x128x128xf32, #tpu.memory_space<vmem>>
    %dma_wait3A_281 = tpu.memref_squeeze %dma_wait3A_280 : memref<1x128x128xf32, #tpu.memory_space<vmem>> -> memref<128x128xf32, #tpu.memory_space<vmem>>
    %dma_wait3A_282 = arith.constant 0 : i32
    %dma_wait3A_283 = arith.constant 0 : i32
    %dma_wait3A_284 = tpu.memref_slice %arg2[%dma_wait3A_282, %dma_wait3A_283] : memref<10000x128xf32, #tpu.memory_space<hbm>> -> memref<10000x128xf32, #tpu.memory_space<hbm>>
    tpu.wait_indirect_dma semaphore(%arg22 : memref<!tpu.dma_semaphore, #tpu.memory_space<semaphore_mem>>) src(%dma_wait3A_284 : memref<10000x128xf32, #tpu.memory_space<hbm>>) dst(%dma_wait3A_281 : memref<128x128xf32, #tpu.memory_space<vmem>>)
    %dma_wait3A_285 = arith.constant 0 : i32
    %dma_wait3A_286 = arith.constant 0 : i32
    %dma_wait3A_287 = tpu.memref_slice %arg4[%add3A, %dma_wait3A_285, %dma_wait3A_286] : memref<32x80x128xi32, #tpu.memory_space<hbm>> -> memref<1x1x128xi32, #tpu.memory_space<hbm>>
    %dma_wait3A_288 = tpu.memref_squeeze %dma_wait3A_287 : memref<1x1x128xi32, #tpu.memory_space<hbm>> -> memref<128xi32, #tpu.memory_space<hbm>>
    %dma_wait3A_289 = arith.constant 0 : i32
    %dma_wait3A_290 = tpu.memref_slice %arg4[%add3A, %dma_wait3A_285, %dma_wait3A_289] : memref<32x80x128xi32, #tpu.memory_space<hbm>> -> memref<1x1x128xi32, #tpu.memory_space<hbm>>
    %dma_wait3A_291 = tpu.memref_squeeze %dma_wait3A_290 : memref<1x1x128xi32, #tpu.memory_space<hbm>> -> memref<128xi32, #tpu.memory_space<hbm>>
    tpu.wait_dma2 semaphore(%arg19 : memref<!tpu.dma_semaphore, #tpu.memory_space<semaphore_mem>>) src(%dma_wait3A_291 : memref<128xi32, #tpu.memory_space<hbm>>) dst(%arg11 : memref<128xi32, #tpu.memory_space<vmem>>)
    %dma_start3A_292 = arith.constant 1 : i32
    %dma_start3A_293 = arith.constant 0 : i32
    %dma_start3A_294 = arith.constant 0 : i32
    %dma_start3A_295 = tpu.memref_slice %arg13[%dma_start3A_292, %dma_start3A_293, %dma_start3A_294] : memref<3x128x128xf32, #tpu.memory_space<vmem>> -> memref<1x128x128xf32, #tpu.memory_space<vmem>>
    %dma_start3A_296 = tpu.memref_squeeze %dma_start3A_295 : memref<1x128x128xf32, #tpu.memory_space<vmem>> -> memref<128x128xf32, #tpu.memory_space<vmem>>
    %dma_start3A_297 = arith.constant 0 : i32
    %dma_start3A_298 = arith.constant 0 : i32
    %dma_start3A_299 = tpu.memref_slice %arg14[%dma_start3A_297, %dma_start3A_298] : memref<10112x128xf32, #tpu.memory_space<vmem_shared>> -> memref<10112x128xf32, #tpu.memory_space<vmem_shared>>
    tpu.enqueue_indirect_dma source(%dma_start3A_296 : memref<128x128xf32, #tpu.memory_space<vmem>>) target(%dma_start3A_299 : memref<10112x128xf32, #tpu.memory_space<vmem_shared>>) offsets(%arg11 : memref<128xi32, #tpu.memory_space<vmem>>) semaphore(%arg25 : memref<!tpu.dma_semaphore, #tpu.memory_space<semaphore_mem>>) {add = true}
    %dma_wait3A_300 = arith.constant 0 : i32
    %dma_wait3A_301 = arith.constant 0 : i32
    %dma_wait3A_302 = arith.constant 0 : i32
    %dma_wait3A_303 = tpu.memref_slice %arg13[%dma_wait3A_300, %dma_wait3A_301, %dma_wait3A_302] : memref<3x128x128xf32, #tpu.memory_space<vmem>> -> memref<1x128x128xf32, #tpu.memory_space<vmem>>
    %dma_wait3A_304 = tpu.memref_squeeze %dma_wait3A_303 : memref<1x128x128xf32, #tpu.memory_space<vmem>> -> memref<128x128xf32, #tpu.memory_space<vmem>>
    %dma_wait3A_305 = arith.constant 0 : i32
    %dma_wait3A_306 = arith.constant 0 : i32
    %dma_wait3A_307 = tpu.memref_slice %arg14[%dma_wait3A_305, %dma_wait3A_306] : memref<10112x128xf32, #tpu.memory_space<vmem_shared>> -> memref<10112x128xf32, #tpu.memory_space<vmem_shared>>
    tpu.wait_indirect_dma semaphore(%arg24 : memref<!tpu.dma_semaphore, #tpu.memory_space<semaphore_mem>>) src(%dma_wait3A_304 : memref<128x128xf32, #tpu.memory_space<vmem>>) dst(%dma_wait3A_307 : memref<10112x128xf32, #tpu.memory_space<vmem_shared>>)
    %dma_wait3A_308 = arith.constant 1 : i32
    %dma_wait3A_309 = arith.constant 0 : i32
    %dma_wait3A_310 = arith.constant 0 : i32
    %dma_wait3A_311 = tpu.memref_slice %arg13[%dma_wait3A_308, %dma_wait3A_309, %dma_wait3A_310] : memref<3x128x128xf32, #tpu.memory_space<vmem>> -> memref<1x128x128xf32, #tpu.memory_space<vmem>>
    %dma_wait3A_312 = tpu.memref_squeeze %dma_wait3A_311 : memref<1x128x128xf32, #tpu.memory_space<vmem>> -> memref<128x128xf32, #tpu.memory_space<vmem>>
    %dma_wait3A_313 = arith.constant 0 : i32
    %dma_wait3A_314 = arith.constant 0 : i32
    %dma_wait3A_315 = tpu.memref_slice %arg14[%dma_wait3A_313, %dma_wait3A_314] : memref<10112x128xf32, #tpu.memory_space<vmem_shared>> -> memref<10112x128xf32, #tpu.memory_space<vmem_shared>>
    tpu.wait_indirect_dma semaphore(%arg25 : memref<!tpu.dma_semaphore, #tpu.memory_space<semaphore_mem>>) src(%dma_wait3A_312 : memref<128x128xf32, #tpu.memory_space<vmem>>) dst(%dma_wait3A_315 : memref<10112x128xf32, #tpu.memory_space<vmem_shared>>)
    %barrier3A_316 = arith.constant 0 : index
    tpu.barrier barrier_id(%barrier3A_316)
    "tpu.region"() ({
      %run_scoped3A = tpu.sem_alloc : memref<!tpu.dma_semaphore, #tpu.memory_space<semaphore_mem>>
      %dma_start3A_317 = arith.constant 0 : i32
      %dma_start3A_318 = tpu.memref_slice %arg6[%arg0, %mul3A_2, %dma_start3A_317] : memref<2x10112x128xf32, #tpu.memory_space<hbm>> -> memref<1x632x128xf32, #tpu.memory_space<hbm>>
      %dma_start3A_319 = tpu.memref_squeeze %dma_start3A_318 : memref<1x632x128xf32, #tpu.memory_space<hbm>> -> memref<632x128xf32, #tpu.memory_space<hbm>>
      %dma_start3A_320 = arith.constant 0 : i32
      %dma_start3A_321 = tpu.memref_slice %arg14[%mul3A_2, %dma_start3A_320] : memref<10112x128xf32, #tpu.memory_space<vmem_shared>> -> memref<632x128xf32, #tpu.memory_space<vmem_shared>>
      tpu.enqueue_dma source(%dma_start3A_321 : memref<632x128xf32, #tpu.memory_space<vmem_shared>>) target(%dma_start3A_319 : memref<632x128xf32, #tpu.memory_space<hbm>>) target_semaphore(%run_scoped3A : memref<!tpu.dma_semaphore, #tpu.memory_space<semaphore_mem>>)
      %dma_wait3A_322 = arith.constant 0 : i32
      %dma_wait3A_323 = tpu.memref_slice %arg6[%arg0, %mul3A_2, %dma_wait3A_322] : memref<2x10112x128xf32, #tpu.memory_space<hbm>> -> memref<1x632x128xf32, #tpu.memory_space<hbm>>
      %dma_wait3A_324 = tpu.memref_squeeze %dma_wait3A_323 : memref<1x632x128xf32, #tpu.memory_space<hbm>> -> memref<632x128xf32, #tpu.memory_space<hbm>>
      %dma_wait3A_325 = arith.constant 0 : i32
      %dma_wait3A_326 = tpu.memref_slice %arg14[%mul3A_2, %dma_wait3A_325] : memref<10112x128xf32, #tpu.memory_space<vmem_shared>> -> memref<632x128xf32, #tpu.memory_space<vmem_shared>>
      tpu.wait_dma2 semaphore(%run_scoped3A : memref<!tpu.dma_semaphore, #tpu.memory_space<semaphore_mem>>) src(%dma_wait3A_326 : memref<632x128xf32, #tpu.memory_space<vmem_shared>>) dst(%dma_wait3A_324 : memref<632x128xf32, #tpu.memory_space<hbm>>)
      tpu.yield
    }) : () -> ()
    return
  }
}

#map = affine_map<(d0, d1) -> (0, 0)>
#map1 = affine_map<(d0, d1) -> (0, 0, 0)>
module attributes {stable_mosaic.version = 14 : i64} {
  func.func @_prop_kernel(%arg0: i32, %arg1: i32, %arg2: memref<10000x128xf32, #tpu.memory_space<hbm>>, %arg3: memref<32x80x128xi32, #tpu.memory_space<hbm>>, %arg4: memref<32x80x128xi32, #tpu.memory_space<hbm>>, %arg5: memref<128x128xf32, #tpu.memory_space<hbm>>, %arg6: memref<2x10112x128xf32, #tpu.memory_space<hbm>>, %arg7: memref<128xi32, #tpu.memory_space<vmem>>, %arg8: memref<128xi32, #tpu.memory_space<vmem>>, %arg9: memref<128xi32, #tpu.memory_space<vmem>>, %arg10: memref<128xi32, #tpu.memory_space<vmem>>, %arg11: memref<128xi32, #tpu.memory_space<vmem>>, %arg12: memref<128xi32, #tpu.memory_space<vmem>>, %arg13: memref<3x128x128xf32, #tpu.memory_space<vmem>>, %arg14: memref<10112x128xf32, #tpu.memory_space<vmem_shared>>, %arg15: memref<!tpu.dma_semaphore, #tpu.memory_space<semaphore_mem>>, %arg16: memref<!tpu.dma_semaphore, #tpu.memory_space<semaphore_mem>>, %arg17: memref<!tpu.dma_semaphore, #tpu.memory_space<semaphore_mem>>, %arg18: memref<!tpu.dma_semaphore, #tpu.memory_space<semaphore_mem>>, %arg19: memref<!tpu.dma_semaphore, #tpu.memory_space<semaphore_mem>>, %arg20: memref<!tpu.dma_semaphore, #tpu.memory_space<semaphore_mem>>, %arg21: memref<!tpu.dma_semaphore, #tpu.memory_space<semaphore_mem>>, %arg22: memref<!tpu.dma_semaphore, #tpu.memory_space<semaphore_mem>>, %arg23: memref<!tpu.dma_semaphore, #tpu.memory_space<semaphore_mem>>, %arg24: memref<!tpu.dma_semaphore, #tpu.memory_space<semaphore_mem>>, %arg25: memref<!tpu.dma_semaphore, #tpu.memory_space<semaphore_mem>>, %arg26: memref<!tpu.dma_semaphore, #tpu.memory_space<semaphore_mem>>) attributes {dimension_semantics = [#tpu.dimension_semantics<core_parallel>, #tpu.dimension_semantics<subcore_parallel>], iteration_bounds = array<i64: 2, 16>, scalar_prefetch = 0 : i64, scratch_operands = 20 : i64, tpu.core_type = #tpu.core_type<sc_vector_subcore>, window_params = [{transform_indices = #map}, {transform_indices = #map1}, {transform_indices = #map1}, {transform_indices = #map}, {transform_indices = #map1}]} {
    %mul3A = arith.constant 2 : i32
    %mul3A_0 = arith.muli %arg1, %mul3A : i32
    %add3A = arith.addi %mul3A_0, %arg0 : i32
    %mul3A_1 = arith.constant 632 : i32
    %mul3A_2 = arith.muli %arg1, %mul3A_1 : i32
    %add3A_3 = arith.constant 0 : i32
    %add3A_4 = arith.addi %mul3A_2, %add3A_3 : i32
    "tpu.region"() ({
      %run_scoped3A = tpu.sem_alloc : memref<!tpu.dma_semaphore, #tpu.memory_space<semaphore_mem>>
      %dma_start3A_317 = arith.constant 0 : i32
      %dma_start3A_318 = tpu.memref_slice %arg14[%add3A_4, %dma_start3A_317] : memref<10112x128xf32, #tpu.memory_space<vmem_shared>> -> memref<128x128xf32, #tpu.memory_space<vmem_shared>>
      tpu.enqueue_dma source(%arg5 : memref<128x128xf32, #tpu.memory_space<hbm>>) target(%dma_start3A_318 : memref<128x128xf32, #tpu.memory_space<vmem_shared>>) target_semaphore(%run_scoped3A : memref<!tpu.dma_semaphore, #tpu.memory_space<semaphore_mem>>)
      %dma_wait3A_319 = arith.constant 0 : i32
      %dma_wait3A_320 = tpu.memref_slice %arg14[%add3A_4, %dma_wait3A_319] : memref<10112x128xf32, #tpu.memory_space<vmem_shared>> -> memref<128x128xf32, #tpu.memory_space<vmem_shared>>
      tpu.wait_dma2 semaphore(%run_scoped3A : memref<!tpu.dma_semaphore, #tpu.memory_space<semaphore_mem>>) src(%arg5 : memref<128x128xf32, #tpu.memory_space<hbm>>) dst(%dma_wait3A_320 : memref<128x128xf32, #tpu.memory_space<vmem_shared>>)
      tpu.yield
    }) : () -> ()
    %add3A_5 = arith.constant 128 : i32
    %add3A_6 = arith.addi %mul3A_2, %add3A_5 : i32
    "tpu.region"() ({
      %run_scoped3A = tpu.sem_alloc : memref<!tpu.dma_semaphore, #tpu.memory_space<semaphore_mem>>
      %dma_start3A_317 = arith.constant 0 : i32
      %dma_start3A_318 = tpu.memref_slice %arg14[%add3A_6, %dma_start3A_317] : memref<10112x128xf32, #tpu.memory_space<vmem_shared>> -> memref<128x128xf32, #tpu.memory_space<vmem_shared>>
      tpu.enqueue_dma source(%arg5 : memref<128x128xf32, #tpu.memory_space<hbm>>) target(%dma_start3A_318 : memref<128x128xf32, #tpu.memory_space<vmem_shared>>) target_semaphore(%run_scoped3A : memref<!tpu.dma_semaphore, #tpu.memory_space<semaphore_mem>>)
      %dma_wait3A_319 = arith.constant 0 : i32
      %dma_wait3A_320 = tpu.memref_slice %arg14[%add3A_6, %dma_wait3A_319] : memref<10112x128xf32, #tpu.memory_space<vmem_shared>> -> memref<128x128xf32, #tpu.memory_space<vmem_shared>>
      tpu.wait_dma2 semaphore(%run_scoped3A : memref<!tpu.dma_semaphore, #tpu.memory_space<semaphore_mem>>) src(%arg5 : memref<128x128xf32, #tpu.memory_space<hbm>>) dst(%dma_wait3A_320 : memref<128x128xf32, #tpu.memory_space<vmem_shared>>)
      tpu.yield
    }) : () -> ()
    %add3A_7 = arith.constant 256 : i32
    %add3A_8 = arith.addi %mul3A_2, %add3A_7 : i32
    "tpu.region"() ({
      %run_scoped3A = tpu.sem_alloc : memref<!tpu.dma_semaphore, #tpu.memory_space<semaphore_mem>>
      %dma_start3A_317 = arith.constant 0 : i32
      %dma_start3A_318 = tpu.memref_slice %arg14[%add3A_8, %dma_start3A_317] : memref<10112x128xf32, #tpu.memory_space<vmem_shared>> -> memref<128x128xf32, #tpu.memory_space<vmem_shared>>
      tpu.enqueue_dma source(%arg5 : memref<128x128xf32, #tpu.memory_space<hbm>>) target(%dma_start3A_318 : memref<128x128xf32, #tpu.memory_space<vmem_shared>>) target_semaphore(%run_scoped3A : memref<!tpu.dma_semaphore, #tpu.memory_space<semaphore_mem>>)
      %dma_wait3A_319 = arith.constant 0 : i32
      %dma_wait3A_320 = tpu.memref_slice %arg14[%add3A_8, %dma_wait3A_319] : memref<10112x128xf32, #tpu.memory_space<vmem_shared>> -> memref<128x128xf32, #tpu.memory_space<vmem_shared>>
      tpu.wait_dma2 semaphore(%run_scoped3A : memref<!tpu.dma_semaphore, #tpu.memory_space<semaphore_mem>>) src(%arg5 : memref<128x128xf32, #tpu.memory_space<hbm>>) dst(%dma_wait3A_320 : memref<128x128xf32, #tpu.memory_space<vmem_shared>>)
      tpu.yield
    }) : () -> ()
    %add3A_9 = arith.constant 384 : i32
    %add3A_10 = arith.addi %mul3A_2, %add3A_9 : i32
    "tpu.region"() ({
      %run_scoped3A = tpu.sem_alloc : memref<!tpu.dma_semaphore, #tpu.memory_space<semaphore_mem>>
      %dma_start3A_317 = arith.constant 0 : i32
      %dma_start3A_318 = tpu.memref_slice %arg14[%add3A_10, %dma_start3A_317] : memref<10112x128xf32, #tpu.memory_space<vmem_shared>> -> memref<128x128xf32, #tpu.memory_space<vmem_shared>>
      tpu.enqueue_dma source(%arg5 : memref<128x128xf32, #tpu.memory_space<hbm>>) target(%dma_start3A_318 : memref<128x128xf32, #tpu.memory_space<vmem_shared>>) target_semaphore(%run_scoped3A : memref<!tpu.dma_semaphore, #tpu.memory_space<semaphore_mem>>)
      %dma_wait3A_319 = arith.constant 0 : i32
      %dma_wait3A_320 = tpu.memref_slice %arg14[%add3A_10, %dma_wait3A_319] : memref<10112x128xf32, #tpu.memory_space<vmem_shared>> -> memref<128x128xf32, #tpu.memory_space<vmem_shared>>
      tpu.wait_dma2 semaphore(%run_scoped3A : memref<!tpu.dma_semaphore, #tpu.memory_space<semaphore_mem>>) src(%arg5 : memref<128x128xf32, #tpu.memory_space<hbm>>) dst(%dma_wait3A_320 : memref<128x128xf32, #tpu.memory_space<vmem_shared>>)
      tpu.yield
    }) : () -> ()
    %add3A_11 = arith.constant 512 : i32
    %add3A_12 = arith.addi %mul3A_2, %add3A_11 : i32
    "tpu.region"() ({
      %run_scoped3A = tpu.sem_alloc : memref<!tpu.dma_semaphore, #tpu.memory_space<semaphore_mem>>
      %dma_start3A_317 = arith.constant 0 : i32
      %dma_start3A_318 = tpu.memref_slice %arg14[%add3A_12, %dma_start3A_317] : memref<10112x128xf32, #tpu.memory_space<vmem_shared>> -> memref<120x128xf32, #tpu.memory_space<vmem_shared>>
      %dma_start3A_319 = arith.constant 0 : i32
      %dma_start3A_320 = arith.constant 0 : i32
      %dma_start3A_321 = tpu.memref_slice %arg5[%dma_start3A_319, %dma_start3A_320] : memref<128x128xf32, #tpu.memory_space<hbm>> -> memref<120x128xf32, #tpu.memory_space<hbm>>
      tpu.enqueue_dma source(%dma_start3A_321 : memref<120x128xf32, #tpu.memory_space<hbm>>) target(%dma_start3A_318 : memref<120x128xf32, #tpu.memory_space<vmem_shared>>) target_semaphore(%run_scoped3A : memref<!tpu.dma_semaphore, #tpu.memory_space<semaphore_mem>>)
      %dma_wait3A_322 = arith.constant 0 : i32
      %dma_wait3A_323 = tpu.memref_slice %arg14[%add3A_12, %dma_wait3A_322] : memref<10112x128xf32, #tpu.memory_space<vmem_shared>> -> memref<120x128xf32, #tpu.memory_space<vmem_shared>>
      %dma_wait3A_324 = arith.constant 0 : i32
      %dma_wait3A_325 = arith.constant 0 : i32
      %dma_wait3A_326 = tpu.memref_slice %arg5[%dma_wait3A_324, %dma_wait3A_325] : memref<128x128xf32, #tpu.memory_space<hbm>> -> memref<120x128xf32, #tpu.memory_space<hbm>>
      tpu.wait_dma2 semaphore(%run_scoped3A : memref<!tpu.dma_semaphore, #tpu.memory_space<semaphore_mem>>) src(%dma_wait3A_326 : memref<120x128xf32, #tpu.memory_space<hbm>>) dst(%dma_wait3A_323 : memref<120x128xf32, #tpu.memory_space<vmem_shared>>)
      tpu.yield
    }) : () -> ()
    %dma_start3A = arith.constant 0 : i32
    %dma_start3A_13 = arith.constant 0 : i32
    %dma_start3A_14 = tpu.memref_slice %arg3[%add3A, %dma_start3A, %dma_start3A_13] : memref<32x80x128xi32, #tpu.memory_space<hbm>> -> memref<1x1x128xi32, #tpu.memory_space<hbm>>
    %dma_start3A_15 = tpu.memref_squeeze %dma_start3A_14 : memref<1x1x128xi32, #tpu.memory_space<hbm>> -> memref<128xi32, #tpu.memory_space<hbm>>
    %dma_start3A_16 = arith.constant 0 : i32
    %dma_start3A_17 = tpu.memref_slice %arg3[%add3A, %dma_start3A, %dma_start3A_16] : memref<32x80x128xi32, #tpu.memory_space<hbm>> -> memref<1x1x128xi32, #tpu.memory_space<hbm>>
    %dma_start3A_18 = tpu.memref_squeeze %dma_start3A_17 : memref<1x1x128xi32, #tpu.memory_space<hbm>> -> memref<128xi32, #tpu.memory_space<hbm>>
    tpu.enqueue_dma source(%dma_start3A_18 : memref<128xi32, #tpu.memory_space<hbm>>) target(%arg7 : memref<128xi32, #tpu.memory_space<vmem>>) target_semaphore(%arg15 : memref<!tpu.dma_semaphore, #tpu.memory_space<semaphore_mem>>)
    %dma_start3A_19 = arith.constant 1 : i32
    %dma_start3A_20 = arith.constant 0 : i32
    %dma_start3A_21 = tpu.memref_slice %arg3[%add3A, %dma_start3A_19, %dma_start3A_20] : memref<32x80x128xi32, #tpu.memory_space<hbm>> -> memref<1x1x128xi32, #tpu.memory_space<hbm>>
    %dma_start3A_22 = tpu.memref_squeeze %dma_start3A_21 : memref<1x1x128xi32, #tpu.memory_space<hbm>> -> memref<128xi32, #tpu.memory_space<hbm>>
    %dma_start3A_23 = arith.constant 0 : i32
    %dma_start3A_24 = tpu.memref_slice %arg3[%add3A, %dma_start3A_19, %dma_start3A_23] : memref<32x80x128xi32, #tpu.memory_space<hbm>> -> memref<1x1x128xi32, #tpu.memory_space<hbm>>
    %dma_start3A_25 = tpu.memref_squeeze %dma_start3A_24 : memref<1x1x128xi32, #tpu.memory_space<hbm>> -> memref<128xi32, #tpu.memory_space<hbm>>
    tpu.enqueue_dma source(%dma_start3A_25 : memref<128xi32, #tpu.memory_space<hbm>>) target(%arg8 : memref<128xi32, #tpu.memory_space<vmem>>) target_semaphore(%arg16 : memref<!tpu.dma_semaphore, #tpu.memory_space<semaphore_mem>>)
    %dma_start3A_26 = arith.constant 2 : i32
    %dma_start3A_27 = arith.constant 0 : i32
    %dma_start3A_28 = tpu.memref_slice %arg3[%add3A, %dma_start3A_26, %dma_start3A_27] : memref<32x80x128xi32, #tpu.memory_space<hbm>> -> memref<1x1x128xi32, #tpu.memory_space<hbm>>
    %dma_start3A_29 = tpu.memref_squeeze %dma_start3A_28 : memref<1x1x128xi32, #tpu.memory_space<hbm>> -> memref<128xi32, #tpu.memory_space<hbm>>
    %dma_start3A_30 = arith.constant 0 : i32
    %dma_start3A_31 = tpu.memref_slice %arg3[%add3A, %dma_start3A_26, %dma_start3A_30] : memref<32x80x128xi32, #tpu.memory_space<hbm>> -> memref<1x1x128xi32, #tpu.memory_space<hbm>>
    %dma_start3A_32 = tpu.memref_squeeze %dma_start3A_31 : memref<1x1x128xi32, #tpu.memory_space<hbm>> -> memref<128xi32, #tpu.memory_space<hbm>>
    tpu.enqueue_dma source(%dma_start3A_32 : memref<128xi32, #tpu.memory_space<hbm>>) target(%arg9 : memref<128xi32, #tpu.memory_space<vmem>>) target_semaphore(%arg17 : memref<!tpu.dma_semaphore, #tpu.memory_space<semaphore_mem>>)
    %dma_start3A_33 = arith.constant 0 : i32
    %dma_start3A_34 = arith.constant 0 : i32
    %dma_start3A_35 = tpu.memref_slice %arg4[%add3A, %dma_start3A_33, %dma_start3A_34] : memref<32x80x128xi32, #tpu.memory_space<hbm>> -> memref<1x1x128xi32, #tpu.memory_space<hbm>>
    %dma_start3A_36 = tpu.memref_squeeze %dma_start3A_35 : memref<1x1x128xi32, #tpu.memory_space<hbm>> -> memref<128xi32, #tpu.memory_space<hbm>>
    %dma_start3A_37 = arith.constant 0 : i32
    %dma_start3A_38 = tpu.memref_slice %arg4[%add3A, %dma_start3A_33, %dma_start3A_37] : memref<32x80x128xi32, #tpu.memory_space<hbm>> -> memref<1x1x128xi32, #tpu.memory_space<hbm>>
    %dma_start3A_39 = tpu.memref_squeeze %dma_start3A_38 : memref<1x1x128xi32, #tpu.memory_space<hbm>> -> memref<128xi32, #tpu.memory_space<hbm>>
    tpu.enqueue_dma source(%dma_start3A_39 : memref<128xi32, #tpu.memory_space<hbm>>) target(%arg10 : memref<128xi32, #tpu.memory_space<vmem>>) target_semaphore(%arg18 : memref<!tpu.dma_semaphore, #tpu.memory_space<semaphore_mem>>)
    %dma_start3A_40 = arith.constant 1 : i32
    %dma_start3A_41 = arith.constant 0 : i32
    %dma_start3A_42 = tpu.memref_slice %arg4[%add3A, %dma_start3A_40, %dma_start3A_41] : memref<32x80x128xi32, #tpu.memory_space<hbm>> -> memref<1x1x128xi32, #tpu.memory_space<hbm>>
    %dma_start3A_43 = tpu.memref_squeeze %dma_start3A_42 : memref<1x1x128xi32, #tpu.memory_space<hbm>> -> memref<128xi32, #tpu.memory_space<hbm>>
    %dma_start3A_44 = arith.constant 0 : i32
    %dma_start3A_45 = tpu.memref_slice %arg4[%add3A, %dma_start3A_40, %dma_start3A_44] : memref<32x80x128xi32, #tpu.memory_space<hbm>> -> memref<1x1x128xi32, #tpu.memory_space<hbm>>
    %dma_start3A_46 = tpu.memref_squeeze %dma_start3A_45 : memref<1x1x128xi32, #tpu.memory_space<hbm>> -> memref<128xi32, #tpu.memory_space<hbm>>
    tpu.enqueue_dma source(%dma_start3A_46 : memref<128xi32, #tpu.memory_space<hbm>>) target(%arg11 : memref<128xi32, #tpu.memory_space<vmem>>) target_semaphore(%arg19 : memref<!tpu.dma_semaphore, #tpu.memory_space<semaphore_mem>>)
    %dma_wait3A = arith.constant 0 : i32
    %dma_wait3A_47 = arith.constant 0 : i32
    %dma_wait3A_48 = tpu.memref_slice %arg3[%add3A, %dma_wait3A, %dma_wait3A_47] : memref<32x80x128xi32, #tpu.memory_space<hbm>> -> memref<1x1x128xi32, #tpu.memory_space<hbm>>
    %dma_wait3A_49 = tpu.memref_squeeze %dma_wait3A_48 : memref<1x1x128xi32, #tpu.memory_space<hbm>> -> memref<128xi32, #tpu.memory_space<hbm>>
    %dma_wait3A_50 = arith.constant 0 : i32
    %dma_wait3A_51 = tpu.memref_slice %arg3[%add3A, %dma_wait3A, %dma_wait3A_50] : memref<32x80x128xi32, #tpu.memory_space<hbm>> -> memref<1x1x128xi32, #tpu.memory_space<hbm>>
    %dma_wait3A_52 = tpu.memref_squeeze %dma_wait3A_51 : memref<1x1x128xi32, #tpu.memory_space<hbm>> -> memref<128xi32, #tpu.memory_space<hbm>>
    tpu.wait_dma2 semaphore(%arg15 : memref<!tpu.dma_semaphore, #tpu.memory_space<semaphore_mem>>) src(%dma_wait3A_52 : memref<128xi32, #tpu.memory_space<hbm>>) dst(%arg7 : memref<128xi32, #tpu.memory_space<vmem>>)
    %dma_start3A_53 = arith.constant 0 : i32
    %dma_start3A_54 = arith.constant 0 : i32
    %dma_start3A_55 = arith.constant 0 : i32
    %dma_start3A_56 = tpu.memref_slice %arg13[%dma_start3A_53, %dma_start3A_54, %dma_start3A_55] : memref<3x128x128xf32, #tpu.memory_space<vmem>> -> memref<1x128x128xf32, #tpu.memory_space<vmem>>
    %dma_start3A_57 = tpu.memref_squeeze %dma_start3A_56 : memref<1x128x128xf32, #tpu.memory_space<vmem>> -> memref<128x128xf32, #tpu.memory_space<vmem>>
    %dma_start3A_58 = arith.constant 0 : i32
    %dma_start3A_59 = arith.constant 0 : i32
    %dma_start3A_60 = tpu.memref_slice %arg2[%dma_start3A_58, %dma_start3A_59] : memref<10000x128xf32, #tpu.memory_space<hbm>> -> memref<10000x128xf32, #tpu.memory_space<hbm>>
    tpu.enqueue_indirect_dma source(%dma_start3A_60 : memref<10000x128xf32, #tpu.memory_space<hbm>>) target(%dma_start3A_57 : memref<128x128xf32, #tpu.memory_space<vmem>>) offsets(%arg7 : memref<128xi32, #tpu.memory_space<vmem>>) semaphore(%arg21 : memref<!tpu.dma_semaphore, #tpu.memory_space<semaphore_mem>>)
    %dma_wait3A_61 = arith.constant 0 : i32
    %dma_wait3A_62 = arith.constant 0 : i32
    %dma_wait3A_63 = tpu.memref_slice %arg3[%add3A, %dma_wait3A_61, %dma_wait3A_62] : memref<32x80x128xi32, #tpu.memory_space<hbm>> -> memref<1x1x128xi32, #tpu.memory_space<hbm>>
    %dma_wait3A_64 = tpu.memref_squeeze %dma_wait3A_63 : memref<1x1x128xi32, #tpu.memory_space<hbm>> -> memref<128xi32, #tpu.memory_space<hbm>>
    %dma_wait3A_65 = arith.constant 0 : i32
    %dma_wait3A_66 = tpu.memref_slice %arg3[%add3A, %dma_wait3A_61, %dma_wait3A_65] : memref<32x80x128xi32, #tpu.memory_space<hbm>> -> memref<1x1x128xi32, #tpu.memory_space<hbm>>
    %dma_wait3A_67 = tpu.memref_squeeze %dma_wait3A_66 : memref<1x1x128xi32, #tpu.memory_space<hbm>> -> memref<128xi32, #tpu.memory_space<hbm>>
    tpu.wait_dma2 semaphore(%arg16 : memref<!tpu.dma_semaphore, #tpu.memory_space<semaphore_mem>>) src(%dma_wait3A_67 : memref<128xi32, #tpu.memory_space<hbm>>) dst(%arg8 : memref<128xi32, #tpu.memory_space<vmem>>)
    %dma_start3A_68 = arith.constant 1 : i32
    %dma_start3A_69 = arith.constant 0 : i32
    %dma_start3A_70 = arith.constant 0 : i32
    %dma_start3A_71 = tpu.memref_slice %arg13[%dma_start3A_68, %dma_start3A_69, %dma_start3A_70] : memref<3x128x128xf32, #tpu.memory_space<vmem>> -> memref<1x128x128xf32, #tpu.memory_space<vmem>>
    %dma_start3A_72 = tpu.memref_squeeze %dma_start3A_71 : memref<1x128x128xf32, #tpu.memory_space<vmem>> -> memref<128x128xf32, #tpu.memory_space<vmem>>
    %dma_start3A_73 = arith.constant 0 : i32
    %dma_start3A_74 = arith.constant 0 : i32
    %dma_start3A_75 = tpu.memref_slice %arg2[%dma_start3A_73, %dma_start3A_74] : memref<10000x128xf32, #tpu.memory_space<hbm>> -> memref<10000x128xf32, #tpu.memory_space<hbm>>
    tpu.enqueue_indirect_dma source(%dma_start3A_75 : memref<10000x128xf32, #tpu.memory_space<hbm>>) target(%dma_start3A_72 : memref<128x128xf32, #tpu.memory_space<vmem>>) offsets(%arg8 : memref<128xi32, #tpu.memory_space<vmem>>) semaphore(%arg22 : memref<!tpu.dma_semaphore, #tpu.memory_space<semaphore_mem>>)
    %barrier3A = arith.constant 0 : index
    tpu.barrier barrier_id(%barrier3A)
    %dma_wait3A_76 = arith.constant 0 : i32
    %dma_wait3A_77 = arith.constant 0 : i32
    %dma_wait3A_78 = arith.constant 0 : i32
    %dma_wait3A_79 = tpu.memref_slice %arg13[%dma_wait3A_76, %dma_wait3A_77, %dma_wait3A_78] : memref<3x128x128xf32, #tpu.memory_space<vmem>> -> memref<1x128x128xf32, #tpu.memory_space<vmem>>
    %dma_wait3A_80 = tpu.memref_squeeze %dma_wait3A_79 : memref<1x128x128xf32, #tpu.memory_space<vmem>> -> memref<128x128xf32, #tpu.memory_space<vmem>>
    %dma_wait3A_81 = arith.constant 0 : i32
    %dma_wait3A_82 = arith.constant 0 : i32
    %dma_wait3A_83 = tpu.memref_slice %arg2[%dma_wait3A_81, %dma_wait3A_82] : memref<10000x128xf32, #tpu.memory_space<hbm>> -> memref<10000x128xf32, #tpu.memory_space<hbm>>
    tpu.wait_indirect_dma semaphore(%arg21 : memref<!tpu.dma_semaphore, #tpu.memory_space<semaphore_mem>>) src(%dma_wait3A_83 : memref<10000x128xf32, #tpu.memory_space<hbm>>) dst(%dma_wait3A_80 : memref<128x128xf32, #tpu.memory_space<vmem>>)
    %dma_wait3A_84 = arith.constant 0 : i32
    %dma_wait3A_85 = arith.constant 0 : i32
    %dma_wait3A_86 = tpu.memref_slice %arg4[%add3A, %dma_wait3A_84, %dma_wait3A_85] : memref<32x80x128xi32, #tpu.memory_space<hbm>> -> memref<1x1x128xi32, #tpu.memory_space<hbm>>
    %dma_wait3A_87 = tpu.memref_squeeze %dma_wait3A_86 : memref<1x1x128xi32, #tpu.memory_space<hbm>> -> memref<128xi32, #tpu.memory_space<hbm>>
    %dma_wait3A_88 = arith.constant 0 : i32
    %dma_wait3A_89 = tpu.memref_slice %arg4[%add3A, %dma_wait3A_84, %dma_wait3A_88] : memref<32x80x128xi32, #tpu.memory_space<hbm>> -> memref<1x1x128xi32, #tpu.memory_space<hbm>>
    %dma_wait3A_90 = tpu.memref_squeeze %dma_wait3A_89 : memref<1x1x128xi32, #tpu.memory_space<hbm>> -> memref<128xi32, #tpu.memory_space<hbm>>
    tpu.wait_dma2 semaphore(%arg18 : memref<!tpu.dma_semaphore, #tpu.memory_space<semaphore_mem>>) src(%dma_wait3A_90 : memref<128xi32, #tpu.memory_space<hbm>>) dst(%arg10 : memref<128xi32, #tpu.memory_space<vmem>>)
    %dma_start3A_91 = arith.constant 0 : i32
    %dma_start3A_92 = arith.constant 0 : i32
    %dma_start3A_93 = arith.constant 0 : i32
    %dma_start3A_94 = tpu.memref_slice %arg13[%dma_start3A_91, %dma_start3A_92, %dma_start3A_93] : memref<3x128x128xf32, #tpu.memory_space<vmem>> -> memref<1x128x128xf32, #tpu.memory_space<vmem>>
    %dma_start3A_95 = tpu.memref_squeeze %dma_start3A_94 : memref<1x128x128xf32, #tpu.memory_space<vmem>> -> memref<128x128xf32, #tpu.memory_space<vmem>>
    %dma_start3A_96 = arith.constant 0 : i32
    %dma_start3A_97 = arith.constant 0 : i32
    %dma_start3A_98 = tpu.memref_slice %arg14[%dma_start3A_96, %dma_start3A_97] : memref<10112x128xf32, #tpu.memory_space<vmem_shared>> -> memref<10112x128xf32, #tpu.memory_space<vmem_shared>>
    tpu.enqueue_indirect_dma source(%dma_start3A_95 : memref<128x128xf32, #tpu.memory_space<vmem>>) target(%dma_start3A_98 : memref<10112x128xf32, #tpu.memory_space<vmem_shared>>) offsets(%arg10 : memref<128xi32, #tpu.memory_space<vmem>>) semaphore(%arg24 : memref<!tpu.dma_semaphore, #tpu.memory_space<semaphore_mem>>) {add = true}
    %dma_wait3A_99 = arith.constant 0 : i32
    %dma_wait3A_100 = arith.constant 0 : i32
    %dma_wait3A_101 = tpu.memref_slice %arg3[%add3A, %dma_wait3A_99, %dma_wait3A_100] : memref<32x80x128xi32, #tpu.memory_space<hbm>> -> memref<1x1x128xi32, #tpu.memory_space<hbm>>
    %dma_wait3A_102 = tpu.memref_squeeze %dma_wait3A_101 : memref<1x1x128xi32, #tpu.memory_space<hbm>> -> memref<128xi32, #tpu.memory_space<hbm>>
    %dma_wait3A_103 = arith.constant 0 : i32
    %dma_wait3A_104 = tpu.memref_slice %arg3[%add3A, %dma_wait3A_99, %dma_wait3A_103] : memref<32x80x128xi32, #tpu.memory_space<hbm>> -> memref<1x1x128xi32, #tpu.memory_space<hbm>>
    %dma_wait3A_105 = tpu.memref_squeeze %dma_wait3A_104 : memref<1x1x128xi32, #tpu.memory_space<hbm>> -> memref<128xi32, #tpu.memory_space<hbm>>
    tpu.wait_dma2 semaphore(%arg17 : memref<!tpu.dma_semaphore, #tpu.memory_space<semaphore_mem>>) src(%dma_wait3A_105 : memref<128xi32, #tpu.memory_space<hbm>>) dst(%arg9 : memref<128xi32, #tpu.memory_space<vmem>>)
    %dma_start3A_106 = arith.constant 2 : i32
    %dma_start3A_107 = arith.constant 0 : i32
    %dma_start3A_108 = arith.constant 0 : i32
    %dma_start3A_109 = tpu.memref_slice %arg13[%dma_start3A_106, %dma_start3A_107, %dma_start3A_108] : memref<3x128x128xf32, #tpu.memory_space<vmem>> -> memref<1x128x128xf32, #tpu.memory_space<vmem>>
    %dma_start3A_110 = tpu.memref_squeeze %dma_start3A_109 : memref<1x128x128xf32, #tpu.memory_space<vmem>> -> memref<128x128xf32, #tpu.memory_space<vmem>>
    %dma_start3A_111 = arith.constant 0 : i32
    %dma_start3A_112 = arith.constant 0 : i32
    %dma_start3A_113 = tpu.memref_slice %arg2[%dma_start3A_111, %dma_start3A_112] : memref<10000x128xf32, #tpu.memory_space<hbm>> -> memref<10000x128xf32, #tpu.memory_space<hbm>>
    tpu.enqueue_indirect_dma source(%dma_start3A_113 : memref<10000x128xf32, #tpu.memory_space<hbm>>) target(%dma_start3A_110 : memref<128x128xf32, #tpu.memory_space<vmem>>) offsets(%arg9 : memref<128xi32, #tpu.memory_space<vmem>>) semaphore(%arg23 : memref<!tpu.dma_semaphore, #tpu.memory_space<semaphore_mem>>)
    %dma_start3A_114 = arith.constant 2 : i32
    %dma_start3A_115 = arith.constant 0 : i32
    %dma_start3A_116 = tpu.memref_slice %arg4[%add3A, %dma_start3A_114, %dma_start3A_115] : memref<32x80x128xi32, #tpu.memory_space<hbm>> -> memref<1x1x128xi32, #tpu.memory_space<hbm>>
    %dma_start3A_117 = tpu.memref_squeeze %dma_start3A_116 : memref<1x1x128xi32, #tpu.memory_space<hbm>> -> memref<128xi32, #tpu.memory_space<hbm>>
    %dma_start3A_118 = arith.constant 0 : i32
    %dma_start3A_119 = tpu.memref_slice %arg4[%add3A, %dma_start3A_114, %dma_start3A_118] : memref<32x80x128xi32, #tpu.memory_space<hbm>> -> memref<1x1x128xi32, #tpu.memory_space<hbm>>
    %dma_start3A_120 = tpu.memref_squeeze %dma_start3A_119 : memref<1x1x128xi32, #tpu.memory_space<hbm>> -> memref<128xi32, #tpu.memory_space<hbm>>
    tpu.enqueue_dma source(%dma_start3A_120 : memref<128xi32, #tpu.memory_space<hbm>>) target(%arg12 : memref<128xi32, #tpu.memory_space<vmem>>) target_semaphore(%arg20 : memref<!tpu.dma_semaphore, #tpu.memory_space<semaphore_mem>>)
    %dma_start3A_121 = arith.constant 3 : i32
    %dma_start3A_122 = arith.constant 0 : i32
    %dma_start3A_123 = tpu.memref_slice %arg3[%add3A, %dma_start3A_121, %dma_start3A_122] : memref<32x80x128xi32, #tpu.memory_space<hbm>> -> memref<1x1x128xi32, #tpu.memory_space<hbm>>
    %dma_start3A_124 = tpu.memref_squeeze %dma_start3A_123 : memref<1x1x128xi32, #tpu.memory_space<hbm>> -> memref<128xi32, #tpu.memory_space<hbm>>
    %dma_start3A_125 = arith.constant 0 : i32
    %dma_start3A_126 = tpu.memref_slice %arg3[%add3A, %dma_start3A_121, %dma_start3A_125] : memref<32x80x128xi32, #tpu.memory_space<hbm>> -> memref<1x1x128xi32, #tpu.memory_space<hbm>>
    %dma_start3A_127 = tpu.memref_squeeze %dma_start3A_126 : memref<1x1x128xi32, #tpu.memory_space<hbm>> -> memref<128xi32, #tpu.memory_space<hbm>>
    tpu.enqueue_dma source(%dma_start3A_127 : memref<128xi32, #tpu.memory_space<hbm>>) target(%arg7 : memref<128xi32, #tpu.memory_space<vmem>>) target_semaphore(%arg15 : memref<!tpu.dma_semaphore, #tpu.memory_space<semaphore_mem>>)
    %scan3A = arith.constant 0 : i32
    %scan3A_128 = arith.constant 0 : i32
    %scan3A_129 = arith.constant 25 : i32
    %scan3A_130 = arith.addi %scan3A_128, %scan3A_129 : i32
    %scan3A_131 = arith.constant 1 : i32
    scf.for %scan3A_317 = %scan3A_128 to %scan3A_130 step %scan3A_131  : i32 {
      %mul3A_318 = arith.constant 3 : i32
      %mul3A_319 = arith.muli %scan3A_317, %mul3A_318 : i32
      %add3A_320 = arith.constant 1 : i32
      %add3A_321 = arith.addi %mul3A_319, %add3A_320 : i32
      %add3A_322 = arith.constant 0 : i32
      %add3A_323 = arith.addi %add3A_321, %add3A_322 : i32
      %dma_wait3A_324 = arith.constant 1 : i32
      %dma_wait3A_325 = arith.constant 0 : i32
      %dma_wait3A_326 = arith.constant 0 : i32
      %dma_wait3A_327 = tpu.memref_slice %arg13[%dma_wait3A_324, %dma_wait3A_325, %dma_wait3A_326] : memref<3x128x128xf32, #tpu.memory_space<vmem>> -> memref<1x128x128xf32, #tpu.memory_space<vmem>>
      %dma_wait3A_328 = tpu.memref_squeeze %dma_wait3A_327 : memref<1x128x128xf32, #tpu.memory_space<vmem>> -> memref<128x128xf32, #tpu.memory_space<vmem>>
      %dma_wait3A_329 = arith.constant 0 : i32
      %dma_wait3A_330 = arith.constant 0 : i32
      %dma_wait3A_331 = tpu.memref_slice %arg2[%dma_wait3A_329, %dma_wait3A_330] : memref<10000x128xf32, #tpu.memory_space<hbm>> -> memref<10000x128xf32, #tpu.memory_space<hbm>>
      tpu.wait_indirect_dma semaphore(%arg22 : memref<!tpu.dma_semaphore, #tpu.memory_space<semaphore_mem>>) src(%dma_wait3A_331 : memref<10000x128xf32, #tpu.memory_space<hbm>>) dst(%dma_wait3A_328 : memref<128x128xf32, #tpu.memory_space<vmem>>)
      %dma_wait3A_332 = arith.constant 0 : i32
      %dma_wait3A_333 = arith.constant 0 : i32
      %dma_wait3A_334 = tpu.memref_slice %arg4[%add3A, %dma_wait3A_332, %dma_wait3A_333] : memref<32x80x128xi32, #tpu.memory_space<hbm>> -> memref<1x1x128xi32, #tpu.memory_space<hbm>>
      %dma_wait3A_335 = tpu.memref_squeeze %dma_wait3A_334 : memref<1x1x128xi32, #tpu.memory_space<hbm>> -> memref<128xi32, #tpu.memory_space<hbm>>
      %dma_wait3A_336 = arith.constant 0 : i32
      %dma_wait3A_337 = tpu.memref_slice %arg4[%add3A, %dma_wait3A_332, %dma_wait3A_336] : memref<32x80x128xi32, #tpu.memory_space<hbm>> -> memref<1x1x128xi32, #tpu.memory_space<hbm>>
      %dma_wait3A_338 = tpu.memref_squeeze %dma_wait3A_337 : memref<1x1x128xi32, #tpu.memory_space<hbm>> -> memref<128xi32, #tpu.memory_space<hbm>>
      tpu.wait_dma2 semaphore(%arg19 : memref<!tpu.dma_semaphore, #tpu.memory_space<semaphore_mem>>) src(%dma_wait3A_338 : memref<128xi32, #tpu.memory_space<hbm>>) dst(%arg11 : memref<128xi32, #tpu.memory_space<vmem>>)
      %dma_start3A_339 = arith.constant 1 : i32
      %dma_start3A_340 = arith.constant 0 : i32
      %dma_start3A_341 = arith.constant 0 : i32
      %dma_start3A_342 = tpu.memref_slice %arg13[%dma_start3A_339, %dma_start3A_340, %dma_start3A_341] : memref<3x128x128xf32, #tpu.memory_space<vmem>> -> memref<1x128x128xf32, #tpu.memory_space<vmem>>
      %dma_start3A_343 = tpu.memref_squeeze %dma_start3A_342 : memref<1x128x128xf32, #tpu.memory_space<vmem>> -> memref<128x128xf32, #tpu.memory_space<vmem>>
      %dma_start3A_344 = arith.constant 0 : i32
      %dma_start3A_345 = arith.constant 0 : i32
      %dma_start3A_346 = tpu.memref_slice %arg14[%dma_start3A_344, %dma_start3A_345] : memref<10112x128xf32, #tpu.memory_space<vmem_shared>> -> memref<10112x128xf32, #tpu.memory_space<vmem_shared>>
      tpu.enqueue_indirect_dma source(%dma_start3A_343 : memref<128x128xf32, #tpu.memory_space<vmem>>) target(%dma_start3A_346 : memref<10112x128xf32, #tpu.memory_space<vmem_shared>>) offsets(%arg11 : memref<128xi32, #tpu.memory_space<vmem>>) semaphore(%arg25 : memref<!tpu.dma_semaphore, #tpu.memory_space<semaphore_mem>>) {add = true}
      %dma_wait3A_347 = arith.constant 0 : i32
      %dma_wait3A_348 = arith.constant 0 : i32
      %dma_wait3A_349 = arith.constant 0 : i32
      %dma_wait3A_350 = tpu.memref_slice %arg13[%dma_wait3A_347, %dma_wait3A_348, %dma_wait3A_349] : memref<3x128x128xf32, #tpu.memory_space<vmem>> -> memref<1x128x128xf32, #tpu.memory_space<vmem>>
      %dma_wait3A_351 = tpu.memref_squeeze %dma_wait3A_350 : memref<1x128x128xf32, #tpu.memory_space<vmem>> -> memref<128x128xf32, #tpu.memory_space<vmem>>
      %dma_wait3A_352 = arith.constant 0 : i32
      %dma_wait3A_353 = arith.constant 0 : i32
      %dma_wait3A_354 = tpu.memref_slice %arg14[%dma_wait3A_352, %dma_wait3A_353] : memref<10112x128xf32, #tpu.memory_space<vmem_shared>> -> memref<10112x128xf32, #tpu.memory_space<vmem_shared>>
      tpu.wait_indirect_dma semaphore(%arg24 : memref<!tpu.dma_semaphore, #tpu.memory_space<semaphore_mem>>) src(%dma_wait3A_351 : memref<128x128xf32, #tpu.memory_space<vmem>>) dst(%dma_wait3A_354 : memref<10112x128xf32, #tpu.memory_space<vmem_shared>>)
      %dma_wait3A_355 = arith.constant 0 : i32
      %dma_wait3A_356 = arith.constant 0 : i32
      %dma_wait3A_357 = tpu.memref_slice %arg3[%add3A, %dma_wait3A_355, %dma_wait3A_356] : memref<32x80x128xi32, #tpu.memory_space<hbm>> -> memref<1x1x128xi32, #tpu.memory_space<hbm>>
      %dma_wait3A_358 = tpu.memref_squeeze %dma_wait3A_357 : memref<1x1x128xi32, #tpu.memory_space<hbm>> -> memref<128xi32, #tpu.memory_space<hbm>>
      %dma_wait3A_359 = arith.constant 0 : i32
      %dma_wait3A_360 = tpu.memref_slice %arg3[%add3A, %dma_wait3A_355, %dma_wait3A_359] : memref<32x80x128xi32, #tpu.memory_space<hbm>> -> memref<1x1x128xi32, #tpu.memory_space<hbm>>
      %dma_wait3A_361 = tpu.memref_squeeze %dma_wait3A_360 : memref<1x1x128xi32, #tpu.memory_space<hbm>> -> memref<128xi32, #tpu.memory_space<hbm>>
      tpu.wait_dma2 semaphore(%arg15 : memref<!tpu.dma_semaphore, #tpu.memory_space<semaphore_mem>>) src(%dma_wait3A_361 : memref<128xi32, #tpu.memory_space<hbm>>) dst(%arg7 : memref<128xi32, #tpu.memory_space<vmem>>)
      %dma_start3A_362 = arith.constant 0 : i32
      %dma_start3A_363 = arith.constant 0 : i32
      %dma_start3A_364 = arith.constant 0 : i32
      %dma_start3A_365 = tpu.memref_slice %arg13[%dma_start3A_362, %dma_start3A_363, %dma_start3A_364] : memref<3x128x128xf32, #tpu.memory_space<vmem>> -> memref<1x128x128xf32, #tpu.memory_space<vmem>>
      %dma_start3A_366 = tpu.memref_squeeze %dma_start3A_365 : memref<1x128x128xf32, #tpu.memory_space<vmem>> -> memref<128x128xf32, #tpu.memory_space<vmem>>
      %dma_start3A_367 = arith.constant 0 : i32
      %dma_start3A_368 = arith.constant 0 : i32
      %dma_start3A_369 = tpu.memref_slice %arg2[%dma_start3A_367, %dma_start3A_368] : memref<10000x128xf32, #tpu.memory_space<hbm>> -> memref<10000x128xf32, #tpu.memory_space<hbm>>
      tpu.enqueue_indirect_dma source(%dma_start3A_369 : memref<10000x128xf32, #tpu.memory_space<hbm>>) target(%dma_start3A_366 : memref<128x128xf32, #tpu.memory_space<vmem>>) offsets(%arg7 : memref<128xi32, #tpu.memory_space<vmem>>) semaphore(%arg21 : memref<!tpu.dma_semaphore, #tpu.memory_space<semaphore_mem>>)
      %add3A_370 = arith.constant 2 : i32
      %add3A_371 = arith.addi %add3A_323, %add3A_370 : i32
      %dma_start3A_372 = arith.constant 0 : i32
      %dma_start3A_373 = tpu.memref_slice %arg4[%add3A, %add3A_371, %dma_start3A_372] : memref<32x80x128xi32, #tpu.memory_space<hbm>> -> memref<1x1x128xi32, #tpu.memory_space<hbm>>
      %dma_start3A_374 = tpu.memref_squeeze %dma_start3A_373 : memref<1x1x128xi32, #tpu.memory_space<hbm>> -> memref<128xi32, #tpu.memory_space<hbm>>
      %dma_start3A_375 = arith.constant 0 : i32
      %dma_start3A_376 = tpu.memref_slice %arg4[%add3A, %add3A_371, %dma_start3A_375] : memref<32x80x128xi32, #tpu.memory_space<hbm>> -> memref<1x1x128xi32, #tpu.memory_space<hbm>>
      %dma_start3A_377 = tpu.memref_squeeze %dma_start3A_376 : memref<1x1x128xi32, #tpu.memory_space<hbm>> -> memref<128xi32, #tpu.memory_space<hbm>>
      tpu.enqueue_dma source(%dma_start3A_377 : memref<128xi32, #tpu.memory_space<hbm>>) target(%arg10 : memref<128xi32, #tpu.memory_space<vmem>>) target_semaphore(%arg18 : memref<!tpu.dma_semaphore, #tpu.memory_space<semaphore_mem>>)
      %add3A_378 = arith.constant 3 : i32
      %add3A_379 = arith.addi %add3A_323, %add3A_378 : i32
      %dma_start3A_380 = arith.constant 0 : i32
      %dma_start3A_381 = tpu.memref_slice %arg3[%add3A, %add3A_379, %dma_start3A_380] : memref<32x80x128xi32, #tpu.memory_space<hbm>> -> memref<1x1x128xi32, #tpu.memory_space<hbm>>
      %dma_start3A_382 = tpu.memref_squeeze %dma_start3A_381 : memref<1x1x128xi32, #tpu.memory_space<hbm>> -> memref<128xi32, #tpu.memory_space<hbm>>
      %dma_start3A_383 = arith.constant 0 : i32
      %dma_start3A_384 = tpu.memref_slice %arg3[%add3A, %add3A_379, %dma_start3A_383] : memref<32x80x128xi32, #tpu.memory_space<hbm>> -> memref<1x1x128xi32, #tpu.memory_space<hbm>>
      %dma_start3A_385 = tpu.memref_squeeze %dma_start3A_384 : memref<1x1x128xi32, #tpu.memory_space<hbm>> -> memref<128xi32, #tpu.memory_space<hbm>>
      tpu.enqueue_dma source(%dma_start3A_385 : memref<128xi32, #tpu.memory_space<hbm>>) target(%arg8 : memref<128xi32, #tpu.memory_space<vmem>>) target_semaphore(%arg16 : memref<!tpu.dma_semaphore, #tpu.memory_space<semaphore_mem>>)
      %mul3A_386 = arith.constant 3 : i32
      %mul3A_387 = arith.muli %scan3A_317, %mul3A_386 : i32
      %add3A_388 = arith.constant 1 : i32
      %add3A_389 = arith.addi %mul3A_387, %add3A_388 : i32
      %add3A_390 = arith.constant 1 : i32
      %add3A_391 = arith.addi %add3A_389, %add3A_390 : i32
      %dma_wait3A_392 = arith.constant 2 : i32
      %dma_wait3A_393 = arith.constant 0 : i32
      %dma_wait3A_394 = arith.constant 0 : i32
      %dma_wait3A_395 = tpu.memref_slice %arg13[%dma_wait3A_392, %dma_wait3A_393, %dma_wait3A_394] : memref<3x128x128xf32, #tpu.memory_space<vmem>> -> memref<1x128x128xf32, #tpu.memory_space<vmem>>
      %dma_wait3A_396 = tpu.memref_squeeze %dma_wait3A_395 : memref<1x128x128xf32, #tpu.memory_space<vmem>> -> memref<128x128xf32, #tpu.memory_space<vmem>>
      %dma_wait3A_397 = arith.constant 0 : i32
      %dma_wait3A_398 = arith.constant 0 : i32
      %dma_wait3A_399 = tpu.memref_slice %arg2[%dma_wait3A_397, %dma_wait3A_398] : memref<10000x128xf32, #tpu.memory_space<hbm>> -> memref<10000x128xf32, #tpu.memory_space<hbm>>
      tpu.wait_indirect_dma semaphore(%arg23 : memref<!tpu.dma_semaphore, #tpu.memory_space<semaphore_mem>>) src(%dma_wait3A_399 : memref<10000x128xf32, #tpu.memory_space<hbm>>) dst(%dma_wait3A_396 : memref<128x128xf32, #tpu.memory_space<vmem>>)
      %dma_wait3A_400 = arith.constant 0 : i32
      %dma_wait3A_401 = arith.constant 0 : i32
      %dma_wait3A_402 = tpu.memref_slice %arg4[%add3A, %dma_wait3A_400, %dma_wait3A_401] : memref<32x80x128xi32, #tpu.memory_space<hbm>> -> memref<1x1x128xi32, #tpu.memory_space<hbm>>
      %dma_wait3A_403 = tpu.memref_squeeze %dma_wait3A_402 : memref<1x1x128xi32, #tpu.memory_space<hbm>> -> memref<128xi32, #tpu.memory_space<hbm>>
      %dma_wait3A_404 = arith.constant 0 : i32
      %dma_wait3A_405 = tpu.memref_slice %arg4[%add3A, %dma_wait3A_400, %dma_wait3A_404] : memref<32x80x128xi32, #tpu.memory_space<hbm>> -> memref<1x1x128xi32, #tpu.memory_space<hbm>>
      %dma_wait3A_406 = tpu.memref_squeeze %dma_wait3A_405 : memref<1x1x128xi32, #tpu.memory_space<hbm>> -> memref<128xi32, #tpu.memory_space<hbm>>
      tpu.wait_dma2 semaphore(%arg20 : memref<!tpu.dma_semaphore, #tpu.memory_space<semaphore_mem>>) src(%dma_wait3A_406 : memref<128xi32, #tpu.memory_space<hbm>>) dst(%arg12 : memref<128xi32, #tpu.memory_space<vmem>>)
      %dma_start3A_407 = arith.constant 2 : i32
      %dma_start3A_408 = arith.constant 0 : i32
      %dma_start3A_409 = arith.constant 0 : i32
      %dma_start3A_410 = tpu.memref_slice %arg13[%dma_start3A_407, %dma_start3A_408, %dma_start3A_409] : memref<3x128x128xf32, #tpu.memory_space<vmem>> -> memref<1x128x128xf32, #tpu.memory_space<vmem>>
      %dma_start3A_411 = tpu.memref_squeeze %dma_start3A_410 : memref<1x128x128xf32, #tpu.memory_space<vmem>> -> memref<128x128xf32, #tpu.memory_space<vmem>>
      %dma_start3A_412 = arith.constant 0 : i32
      %dma_start3A_413 = arith.constant 0 : i32
      %dma_start3A_414 = tpu.memref_slice %arg14[%dma_start3A_412, %dma_start3A_413] : memref<10112x128xf32, #tpu.memory_space<vmem_shared>> -> memref<10112x128xf32, #tpu.memory_space<vmem_shared>>
      tpu.enqueue_indirect_dma source(%dma_start3A_411 : memref<128x128xf32, #tpu.memory_space<vmem>>) target(%dma_start3A_414 : memref<10112x128xf32, #tpu.memory_space<vmem_shared>>) offsets(%arg12 : memref<128xi32, #tpu.memory_space<vmem>>) semaphore(%arg26 : memref<!tpu.dma_semaphore, #tpu.memory_space<semaphore_mem>>) {add = true}
      %dma_wait3A_415 = arith.constant 1 : i32
      %dma_wait3A_416 = arith.constant 0 : i32
      %dma_wait3A_417 = arith.constant 0 : i32
      %dma_wait3A_418 = tpu.memref_slice %arg13[%dma_wait3A_415, %dma_wait3A_416, %dma_wait3A_417] : memref<3x128x128xf32, #tpu.memory_space<vmem>> -> memref<1x128x128xf32, #tpu.memory_space<vmem>>
      %dma_wait3A_419 = tpu.memref_squeeze %dma_wait3A_418 : memref<1x128x128xf32, #tpu.memory_space<vmem>> -> memref<128x128xf32, #tpu.memory_space<vmem>>
      %dma_wait3A_420 = arith.constant 0 : i32
      %dma_wait3A_421 = arith.constant 0 : i32
      %dma_wait3A_422 = tpu.memref_slice %arg14[%dma_wait3A_420, %dma_wait3A_421] : memref<10112x128xf32, #tpu.memory_space<vmem_shared>> -> memref<10112x128xf32, #tpu.memory_space<vmem_shared>>
      tpu.wait_indirect_dma semaphore(%arg25 : memref<!tpu.dma_semaphore, #tpu.memory_space<semaphore_mem>>) src(%dma_wait3A_419 : memref<128x128xf32, #tpu.memory_space<vmem>>) dst(%dma_wait3A_422 : memref<10112x128xf32, #tpu.memory_space<vmem_shared>>)
      %dma_wait3A_423 = arith.constant 0 : i32
      %dma_wait3A_424 = arith.constant 0 : i32
      %dma_wait3A_425 = tpu.memref_slice %arg3[%add3A, %dma_wait3A_423, %dma_wait3A_424] : memref<32x80x128xi32, #tpu.memory_space<hbm>> -> memref<1x1x128xi32, #tpu.memory_space<hbm>>
      %dma_wait3A_426 = tpu.memref_squeeze %dma_wait3A_425 : memref<1x1x128xi32, #tpu.memory_space<hbm>> -> memref<128xi32, #tpu.memory_space<hbm>>
      %dma_wait3A_427 = arith.constant 0 : i32
      %dma_wait3A_428 = tpu.memref_slice %arg3[%add3A, %dma_wait3A_423, %dma_wait3A_427] : memref<32x80x128xi32, #tpu.memory_space<hbm>> -> memref<1x1x128xi32, #tpu.memory_space<hbm>>
      %dma_wait3A_429 = tpu.memref_squeeze %dma_wait3A_428 : memref<1x1x128xi32, #tpu.memory_space<hbm>> -> memref<128xi32, #tpu.memory_space<hbm>>
      tpu.wait_dma2 semaphore(%arg16 : memref<!tpu.dma_semaphore, #tpu.memory_space<semaphore_mem>>) src(%dma_wait3A_429 : memref<128xi32, #tpu.memory_space<hbm>>) dst(%arg8 : memref<128xi32, #tpu.memory_space<vmem>>)
      %dma_start3A_430 = arith.constant 1 : i32
      %dma_start3A_431 = arith.constant 0 : i32
      %dma_start3A_432 = arith.constant 0 : i32
      %dma_start3A_433 = tpu.memref_slice %arg13[%dma_start3A_430, %dma_start3A_431, %dma_start3A_432] : memref<3x128x128xf32, #tpu.memory_space<vmem>> -> memref<1x128x128xf32, #tpu.memory_space<vmem>>
      %dma_start3A_434 = tpu.memref_squeeze %dma_start3A_433 : memref<1x128x128xf32, #tpu.memory_space<vmem>> -> memref<128x128xf32, #tpu.memory_space<vmem>>
      %dma_start3A_435 = arith.constant 0 : i32
      %dma_start3A_436 = arith.constant 0 : i32
      %dma_start3A_437 = tpu.memref_slice %arg2[%dma_start3A_435, %dma_start3A_436] : memref<10000x128xf32, #tpu.memory_space<hbm>> -> memref<10000x128xf32, #tpu.memory_space<hbm>>
      tpu.enqueue_indirect_dma source(%dma_start3A_437 : memref<10000x128xf32, #tpu.memory_space<hbm>>) target(%dma_start3A_434 : memref<128x128xf32, #tpu.memory_space<vmem>>) offsets(%arg8 : memref<128xi32, #tpu.memory_space<vmem>>) semaphore(%arg22 : memref<!tpu.dma_semaphore, #tpu.memory_space<semaphore_mem>>)
      %add3A_438 = arith.constant 2 : i32
      %add3A_439 = arith.addi %add3A_391, %add3A_438 : i32
      %dma_start3A_440 = arith.constant 0 : i32
      %dma_start3A_441 = tpu.memref_slice %arg4[%add3A, %add3A_439, %dma_start3A_440] : memref<32x80x128xi32, #tpu.memory_space<hbm>> -> memref<1x1x128xi32, #tpu.memory_space<hbm>>
      %dma_start3A_442 = tpu.memref_squeeze %dma_start3A_441 : memref<1x1x128xi32, #tpu.memory_space<hbm>> -> memref<128xi32, #tpu.memory_space<hbm>>
      %dma_start3A_443 = arith.constant 0 : i32
      %dma_start3A_444 = tpu.memref_slice %arg4[%add3A, %add3A_439, %dma_start3A_443] : memref<32x80x128xi32, #tpu.memory_space<hbm>> -> memref<1x1x128xi32, #tpu.memory_space<hbm>>
      %dma_start3A_445 = tpu.memref_squeeze %dma_start3A_444 : memref<1x1x128xi32, #tpu.memory_space<hbm>> -> memref<128xi32, #tpu.memory_space<hbm>>
      tpu.enqueue_dma source(%dma_start3A_445 : memref<128xi32, #tpu.memory_space<hbm>>) target(%arg11 : memref<128xi32, #tpu.memory_space<vmem>>) target_semaphore(%arg19 : memref<!tpu.dma_semaphore, #tpu.memory_space<semaphore_mem>>)
      %add3A_446 = arith.constant 3 : i32
      %add3A_447 = arith.addi %add3A_391, %add3A_446 : i32
      %dma_start3A_448 = arith.constant 0 : i32
      %dma_start3A_449 = tpu.memref_slice %arg3[%add3A, %add3A_447, %dma_start3A_448] : memref<32x80x128xi32, #tpu.memory_space<hbm>> -> memref<1x1x128xi32, #tpu.memory_space<hbm>>
      %dma_start3A_450 = tpu.memref_squeeze %dma_start3A_449 : memref<1x1x128xi32, #tpu.memory_space<hbm>> -> memref<128xi32, #tpu.memory_space<hbm>>
      %dma_start3A_451 = arith.constant 0 : i32
      %dma_start3A_452 = tpu.memref_slice %arg3[%add3A, %add3A_447, %dma_start3A_451] : memref<32x80x128xi32, #tpu.memory_space<hbm>> -> memref<1x1x128xi32, #tpu.memory_space<hbm>>
      %dma_start3A_453 = tpu.memref_squeeze %dma_start3A_452 : memref<1x1x128xi32, #tpu.memory_space<hbm>> -> memref<128xi32, #tpu.memory_space<hbm>>
      tpu.enqueue_dma source(%dma_start3A_453 : memref<128xi32, #tpu.memory_space<hbm>>) target(%arg9 : memref<128xi32, #tpu.memory_space<vmem>>) target_semaphore(%arg17 : memref<!tpu.dma_semaphore, #tpu.memory_space<semaphore_mem>>)
      %mul3A_454 = arith.constant 3 : i32
      %mul3A_455 = arith.muli %scan3A_317, %mul3A_454 : i32
      %add3A_456 = arith.constant 1 : i32
      %add3A_457 = arith.addi %mul3A_455, %add3A_456 : i32
      %add3A_458 = arith.constant 2 : i32
      %add3A_459 = arith.addi %add3A_457, %add3A_458 : i32
      %dma_wait3A_460 = arith.constant 0 : i32
      %dma_wait3A_461 = arith.constant 0 : i32
      %dma_wait3A_462 = arith.constant 0 : i32
      %dma_wait3A_463 = tpu.memref_slice %arg13[%dma_wait3A_460, %dma_wait3A_461, %dma_wait3A_462] : memref<3x128x128xf32, #tpu.memory_space<vmem>> -> memref<1x128x128xf32, #tpu.memory_space<vmem>>
      %dma_wait3A_464 = tpu.memref_squeeze %dma_wait3A_463 : memref<1x128x128xf32, #tpu.memory_space<vmem>> -> memref<128x128xf32, #tpu.memory_space<vmem>>
      %dma_wait3A_465 = arith.constant 0 : i32
      %dma_wait3A_466 = arith.constant 0 : i32
      %dma_wait3A_467 = tpu.memref_slice %arg2[%dma_wait3A_465, %dma_wait3A_466] : memref<10000x128xf32, #tpu.memory_space<hbm>> -> memref<10000x128xf32, #tpu.memory_space<hbm>>
      tpu.wait_indirect_dma semaphore(%arg21 : memref<!tpu.dma_semaphore, #tpu.memory_space<semaphore_mem>>) src(%dma_wait3A_467 : memref<10000x128xf32, #tpu.memory_space<hbm>>) dst(%dma_wait3A_464 : memref<128x128xf32, #tpu.memory_space<vmem>>)
      %dma_wait3A_468 = arith.constant 0 : i32
      %dma_wait3A_469 = arith.constant 0 : i32
      %dma_wait3A_470 = tpu.memref_slice %arg4[%add3A, %dma_wait3A_468, %dma_wait3A_469] : memref<32x80x128xi32, #tpu.memory_space<hbm>> -> memref<1x1x128xi32, #tpu.memory_space<hbm>>
      %dma_wait3A_471 = tpu.memref_squeeze %dma_wait3A_470 : memref<1x1x128xi32, #tpu.memory_space<hbm>> -> memref<128xi32, #tpu.memory_space<hbm>>
      %dma_wait3A_472 = arith.constant 0 : i32
      %dma_wait3A_473 = tpu.memref_slice %arg4[%add3A, %dma_wait3A_468, %dma_wait3A_472] : memref<32x80x128xi32, #tpu.memory_space<hbm>> -> memref<1x1x128xi32, #tpu.memory_space<hbm>>
      %dma_wait3A_474 = tpu.memref_squeeze %dma_wait3A_473 : memref<1x1x128xi32, #tpu.memory_space<hbm>> -> memref<128xi32, #tpu.memory_space<hbm>>
      tpu.wait_dma2 semaphore(%arg18 : memref<!tpu.dma_semaphore, #tpu.memory_space<semaphore_mem>>) src(%dma_wait3A_474 : memref<128xi32, #tpu.memory_space<hbm>>) dst(%arg10 : memref<128xi32, #tpu.memory_space<vmem>>)
      %dma_start3A_475 = arith.constant 0 : i32
      %dma_start3A_476 = arith.constant 0 : i32
      %dma_start3A_477 = arith.constant 0 : i32
      %dma_start3A_478 = tpu.memref_slice %arg13[%dma_start3A_475, %dma_start3A_476, %dma_start3A_477] : memref<3x128x128xf32, #tpu.memory_space<vmem>> -> memref<1x128x128xf32, #tpu.memory_space<vmem>>
      %dma_start3A_479 = tpu.memref_squeeze %dma_start3A_478 : memref<1x128x128xf32, #tpu.memory_space<vmem>> -> memref<128x128xf32, #tpu.memory_space<vmem>>
      %dma_start3A_480 = arith.constant 0 : i32
      %dma_start3A_481 = arith.constant 0 : i32
      %dma_start3A_482 = tpu.memref_slice %arg14[%dma_start3A_480, %dma_start3A_481] : memref<10112x128xf32, #tpu.memory_space<vmem_shared>> -> memref<10112x128xf32, #tpu.memory_space<vmem_shared>>
      tpu.enqueue_indirect_dma source(%dma_start3A_479 : memref<128x128xf32, #tpu.memory_space<vmem>>) target(%dma_start3A_482 : memref<10112x128xf32, #tpu.memory_space<vmem_shared>>) offsets(%arg10 : memref<128xi32, #tpu.memory_space<vmem>>) semaphore(%arg24 : memref<!tpu.dma_semaphore, #tpu.memory_space<semaphore_mem>>) {add = true}
      %dma_wait3A_483 = arith.constant 2 : i32
      %dma_wait3A_484 = arith.constant 0 : i32
      %dma_wait3A_485 = arith.constant 0 : i32
      %dma_wait3A_486 = tpu.memref_slice %arg13[%dma_wait3A_483, %dma_wait3A_484, %dma_wait3A_485] : memref<3x128x128xf32, #tpu.memory_space<vmem>> -> memref<1x128x128xf32, #tpu.memory_space<vmem>>
      %dma_wait3A_487 = tpu.memref_squeeze %dma_wait3A_486 : memref<1x128x128xf32, #tpu.memory_space<vmem>> -> memref<128x128xf32, #tpu.memory_space<vmem>>
      %dma_wait3A_488 = arith.constant 0 : i32
      %dma_wait3A_489 = arith.constant 0 : i32
      %dma_wait3A_490 = tpu.memref_slice %arg14[%dma_wait3A_488, %dma_wait3A_489] : memref<10112x128xf32, #tpu.memory_space<vmem_shared>> -> memref<10112x128xf32, #tpu.memory_space<vmem_shared>>
      tpu.wait_indirect_dma semaphore(%arg26 : memref<!tpu.dma_semaphore, #tpu.memory_space<semaphore_mem>>) src(%dma_wait3A_487 : memref<128x128xf32, #tpu.memory_space<vmem>>) dst(%dma_wait3A_490 : memref<10112x128xf32, #tpu.memory_space<vmem_shared>>)
      %dma_wait3A_491 = arith.constant 0 : i32
      %dma_wait3A_492 = arith.constant 0 : i32
      %dma_wait3A_493 = tpu.memref_slice %arg3[%add3A, %dma_wait3A_491, %dma_wait3A_492] : memref<32x80x128xi32, #tpu.memory_space<hbm>> -> memref<1x1x128xi32, #tpu.memory_space<hbm>>
      %dma_wait3A_494 = tpu.memref_squeeze %dma_wait3A_493 : memref<1x1x128xi32, #tpu.memory_space<hbm>> -> memref<128xi32, #tpu.memory_space<hbm>>
      %dma_wait3A_495 = arith.constant 0 : i32
      %dma_wait3A_496 = tpu.memref_slice %arg3[%add3A, %dma_wait3A_491, %dma_wait3A_495] : memref<32x80x128xi32, #tpu.memory_space<hbm>> -> memref<1x1x128xi32, #tpu.memory_space<hbm>>
      %dma_wait3A_497 = tpu.memref_squeeze %dma_wait3A_496 : memref<1x1x128xi32, #tpu.memory_space<hbm>> -> memref<128xi32, #tpu.memory_space<hbm>>
      tpu.wait_dma2 semaphore(%arg17 : memref<!tpu.dma_semaphore, #tpu.memory_space<semaphore_mem>>) src(%dma_wait3A_497 : memref<128xi32, #tpu.memory_space<hbm>>) dst(%arg9 : memref<128xi32, #tpu.memory_space<vmem>>)
      %dma_start3A_498 = arith.constant 2 : i32
      %dma_start3A_499 = arith.constant 0 : i32
      %dma_start3A_500 = arith.constant 0 : i32
      %dma_start3A_501 = tpu.memref_slice %arg13[%dma_start3A_498, %dma_start3A_499, %dma_start3A_500] : memref<3x128x128xf32, #tpu.memory_space<vmem>> -> memref<1x128x128xf32, #tpu.memory_space<vmem>>
      %dma_start3A_502 = tpu.memref_squeeze %dma_start3A_501 : memref<1x128x128xf32, #tpu.memory_space<vmem>> -> memref<128x128xf32, #tpu.memory_space<vmem>>
      %dma_start3A_503 = arith.constant 0 : i32
      %dma_start3A_504 = arith.constant 0 : i32
      %dma_start3A_505 = tpu.memref_slice %arg2[%dma_start3A_503, %dma_start3A_504] : memref<10000x128xf32, #tpu.memory_space<hbm>> -> memref<10000x128xf32, #tpu.memory_space<hbm>>
      tpu.enqueue_indirect_dma source(%dma_start3A_505 : memref<10000x128xf32, #tpu.memory_space<hbm>>) target(%dma_start3A_502 : memref<128x128xf32, #tpu.memory_space<vmem>>) offsets(%arg9 : memref<128xi32, #tpu.memory_space<vmem>>) semaphore(%arg23 : memref<!tpu.dma_semaphore, #tpu.memory_space<semaphore_mem>>)
      %add3A_506 = arith.constant 2 : i32
      %add3A_507 = arith.addi %add3A_459, %add3A_506 : i32
      %dma_start3A_508 = arith.constant 0 : i32
      %dma_start3A_509 = tpu.memref_slice %arg4[%add3A, %add3A_507, %dma_start3A_508] : memref<32x80x128xi32, #tpu.memory_space<hbm>> -> memref<1x1x128xi32, #tpu.memory_space<hbm>>
      %dma_start3A_510 = tpu.memref_squeeze %dma_start3A_509 : memref<1x1x128xi32, #tpu.memory_space<hbm>> -> memref<128xi32, #tpu.memory_space<hbm>>
      %dma_start3A_511 = arith.constant 0 : i32
      %dma_start3A_512 = tpu.memref_slice %arg4[%add3A, %add3A_507, %dma_start3A_511] : memref<32x80x128xi32, #tpu.memory_space<hbm>> -> memref<1x1x128xi32, #tpu.memory_space<hbm>>
      %dma_start3A_513 = tpu.memref_squeeze %dma_start3A_512 : memref<1x1x128xi32, #tpu.memory_space<hbm>> -> memref<128xi32, #tpu.memory_space<hbm>>
      tpu.enqueue_dma source(%dma_start3A_513 : memref<128xi32, #tpu.memory_space<hbm>>) target(%arg12 : memref<128xi32, #tpu.memory_space<vmem>>) target_semaphore(%arg20 : memref<!tpu.dma_semaphore, #tpu.memory_space<semaphore_mem>>)
      %add3A_514 = arith.constant 3 : i32
      %add3A_515 = arith.addi %add3A_459, %add3A_514 : i32
      %dma_start3A_516 = arith.constant 0 : i32
      %dma_start3A_517 = tpu.memref_slice %arg3[%add3A, %add3A_515, %dma_start3A_516] : memref<32x80x128xi32, #tpu.memory_space<hbm>> -> memref<1x1x128xi32, #tpu.memory_space<hbm>>
      %dma_start3A_518 = tpu.memref_squeeze %dma_start3A_517 : memref<1x1x128xi32, #tpu.memory_space<hbm>> -> memref<128xi32, #tpu.memory_space<hbm>>
      %dma_start3A_519 = arith.constant 0 : i32
      %dma_start3A_520 = tpu.memref_slice %arg3[%add3A, %add3A_515, %dma_start3A_519] : memref<32x80x128xi32, #tpu.memory_space<hbm>> -> memref<1x1x128xi32, #tpu.memory_space<hbm>>
      %dma_start3A_521 = tpu.memref_squeeze %dma_start3A_520 : memref<1x1x128xi32, #tpu.memory_space<hbm>> -> memref<128xi32, #tpu.memory_space<hbm>>
      tpu.enqueue_dma source(%dma_start3A_521 : memref<128xi32, #tpu.memory_space<hbm>>) target(%arg7 : memref<128xi32, #tpu.memory_space<vmem>>) target_semaphore(%arg15 : memref<!tpu.dma_semaphore, #tpu.memory_space<semaphore_mem>>)
    }
    %scan3A_132 = arith.constant 25 : i32
    %dma_wait3A_133 = arith.constant 1 : i32
    %dma_wait3A_134 = arith.constant 0 : i32
    %dma_wait3A_135 = arith.constant 0 : i32
    %dma_wait3A_136 = tpu.memref_slice %arg13[%dma_wait3A_133, %dma_wait3A_134, %dma_wait3A_135] : memref<3x128x128xf32, #tpu.memory_space<vmem>> -> memref<1x128x128xf32, #tpu.memory_space<vmem>>
    %dma_wait3A_137 = tpu.memref_squeeze %dma_wait3A_136 : memref<1x128x128xf32, #tpu.memory_space<vmem>> -> memref<128x128xf32, #tpu.memory_space<vmem>>
    %dma_wait3A_138 = arith.constant 0 : i32
    %dma_wait3A_139 = arith.constant 0 : i32
    %dma_wait3A_140 = tpu.memref_slice %arg2[%dma_wait3A_138, %dma_wait3A_139] : memref<10000x128xf32, #tpu.memory_space<hbm>> -> memref<10000x128xf32, #tpu.memory_space<hbm>>
    tpu.wait_indirect_dma semaphore(%arg22 : memref<!tpu.dma_semaphore, #tpu.memory_space<semaphore_mem>>) src(%dma_wait3A_140 : memref<10000x128xf32, #tpu.memory_space<hbm>>) dst(%dma_wait3A_137 : memref<128x128xf32, #tpu.memory_space<vmem>>)
    %dma_wait3A_141 = arith.constant 0 : i32
    %dma_wait3A_142 = arith.constant 0 : i32
    %dma_wait3A_143 = tpu.memref_slice %arg4[%add3A, %dma_wait3A_141, %dma_wait3A_142] : memref<32x80x128xi32, #tpu.memory_space<hbm>> -> memref<1x1x128xi32, #tpu.memory_space<hbm>>
    %dma_wait3A_144 = tpu.memref_squeeze %dma_wait3A_143 : memref<1x1x128xi32, #tpu.memory_space<hbm>> -> memref<128xi32, #tpu.memory_space<hbm>>
    %dma_wait3A_145 = arith.constant 0 : i32
    %dma_wait3A_146 = tpu.memref_slice %arg4[%add3A, %dma_wait3A_141, %dma_wait3A_145] : memref<32x80x128xi32, #tpu.memory_space<hbm>> -> memref<1x1x128xi32, #tpu.memory_space<hbm>>
    %dma_wait3A_147 = tpu.memref_squeeze %dma_wait3A_146 : memref<1x1x128xi32, #tpu.memory_space<hbm>> -> memref<128xi32, #tpu.memory_space<hbm>>
    tpu.wait_dma2 semaphore(%arg19 : memref<!tpu.dma_semaphore, #tpu.memory_space<semaphore_mem>>) src(%dma_wait3A_147 : memref<128xi32, #tpu.memory_space<hbm>>) dst(%arg11 : memref<128xi32, #tpu.memory_space<vmem>>)
    %dma_start3A_148 = arith.constant 1 : i32
    %dma_start3A_149 = arith.constant 0 : i32
    %dma_start3A_150 = arith.constant 0 : i32
    %dma_start3A_151 = tpu.memref_slice %arg13[%dma_start3A_148, %dma_start3A_149, %dma_start3A_150] : memref<3x128x128xf32, #tpu.memory_space<vmem>> -> memref<1x128x128xf32, #tpu.memory_space<vmem>>
    %dma_start3A_152 = tpu.memref_squeeze %dma_start3A_151 : memref<1x128x128xf32, #tpu.memory_space<vmem>> -> memref<128x128xf32, #tpu.memory_space<vmem>>
    %dma_start3A_153 = arith.constant 0 : i32
    %dma_start3A_154 = arith.constant 0 : i32
    %dma_start3A_155 = tpu.memref_slice %arg14[%dma_start3A_153, %dma_start3A_154] : memref<10112x128xf32, #tpu.memory_space<vmem_shared>> -> memref<10112x128xf32, #tpu.memory_space<vmem_shared>>
    tpu.enqueue_indirect_dma source(%dma_start3A_152 : memref<128x128xf32, #tpu.memory_space<vmem>>) target(%dma_start3A_155 : memref<10112x128xf32, #tpu.memory_space<vmem_shared>>) offsets(%arg11 : memref<128xi32, #tpu.memory_space<vmem>>) semaphore(%arg25 : memref<!tpu.dma_semaphore, #tpu.memory_space<semaphore_mem>>) {add = true}
    %dma_wait3A_156 = arith.constant 0 : i32
    %dma_wait3A_157 = arith.constant 0 : i32
    %dma_wait3A_158 = arith.constant 0 : i32
    %dma_wait3A_159 = tpu.memref_slice %arg13[%dma_wait3A_156, %dma_wait3A_157, %dma_wait3A_158] : memref<3x128x128xf32, #tpu.memory_space<vmem>> -> memref<1x128x128xf32, #tpu.memory_space<vmem>>
    %dma_wait3A_160 = tpu.memref_squeeze %dma_wait3A_159 : memref<1x128x128xf32, #tpu.memory_space<vmem>> -> memref<128x128xf32, #tpu.memory_space<vmem>>
    %dma_wait3A_161 = arith.constant 0 : i32
    %dma_wait3A_162 = arith.constant 0 : i32
    %dma_wait3A_163 = tpu.memref_slice %arg14[%dma_wait3A_161, %dma_wait3A_162] : memref<10112x128xf32, #tpu.memory_space<vmem_shared>> -> memref<10112x128xf32, #tpu.memory_space<vmem_shared>>
    tpu.wait_indirect_dma semaphore(%arg24 : memref<!tpu.dma_semaphore, #tpu.memory_space<semaphore_mem>>) src(%dma_wait3A_160 : memref<128x128xf32, #tpu.memory_space<vmem>>) dst(%dma_wait3A_163 : memref<10112x128xf32, #tpu.memory_space<vmem_shared>>)
    %dma_wait3A_164 = arith.constant 0 : i32
    %dma_wait3A_165 = arith.constant 0 : i32
    %dma_wait3A_166 = tpu.memref_slice %arg3[%add3A, %dma_wait3A_164, %dma_wait3A_165] : memref<32x80x128xi32, #tpu.memory_space<hbm>> -> memref<1x1x128xi32, #tpu.memory_space<hbm>>
    %dma_wait3A_167 = tpu.memref_squeeze %dma_wait3A_166 : memref<1x1x128xi32, #tpu.memory_space<hbm>> -> memref<128xi32, #tpu.memory_space<hbm>>
    %dma_wait3A_168 = arith.constant 0 : i32
    %dma_wait3A_169 = tpu.memref_slice %arg3[%add3A, %dma_wait3A_164, %dma_wait3A_168] : memref<32x80x128xi32, #tpu.memory_space<hbm>> -> memref<1x1x128xi32, #tpu.memory_space<hbm>>
    %dma_wait3A_170 = tpu.memref_squeeze %dma_wait3A_169 : memref<1x1x128xi32, #tpu.memory_space<hbm>> -> memref<128xi32, #tpu.memory_space<hbm>>
    tpu.wait_dma2 semaphore(%arg15 : memref<!tpu.dma_semaphore, #tpu.memory_space<semaphore_mem>>) src(%dma_wait3A_170 : memref<128xi32, #tpu.memory_space<hbm>>) dst(%arg7 : memref<128xi32, #tpu.memory_space<vmem>>)
    %dma_start3A_171 = arith.constant 0 : i32
    %dma_start3A_172 = arith.constant 0 : i32
    %dma_start3A_173 = arith.constant 0 : i32
    %dma_start3A_174 = tpu.memref_slice %arg13[%dma_start3A_171, %dma_start3A_172, %dma_start3A_173] : memref<3x128x128xf32, #tpu.memory_space<vmem>> -> memref<1x128x128xf32, #tpu.memory_space<vmem>>
    %dma_start3A_175 = tpu.memref_squeeze %dma_start3A_174 : memref<1x128x128xf32, #tpu.memory_space<vmem>> -> memref<128x128xf32, #tpu.memory_space<vmem>>
    %dma_start3A_176 = arith.constant 0 : i32
    %dma_start3A_177 = arith.constant 0 : i32
    %dma_start3A_178 = tpu.memref_slice %arg2[%dma_start3A_176, %dma_start3A_177] : memref<10000x128xf32, #tpu.memory_space<hbm>> -> memref<10000x128xf32, #tpu.memory_space<hbm>>
    tpu.enqueue_indirect_dma source(%dma_start3A_178 : memref<10000x128xf32, #tpu.memory_space<hbm>>) target(%dma_start3A_175 : memref<128x128xf32, #tpu.memory_space<vmem>>) offsets(%arg7 : memref<128xi32, #tpu.memory_space<vmem>>) semaphore(%arg21 : memref<!tpu.dma_semaphore, #tpu.memory_space<semaphore_mem>>)
    %dma_start3A_179 = arith.constant 78 : i32
    %dma_start3A_180 = arith.constant 0 : i32
    %dma_start3A_181 = tpu.memref_slice %arg4[%add3A, %dma_start3A_179, %dma_start3A_180] : memref<32x80x128xi32, #tpu.memory_space<hbm>> -> memref<1x1x128xi32, #tpu.memory_space<hbm>>
    %dma_start3A_182 = tpu.memref_squeeze %dma_start3A_181 : memref<1x1x128xi32, #tpu.memory_space<hbm>> -> memref<128xi32, #tpu.memory_space<hbm>>
    %dma_start3A_183 = arith.constant 0 : i32
    %dma_start3A_184 = tpu.memref_slice %arg4[%add3A, %dma_start3A_179, %dma_start3A_183] : memref<32x80x128xi32, #tpu.memory_space<hbm>> -> memref<1x1x128xi32, #tpu.memory_space<hbm>>
    %dma_start3A_185 = tpu.memref_squeeze %dma_start3A_184 : memref<1x1x128xi32, #tpu.memory_space<hbm>> -> memref<128xi32, #tpu.memory_space<hbm>>
    tpu.enqueue_dma source(%dma_start3A_185 : memref<128xi32, #tpu.memory_space<hbm>>) target(%arg10 : memref<128xi32, #tpu.memory_space<vmem>>) target_semaphore(%arg18 : memref<!tpu.dma_semaphore, #tpu.memory_space<semaphore_mem>>)
    %dma_start3A_186 = arith.constant 79 : i32
    %dma_start3A_187 = arith.constant 0 : i32
    %dma_start3A_188 = tpu.memref_slice %arg3[%add3A, %dma_start3A_186, %dma_start3A_187] : memref<32x80x128xi32, #tpu.memory_space<hbm>> -> memref<1x1x128xi32, #tpu.memory_space<hbm>>
    %dma_start3A_189 = tpu.memref_squeeze %dma_start3A_188 : memref<1x1x128xi32, #tpu.memory_space<hbm>> -> memref<128xi32, #tpu.memory_space<hbm>>
    %dma_start3A_190 = arith.constant 0 : i32
    %dma_start3A_191 = tpu.memref_slice %arg3[%add3A, %dma_start3A_186, %dma_start3A_190] : memref<32x80x128xi32, #tpu.memory_space<hbm>> -> memref<1x1x128xi32, #tpu.memory_space<hbm>>
    %dma_start3A_192 = tpu.memref_squeeze %dma_start3A_191 : memref<1x1x128xi32, #tpu.memory_space<hbm>> -> memref<128xi32, #tpu.memory_space<hbm>>
    tpu.enqueue_dma source(%dma_start3A_192 : memref<128xi32, #tpu.memory_space<hbm>>) target(%arg8 : memref<128xi32, #tpu.memory_space<vmem>>) target_semaphore(%arg16 : memref<!tpu.dma_semaphore, #tpu.memory_space<semaphore_mem>>)
    %dma_wait3A_193 = arith.constant 2 : i32
    %dma_wait3A_194 = arith.constant 0 : i32
    %dma_wait3A_195 = arith.constant 0 : i32
    %dma_wait3A_196 = tpu.memref_slice %arg13[%dma_wait3A_193, %dma_wait3A_194, %dma_wait3A_195] : memref<3x128x128xf32, #tpu.memory_space<vmem>> -> memref<1x128x128xf32, #tpu.memory_space<vmem>>
    %dma_wait3A_197 = tpu.memref_squeeze %dma_wait3A_196 : memref<1x128x128xf32, #tpu.memory_space<vmem>> -> memref<128x128xf32, #tpu.memory_space<vmem>>
    %dma_wait3A_198 = arith.constant 0 : i32
    %dma_wait3A_199 = arith.constant 0 : i32
    %dma_wait3A_200 = tpu.memref_slice %arg2[%dma_wait3A_198, %dma_wait3A_199] : memref<10000x128xf32, #tpu.memory_space<hbm>> -> memref<10000x128xf32, #tpu.memory_space<hbm>>
    tpu.wait_indirect_dma semaphore(%arg23 : memref<!tpu.dma_semaphore, #tpu.memory_space<semaphore_mem>>) src(%dma_wait3A_200 : memref<10000x128xf32, #tpu.memory_space<hbm>>) dst(%dma_wait3A_197 : memref<128x128xf32, #tpu.memory_space<vmem>>)
    %dma_wait3A_201 = arith.constant 0 : i32
    %dma_wait3A_202 = arith.constant 0 : i32
    %dma_wait3A_203 = tpu.memref_slice %arg4[%add3A, %dma_wait3A_201, %dma_wait3A_202] : memref<32x80x128xi32, #tpu.memory_space<hbm>> -> memref<1x1x128xi32, #tpu.memory_space<hbm>>
    %dma_wait3A_204 = tpu.memref_squeeze %dma_wait3A_203 : memref<1x1x128xi32, #tpu.memory_space<hbm>> -> memref<128xi32, #tpu.memory_space<hbm>>
    %dma_wait3A_205 = arith.constant 0 : i32
    %dma_wait3A_206 = tpu.memref_slice %arg4[%add3A, %dma_wait3A_201, %dma_wait3A_205] : memref<32x80x128xi32, #tpu.memory_space<hbm>> -> memref<1x1x128xi32, #tpu.memory_space<hbm>>
    %dma_wait3A_207 = tpu.memref_squeeze %dma_wait3A_206 : memref<1x1x128xi32, #tpu.memory_space<hbm>> -> memref<128xi32, #tpu.memory_space<hbm>>
    tpu.wait_dma2 semaphore(%arg20 : memref<!tpu.dma_semaphore, #tpu.memory_space<semaphore_mem>>) src(%dma_wait3A_207 : memref<128xi32, #tpu.memory_space<hbm>>) dst(%arg12 : memref<128xi32, #tpu.memory_space<vmem>>)
    %dma_start3A_208 = arith.constant 2 : i32
    %dma_start3A_209 = arith.constant 0 : i32
    %dma_start3A_210 = arith.constant 0 : i32
    %dma_start3A_211 = tpu.memref_slice %arg13[%dma_start3A_208, %dma_start3A_209, %dma_start3A_210] : memref<3x128x128xf32, #tpu.memory_space<vmem>> -> memref<1x128x128xf32, #tpu.memory_space<vmem>>
    %dma_start3A_212 = tpu.memref_squeeze %dma_start3A_211 : memref<1x128x128xf32, #tpu.memory_space<vmem>> -> memref<128x128xf32, #tpu.memory_space<vmem>>
    %dma_start3A_213 = arith.constant 0 : i32
    %dma_start3A_214 = arith.constant 0 : i32
    %dma_start3A_215 = tpu.memref_slice %arg14[%dma_start3A_213, %dma_start3A_214] : memref<10112x128xf32, #tpu.memory_space<vmem_shared>> -> memref<10112x128xf32, #tpu.memory_space<vmem_shared>>
    tpu.enqueue_indirect_dma source(%dma_start3A_212 : memref<128x128xf32, #tpu.memory_space<vmem>>) target(%dma_start3A_215 : memref<10112x128xf32, #tpu.memory_space<vmem_shared>>) offsets(%arg12 : memref<128xi32, #tpu.memory_space<vmem>>) semaphore(%arg26 : memref<!tpu.dma_semaphore, #tpu.memory_space<semaphore_mem>>) {add = true}
    %dma_wait3A_216 = arith.constant 1 : i32
    %dma_wait3A_217 = arith.constant 0 : i32
    %dma_wait3A_218 = arith.constant 0 : i32
    %dma_wait3A_219 = tpu.memref_slice %arg13[%dma_wait3A_216, %dma_wait3A_217, %dma_wait3A_218] : memref<3x128x128xf32, #tpu.memory_space<vmem>> -> memref<1x128x128xf32, #tpu.memory_space<vmem>>
    %dma_wait3A_220 = tpu.memref_squeeze %dma_wait3A_219 : memref<1x128x128xf32, #tpu.memory_space<vmem>> -> memref<128x128xf32, #tpu.memory_space<vmem>>
    %dma_wait3A_221 = arith.constant 0 : i32
    %dma_wait3A_222 = arith.constant 0 : i32
    %dma_wait3A_223 = tpu.memref_slice %arg14[%dma_wait3A_221, %dma_wait3A_222] : memref<10112x128xf32, #tpu.memory_space<vmem_shared>> -> memref<10112x128xf32, #tpu.memory_space<vmem_shared>>
    tpu.wait_indirect_dma semaphore(%arg25 : memref<!tpu.dma_semaphore, #tpu.memory_space<semaphore_mem>>) src(%dma_wait3A_220 : memref<128x128xf32, #tpu.memory_space<vmem>>) dst(%dma_wait3A_223 : memref<10112x128xf32, #tpu.memory_space<vmem_shared>>)
    %dma_wait3A_224 = arith.constant 0 : i32
    %dma_wait3A_225 = arith.constant 0 : i32
    %dma_wait3A_226 = tpu.memref_slice %arg3[%add3A, %dma_wait3A_224, %dma_wait3A_225] : memref<32x80x128xi32, #tpu.memory_space<hbm>> -> memref<1x1x128xi32, #tpu.memory_space<hbm>>
    %dma_wait3A_227 = tpu.memref_squeeze %dma_wait3A_226 : memref<1x1x128xi32, #tpu.memory_space<hbm>> -> memref<128xi32, #tpu.memory_space<hbm>>
    %dma_wait3A_228 = arith.constant 0 : i32
    %dma_wait3A_229 = tpu.memref_slice %arg3[%add3A, %dma_wait3A_224, %dma_wait3A_228] : memref<32x80x128xi32, #tpu.memory_space<hbm>> -> memref<1x1x128xi32, #tpu.memory_space<hbm>>
    %dma_wait3A_230 = tpu.memref_squeeze %dma_wait3A_229 : memref<1x1x128xi32, #tpu.memory_space<hbm>> -> memref<128xi32, #tpu.memory_space<hbm>>
    tpu.wait_dma2 semaphore(%arg16 : memref<!tpu.dma_semaphore, #tpu.memory_space<semaphore_mem>>) src(%dma_wait3A_230 : memref<128xi32, #tpu.memory_space<hbm>>) dst(%arg8 : memref<128xi32, #tpu.memory_space<vmem>>)
    %dma_start3A_231 = arith.constant 1 : i32
    %dma_start3A_232 = arith.constant 0 : i32
    %dma_start3A_233 = arith.constant 0 : i32
    %dma_start3A_234 = tpu.memref_slice %arg13[%dma_start3A_231, %dma_start3A_232, %dma_start3A_233] : memref<3x128x128xf32, #tpu.memory_space<vmem>> -> memref<1x128x128xf32, #tpu.memory_space<vmem>>
    %dma_start3A_235 = tpu.memref_squeeze %dma_start3A_234 : memref<1x128x128xf32, #tpu.memory_space<vmem>> -> memref<128x128xf32, #tpu.memory_space<vmem>>
    %dma_start3A_236 = arith.constant 0 : i32
    %dma_start3A_237 = arith.constant 0 : i32
    %dma_start3A_238 = tpu.memref_slice %arg2[%dma_start3A_236, %dma_start3A_237] : memref<10000x128xf32, #tpu.memory_space<hbm>> -> memref<10000x128xf32, #tpu.memory_space<hbm>>
    tpu.enqueue_indirect_dma source(%dma_start3A_238 : memref<10000x128xf32, #tpu.memory_space<hbm>>) target(%dma_start3A_235 : memref<128x128xf32, #tpu.memory_space<vmem>>) offsets(%arg8 : memref<128xi32, #tpu.memory_space<vmem>>) semaphore(%arg22 : memref<!tpu.dma_semaphore, #tpu.memory_space<semaphore_mem>>)
    %dma_start3A_239 = arith.constant 79 : i32
    %dma_start3A_240 = arith.constant 0 : i32
    %dma_start3A_241 = tpu.memref_slice %arg4[%add3A, %dma_start3A_239, %dma_start3A_240] : memref<32x80x128xi32, #tpu.memory_space<hbm>> -> memref<1x1x128xi32, #tpu.memory_space<hbm>>
    %dma_start3A_242 = tpu.memref_squeeze %dma_start3A_241 : memref<1x1x128xi32, #tpu.memory_space<hbm>> -> memref<128xi32, #tpu.memory_space<hbm>>
    %dma_start3A_243 = arith.constant 0 : i32
    %dma_start3A_244 = tpu.memref_slice %arg4[%add3A, %dma_start3A_239, %dma_start3A_243] : memref<32x80x128xi32, #tpu.memory_space<hbm>> -> memref<1x1x128xi32, #tpu.memory_space<hbm>>
    %dma_start3A_245 = tpu.memref_squeeze %dma_start3A_244 : memref<1x1x128xi32, #tpu.memory_space<hbm>> -> memref<128xi32, #tpu.memory_space<hbm>>
    tpu.enqueue_dma source(%dma_start3A_245 : memref<128xi32, #tpu.memory_space<hbm>>) target(%arg11 : memref<128xi32, #tpu.memory_space<vmem>>) target_semaphore(%arg19 : memref<!tpu.dma_semaphore, #tpu.memory_space<semaphore_mem>>)
    %dma_wait3A_246 = arith.constant 0 : i32
    %dma_wait3A_247 = arith.constant 0 : i32
    %dma_wait3A_248 = arith.constant 0 : i32
    %dma_wait3A_249 = tpu.memref_slice %arg13[%dma_wait3A_246, %dma_wait3A_247, %dma_wait3A_248] : memref<3x128x128xf32, #tpu.memory_space<vmem>> -> memref<1x128x128xf32, #tpu.memory_space<vmem>>
    %dma_wait3A_250 = tpu.memref_squeeze %dma_wait3A_249 : memref<1x128x128xf32, #tpu.memory_space<vmem>> -> memref<128x128xf32, #tpu.memory_space<vmem>>
    %dma_wait3A_251 = arith.constant 0 : i32
    %dma_wait3A_252 = arith.constant 0 : i32
    %dma_wait3A_253 = tpu.memref_slice %arg2[%dma_wait3A_251, %dma_wait3A_252] : memref<10000x128xf32, #tpu.memory_space<hbm>> -> memref<10000x128xf32, #tpu.memory_space<hbm>>
    tpu.wait_indirect_dma semaphore(%arg21 : memref<!tpu.dma_semaphore, #tpu.memory_space<semaphore_mem>>) src(%dma_wait3A_253 : memref<10000x128xf32, #tpu.memory_space<hbm>>) dst(%dma_wait3A_250 : memref<128x128xf32, #tpu.memory_space<vmem>>)
    %dma_wait3A_254 = arith.constant 0 : i32
    %dma_wait3A_255 = arith.constant 0 : i32
    %dma_wait3A_256 = tpu.memref_slice %arg4[%add3A, %dma_wait3A_254, %dma_wait3A_255] : memref<32x80x128xi32, #tpu.memory_space<hbm>> -> memref<1x1x128xi32, #tpu.memory_space<hbm>>
    %dma_wait3A_257 = tpu.memref_squeeze %dma_wait3A_256 : memref<1x1x128xi32, #tpu.memory_space<hbm>> -> memref<128xi32, #tpu.memory_space<hbm>>
    %dma_wait3A_258 = arith.constant 0 : i32
    %dma_wait3A_259 = tpu.memref_slice %arg4[%add3A, %dma_wait3A_254, %dma_wait3A_258] : memref<32x80x128xi32, #tpu.memory_space<hbm>> -> memref<1x1x128xi32, #tpu.memory_space<hbm>>
    %dma_wait3A_260 = tpu.memref_squeeze %dma_wait3A_259 : memref<1x1x128xi32, #tpu.memory_space<hbm>> -> memref<128xi32, #tpu.memory_space<hbm>>
    tpu.wait_dma2 semaphore(%arg18 : memref<!tpu.dma_semaphore, #tpu.memory_space<semaphore_mem>>) src(%dma_wait3A_260 : memref<128xi32, #tpu.memory_space<hbm>>) dst(%arg10 : memref<128xi32, #tpu.memory_space<vmem>>)
    %dma_start3A_261 = arith.constant 0 : i32
    %dma_start3A_262 = arith.constant 0 : i32
    %dma_start3A_263 = arith.constant 0 : i32
    %dma_start3A_264 = tpu.memref_slice %arg13[%dma_start3A_261, %dma_start3A_262, %dma_start3A_263] : memref<3x128x128xf32, #tpu.memory_space<vmem>> -> memref<1x128x128xf32, #tpu.memory_space<vmem>>
    %dma_start3A_265 = tpu.memref_squeeze %dma_start3A_264 : memref<1x128x128xf32, #tpu.memory_space<vmem>> -> memref<128x128xf32, #tpu.memory_space<vmem>>
    %dma_start3A_266 = arith.constant 0 : i32
    %dma_start3A_267 = arith.constant 0 : i32
    %dma_start3A_268 = tpu.memref_slice %arg14[%dma_start3A_266, %dma_start3A_267] : memref<10112x128xf32, #tpu.memory_space<vmem_shared>> -> memref<10112x128xf32, #tpu.memory_space<vmem_shared>>
    tpu.enqueue_indirect_dma source(%dma_start3A_265 : memref<128x128xf32, #tpu.memory_space<vmem>>) target(%dma_start3A_268 : memref<10112x128xf32, #tpu.memory_space<vmem_shared>>) offsets(%arg10 : memref<128xi32, #tpu.memory_space<vmem>>) semaphore(%arg24 : memref<!tpu.dma_semaphore, #tpu.memory_space<semaphore_mem>>) {add = true}
    %dma_wait3A_269 = arith.constant 2 : i32
    %dma_wait3A_270 = arith.constant 0 : i32
    %dma_wait3A_271 = arith.constant 0 : i32
    %dma_wait3A_272 = tpu.memref_slice %arg13[%dma_wait3A_269, %dma_wait3A_270, %dma_wait3A_271] : memref<3x128x128xf32, #tpu.memory_space<vmem>> -> memref<1x128x128xf32, #tpu.memory_space<vmem>>
    %dma_wait3A_273 = tpu.memref_squeeze %dma_wait3A_272 : memref<1x128x128xf32, #tpu.memory_space<vmem>> -> memref<128x128xf32, #tpu.memory_space<vmem>>
    %dma_wait3A_274 = arith.constant 0 : i32
    %dma_wait3A_275 = arith.constant 0 : i32
    %dma_wait3A_276 = tpu.memref_slice %arg14[%dma_wait3A_274, %dma_wait3A_275] : memref<10112x128xf32, #tpu.memory_space<vmem_shared>> -> memref<10112x128xf32, #tpu.memory_space<vmem_shared>>
    tpu.wait_indirect_dma semaphore(%arg26 : memref<!tpu.dma_semaphore, #tpu.memory_space<semaphore_mem>>) src(%dma_wait3A_273 : memref<128x128xf32, #tpu.memory_space<vmem>>) dst(%dma_wait3A_276 : memref<10112x128xf32, #tpu.memory_space<vmem_shared>>)
    %dma_wait3A_277 = arith.constant 1 : i32
    %dma_wait3A_278 = arith.constant 0 : i32
    %dma_wait3A_279 = arith.constant 0 : i32
    %dma_wait3A_280 = tpu.memref_slice %arg13[%dma_wait3A_277, %dma_wait3A_278, %dma_wait3A_279] : memref<3x128x128xf32, #tpu.memory_space<vmem>> -> memref<1x128x128xf32, #tpu.memory_space<vmem>>
    %dma_wait3A_281 = tpu.memref_squeeze %dma_wait3A_280 : memref<1x128x128xf32, #tpu.memory_space<vmem>> -> memref<128x128xf32, #tpu.memory_space<vmem>>
    %dma_wait3A_282 = arith.constant 0 : i32
    %dma_wait3A_283 = arith.constant 0 : i32
    %dma_wait3A_284 = tpu.memref_slice %arg2[%dma_wait3A_282, %dma_wait3A_283] : memref<10000x128xf32, #tpu.memory_space<hbm>> -> memref<10000x128xf32, #tpu.memory_space<hbm>>
    tpu.wait_indirect_dma semaphore(%arg22 : memref<!tpu.dma_semaphore, #tpu.memory_space<semaphore_mem>>) src(%dma_wait3A_284 : memref<10000x128xf32, #tpu.memory_space<hbm>>) dst(%dma_wait3A_281 : memref<128x128xf32, #tpu.memory_space<vmem>>)
    %dma_wait3A_285 = arith.constant 0 : i32
    %dma_wait3A_286 = arith.constant 0 : i32
    %dma_wait3A_287 = tpu.memref_slice %arg4[%add3A, %dma_wait3A_285, %dma_wait3A_286] : memref<32x80x128xi32, #tpu.memory_space<hbm>> -> memref<1x1x128xi32, #tpu.memory_space<hbm>>
    %dma_wait3A_288 = tpu.memref_squeeze %dma_wait3A_287 : memref<1x1x128xi32, #tpu.memory_space<hbm>> -> memref<128xi32, #tpu.memory_space<hbm>>
    %dma_wait3A_289 = arith.constant 0 : i32
    %dma_wait3A_290 = tpu.memref_slice %arg4[%add3A, %dma_wait3A_285, %dma_wait3A_289] : memref<32x80x128xi32, #tpu.memory_space<hbm>> -> memref<1x1x128xi32, #tpu.memory_space<hbm>>
    %dma_wait3A_291 = tpu.memref_squeeze %dma_wait3A_290 : memref<1x1x128xi32, #tpu.memory_space<hbm>> -> memref<128xi32, #tpu.memory_space<hbm>>
    tpu.wait_dma2 semaphore(%arg19 : memref<!tpu.dma_semaphore, #tpu.memory_space<semaphore_mem>>) src(%dma_wait3A_291 : memref<128xi32, #tpu.memory_space<hbm>>) dst(%arg11 : memref<128xi32, #tpu.memory_space<vmem>>)
    %dma_start3A_292 = arith.constant 1 : i32
    %dma_start3A_293 = arith.constant 0 : i32
    %dma_start3A_294 = arith.constant 0 : i32
    %dma_start3A_295 = tpu.memref_slice %arg13[%dma_start3A_292, %dma_start3A_293, %dma_start3A_294] : memref<3x128x128xf32, #tpu.memory_space<vmem>> -> memref<1x128x128xf32, #tpu.memory_space<vmem>>
    %dma_start3A_296 = tpu.memref_squeeze %dma_start3A_295 : memref<1x128x128xf32, #tpu.memory_space<vmem>> -> memref<128x128xf32, #tpu.memory_space<vmem>>
    %dma_start3A_297 = arith.constant 0 : i32
    %dma_start3A_298 = arith.constant 0 : i32
    %dma_start3A_299 = tpu.memref_slice %arg14[%dma_start3A_297, %dma_start3A_298] : memref<10112x128xf32, #tpu.memory_space<vmem_shared>> -> memref<10112x128xf32, #tpu.memory_space<vmem_shared>>
    tpu.enqueue_indirect_dma source(%dma_start3A_296 : memref<128x128xf32, #tpu.memory_space<vmem>>) target(%dma_start3A_299 : memref<10112x128xf32, #tpu.memory_space<vmem_shared>>) offsets(%arg11 : memref<128xi32, #tpu.memory_space<vmem>>) semaphore(%arg25 : memref<!tpu.dma_semaphore, #tpu.memory_space<semaphore_mem>>) {add = true}
    %dma_wait3A_300 = arith.constant 0 : i32
    %dma_wait3A_301 = arith.constant 0 : i32
    %dma_wait3A_302 = arith.constant 0 : i32
    %dma_wait3A_303 = tpu.memref_slice %arg13[%dma_wait3A_300, %dma_wait3A_301, %dma_wait3A_302] : memref<3x128x128xf32, #tpu.memory_space<vmem>> -> memref<1x128x128xf32, #tpu.memory_space<vmem>>
    %dma_wait3A_304 = tpu.memref_squeeze %dma_wait3A_303 : memref<1x128x128xf32, #tpu.memory_space<vmem>> -> memref<128x128xf32, #tpu.memory_space<vmem>>
    %dma_wait3A_305 = arith.constant 0 : i32
    %dma_wait3A_306 = arith.constant 0 : i32
    %dma_wait3A_307 = tpu.memref_slice %arg14[%dma_wait3A_305, %dma_wait3A_306] : memref<10112x128xf32, #tpu.memory_space<vmem_shared>> -> memref<10112x128xf32, #tpu.memory_space<vmem_shared>>
    tpu.wait_indirect_dma semaphore(%arg24 : memref<!tpu.dma_semaphore, #tpu.memory_space<semaphore_mem>>) src(%dma_wait3A_304 : memref<128x128xf32, #tpu.memory_space<vmem>>) dst(%dma_wait3A_307 : memref<10112x128xf32, #tpu.memory_space<vmem_shared>>)
    %dma_wait3A_308 = arith.constant 1 : i32
    %dma_wait3A_309 = arith.constant 0 : i32
    %dma_wait3A_310 = arith.constant 0 : i32
    %dma_wait3A_311 = tpu.memref_slice %arg13[%dma_wait3A_308, %dma_wait3A_309, %dma_wait3A_310] : memref<3x128x128xf32, #tpu.memory_space<vmem>> -> memref<1x128x128xf32, #tpu.memory_space<vmem>>
    %dma_wait3A_312 = tpu.memref_squeeze %dma_wait3A_311 : memref<1x128x128xf32, #tpu.memory_space<vmem>> -> memref<128x128xf32, #tpu.memory_space<vmem>>
    %dma_wait3A_313 = arith.constant 0 : i32
    %dma_wait3A_314 = arith.constant 0 : i32
    %dma_wait3A_315 = tpu.memref_slice %arg14[%dma_wait3A_313, %dma_wait3A_314] : memref<10112x128xf32, #tpu.memory_space<vmem_shared>> -> memref<10112x128xf32, #tpu.memory_space<vmem_shared>>
    tpu.wait_indirect_dma semaphore(%arg25 : memref<!tpu.dma_semaphore, #tpu.memory_space<semaphore_mem>>) src(%dma_wait3A_312 : memref<128x128xf32, #tpu.memory_space<vmem>>) dst(%dma_wait3A_315 : memref<10112x128xf32, #tpu.memory_space<vmem_shared>>)
    %barrier3A_316 = arith.constant 0 : index
    tpu.barrier barrier_id(%barrier3A_316)
    "tpu.region"() ({
      %run_scoped3A = tpu.sem_alloc : memref<!tpu.dma_semaphore, #tpu.memory_space<semaphore_mem>>
      %dma_start3A_317 = arith.constant 0 : i32
      %dma_start3A_318 = tpu.memref_slice %arg6[%arg0, %mul3A_2, %dma_start3A_317] : memref<2x10112x128xf32, #tpu.memory_space<hbm>> -> memref<1x632x128xf32, #tpu.memory_space<hbm>>
      %dma_start3A_319 = tpu.memref_squeeze %dma_start3A_318 : memref<1x632x128xf32, #tpu.memory_space<hbm>> -> memref<632x128xf32, #tpu.memory_space<hbm>>
      %dma_start3A_320 = arith.constant 0 : i32
      %dma_start3A_321 = tpu.memref_slice %arg14[%mul3A_2, %dma_start3A_320] : memref<10112x128xf32, #tpu.memory_space<vmem_shared>> -> memref<632x128xf32, #tpu.memory_space<vmem_shared>>
      tpu.enqueue_dma source(%dma_start3A_321 : memref<632x128xf32, #tpu.memory_space<vmem_shared>>) target(%dma_start3A_319 : memref<632x128xf32, #tpu.memory_space<hbm>>) target_semaphore(%run_scoped3A : memref<!tpu.dma_semaphore, #tpu.memory_space<semaphore_mem>>)
      %dma_wait3A_322 = arith.constant 0 : i32
      %dma_wait3A_323 = tpu.memref_slice %arg6[%arg0, %mul3A_2, %dma_wait3A_322] : memref<2x10112x128xf32, #tpu.memory_space<hbm>> -> memref<1x632x128xf32, #tpu.memory_space<hbm>>
      %dma_wait3A_324 = tpu.memref_squeeze %dma_wait3A_323 : memref<1x632x128xf32, #tpu.memory_space<hbm>> -> memref<632x128xf32, #tpu.memory_space<hbm>>
      %dma_wait3A_325 = arith.constant 0 : i32
      %dma_wait3A_326 = tpu.memref_slice %arg14[%mul3A_2, %dma_wait3A_325] : memref<10112x128xf32, #tpu.memory_space<vmem_shared>> -> memref<632x128xf32, #tpu.memory_space<vmem_shared>>
      tpu.wait_dma2 semaphore(%run_scoped3A : memref<!tpu.dma_semaphore, #tpu.memory_space<semaphore_mem>>) src(%dma_wait3A_326 : memref<632x128xf32, #tpu.memory_space<vmem_shared>>) dst(%dma_wait3A_324 : memref<632x128xf32, #tpu.memory_space<hbm>>)
      tpu.yield
    }) : () -> ()
    return
  }
}

module attributes {stable_mosaic.version = 14 : i64} {
  func.func @_tc_mid_body(%arg0: memref<2x10112x128xf32, #tpu.memory_space<vmem>>, %arg1: memref<10000x128xf32, #tpu.memory_space<vmem>>, %arg2: memref<10000x1xf32, #tpu.memory_space<vmem>>, %arg3: memref<1x128xf32, #tpu.memory_space<vmem>>, %arg4: memref<1x128xf32, #tpu.memory_space<vmem>>, %arg5: memref<1x128xf32, #tpu.memory_space<vmem>>, %arg6: memref<128x128xf32, #tpu.memory_space<vmem>>, %arg7: memref<10000x128xf32, #tpu.memory_space<vmem>>) attributes {dimension_semantics = [], scalar_prefetch = 0 : i64, scratch_operands = 0 : i64, tpu.core_type = #tpu.core_type<tc>} {
    %get3A = arith.constant 0 : index
    %get3A_0 = arith.constant 0 : index
    %get3A_1 = vector.load %arg2[%get3A, %get3A_0] : memref<10000x1xf32, #tpu.memory_space<vmem>>, vector<10000x1xf32>
    %get3A_2 = arith.constant 0 : index
    %get3A_3 = arith.constant 0 : index
    %get3A_4 = arith.constant 0 : index
    %get3A_5 = vector.load %arg0[%get3A_2, %get3A_3, %get3A_4] : memref<2x10112x128xf32, #tpu.memory_space<vmem>>, vector<1x10000x128xf32>
    %get3A_6 = vector.shape_cast %get3A_5 : vector<1x10000x128xf32> to vector<10000x128xf32>
    %get3A_7 = arith.constant 1 : index
    %get3A_8 = arith.constant 0 : index
    %get3A_9 = arith.constant 0 : index
    %get3A_10 = vector.load %arg0[%get3A_7, %get3A_8, %get3A_9] : memref<2x10112x128xf32, #tpu.memory_space<vmem>>, vector<1x10000x128xf32>
    %get3A_11 = vector.shape_cast %get3A_10 : vector<1x10000x128xf32> to vector<10000x128xf32>
    %add3A = arith.addf %get3A_6, %get3A_11 : vector<10000x128xf32>
    %get3A_12 = arith.constant 0 : index
    %get3A_13 = arith.constant 0 : index
    %get3A_14 = vector.load %arg1[%get3A_12, %get3A_13] : memref<10000x128xf32, #tpu.memory_space<vmem>>, vector<10000x128xf32>
    %add3A_15 = arith.addf %add3A, %get3A_14 : vector<10000x128xf32>
    %mul3A = vector.broadcast %get3A_1 : vector<10000x1xf32> to vector<10000x128xf32>
    %mul3A_16 = arith.mulf %add3A_15, %mul3A : vector<10000x128xf32>
    %get3A_17 = arith.constant 0 : index
    %get3A_18 = arith.constant 0 : index
    %get3A_19 = vector.load %arg3[%get3A_17, %get3A_18] : memref<1x128xf32, #tpu.memory_space<vmem>>, vector<1x128xf32>
    %add3A_20 = vector.broadcast %get3A_19 : vector<1x128xf32> to vector<10000x128xf32>
    %add3A_21 = arith.addf %mul3A_16, %add3A_20 : vector<10000x128xf32>
    %reduce_sum3A = arith.constant dense<0.000000e+00> : vector<128xf32>
    %reduce_sum3A_22 = vector.multi_reduction <add>, %add3A_21, %reduce_sum3A [0] : vector<10000x128xf32> to vector<128xf32>
    %broadcast_in_dim3A = vector.shape_cast %reduce_sum3A_22 : vector<128xf32> to vector<1x128xf32>
    %div3A = arith.constant 1.000000e+04 : f32
    %div3A_23 = vector.broadcast %div3A : f32 to vector<1x128xf32>
    %div3A_24 = arith.divf %broadcast_in_dim3A, %div3A_23 : vector<1x128xf32>
    %sub3A = vector.broadcast %div3A_24 : vector<1x128xf32> to vector<10000x128xf32>
    %sub3A_25 = arith.subf %add3A_21, %sub3A : vector<10000x128xf32>
    %mul3A_26 = arith.mulf %sub3A_25, %sub3A_25 : vector<10000x128xf32>
    %reduce_sum3A_27 = arith.constant dense<0.000000e+00> : vector<128xf32>
    %reduce_sum3A_28 = vector.multi_reduction <add>, %mul3A_26, %reduce_sum3A_27 [0] : vector<10000x128xf32> to vector<128xf32>
    %broadcast_in_dim3A_29 = vector.shape_cast %reduce_sum3A_28 : vector<128xf32> to vector<1x128xf32>
    %div3A_30 = arith.constant 1.000000e+04 : f32
    %div3A_31 = vector.broadcast %div3A_30 : f32 to vector<1x128xf32>
    %div3A_32 = arith.divf %broadcast_in_dim3A_29, %div3A_31 : vector<1x128xf32>
    %add3A_33 = arith.constant 9.99999974E-6 : f32
    %add3A_34 = vector.broadcast %add3A_33 : f32 to vector<1x128xf32>
    %add3A_35 = arith.addf %div3A_32, %add3A_34 : vector<1x128xf32>
    %rsqrt3A = math.rsqrt %add3A_35 : vector<1x128xf32>
    %mul3A_36 = vector.broadcast %rsqrt3A : vector<1x128xf32> to vector<10000x128xf32>
    %mul3A_37 = arith.mulf %sub3A_25, %mul3A_36 : vector<10000x128xf32>
    %get3A_38 = arith.constant 0 : index
    %get3A_39 = arith.constant 0 : index
    %get3A_40 = vector.load %arg4[%get3A_38, %get3A_39] : memref<1x128xf32, #tpu.memory_space<vmem>>, vector<1x128xf32>
    %mul3A_41 = vector.broadcast %get3A_40 : vector<1x128xf32> to vector<10000x128xf32>
    %mul3A_42 = arith.mulf %mul3A_37, %mul3A_41 : vector<10000x128xf32>
    %get3A_43 = arith.constant 0 : index
    %get3A_44 = arith.constant 0 : index
    %get3A_45 = vector.load %arg5[%get3A_43, %get3A_44] : memref<1x128xf32, #tpu.memory_space<vmem>>, vector<1x128xf32>
    %add3A_46 = vector.broadcast %get3A_45 : vector<1x128xf32> to vector<10000x128xf32>
    %add3A_47 = arith.addf %mul3A_42, %add3A_46 : vector<10000x128xf32>
    %max3A = arith.constant 0.000000e+00 : f32
    %max3A_48 = vector.broadcast %max3A : f32 to vector<10000x128xf32>
    %max3A_49 = arith.maximumf %add3A_47, %max3A_48 : vector<10000x128xf32>
    %get3A_50 = arith.constant 0 : index
    %get3A_51 = arith.constant 0 : index
    %get3A_52 = vector.load %arg6[%get3A_50, %get3A_51] : memref<128x128xf32, #tpu.memory_space<vmem>>, vector<128x128xf32>
    %dot_general3A = arith.constant dense<0.000000e+00> : vector<10000x128xf32>
    %dot_general3A_53 = tpu.matmul %max3A_49, %get3A_52, %dot_general3A {dimension_numbers = #tpu.dot_dimension_numbers<[1], [0], [0], [1], [0, 0, 1, 1], [], []>, transpose_lhs_hint = false} : vector<10000x128xf32>, vector<128x128xf32>, vector<10000x128xf32> -> vector<10000x128xf32>
    %mul3A_54 = vector.broadcast %get3A_1 : vector<10000x1xf32> to vector<10000x128xf32>
    %mul3A_55 = arith.mulf %dot_general3A_53, %mul3A_54 : vector<10000x128xf32>
    %swap3A = arith.constant 0 : index
    %swap3A_56 = arith.constant 0 : index
    %swap3A_57 = vector.load %arg7[%swap3A, %swap3A_56] : memref<10000x128xf32, #tpu.memory_space<vmem>>, vector<10000x128xf32>
    tpu.vector_store %arg7[%swap3A, %swap3A_56], %mul3A_55 {strides = array<i32>} : memref<10000x128xf32, #tpu.memory_space<vmem>>, vector<10000x128xf32>,
    return
  }
}

module attributes {stable_mosaic.version = 14 : i64} {
  func.func @_tc1_body(%arg0: memref<2x10112x1xf32, #tpu.memory_space<vmem>>, %arg1: memref<10000x128xf32, #tpu.memory_space<vmem>>, %arg2: memref<128x128xf32, #tpu.memory_space<vmem>>, %arg3: memref<10000x1xf32, #tpu.memory_space<vmem>>, %arg4: memref<10000x128xf32, #tpu.memory_space<vmem>>) attributes {dimension_semantics = [], scalar_prefetch = 0 : i64, scratch_operands = 0 : i64, tpu.core_type = #tpu.core_type<tc>} {
    %get3A = arith.constant 0 : index
    %get3A_0 = arith.constant 0 : index
    %get3A_1 = arith.constant 0 : index
    %get3A_2 = vector.load %arg0[%get3A, %get3A_0, %get3A_1] : memref<2x10112x1xf32, #tpu.memory_space<vmem>>, vector<1x10000x1xf32>
    %get3A_3 = vector.shape_cast %get3A_2 : vector<1x10000x1xf32> to vector<10000x1xf32>
    %get3A_4 = arith.constant 1 : index
    %get3A_5 = arith.constant 0 : index
    %get3A_6 = arith.constant 0 : index
    %get3A_7 = vector.load %arg0[%get3A_4, %get3A_5, %get3A_6] : memref<2x10112x1xf32, #tpu.memory_space<vmem>>, vector<1x10000x1xf32>
    %get3A_8 = vector.shape_cast %get3A_7 : vector<1x10000x1xf32> to vector<10000x1xf32>
    %add3A = arith.addf %get3A_3, %get3A_8 : vector<10000x1xf32>
    %add3A_9 = arith.constant 1.000000e+00 : f32
    %add3A_10 = vector.broadcast %add3A_9 : f32 to vector<10000x1xf32>
    %add3A_11 = arith.addf %add3A, %add3A_10 : vector<10000x1xf32>
    %rsqrt3A = math.rsqrt %add3A_11 : vector<10000x1xf32>
    %get3A_12 = arith.constant 0 : index
    %get3A_13 = arith.constant 0 : index
    %get3A_14 = vector.load %arg1[%get3A_12, %get3A_13] : memref<10000x128xf32, #tpu.memory_space<vmem>>, vector<10000x128xf32>
    %get3A_15 = arith.constant 0 : index
    %get3A_16 = arith.constant 0 : index
    %get3A_17 = vector.load %arg2[%get3A_15, %get3A_16] : memref<128x128xf32, #tpu.memory_space<vmem>>, vector<128x128xf32>
    %dot_general3A = arith.constant dense<0.000000e+00> : vector<10000x128xf32>
    %dot_general3A_18 = tpu.matmul %get3A_14, %get3A_17, %dot_general3A {dimension_numbers = #tpu.dot_dimension_numbers<[1], [0], [0], [1], [0, 0, 1, 1], [], []>, transpose_lhs_hint = false} : vector<10000x128xf32>, vector<128x128xf32>, vector<10000x128xf32> -> vector<10000x128xf32>
    %swap3A = arith.constant 0 : index
    %swap3A_19 = arith.constant 0 : index
    %swap3A_20 = vector.load %arg3[%swap3A, %swap3A_19] : memref<10000x1xf32, #tpu.memory_space<vmem>>, vector<10000x1xf32>
    tpu.vector_store %arg3[%swap3A, %swap3A_19], %rsqrt3A {strides = array<i32>} : memref<10000x1xf32, #tpu.memory_space<vmem>>, vector<10000x1xf32>,
    %mul3A = vector.broadcast %rsqrt3A : vector<10000x1xf32> to vector<10000x128xf32>
    %mul3A_21 = arith.mulf %dot_general3A_18, %mul3A : vector<10000x128xf32>
    %swap3A_22 = arith.constant 0 : index
    %swap3A_23 = arith.constant 0 : index
    %swap3A_24 = vector.load %arg4[%swap3A_22, %swap3A_23] : memref<10000x128xf32, #tpu.memory_space<vmem>>, vector<10000x128xf32>
    tpu.vector_store %arg4[%swap3A_22, %swap3A_23], %mul3A_21 {strides = array<i32>} : memref<10000x128xf32, #tpu.memory_space<vmem>>, vector<10000x128xf32>,
    return
  }
}

module attributes {stable_mosaic.version = 14 : i64} {
  func.func @_tc_fin_body(%arg0: memref<2x10112x128xf32, #tpu.memory_space<vmem>>, %arg1: memref<10000x128xf32, #tpu.memory_space<vmem>>, %arg2: memref<10000x1xf32, #tpu.memory_space<vmem>>, %arg3: memref<1x128xf32, #tpu.memory_space<vmem>>, %arg4: memref<10000x128xf32, #tpu.memory_space<vmem>>) attributes {dimension_semantics = [], scalar_prefetch = 0 : i64, scratch_operands = 0 : i64, tpu.core_type = #tpu.core_type<tc>} {
    %get3A = arith.constant 0 : index
    %get3A_0 = arith.constant 0 : index
    %get3A_1 = arith.constant 0 : index
    %get3A_2 = vector.load %arg0[%get3A, %get3A_0, %get3A_1] : memref<2x10112x128xf32, #tpu.memory_space<vmem>>, vector<1x10000x128xf32>
    %get3A_3 = vector.shape_cast %get3A_2 : vector<1x10000x128xf32> to vector<10000x128xf32>
    %get3A_4 = arith.constant 1 : index
    %get3A_5 = arith.constant 0 : index
    %get3A_6 = arith.constant 0 : index
    %get3A_7 = vector.load %arg0[%get3A_4, %get3A_5, %get3A_6] : memref<2x10112x128xf32, #tpu.memory_space<vmem>>, vector<1x10000x128xf32>
    %get3A_8 = vector.shape_cast %get3A_7 : vector<1x10000x128xf32> to vector<10000x128xf32>
    %add3A = arith.addf %get3A_3, %get3A_8 : vector<10000x128xf32>
    %get3A_9 = arith.constant 0 : index
    %get3A_10 = arith.constant 0 : index
    %get3A_11 = vector.load %arg1[%get3A_9, %get3A_10] : memref<10000x128xf32, #tpu.memory_space<vmem>>, vector<10000x128xf32>
    %add3A_12 = arith.addf %add3A, %get3A_11 : vector<10000x128xf32>
    %get3A_13 = arith.constant 0 : index
    %get3A_14 = arith.constant 0 : index
    %get3A_15 = vector.load %arg2[%get3A_13, %get3A_14] : memref<10000x1xf32, #tpu.memory_space<vmem>>, vector<10000x1xf32>
    %mul3A = vector.broadcast %get3A_15 : vector<10000x1xf32> to vector<10000x128xf32>
    %mul3A_16 = arith.mulf %add3A_12, %mul3A : vector<10000x128xf32>
    %get3A_17 = arith.constant 0 : index
    %get3A_18 = arith.constant 0 : index
    %get3A_19 = vector.load %arg3[%get3A_17, %get3A_18] : memref<1x128xf32, #tpu.memory_space<vmem>>, vector<1x128xf32>
    %add3A_20 = vector.broadcast %get3A_19 : vector<1x128xf32> to vector<10000x128xf32>
    %add3A_21 = arith.addf %mul3A_16, %add3A_20 : vector<10000x128xf32>
    %swap3A = arith.constant 0 : index
    %swap3A_22 = arith.constant 0 : index
    %swap3A_23 = vector.load %arg4[%swap3A, %swap3A_22] : memref<10000x128xf32, #tpu.memory_space<vmem>>, vector<10000x128xf32>
    tpu.vector_store %arg4[%swap3A, %swap3A_22], %add3A_21 {strides = array<i32>} : memref<10000x128xf32, #tpu.memory_space<vmem>>, vector<10000x128xf32>,
    return
  }
}

</mosaic_0001>

<sc_bundles>
// kernel: kernel.10.cloned.1.call-start
scs
__scs_entry_jumppad:
0x0: {  	(pc) =	sbr.rel $0x88, $3  }
0x1: {  	(tag) =	ssettag $0x0;
	lr =	simm.s32 $0x1  }
0x2: {  	[smem:$0x3F95] =	sst lr;
	_ =	strace $0xD0000000  }
0x3: {  	_ = 	snop  }
0x4: {  	_ = 	snop  }
0x5: {  	_ = 	snop  }
0x6: {  	_ = 	snop  }
0x7: {  	_ = 	snop  }
__scs_overlays_trampoline_lowered:
0x8: {  	[smem:$0x3FA4] =	sst s0  }
0x9: {  	[smem:$0x3FA5] =	sst s1  }
0xa: {  	[smem:$0x3FA6] =	sst s2  }
0xb: {  	[smem:$0x3FA7] =	sst s3  }
0xc: {  	[smem:$0x3FA8] =	sst s4  }
0xd: {  	[smem:$0x3FA9] =	sst s5  }
0xe: {  	[smem:$0x3FAA] =	sst s6  }
0xf: {  	[smem:$0x3FAB] =	sst s7  }
0x10: {  	[smem:$0x3FAC] =	sst s8  }
0x11: {  	[smem:$0x3FAD] =	sst s9;
	s0 =	simm.s32 @!p0 $0x0  }
0x12: {  	s1 =	sld [smem:$0x3F93];
	s0 =	simm.s32 @p0 $0x1  }
0x13: {  	[smem:$0x3FAE] =	sst s0;
	s0 =	simm.s32 @!p1 $0x0  }
0x14: {  	s2 =	sld [smem:$0x3F92];
	s0 =	simm.s32 @p1 $0x1  }
0x15: {  	[smem:$0x3FAF] =	sst s0;
	s0 =	simm.s32 @!p2 $0x0  }
0x16: {  	s3 =	sld [smem:$0x3FDB];
	s0 =	simm.s32 @p2 $0x1  }
0x17: {  	s4 =	simm.s32 $0x1BF5;
	[smem:$0x3FB1] =	sst s0  }
0x18: {  	s0 =	sld [smem:$0x3F94];
	_ =	swait.ge [sflag:s4], $0x0  }
0x19: {  	s7 =	sld [smem:$0x3F95]  }
0x1a: {  	s8 =	sadd.s32 $0xFFFFE003, lr  }
0x1b: {  	s9 =	sadd.s32 $0xFFFFFEF7, lr;
	s5 =	simm.s32 $0xFFFFFFFF;
	p2 =	slt.u32 s8, $0xFFFFF086  }
0x1c: {  	p1 =	slt.u32 s9, $0xF7A;
	s5 =	simm.s32 @!p2 $0x0  }
0x1d: {  	s5 =	simm.s32 @p1 $0x1;
	p0 =	seq.s32 s7, s2  }
0x1e: {  	s7 =	smul.u32 @!p0 $0xF7A, s2;
	p2 =	seq.s32 @!p0 s5, $0x0  }
0x1f: {  	s9 =	smul.u32 $0xF7A, s1;
	s8 =	simm.s32 @!p0 $0x1BF5;
	p2 =	por !p2, p0  }
0x20: {  	[sflag:s8] =	ssyncset.s32 @!p0 $0xFFFFF086;
	s6 =	sadd.s32 @!p0 s3, s7;
	s7 =	simm.s32 @!p0 $0x108  }
0x21: {  	s3 =	sadd.s32 s3, s9;
	s6 =	sadd.s32 @!p0 $0x88, s6;
	s7 =	simm.s32 @p2 $0x1082  }
0x22: {  	[simem:s7], [sflag:s8] =	dma.local @!p0 [hbm:s6], $0xF7A  }
0x23: {  	s9 =	sor.u32 $0xD0000000, s2;
	s6 =	simm.s32 $0x108;
	_ =	swait.ge @!p0 [sflag:s8], $0x0  }
0x24: {  	s3 =	sadd.s32 $0x88, s3;
	s6 =	simm.s32 @!p1 $0x1082;
	[sflag:s4] =	ssyncset.s32 $0xFFFFF086  }
0x25: {  	[simem:s6], [sflag:s4] =	dma.local [hbm:s3], $0xF7A  }
0x26: {  	[smem:$0x3F95] =	sst s1;
	(tag) =	ssettag s2;
	_ =	strace s9  }
0x27: {  	s1 =	sld [smem:$0x3FA5]  }
0x28: {  	s2 =	sld [smem:$0x3FA6]  }
0x29: {  	s4 =	sld [smem:$0x3FA8]  }
0x2a: {  	p0 =	seq.s32 s5, $0x0;
	s5 =	sld [smem:$0x3FA9]  }
0x2b: {  	s6 =	sld [smem:$0x3FAA]  }
0x2c: {  	s7 =	sld [smem:$0x3FAB]  }
0x2d: {  	s3 =	simm.s32 $0x108;
	s8 =	sld [smem:$0x3FAC]  }
0x2e: {  	s3 =	simm.s32 @!p0 $0x1082;
	s9 =	sld [smem:$0x3FAD]  }
0x2f: {  	lr =	sadd.s32 s0, s3;
	s0 =	sld [smem:$0x3FA4]  }
0x30: {  	s3 =	sld [smem:$0x3FA7]  }
0x31: {  	[smem:$0x3FB0] =	sst s10  }
0x32: {  	s10 =	sld [smem:$0x3FAE];
	_ =	sdelay $0x3  }
0x33: {  	p0 =	seq.s32 s10, $0x1;
	s10 =	sld [smem:$0x3FB0];
	_ =	sdelay $0x3  }
0x34: {  	[smem:$0x3FB0] =	sst s10  }
0x35: {  	s10 =	sld [smem:$0x3FAF];
	_ =	sdelay $0x3  }
0x36: {  	p1 =	seq.s32 s10, $0x1;
	s10 =	sld [smem:$0x3FB0];
	_ =	sdelay $0x3  }
0x37: {  	[smem:$0x3FB0] =	sst s10  }
0x38: {  	s10 =	sld [smem:$0x3FB1]  }
0x39: {  	_ = 	snop;
	(pc) =	sbr.ind lr, $3  }
0x3a: {  	_ = 	snop  }
0x3b: {  	_ = 	snop  }
0x3c: {  	p2 =	seq.s32 s10, $0x1;
	s10 =	sld [smem:$0x3FB0]  }
0x3d: {  	_ =	shalt  }
0x3e: {  	_ =	shalt  }
0x3f: {  	_ =	shalt  }
0x40: {  	_ =	shalt  }
0x41: {  	_ =	shalt  }
0x42: {  	_ =	shalt  }
0x43: {  	_ =	shalt  }
0x44: {  	_ =	shalt  }
0x45: {  	_ =	shalt  }
0x46: {  	_ =	shalt  }
0x47: {  	_ =	shalt  }
0x48: {  	_ =	shalt  }
0x49: {  	_ =	shalt  }
0x4a: {  	_ =	shalt  }
0x4b: {  	_ =	shalt  }
0x4c: {  	_ =	shalt  }
0x4d: {  	_ =	shalt  }
0x4e: {  	_ =	shalt  }
0x4f: {  	_ =	shalt  }
0x50: {  	_ =	shalt  }
0x51: {  	_ =	shalt  }
0x52: {  	_ =	shalt  }
0x53: {  	_ =	shalt  }
0x54: {  	_ =	shalt  }
0x55: {  	_ =	shalt  }
0x56: {  	_ =	shalt  }
0x57: {  	_ =	shalt  }
0x58: {  	_ =	shalt  }
0x59: {  	_ =	shalt  }
0x5a: {  	_ =	shalt  }
0x5b: {  	_ =	shalt  }
0x5c: {  	_ =	shalt  }
0x5d: {  	_ =	shalt  }
0x5e: {  	_ =	shalt  }
0x5f: {  	_ =	shalt  }
0x60: {  	_ =	shalt  }
0x61: {  	_ =	shalt  }
0x62: {  	_ =	shalt  }
0x63: {  	_ =	shalt  }
0x64: {  	_ =	shalt  }
0x65: {  	_ =	shalt  }
0x66: {  	_ =	shalt  }
0x67: {  	_ =	shalt  }
0x68: {  	_ =	shalt  }
0x69: {  	_ =	shalt  }
0x6a: {  	_ =	shalt  }
0x6b: {  	_ =	shalt  }
0x6c: {  	_ =	shalt  }
0x6d: {  	_ =	shalt  }
0x6e: {  	_ =	shalt  }
0x6f: {  	_ =	shalt  }
0x70: {  	_ =	shalt  }
0x71: {  	_ =	shalt  }
0x72: {  	_ =	shalt  }
0x73: {  	_ =	shalt  }
0x74: {  	_ =	shalt  }
0x75: {  	_ =	shalt  }
0x76: {  	_ =	shalt  }
0x77: {  	_ =	shalt  }
0x78: {  	_ =	shalt  }
0x79: {  	_ =	shalt  }
0x7a: {  	_ =	shalt  }
0x7b: {  	_ =	shalt  }
0x7c: {  	_ =	shalt  }
0x7d: {  	_ =	shalt  }
0x7e: {  	_ =	shalt  }
0x7f: {  	_ =	shalt  }
0x80: {  	_ =	shalt  }
0x81: {  	_ =	shalt  }
0x82: {  	_ =	shalt  }
0x83: {  	_ =	shalt  }
0x84: {  	_ =	shalt  }
0x85: {  	_ =	shalt  }
0x86: {  	_ =	shalt  }
0x87: {  	_ =	shalt  }
.Lfunc_end0:
.L_simem_size_0:
called_computation_lowered:
.L_overlay_start_0:
0x88: {  	s2 =	sld [smem:$0x3FD9]  }
0x89: {  	s3 =	sld [smem:$0x3FFE];
	_ =	sdelay $0x1  }
0x8a: {  	s1 =	srdreg.scid  }
0x8b: {  	s0 =	sand.u32 $0x1, s1  }
0x8c: {  	s17 =	sshll.u32 s0, $0xA;
	s2 =	sadd.s32 s3, s2  }
0x8d: {  	s2 =	sadd.s32 s2, s17  }
0x8e: {  	[smem:$0x3FBC] =	sst s2  }
0x8f: {  	_ = 	snop  }
0x90: {  	s2 =	sld [smem:$0x3FD0];
	(tm) =	ssettm $0x1  }
0x91: {  	s18 =	sld [smem:$0x3FFB];
	_ =	sdelay $0x3  }
0x92: {  	_ =	strace s18  }
0x93: {  	s3 =	sld [smem:$0x3FFC];
	_ =	sdelay $0x3  }
0x94: {  	_ =	strace s3  }
0x95: {  	s3 =	sld [smem:$0x3FFD];
	_ =	sdelay $0x3  }
0x96: {  	_ =	strace s3  }
0x97: {  	_ =	strace $0x8FFFFFFF  }
0x98: {  	s19 =	sld [smem:$0x3FDB];
	_ =	sdelay $0x1  }
0x99: {  	s4 =	simm.s32 $_scs_section_size  }
0x9a: {  	s5 =	simm.s32 $_size__tile_overlayer_lowered;
	s6 =	simm.s32 $_tile_overlayer_lowered  }
0x9b: {  	s22 =	simm.s32 $0x1BFF;
	s21 =	sshll.u32 s6, $0x1;
	s3 =	sadd.s32 s4, s19  }
0x9c: {  	s7 =	simm.s32 $0x0;
	s20 =	sshll.u32 s5, $0x1;
	s5 =	sadd.s32 s21, s3  }
0x9d: {  	[timem:s7], [sflag:s22] =	dma.local [hbm:s5], s20  }
0x9e: {  	_ =	swait.ge [sflag:s22], s20  }
0x9f: {  	s4 =	ssub.s32 $0x0, s20;
	[sflag:s22] =	ssyncset.done $0x0  }
0xa0: {  	[sflag:s22] =	ssyncadd.s32 s4;
	_ =	sdelay $0x1  }
0xa1: {  	s23 =	simm.s32 $0x1B8B  }
0xa2: {  	_ =	swait.ge [sflag:s23], $0x1  }
0xa3: {  	[sflag:s23] =	ssyncset.done $0x0  }
0xa4: {  	s25 =	simm.s32 $0x1B8E;
	s24 =	sld [smem:$0x3FFE];
	[sflag:s23] =	ssyncadd.s32 $0xFFFFFFFF  }
0xa5: {  	s26 =	simm.s32 $execute0_lowered;
	[smem:$0x3FD2] =	sst s25  }
0xa6: {  	s5 =	sshll.u32 s26, $0x1;
	_ =	strace $0x80000046;
	[dreg:$0x1] =	wrdreg $0xFFFFFFFF  }
0xa7: {  	s28 =	simm.s32 $_size_execute0_lowered;
	s3 =	sadd.s32 s3, s5;
	[dreg:$0x0] =	wrdreg $0x0  }
0xa8: {  	s5 =	sshll.u32 s28, $0x1;
	[dreg:$0x2] =	wrdreg s3  }
0xa9: {  	[dreg:$0x3] =	wrdreg s5  }
0xaa: {  	[dreg:$0x4] =	wrdreg $0xC0  }
0xab: {  	_ =	task [dreg:s7], $0x5FFFF  }
0xac: {  	[dreg:$0x1] =	wrdreg $0xFFFFFFFF  }
0xad: {  	[dreg:$0x0] =	wrdreg $0x60  }
0xae: {  	[dreg:$0x2] =	wrdreg s24  }
0xaf: {  	[dreg:$0x3] =	wrdreg s2  }
0xb0: {  	[dreg:$0x4] =	wrdreg $0x50000  }
0xb1: {  	[dreg:$0x5] =	wrdreg $0x9  }
0xb2: {  	_ =	task.clear_ibuf [dreg:s7], $0x6FFFF;
	_ =	strace $0x90000046  }
0xb3: {  	s29 =	simm.s32 $0x9;
	_ =	strace $0x80000048  }
0xb4: {  	_ =	swait.ge [sflag:s29], $0x1  }
0xb5: {  	[sflag:s29] =	ssyncadd.s32 $0xFFFFFFFF  }
0xb6: {  	_ =	strace $0x90000048  }
0xb7: {  	_ =	sfence  }
0xb8: {  	s30 =	sld [smem:$0x0];
	_ =	sdelay $0x2  }
0xb9: {  	s31 =	sshll.u32 s1, $0xD;
	s1 =	sshrl.u32 s1, $0x2  }
0xba: {  	s3 =	sand.u32 $0x4000, s31;
	s1 =	sadd.s32 s1, s30  }
0xbb: {  	s0 =	sor.u32 s3, s0;
	s1 =	sshll.u32 s1, $0x11  }
0xbc: {  	s0 =	sor.u32 s1, s0  }
0xbd: {  	s0 =	sadd.s32 $0x8F2B, s0  }
0xbe: {  	[sflag:s0] =	ssyncadd.remote.s32 $0x1  }
0xbf: {  	_ =	sfence.sel $0xFFFF  }
0xc0: {  	[dreg:$0x0] =	wrdreg $0xFFFFFFFF;
	(pc) =	sbr.abs _section_cstart, $3  }
0xc1: {  	[dreg:$0x1] =	wrdreg $0xFFFFFFFF  }
0xc2: {  	_ =	task.clear_ibuf [dreg:s7], $0x2FFFF;
	_ =	strace $0x9FFFFFFF  }
0xc3: {  	(tm) =	ssettm $0x7FFFFFFF  }
tec
execute0_lowered:
.L_overlay_start_1:
0x0: {  	(tag) =	ssettag $0x1  }
0x1: {  	s5 =	rddreg [dreg:$0x0]  }
0x2: {  	s1 =	srdreg.scid;
	s8 =	rddreg [dreg:$0x1]  }
0x3: {  	s0 =	stileid.u32;
	s2 =	rddreg [dreg:$0x2];
	s3 =	simm.s32 $0x0  }
0x4: {  	s12 =	simm.s32 $0x2800;
	s13 =	simm.s32 $0x80;
	s14 =	simm.s32 $0x1  }
0x5: {  	s15 =	simm.s32 $0x0;
	s6 =	sand.u32 $0x1, s1;
	s1 =	rddreg [dreg:$0x3]  }
0x6: {  	s31 =	sshll.u32 s0, $0x1;
	[smem:$0x7FF] =	sst s3;
	s7 =	smul.u32 $0x278, s0  }
0x7: {  	s4 =	sor.u32 s6, s31;
	s9 =	smul.u32 $0x2780, s6;
	s6 =	ssub.s32 $0x2, s6  }
0x8: {  	_ =	strace $0x80000047;
	s4 =	smul.u32 $0x500, s4;
	s11 =	sshrl.u32 s6, $0x1  }
0x9: {  	s9 =	sadd.s32 s7, s9;
	s11 =	ssub.s32 s6, s11;
	s6 =	sadd.s32 s7, s2  }
0xa: {  	s10 =	sadd.s32 s4, s5;
	s4 =	sadd.s32 $0x17C00, s5;
	s9 =	sshrl.u32 s9, $0x3  }
0xb: {  	s5 =	sadd.s32 $0x17E00, s5;
	s7 =	sadd.s32 $0x3C00, s10;
	s8 =	sadd.s32 s8, s9  }
0xc: {  	s9 =	smax.u32 s11, $0x1;
	s10 =	simm.s32 $0x2880;
	s11 =	simm.s32 $0x2  }
.LBB2_1:
0xd: {  	[tilespmem:s10], [sflag:$0x2] =	stream.linear.gather [hbm4b:s5+s3], $0x2780, $0x38;
	[tilespmem:$0x5278] =	vst v63  }
0xe: {  	_ =	swait.ge [sflag:s11], $0x2780  }
0xf: {  	[sflag:s11] =	ssyncset.done $0x0  }
0x10: {  	[sflag:s11] =	ssyncadd.s32 $0xFFFFD880  }
0x11: {  	[spmem:s6] =	stream.linear.scatter [tilespmem:s10], [sflag:$0x2], $0x278, $0x38;
	[tilespmem:$0x5278] =	vst v63  }
0x12: {  	_ =	swait.ge [sflag:s11], $0x278  }
0x13: {  	[sflag:s11] =	ssyncset.done $0x0  }
0x14: {  	[sflag:s11] =	ssyncadd.s32 $0xFFFFFD88  }
0x15: {  	[tilespmem:s3], [sflag:$0x2] =	stream.linear.gather [hbm4b:s7+s3], $0x2800, $0x38;
	[tilespmem:$0x5278] =	vst v63  }
0x16: {  	_ =	swait.ge [sflag:s11], $0x2800  }
0x17: {  	[sflag:s11] =	ssyncset.done $0x0  }
0x18: {  	[sflag:s11] =	ssyncadd.s32 $0xFFFFD800  }
0x19: {  	[tilespmem:s12], [sflag:$0x2] =	stream.linear.gather [hbm4b:s4+s3], $0x80, $0x38;
	[tilespmem:$0x5278] =	vst v63  }
0x1a: {  	_ =	swait.ge [sflag:s11], $0x80  }
0x1b: {  	[sflag:s11] =	ssyncset.done $0x0  }
0x1c: {  	[sflag:s11] =	ssyncadd.s32 $0xFFFFFF80  }
0x1d: {  	s16 =	simm.s32 $0x0;
	[bflag:$0x0] =	sbarrier.arrive $0xFFFF  }
.LBB2_2:
0x1e: {  	p0 =	sne.s32 s16, $0x9E00  }
.Ltmp0:
0x1f: {  	_ = 	snop;
	(pc) =	sbr.rel @p0 .LBB2_2-.Ltmp0, $3  }
0x20: {  	_ =	sdelay $0x1  }
0x21: {  	s17 =	sshra.s32 s16, $0x2;
	s16 =	sadd.s32 $0x200, s16  }
0x22: {  	[spmem:s2] =	stream.indirect.scatter.add.f32 [tilespmem:s12], [sflag:$0x1], $0x1, s17, s13, $0xb8;
	[tilespmem:$0x5278] =	vst v63  }
0x23: {  	_ =	swait.ge [sflag:s14], $0x80  }
0x24: {  	s16 =	simm.s32 $0x4F;
	[sflag:s14] =	ssyncset.done $0x0  }
.LBB2_4:
0x25: {  	p0 =	sne.s32 s16, $0x1;
	s16 =	sadd.s32 $0xFFFFFFFF, s16;
	[sflag:s14] =	ssyncadd.s32 $0xFFFFFF80  }
.Ltmp1:
0x26: {  	(pc) =	sbr.rel @p0 .LBB2_4-.Ltmp1, $3  }
0x27: {  	_ =	sdelay $0x1  }
0x28: {  	_ =	swait.ge [sflag:s14], $0x80  }
0x29: {  	[sflag:s14] =	ssyncset.done $0x0  }
0x2a: {  	[sflag:s14] =	ssyncadd.s32 $0xFFFFFF80  }
0x2b: {  	[bflag:$0x0] =	sbarrier.arrive $0xFFFF  }
0x2c: {  	[tilespmem:s10], [sflag:$0x2] =	stream.linear.gather [spmem:s6], $0x278, $0x38;
	[tilespmem:$0x5278] =	vst v63  }
0x2d: {  	s15 =	sadd.s32 $0x1, s15;
	_ =	swait.ge [sflag:s11], $0x278  }
0x2e: {  	p0 =	sne.s32 s15, s9;
	[sflag:s11] =	ssyncset.done $0x0  }
.Ltmp2:
0x2f: {  	[sflag:s11] =	ssyncadd.s32 $0xFFFFFD88;
	(pc) =	sbr.rel @p0 .LBB2_1-.Ltmp2, $4  }
0x30: {  	[hbm4b:s8+s3] =	stream.linear.scatter [tilespmem:s10], [sflag:$0x2], $0x278, $0x38;
	[tilespmem:$0x5278] =	vst v63  }
0x31: {  	_ =	swait.ge [sflag:s11], $0x278  }
0x32: {  	[sflag:s11] =	ssyncset.done $0x0  }
0x33: {  	[sflag:s11] =	ssyncadd.s32 $0xFFFFFD88  }
0x34: {  	_ =	sfence.sel $0x180000  }
0x35: {  	[bflag:$0x0] =	sbarrier.arrive $0xFFFF  }
0x36: {  	p0 =	sne.s32 s0, $0x0;
	_ =	strace $0x90000047  }
0x37: {  	s0 =	sadd.s32 @!p0 $0x100000, s1;
	[bflag:$0x2] =	sbarrier.arrive $0xFFFF  }
0x38: {  	[sflag:s0] =	ssyncadd.tile.s32 @!p0 $0x1;
	_ =	shalt  }
.Lfunc_end2:
_tile_overlayer_lowered:
.L_overlay_start_2:
0x39: {  	(tag) =	ssettag $0x2  }
0x3a: {  	s0 =	rddreg [dreg:$0x0];
	s2 =	stileid.u32  }
0x3b: {  	s1 =	rddreg [dreg:$0x1];
	p0 =	sne.s32 s2, $0x0  }
0x3c: {  	s3 =	rddreg [dreg:$0x2];
	[bflag:$0x3] =	sbarrier.arrive $0xFFFF;
	s2 =	simm.s32 @!p0 $0x1C02  }
0x3d: {  	[timem:s3], [sflag:s2] =	dma.local @!p0 [hbm:s0], s1  }
0x3e: {  	s0 =	simm.s32 @!p0 $0x2  }
0x3f: {  	_ =	swait.ge @!p0 [sflag:s0], s1  }
0x40: {  	s1 =	ssub.s32 @!p0 $0x0, s1;
	[sflag:s0] =	ssyncset.done @!p0 $0x0  }
0x41: {  	[sflag:s0] =	ssyncadd.s32 @!p0 s1  }
0x42: {  	[bflag:$0x3] =	sbarrier.arrive $0xFFFF  }
0x43: {  	_ =	shalt  }

// kernel: kernel.13.cloned.1.call-start
scs
__scs_entry_jumppad:
0x0: {  	(pc) =	sbr.rel $0x88, $3  }
0x1: {  	(tag) =	ssettag $0x0;
	lr =	simm.s32 $0x1  }
0x2: {  	[smem:$0x3F95] =	sst lr;
	_ =	strace $0xD0000000  }
0x3: {  	_ = 	snop  }
0x4: {  	_ = 	snop  }
0x5: {  	_ = 	snop  }
0x6: {  	_ = 	snop  }
0x7: {  	_ = 	snop  }
__scs_overlays_trampoline_lowered:
0x8: {  	[smem:$0x3FA4] =	sst s0  }
0x9: {  	[smem:$0x3FA5] =	sst s1  }
0xa: {  	[smem:$0x3FA6] =	sst s2  }
0xb: {  	[smem:$0x3FA7] =	sst s3  }
0xc: {  	[smem:$0x3FA8] =	sst s4  }
0xd: {  	[smem:$0x3FA9] =	sst s5  }
0xe: {  	[smem:$0x3FAA] =	sst s6  }
0xf: {  	[smem:$0x3FAB] =	sst s7  }
0x10: {  	[smem:$0x3FAC] =	sst s8  }
0x11: {  	[smem:$0x3FAD] =	sst s9;
	s0 =	simm.s32 @!p0 $0x0  }
0x12: {  	s1 =	sld [smem:$0x3F93];
	s0 =	simm.s32 @p0 $0x1  }
0x13: {  	[smem:$0x3FAE] =	sst s0;
	s0 =	simm.s32 @!p1 $0x0  }
0x14: {  	s2 =	sld [smem:$0x3F92];
	s0 =	simm.s32 @p1 $0x1  }
0x15: {  	[smem:$0x3FAF] =	sst s0;
	s0 =	simm.s32 @!p2 $0x0  }
0x16: {  	s3 =	sld [smem:$0x3FDB];
	s0 =	simm.s32 @p2 $0x1  }
0x17: {  	s4 =	simm.s32 $0x1BF5;
	[smem:$0x3FB1] =	sst s0  }
0x18: {  	s0 =	sld [smem:$0x3F94];
	_ =	swait.ge [sflag:s4], $0x0  }
0x19: {  	s7 =	sld [smem:$0x3F95]  }
0x1a: {  	s8 =	sadd.s32 $0xFFFFE003, lr  }
0x1b: {  	s9 =	sadd.s32 $0xFFFFFEF7, lr;
	s5 =	simm.s32 $0xFFFFFFFF;
	p2 =	slt.u32 s8, $0xFFFFF086  }
0x1c: {  	p1 =	slt.u32 s9, $0xF7A;
	s5 =	simm.s32 @!p2 $0x0  }
0x1d: {  	s5 =	simm.s32 @p1 $0x1;
	p0 =	seq.s32 s7, s2  }
0x1e: {  	s7 =	smul.u32 @!p0 $0xF7A, s2;
	p2 =	seq.s32 @!p0 s5, $0x0  }
0x1f: {  	s9 =	smul.u32 $0xF7A, s1;
	s8 =	simm.s32 @!p0 $0x1BF5;
	p2 =	por !p2, p0  }
0x20: {  	[sflag:s8] =	ssyncset.s32 @!p0 $0xFFFFF086;
	s6 =	sadd.s32 @!p0 s3, s7;
	s7 =	simm.s32 @!p0 $0x108  }
0x21: {  	s3 =	sadd.s32 s3, s9;
	s6 =	sadd.s32 @!p0 $0x88, s6;
	s7 =	simm.s32 @p2 $0x1082  }
0x22: {  	[simem:s7], [sflag:s8] =	dma.local @!p0 [hbm:s6], $0xF7A  }
0x23: {  	s9 =	sor.u32 $0xD0000000, s2;
	s6 =	simm.s32 $0x108;
	_ =	swait.ge @!p0 [sflag:s8], $0x0  }
0x24: {  	s3 =	sadd.s32 $0x88, s3;
	s6 =	simm.s32 @!p1 $0x1082;
	[sflag:s4] =	ssyncset.s32 $0xFFFFF086  }
0x25: {  	[simem:s6], [sflag:s4] =	dma.local [hbm:s3], $0xF7A  }
0x26: {  	[smem:$0x3F95] =	sst s1;
	(tag) =	ssettag s2;
	_ =	strace s9  }
0x27: {  	s1 =	sld [smem:$0x3FA5]  }
0x28: {  	s2 =	sld [smem:$0x3FA6]  }
0x29: {  	s4 =	sld [smem:$0x3FA8]  }
0x2a: {  	p0 =	seq.s32 s5, $0x0;
	s5 =	sld [smem:$0x3FA9]  }
0x2b: {  	s6 =	sld [smem:$0x3FAA]  }
0x2c: {  	s7 =	sld [smem:$0x3FAB]  }
0x2d: {  	s3 =	simm.s32 $0x108;
	s8 =	sld [smem:$0x3FAC]  }
0x2e: {  	s3 =	simm.s32 @!p0 $0x1082;
	s9 =	sld [smem:$0x3FAD]  }
0x2f: {  	lr =	sadd.s32 s0, s3;
	s0 =	sld [smem:$0x3FA4]  }
0x30: {  	s3 =	sld [smem:$0x3FA7]  }
0x31: {  	[smem:$0x3FB0] =	sst s10  }
0x32: {  	s10 =	sld [smem:$0x3FAE];
	_ =	sdelay $0x3  }
0x33: {  	p0 =	seq.s32 s10, $0x1;
	s10 =	sld [smem:$0x3FB0];
	_ =	sdelay $0x3  }
0x34: {  	[smem:$0x3FB0] =	sst s10  }
0x35: {  	s10 =	sld [smem:$0x3FAF];
	_ =	sdelay $0x3  }
0x36: {  	p1 =	seq.s32 s10, $0x1;
	s10 =	sld [smem:$0x3FB0];
	_ =	sdelay $0x3  }
0x37: {  	[smem:$0x3FB0] =	sst s10  }
0x38: {  	s10 =	sld [smem:$0x3FB1]  }
0x39: {  	_ = 	snop;
	(pc) =	sbr.ind lr, $3  }
0x3a: {  	_ = 	snop  }
0x3b: {  	_ = 	snop  }
0x3c: {  	p2 =	seq.s32 s10, $0x1;
	s10 =	sld [smem:$0x3FB0]  }
0x3d: {  	_ =	shalt  }
0x3e: {  	_ =	shalt  }
0x3f: {  	_ =	shalt  }
0x40: {  	_ =	shalt  }
0x41: {  	_ =	shalt  }
0x42: {  	_ =	shalt  }
0x43: {  	_ =	shalt  }
0x44: {  	_ =	shalt  }
0x45: {  	_ =	shalt  }
0x46: {  	_ =	shalt  }
0x47: {  	_ =	shalt  }
0x48: {  	_ =	shalt  }
0x49: {  	_ =	shalt  }
0x4a: {  	_ =	shalt  }
0x4b: {  	_ =	shalt  }
0x4c: {  	_ =	shalt  }
0x4d: {  	_ =	shalt  }
0x4e: {  	_ =	shalt  }
0x4f: {  	_ =	shalt  }
0x50: {  	_ =	shalt  }
0x51: {  	_ =	shalt  }
0x52: {  	_ =	shalt  }
0x53: {  	_ =	shalt  }
0x54: {  	_ =	shalt  }
0x55: {  	_ =	shalt  }
0x56: {  	_ =	shalt  }
0x57: {  	_ =	shalt  }
0x58: {  	_ =	shalt  }
0x59: {  	_ =	shalt  }
0x5a: {  	_ =	shalt  }
0x5b: {  	_ =	shalt  }
0x5c: {  	_ =	shalt  }
0x5d: {  	_ =	shalt  }
0x5e: {  	_ =	shalt  }
0x5f: {  	_ =	shalt  }
0x60: {  	_ =	shalt  }
0x61: {  	_ =	shalt  }
0x62: {  	_ =	shalt  }
0x63: {  	_ =	shalt  }
0x64: {  	_ =	shalt  }
0x65: {  	_ =	shalt  }
0x66: {  	_ =	shalt  }
0x67: {  	_ =	shalt  }
0x68: {  	_ =	shalt  }
0x69: {  	_ =	shalt  }
0x6a: {  	_ =	shalt  }
0x6b: {  	_ =	shalt  }
0x6c: {  	_ =	shalt  }
0x6d: {  	_ =	shalt  }
0x6e: {  	_ =	shalt  }
0x6f: {  	_ =	shalt  }
0x70: {  	_ =	shalt  }
0x71: {  	_ =	shalt  }
0x72: {  	_ =	shalt  }
0x73: {  	_ =	shalt  }
0x74: {  	_ =	shalt  }
0x75: {  	_ =	shalt  }
0x76: {  	_ =	shalt  }
0x77: {  	_ =	shalt  }
0x78: {  	_ =	shalt  }
0x79: {  	_ =	shalt  }
0x7a: {  	_ =	shalt  }
0x7b: {  	_ =	shalt  }
0x7c: {  	_ =	shalt  }
0x7d: {  	_ =	shalt  }
0x7e: {  	_ =	shalt  }
0x7f: {  	_ =	shalt  }
0x80: {  	_ =	shalt  }
0x81: {  	_ =	shalt  }
0x82: {  	_ =	shalt  }
0x83: {  	_ =	shalt  }
0x84: {  	_ =	shalt  }
0x85: {  	_ =	shalt  }
0x86: {  	_ =	shalt  }
0x87: {  	_ =	shalt  }
.Lfunc_end0:
.L_simem_size_0:
called_computation.1_lowered:
.L_overlay_start_0:
0x88: {  	s2 =	sld [smem:$0x3FD9]  }
0x89: {  	s3 =	sld [smem:$0x3FFE];
	_ =	sdelay $0x1  }
0x8a: {  	s1 =	srdreg.scid  }
0x8b: {  	s0 =	sand.u32 $0x1, s1  }
0x8c: {  	s17 =	sshll.u32 s0, $0xA;
	s2 =	sadd.s32 s3, s2  }
0x8d: {  	s2 =	sadd.s32 s2, s17  }
0x8e: {  	[smem:$0x3FBC] =	sst s2  }
0x8f: {  	_ = 	snop  }
0x90: {  	s2 =	sld [smem:$0x3FD0];
	(tm) =	ssettm $0x1  }
0x91: {  	s18 =	sld [smem:$0x3FFB];
	_ =	sdelay $0x3  }
0x92: {  	_ =	strace s18  }
0x93: {  	s3 =	sld [smem:$0x3FFC];
	_ =	sdelay $0x3  }
0x94: {  	_ =	strace s3  }
0x95: {  	s3 =	sld [smem:$0x3FFD];
	_ =	sdelay $0x3  }
0x96: {  	_ =	strace s3  }
0x97: {  	_ =	strace $0x8FFFFFFF  }
0x98: {  	s19 =	sld [smem:$0x3FDB];
	_ =	sdelay $0x1  }
0x99: {  	s4 =	simm.s32 $_scs_section_size  }
0x9a: {  	s5 =	simm.s32 $_size__tile_overlayer_lowered;
	s6 =	simm.s32 $_tile_overlayer_lowered  }
0x9b: {  	s22 =	simm.s32 $0x1BFF;
	s21 =	sshll.u32 s6, $0x1;
	s3 =	sadd.s32 s4, s19  }
0x9c: {  	s7 =	simm.s32 $0x0;
	s20 =	sshll.u32 s5, $0x1;
	s5 =	sadd.s32 s21, s3  }
0x9d: {  	[timem:s7], [sflag:s22] =	dma.local [hbm:s5], s20  }
0x9e: {  	_ =	swait.ge [sflag:s22], s20  }
0x9f: {  	s4 =	ssub.s32 $0x0, s20;
	[sflag:s22] =	ssyncset.done $0x0  }
0xa0: {  	[sflag:s22] =	ssyncadd.s32 s4;
	_ =	sdelay $0x1  }
0xa1: {  	s23 =	simm.s32 $0x1B8B  }
0xa2: {  	_ =	swait.ge [sflag:s23], $0x1  }
0xa3: {  	[sflag:s23] =	ssyncset.done $0x0  }
0xa4: {  	s25 =	simm.s32 $0x1B8E;
	s24 =	sld [smem:$0x3FFE];
	[sflag:s23] =	ssyncadd.s32 $0xFFFFFFFF  }
0xa5: {  	s26 =	simm.s32 $execute0_lowered;
	[smem:$0x3FD2] =	sst s25  }
0xa6: {  	s5 =	sshll.u32 s26, $0x1;
	_ =	strace $0x80000049;
	[dreg:$0x1] =	wrdreg $0xFFFFFFFF  }
0xa7: {  	s28 =	simm.s32 $_size_execute0_lowered;
	s3 =	sadd.s32 s3, s5;
	[dreg:$0x0] =	wrdreg $0x0  }
0xa8: {  	s5 =	sshll.u32 s28, $0x1;
	[dreg:$0x2] =	wrdreg s3  }
0xa9: {  	[dreg:$0x3] =	wrdreg s5  }
0xaa: {  	[dreg:$0x4] =	wrdreg $0xC0  }
0xab: {  	_ =	task [dreg:s7], $0x5FFFF  }
0xac: {  	[dreg:$0x1] =	wrdreg $0xFFFFFFFF  }
0xad: {  	[dreg:$0x0] =	wrdreg $0x60  }
0xae: {  	[dreg:$0x2] =	wrdreg s2  }
0xaf: {  	[dreg:$0x3] =	wrdreg s24  }
0xb0: {  	[dreg:$0x4] =	wrdreg $0xC3000  }
0xb1: {  	[dreg:$0x5] =	wrdreg $0x9  }
0xb2: {  	_ =	task.clear_ibuf [dreg:s7], $0x6FFFF;
	_ =	strace $0x90000049  }
0xb3: {  	s29 =	simm.s32 $0x9;
	_ =	strace $0x8000004B  }
0xb4: {  	_ =	swait.ge [sflag:s29], $0x1  }
0xb5: {  	[sflag:s29] =	ssyncadd.s32 $0xFFFFFFFF  }
0xb6: {  	_ =	strace $0x9000004B  }
0xb7: {  	_ =	sfence  }
0xb8: {  	s30 =	sld [smem:$0x0];
	_ =	sdelay $0x2  }
0xb9: {  	s31 =	sshll.u32 s1, $0xD;
	s1 =	sshrl.u32 s1, $0x2  }
0xba: {  	s3 =	sand.u32 $0x4000, s31;
	s1 =	sadd.s32 s1, s30  }
0xbb: {  	s0 =	sor.u32 s3, s0;
	s1 =	sshll.u32 s1, $0x11  }
0xbc: {  	s0 =	sor.u32 s1, s0  }
0xbd: {  	s0 =	sadd.s32 $0x8F2B, s0  }
0xbe: {  	[sflag:s0] =	ssyncadd.remote.s32 $0x1  }
0xbf: {  	_ =	sfence.sel $0xFFFF  }
0xc0: {  	[dreg:$0x0] =	wrdreg $0xFFFFFFFF;
	(pc) =	sbr.abs _section_cstart, $3  }
0xc1: {  	[dreg:$0x1] =	wrdreg $0xFFFFFFFF  }
0xc2: {  	_ =	task.clear_ibuf [dreg:s7], $0x2FFFF;
	_ =	strace $0x9FFFFFFF  }
0xc3: {  	(tm) =	ssettm $0x7FFFFFFF  }
tec
execute0_lowered:
.L_overlay_start_1:
0x0: {  	(tag) =	ssettag $0x1  }
0x1: {  	s1 =	rddreg [dreg:$0x0]  }
0x2: {  	s0 =	rddreg [dreg:$0x1]  }
0x3: {  	s2 =	rddreg [dreg:$0x2]  }
0x4: {  	s3 =	srdreg.scid;
	s4 =	simm.s32 $0x0;
	s11 =	stileid.u32  }
0x5: {  	s29 =	simm.s32 $0x80;
	s30 =	simm.s32 $0x100;
	s31 =	simm.s32 $0x180  }
0x6: {  	s3 =	sand.u32 $0x1, s3;
	[smem:$0x7FF] =	sst s4;
	s8 =	smul.u32 $0x13C00, s11  }
0x7: {  	s5 =	sadd.s32 $0xDC00, s0;
	s6 =	sadd.s32 $0x3C00, s0;
	s17 =	sadd.s32 $0x17C00, s0  }
0x8: {  	s18 =	smul.u32 $0x4F000, s11;
	s9 =	sshll.u32 s11, $0x1;
	s20 =	sshll.u32 s11, $0x6  }
0x9: {  	s7 =	smul.u32 $0x13C000, s3;
	_ =	strace $0x8000004A;
	[dreg:$0x4] =	wrdreg s17  }
0xa: {  	s19 =	ssub.s32 $0x2, s3;
	s3 =	sor.u32 s3, s9;
	s26 =	sor.u32 $0x1C0D, s20  }
0xb: {  	s10 =	sshrl.u32 s19, $0x1;
	s9 =	smul.u32 $0x2800, s3;
	s3 =	simm.s32 $0x1  }
0xc: {  	[dreg:$0x6] =	wrdreg s26;
	s7 =	sadd.s32 s8, s7;
	s8 =	sshrl.u32 s18, $0x2  }
0xd: {  	s21 =	ssub.s32 s19, s10;
	s10 =	simm.s32 $0xD;
	s12 =	sadd.s32 s8, s2  }
0xe: {  	s25 =	sshrl.u32 s9, $0x3;
	s21 =	smax.u32 s21, $0x1;
	[dreg:$0x5] =	wrdreg s12  }
0xf: {  	s7 =	sshrl.u32 s7, $0x3;
	s15 =	sadd.s32 s5, s25;
	[dreg:$0x11] =	wrdreg s21  }
0x10: {  	s13 =	sor.u32 $0x10, s25;
	s17 =	sadd.s32 s6, s25;
	[dreg:$0x7] =	wrdreg s15  }
0x11: {  	s14 =	sor.u32 $0x20, s25;
	s16 =	sadd.s32 s5, s13;
	[dreg:$0xa] =	wrdreg s17  }
0x12: {  	s8 =	simm.s32 $0x0;
	s28 =	sadd.s32 s5, s14;
	[dreg:$0x8] =	wrdreg s16  }
0x13: {  	s0 =	sadd.s32 s7, s0;
	s13 =	sadd.s32 s6, s13;
	[dreg:$0x9] =	wrdreg s28  }
0x14: {  	s22 =	sadd.s32 $0x4000, s12;
	s18 =	sadd.s32 s6, s14;
	[dreg:$0xb] =	wrdreg s13  }
0x15: {  	s11 =	sadd.s32 $0x4F0, s25;
	s19 =	sadd.s32 $0x30, s15;
	[dreg:$0xc] =	wrdreg s18  }
0x16: {  	s23 =	sadd.s32 $0x8000, s12;
	s20 =	sadd.s32 s5, s11;
	[dreg:$0xd] =	wrdreg s19  }
0x17: {  	s24 =	sadd.s32 $0xC000, s12;
	s11 =	sadd.s32 s6, s11;
	[dreg:$0xe] =	wrdreg s20  }
0x18: {  	s12 =	sadd.s32 $0x10000, s12;
	s0 =	sadd.s32 $0x18400, s0;
	[dreg:$0xf] =	wrdreg s11  }
0x19: {  	s21 =	simm.s32 $0x5;
	s22 =	sshrl.u32 s22, $0x3;
	[dreg:$0x10] =	wrdreg s0  }
0x1a: {  	s23 =	sshrl.u32 s23, $0x3;
	s24 =	sshrl.u32 s24, $0x3;
	[dreg:$0x12] =	wrdreg s22  }
0x1b: {  	s25 =	sshrl.u32 s12, $0x3;
	s12 =	simm.s32 $0x2;
	[dreg:$0x13] =	wrdreg s23  }
0x1c: {  	s15 =	simm.s32 $0x7;
	s14 =	simm.s32 $0xB;
	[dreg:$0x14] =	wrdreg s24  }
0x1d: {  	[dreg:$0x15] =	wrdreg s25;
	s28 =	sadd.s32 $0x4E0, s17;
	s0 =	simm.s32 $0x200  }
0x1e: {  	s13 =	simm.s32 $0x4300;
	s16 =	simm.s32 $0x4;
	s17 =	simm.s32 $0x3  }
0x1f: {  	s18 =	simm.s32 $0x8300;
	s19 =	simm.s32 $0x280;
	s20 =	simm.s32 $0x8  }
0x20: {  	s11 =	simm.s32 $0xA;
	s22 =	simm.s32 $0x300;
	s23 =	simm.s32 $0x9  }
0x21: {  	s24 =	simm.s32 $0x6;
	s25 =	simm.s32 $0xC;
	[dreg:$0x16] =	wrdreg s28  }
.LBB2_1:
0x22: {  	[dreg:$0x17] =	wrdreg s8  }
0x23: {  	s7 =	rddreg [dreg:$0x5]  }
0x24: {  	s28 =	sshrl.u32 s7, $0x3;
	s7 =	rddreg [dreg:$0x4]  }
0x25: {  	[dreg:$0x18] =	wrdreg s28  }
0x26: {  	[spmem:s28], [sflag:s26] =	dma.local [hbm:s7], $0x800  }
0x27: {  	_ =	swait.ge [sflag:s10], $0x800  }
0x28: {  	[sflag:s10] =	ssyncset.done $0x0  }
0x29: {  	s28 =	rddreg [dreg:$0x12];
	[sflag:s10] =	ssyncadd.s32 $0xFFFFF800  }
0x2a: {  	[spmem:s28], [sflag:s26] =	dma.local [hbm:s7], $0x800  }
0x2b: {  	_ =	swait.ge [sflag:s10], $0x800  }
0x2c: {  	[sflag:s10] =	ssyncset.done $0x0  }
0x2d: {  	s28 =	rddreg [dreg:$0x13];
	[sflag:s10] =	ssyncadd.s32 $0xFFFFF800  }
0x2e: {  	[spmem:s28], [sflag:s26] =	dma.local [hbm:s7], $0x800  }
0x2f: {  	_ =	swait.ge [sflag:s10], $0x800  }
0x30: {  	[sflag:s10] =	ssyncset.done $0x0  }
0x31: {  	s28 =	rddreg [dreg:$0x14];
	[sflag:s10] =	ssyncadd.s32 $0xFFFFF800  }
0x32: {  	[spmem:s28], [sflag:s26] =	dma.local [hbm:s7], $0x800  }
0x33: {  	_ =	swait.ge [sflag:s10], $0x800  }
0x34: {  	[sflag:s10] =	ssyncset.done $0x0  }
0x35: {  	s28 =	rddreg [dreg:$0x15];
	[sflag:s10] =	ssyncadd.s32 $0xFFFFF800  }
0x36: {  	[spmem:s28], [sflag:s26] =	dma.local [hbm:s7], $0x780  }
0x37: {  	_ =	swait.ge [sflag:s10], $0x780  }
0x38: {  	[sflag:s10] =	ssyncset.done $0x0  }
0x39: {  	s8 =	rddreg [dreg:$0x7];
	[sflag:s10] =	ssyncadd.s32 $0xFFFFF880  }
0x3a: {  	[tilespmem:s4], [sflag:$0x1] =	stream.linear.gather [hbm4b:s8+s4], $0x80, $0x38;
	[tilespmem:$0x1FF00] =	vst v63  }
0x3b: {  	s10 =	rddreg [dreg:$0x8]  }
0x3c: {  	[tilespmem:s29], [sflag:$0x2] =	stream.linear.gather [hbm4b:s10+s4], $0x80, $0x38;
	[tilespmem:$0x1FF00] =	vst v63  }
0x3d: {  	s26 =	rddreg [dreg:$0x9]  }
0x3e: {  	[tilespmem:s30], [sflag:$0x3] =	stream.linear.gather [hbm4b:s26+s4], $0x80, $0x38;
	[tilespmem:$0x1FF00] =	vst v63  }
0x3f: {  	s28 =	rddreg [dreg:$0xa]  }
0x40: {  	[tilespmem:s31], [sflag:$0x4] =	stream.linear.gather [hbm4b:s28+s4], $0x80, $0x38;
	[tilespmem:$0x1FF00] =	vst v63  }
0x41: {  	s8 =	rddreg [dreg:$0xb]  }
0x42: {  	[tilespmem:s0], [sflag:$0x5] =	stream.linear.gather [hbm4b:s8+s4], $0x80, $0x38;
	[tilespmem:$0x1FF00] =	vst v63  }
0x43: {  	_ =	swait.ge [sflag:s3], $0x80  }
0x44: {  	[sflag:s3] =	ssyncset.done $0x0  }
0x45: {  	[sflag:s3] =	ssyncadd.s32 $0xFFFFFF80  }
0x46: {  	[tilespmem:s22], [sflag:$0x7] =	stream.indirect.gather [hbm4b:s1+s29], $0x80, s4, s29, $0xb8;
	[tilespmem:$0x1FF00] =	vst v63  }
0x47: {  	_ =	swait.ge [sflag:s12], $0x80  }
0x48: {  	[sflag:s12] =	ssyncset.done $0x0  }
0x49: {  	[sflag:s12] =	ssyncadd.s32 $0xFFFFFF80  }
0x4a: {  	[tilespmem:s13], [sflag:$0x8] =	stream.indirect.gather [hbm4b:s1+s29], $0x80, s29, s29, $0xb8;
	[tilespmem:$0x1FF00] =	vst v63  }
0x4b: {  	[bflag:$0x0] =	sbarrier.arrive $0xFFFF  }
0x4c: {  	_ =	swait.ge [sflag:s15], $0x4000  }
0x4d: {  	[sflag:s15] =	ssyncset.done $0x0  }
0x4e: {  	[sflag:s15] =	ssyncadd.s32 $0xFFFFC000  }
0x4f: {  	_ =	swait.ge [sflag:s16], $0x80  }
0x50: {  	[sflag:s16] =	ssyncset.done $0x0  }
0x51: {  	[sflag:s16] =	ssyncadd.s32 $0xFFFFFF80  }
0x52: {  	[spmem:s2] =	stream.indirect.scatter.add.f32 [tilespmem:s22], [sflag:$0xA], $0x80, s31, s29, $0xb8;
	[tilespmem:$0x1FF00] =	vst v63  }
0x53: {  	_ =	swait.ge [sflag:s17], $0x80  }
0x54: {  	[sflag:s17] =	ssyncset.done $0x0  }
0x55: {  	[sflag:s17] =	ssyncadd.s32 $0xFFFFFF80  }
0x56: {  	[tilespmem:s18], [sflag:$0x9] =	stream.indirect.gather [hbm4b:s1+s29], $0x80, s30, s29, $0xb8;
	[tilespmem:$0x1FF00] =	vst v63  }
0x57: {  	s10 =	rddreg [dreg:$0xc]  }
0x58: {  	[tilespmem:s19], [sflag:$0x6] =	stream.linear.gather [hbm4b:s10+s4], $0x80, $0x38;
	[tilespmem:$0x1FF00] =	vst v63  }
0x59: {  	s26 =	rddreg [dreg:$0xd]  }
0x5a: {  	[tilespmem:s4], [sflag:$0x1] =	stream.linear.gather [hbm4b:s26+s4], $0x80, $0x38;
	[tilespmem:$0x1FF00] =	vst v63  }
0x5b: {  	_ =	swait.ge [sflag:s20], $0x4000  }
0x5c: {  	[sflag:s20] =	ssyncset.done $0x0  }
0x5d: {  	[sflag:s20] =	ssyncadd.s32 $0xFFFFC000  }
0x5e: {  	_ =	swait.ge [sflag:s21], $0x80  }
0x5f: {  	[sflag:s21] =	ssyncset.done $0x0  }
0x60: {  	[sflag:s21] =	ssyncadd.s32 $0xFFFFFF80  }
0x61: {  	[spmem:s2] =	stream.indirect.scatter.add.f32 [tilespmem:s13], [sflag:$0xB], $0x80, s0, s29, $0xb8;
	[tilespmem:$0x1FF00] =	vst v63  }
0x62: {  	s28 =	simm.s32 $0x180;
	_ =	swait.ge [sflag:s11], $0x4000  }
0x63: {  	s7 =	sand.u32 $0x380, s28;
	s10 =	sand.u32 $0x7C00, s28;
	[sflag:s11] =	ssyncset.done $0x0  }
0x64: {  	s8 =	sadd.s32 s9, s10;
	s26 =	simm.s32 $0x200;
	[sflag:s11] =	ssyncadd.s32 $0xFFFFC000  }
0x65: {  	s7 =	sor.u32 s7, s8;
	s28 =	sand.u32 $0x7C00, s26;
	_ =	swait.ge [sflag:s3], $0x80  }
0x66: {  	s10 =	sand.u32 $0x380, s26;
	s8 =	sadd.s32 s9, s28;
	[sflag:s3] =	ssyncset.done $0x0  }
0x67: {  	s7 =	sshrl.u32 s7, $0x3;
	s8 =	sor.u32 s10, s8;
	[sflag:s3] =	ssyncadd.s32 $0xFFFFFF80  }
0x68: {  	[tilespmem:s22], [sflag:$0x7] =	stream.indirect.gather [hbm4b:s1+s29], $0x80, s4, s29, $0xb8;
	[tilespmem:$0x1FF00] =	vst v63  }
0x69: {  	s7 =	sadd.s32 s6, s7;
	s8 =	sshrl.u32 s8, $0x3  }
0x6a: {  	[tilespmem:s31], [sflag:$0x4] =	stream.linear.gather [hbm4b:s7+s4], $0x80, $0x38;
	[tilespmem:$0x1FF00] =	vst v63  }
0x6b: {  	s10 =	sadd.s32 s5, s8  }
0x6c: {  	[tilespmem:s29], [sflag:$0x2] =	stream.linear.gather [hbm4b:s10+s4], $0x80, $0x38;
	[tilespmem:$0x1FF00] =	vst v63  }
0x6d: {  	_ =	swait.ge [sflag:s23], $0x4000  }
0x6e: {  	[sflag:s23] =	ssyncset.done $0x0  }
0x6f: {  	[sflag:s23] =	ssyncadd.s32 $0xFFFFC000  }
0x70: {  	_ =	swait.ge [sflag:s24], $0x80  }
0x71: {  	[sflag:s24] =	ssyncset.done $0x0  }
0x72: {  	[sflag:s24] =	ssyncadd.s32 $0xFFFFFF80  }
0x73: {  	[spmem:s2] =	stream.indirect.scatter.add.f32 [tilespmem:s18], [sflag:$0xC], $0x80, s19, s29, $0xb8;
	[tilespmem:$0x1FF00] =	vst v63  }
0x74: {  	_ =	swait.ge [sflag:s14], $0x4000  }
0x75: {  	[sflag:s14] =	ssyncset.done $0x0  }
0x76: {  	s26 =	simm.s32 $0x280;
	[sflag:s14] =	ssyncadd.s32 $0xFFFFC000  }
0x77: {  	s28 =	sand.u32 $0x7C00, s26;
	_ =	swait.ge [sflag:s12], $0x80  }
0x78: {  	s7 =	sand.u32 $0x380, s26;
	s10 =	sadd.s32 s9, s28;
	[sflag:s12] =	ssyncset.done $0x0  }
0x79: {  	s7 =	sor.u32 s7, s10;
	[sflag:s12] =	ssyncadd.s32 $0xFFFFFF80  }
0x7a: {  	[tilespmem:s13], [sflag:$0x8] =	stream.indirect.gather [hbm4b:s1+s29], $0x80, s29, s29, $0xb8;
	[tilespmem:$0x1FF00] =	vst v63  }
0x7b: {  	s8 =	sadd.s32 s6, s8;
	s10 =	sshrl.u32 s7, $0x3  }
0x7c: {  	[tilespmem:s0], [sflag:$0x5] =	stream.linear.gather [hbm4b:s8+s4], $0x80, $0x38;
	[tilespmem:$0x1FF00] =	vst v63  }
0x7d: {  	s7 =	sadd.s32 s5, s10  }
0x7e: {  	[tilespmem:s30], [sflag:$0x3] =	stream.linear.gather [hbm4b:s7+s4], $0x80, $0x38;
	[tilespmem:$0x1FF00] =	vst v63  }
0x7f: {  	_ =	swait.ge [sflag:s15], $0x4000  }
0x80: {  	[sflag:s15] =	ssyncset.done $0x0  }
0x81: {  	[sflag:s15] =	ssyncadd.s32 $0xFFFFC000  }
0x82: {  	_ =	swait.ge [sflag:s16], $0x80  }
0x83: {  	[sflag:s16] =	ssyncset.done $0x0  }
0x84: {  	s8 =	simm.s32 $0x480;
	s7 =	simm.s32 $0x300;
	[sflag:s16] =	ssyncadd.s32 $0xFFFFFF80  }
0x85: {  	[spmem:s2] =	stream.indirect.scatter.add.f32 [tilespmem:s22], [sflag:$0xA], $0x80, s31, s29, $0xb8;
	[tilespmem:$0x1FF00] =	vst v63  }
.LBB2_2:
0x86: {  	p0 =	sne.s32 s8, $0x2700  }
0x87: {  	_ =	swait.ge [sflag:s25], $0x4000;
	s26 =	smov.u32 s8;
	s8 =	sadd.s32 $0x180, s8  }
0x88: {  	[sflag:s25] =	ssyncset.done $0x0  }
0x89: {  	s28 =	sand.u32 $0x7C00, s7;
	[sflag:s25] =	ssyncadd.s32 $0xFFFFC000  }
0x8a: {  	s7 =	sand.u32 $0x380, s7;
	s28 =	sadd.s32 s9, s28;
	_ =	swait.ge [sflag:s17], $0x80  }
0x8b: {  	s10 =	sadd.s32 s6, s10;
	s7 =	sor.u32 s7, s28;
	[sflag:s17] =	ssyncset.done $0x0  }
0x8c: {  	s28 =	sshrl.u32 s7, $0x3;
	s7 =	smov.u32 s26;
	[sflag:s17] =	ssyncadd.s32 $0xFFFFFF80  }
0x8d: {  	[tilespmem:s18], [sflag:$0x9] =	stream.indirect.gather [hbm4b:s1+s29], $0x80, s30, s29, $0xb8;
	[tilespmem:$0x1FF00] =	vst v63  }
0x8e: {  	_ = 	snop  }
0x8f: {  	[tilespmem:s19], [sflag:$0x6] =	stream.linear.gather [hbm4b:s10+s4], $0x80, $0x38;
	[tilespmem:$0x1FF00] =	vst v63  }
0x90: {  	s26 =	sadd.s32 s5, s28;
	s10 =	sadd.s32 $0xFFFFFE80, s7  }
0x91: {  	[tilespmem:s4], [sflag:$0x1] =	stream.linear.gather [hbm4b:s26+s4], $0x80, $0x38;
	[tilespmem:$0x1FF00] =	vst v63  }
0x92: {  	s26 =	sand.u32 $0x7C00, s10;
	_ =	swait.ge [sflag:s20], $0x4000  }
0x93: {  	s10 =	sand.u32 $0x380, s10;
	s26 =	sadd.s32 s9, s26;
	[sflag:s20] =	ssyncset.done $0x0  }
0x94: {  	s10 =	sor.u32 s10, s26;
	s26 =	sadd.s32 $0xFFFFFF00, s7;
	[sflag:s20] =	ssyncadd.s32 $0xFFFFC000  }
0x95: {  	s10 =	sshrl.u32 s10, $0x3;
	s28 =	sand.u32 $0x7C00, s26;
	_ =	swait.ge [sflag:s21], $0x80  }
0x96: {  	s26 =	sand.u32 $0x380, s26;
	s28 =	sadd.s32 s9, s28;
	[sflag:s21] =	ssyncset.done $0x0  }
0x97: {  	s26 =	sor.u32 s26, s28;
	[sflag:s21] =	ssyncadd.s32 $0xFFFFFF80  }
0x98: {  	[spmem:s2] =	stream.indirect.scatter.add.f32 [tilespmem:s13], [sflag:$0xB], $0x80, s0, s29, $0xb8;
	[tilespmem:$0x1FF00] =	vst v63  }
0x99: {  	s26 =	sshrl.u32 s26, $0x3;
	_ =	swait.ge [sflag:s11], $0x4000  }
0x9a: {  	s28 =	sadd.s32 s5, s26;
	[sflag:s11] =	ssyncset.done $0x0  }
0x9b: {  	[sflag:s11] =	ssyncadd.s32 $0xFFFFC000  }
0x9c: {  	_ =	swait.ge [sflag:s3], $0x80  }
0x9d: {  	[sflag:s3] =	ssyncset.done $0x0  }
0x9e: {  	s10 =	sadd.s32 s6, s10;
	[sflag:s3] =	ssyncadd.s32 $0xFFFFFF80  }
0x9f: {  	[tilespmem:s22], [sflag:$0x7] =	stream.indirect.gather [hbm4b:s1+s29], $0x80, s4, s29, $0xb8;
	[tilespmem:$0x1FF00] =	vst v63  }
0xa0: {  	_ = 	snop  }
0xa1: {  	[tilespmem:s31], [sflag:$0x4] =	stream.linear.gather [hbm4b:s10+s4], $0x80, $0x38;
	[tilespmem:$0x1FF00] =	vst v63  }
0xa2: {  	_ = 	snop  }
0xa3: {  	[tilespmem:s29], [sflag:$0x2] =	stream.linear.gather [hbm4b:s28+s4], $0x80, $0x38;
	[tilespmem:$0x1FF00] =	vst v63  }
0xa4: {  	_ =	swait.ge [sflag:s23], $0x4000  }
0xa5: {  	[sflag:s23] =	ssyncset.done $0x0  }
0xa6: {  	[sflag:s23] =	ssyncadd.s32 $0xFFFFC000  }
0xa7: {  	_ =	swait.ge [sflag:s24], $0x80  }
0xa8: {  	[sflag:s24] =	ssyncset.done $0x0  }
0xa9: {  	[sflag:s24] =	ssyncadd.s32 $0xFFFFFF80  }
0xaa: {  	[spmem:s2] =	stream.indirect.scatter.add.f32 [tilespmem:s18], [sflag:$0xC], $0x80, s19, s29, $0xb8;
	[tilespmem:$0x1FF00] =	vst v63  }
0xab: {  	_ =	swait.ge [sflag:s14], $0x4000  }
0xac: {  	s10 =	sadd.s32 $0xFFFFFF80, s7;
	[sflag:s14] =	ssyncset.done $0x0  }
0xad: {  	s28 =	sand.u32 $0x7C00, s10;
	[sflag:s14] =	ssyncadd.s32 $0xFFFFC000  }
0xae: {  	s10 =	sand.u32 $0x380, s10;
	s28 =	sadd.s32 s9, s28;
	_ =	swait.ge [sflag:s12], $0x80  }
0xaf: {  	s26 =	sadd.s32 s6, s26;
	s10 =	sor.u32 s10, s28;
	[sflag:s12] =	ssyncset.done $0x0  }
0xb0: {  	s10 =	sshrl.u32 s10, $0x3;
	[sflag:s12] =	ssyncadd.s32 $0xFFFFFF80  }
0xb1: {  	[tilespmem:s13], [sflag:$0x8] =	stream.indirect.gather [hbm4b:s1+s29], $0x80, s29, s29, $0xb8;
	[tilespmem:$0x1FF00] =	vst v63  }
0xb2: {  	_ = 	snop  }
0xb3: {  	[tilespmem:s0], [sflag:$0x5] =	stream.linear.gather [hbm4b:s26+s4], $0x80, $0x38;
	[tilespmem:$0x1FF00] =	vst v63  }
0xb4: {  	s26 =	sadd.s32 s5, s10  }
0xb5: {  	[tilespmem:s30], [sflag:$0x3] =	stream.linear.gather [hbm4b:s26+s4], $0x80, $0x38;
	[tilespmem:$0x1FF00] =	vst v63  }
0xb6: {  	_ =	swait.ge [sflag:s15], $0x4000  }
0xb7: {  	[sflag:s15] =	ssyncset.done $0x0  }
.Ltmp0:
0xb8: {  	[sflag:s15] =	ssyncadd.s32 $0xFFFFC000;
	(pc) =	sbr.rel @p0 .LBB2_2-.Ltmp0, $4  }
0xb9: {  	_ =	swait.ge [sflag:s16], $0x80  }
0xba: {  	[sflag:s16] =	ssyncset.done $0x0  }
0xbb: {  	[sflag:s16] =	ssyncadd.s32 $0xFFFFFF80  }
0xbc: {  	[spmem:s2] =	stream.indirect.scatter.add.f32 [tilespmem:s22], [sflag:$0xA], $0x80, s31, s29, $0xb8;
	[tilespmem:$0x1FF00] =	vst v63  }
0xbd: {  	_ =	swait.ge [sflag:s25], $0x4000  }
0xbe: {  	[sflag:s25] =	ssyncset.done $0x0  }
0xbf: {  	[sflag:s25] =	ssyncadd.s32 $0xFFFFC000  }
0xc0: {  	s8 =	sand.u32 $0x7C00, s7;
	_ =	swait.ge [sflag:s17], $0x80  }
0xc1: {  	s28 =	sand.u32 $0x380, s7;
	s8 =	sadd.s32 s9, s8;
	[sflag:s17] =	ssyncset.done $0x0  }
0xc2: {  	s7 =	sor.u32 s28, s8;
	[sflag:s17] =	ssyncadd.s32 $0xFFFFFF80  }
0xc3: {  	[tilespmem:s18], [sflag:$0x9] =	stream.indirect.gather [hbm4b:s1+s29], $0x80, s30, s29, $0xb8;
	[tilespmem:$0x1FF00] =	vst v63  }
0xc4: {  	s10 =	sadd.s32 s6, s10;
	s7 =	sshrl.u32 s7, $0x3  }
0xc5: {  	[tilespmem:s19], [sflag:$0x6] =	stream.linear.gather [hbm4b:s10+s4], $0x80, $0x38;
	[tilespmem:$0x1FF00] =	vst v63  }
0xc6: {  	s7 =	sadd.s32 s5, s7  }
0xc7: {  	[tilespmem:s4], [sflag:$0x1] =	stream.linear.gather [hbm4b:s7+s4], $0x80, $0x38;
	[tilespmem:$0x1FF00] =	vst v63  }
0xc8: {  	_ =	swait.ge [sflag:s20], $0x4000  }
0xc9: {  	[sflag:s20] =	ssyncset.done $0x0  }
0xca: {  	[sflag:s20] =	ssyncadd.s32 $0xFFFFC000  }
0xcb: {  	_ =	swait.ge [sflag:s21], $0x80  }
0xcc: {  	[sflag:s21] =	ssyncset.done $0x0  }
0xcd: {  	[sflag:s21] =	ssyncadd.s32 $0xFFFFFF80  }
0xce: {  	[spmem:s2] =	stream.indirect.scatter.add.f32 [tilespmem:s13], [sflag:$0xB], $0x80, s0, s29, $0xb8;
	[tilespmem:$0x1FF00] =	vst v63  }
0xcf: {  	_ =	swait.ge [sflag:s11], $0x4000  }
0xd0: {  	[sflag:s11] =	ssyncset.done $0x0  }
0xd1: {  	[sflag:s11] =	ssyncadd.s32 $0xFFFFC000  }
0xd2: {  	_ =	swait.ge [sflag:s3], $0x80  }
0xd3: {  	[sflag:s3] =	ssyncset.done $0x0  }
0xd4: {  	[sflag:s3] =	ssyncadd.s32 $0xFFFFFF80  }
0xd5: {  	[tilespmem:s22], [sflag:$0x7] =	stream.indirect.gather [hbm4b:s1+s29], $0x80, s4, s29, $0xb8;
	[tilespmem:$0x1FF00] =	vst v63  }
0xd6: {  	s26 =	rddreg [dreg:$0x16]  }
0xd7: {  	[tilespmem:s31], [sflag:$0x4] =	stream.linear.gather [hbm4b:s26+s4], $0x80, $0x38;
	[tilespmem:$0x1FF00] =	vst v63  }
0xd8: {  	s28 =	rddreg [dreg:$0xe]  }
0xd9: {  	[tilespmem:s29], [sflag:$0x2] =	stream.linear.gather [hbm4b:s28+s4], $0x80, $0x38;
	[tilespmem:$0x1FF00] =	vst v63  }
0xda: {  	_ =	swait.ge [sflag:s23], $0x4000  }
0xdb: {  	[sflag:s23] =	ssyncset.done $0x0  }
0xdc: {  	[sflag:s23] =	ssyncadd.s32 $0xFFFFC000  }
0xdd: {  	_ =	swait.ge [sflag:s24], $0x80  }
0xde: {  	[sflag:s24] =	ssyncset.done $0x0  }
0xdf: {  	[sflag:s24] =	ssyncadd.s32 $0xFFFFFF80  }
0xe0: {  	[spmem:s2] =	stream.indirect.scatter.add.f32 [tilespmem:s18], [sflag:$0xC], $0x80, s19, s29, $0xb8;
	[tilespmem:$0x1FF00] =	vst v63  }
0xe1: {  	_ =	swait.ge [sflag:s14], $0x4000  }
0xe2: {  	[sflag:s14] =	ssyncset.done $0x0  }
0xe3: {  	[sflag:s14] =	ssyncadd.s32 $0xFFFFC000  }
0xe4: {  	_ =	swait.ge [sflag:s12], $0x80  }
0xe5: {  	[sflag:s12] =	ssyncset.done $0x0  }
0xe6: {  	[sflag:s12] =	ssyncadd.s32 $0xFFFFFF80  }
0xe7: {  	[tilespmem:s13], [sflag:$0x8] =	stream.indirect.gather [hbm4b:s1+s29], $0x80, s29, s29, $0xb8;
	[tilespmem:$0x1FF00] =	vst v63  }
0xe8: {  	s8 =	rddreg [dreg:$0xf]  }
0xe9: {  	[tilespmem:s0], [sflag:$0x5] =	stream.linear.gather [hbm4b:s8+s4], $0x80, $0x38;
	[tilespmem:$0x1FF00] =	vst v63  }
0xea: {  	_ =	swait.ge [sflag:s15], $0x4000  }
0xeb: {  	[sflag:s15] =	ssyncset.done $0x0  }
0xec: {  	[sflag:s15] =	ssyncadd.s32 $0xFFFFC000  }
0xed: {  	_ =	swait.ge [sflag:s16], $0x80  }
0xee: {  	[sflag:s16] =	ssyncset.done $0x0  }
0xef: {  	[sflag:s16] =	ssyncadd.s32 $0xFFFFFF80  }
0xf0: {  	[spmem:s2] =	stream.indirect.scatter.add.f32 [tilespmem:s22], [sflag:$0xA], $0x80, s31, s29, $0xb8;
	[tilespmem:$0x1FF00] =	vst v63  }
0xf1: {  	_ =	swait.ge [sflag:s25], $0x4000  }
0xf2: {  	[sflag:s25] =	ssyncset.done $0x0  }
0xf3: {  	[sflag:s25] =	ssyncadd.s32 $0xFFFFC000  }
0xf4: {  	_ =	swait.ge [sflag:s20], $0x4000  }
0xf5: {  	[sflag:s20] =	ssyncset.done $0x0  }
0xf6: {  	[sflag:s20] =	ssyncadd.s32 $0xFFFFC000  }
0xf7: {  	_ =	swait.ge [sflag:s21], $0x80  }
0xf8: {  	[sflag:s21] =	ssyncset.done $0x0  }
0xf9: {  	[sflag:s21] =	ssyncadd.s32 $0xFFFFFF80  }
0xfa: {  	[spmem:s2] =	stream.indirect.scatter.add.f32 [tilespmem:s13], [sflag:$0xB], $0x80, s0, s29, $0xb8;
	[tilespmem:$0x1FF00] =	vst v63  }
0xfb: {  	_ =	swait.ge [sflag:s11], $0x4000  }
0xfc: {  	[sflag:s11] =	ssyncset.done $0x0  }
0xfd: {  	[sflag:s11] =	ssyncadd.s32 $0xFFFFC000  }
0xfe: {  	_ =	swait.ge [sflag:s14], $0x4000  }
0xff: {  	[sflag:s14] =	ssyncset.done $0x0  }
0x100: {  	[sflag:s14] =	ssyncadd.s32 $0xFFFFC000  }
0x101: {  	[bflag:$0x0] =	sbarrier.arrive $0xFFFF  }
0x102: {  	s26 =	rddreg [dreg:$0x6]  }
0x103: {  	s10 =	rddreg [dreg:$0x10]  }
0x104: {  	s28 =	rddreg [dreg:$0x18]  }
0x105: {  	[hbm:s10], [sflag:s26] =	dma.local [spmem:s28], $0x2780  }
0x106: {  	s10 =	simm.s32 $0xD  }
0x107: {  	_ =	swait.ge [sflag:s10], $0x2780  }
0x108: {  	s7 =	rddreg [dreg:$0x17]  }
0x109: {  	s28 =	rddreg [dreg:$0x11];
	s8 =	sadd.s32 $0x1, s7  }
0x10a: {  	p0 =	sne.s32 s8, s28  }
.Ltmp1:
0x10b: {  	_ = 	snop;
	(pc) =	sbr.rel @p0 .LBB2_1-.Ltmp1, $3  }
0x10c: {  	_ =	sdelay $0x1  }
0x10d: {  	[sflag:s10] =	ssyncset.done $0x0  }
0x10e: {  	[sflag:s10] =	ssyncadd.s32 $0xFFFFD880  }
0x10f: {  	_ =	sfence.sel $0x180000  }
0x110: {  	[bflag:$0x0] =	sbarrier.arrive $0xFFFF  }
0x111: {  	_ =	strace $0x9000004A  }
0x112: {  	s0 =	stileid.u32;
	[bflag:$0x2] =	sbarrier.arrive $0xFFFF  }
0x113: {  	p0 =	sne.s32 s0, $0x0;
	s0 =	rddreg [dreg:$0x3]  }
0x114: {  	s0 =	sadd.s32 @!p0 $0x100000, s0  }
0x115: {  	[sflag:s0] =	ssyncadd.tile.s32 @!p0 $0x1;
	_ =	shalt  }
.Lfunc_end2:
_tile_overlayer_lowered:
.L_overlay_start_2:
0x116: {  	(tag) =	ssettag $0x2  }
0x117: {  	s0 =	rddreg [dreg:$0x0];
	s2 =	stileid.u32  }
0x118: {  	s1 =	rddreg [dreg:$0x1];
	p0 =	sne.s32 s2, $0x0  }
0x119: {  	s3 =	rddreg [dreg:$0x2];
	[bflag:$0x3] =	sbarrier.arrive $0xFFFF;
	s2 =	simm.s32 @!p0 $0x1C0D  }
0x11a: {  	[timem:s3], [sflag:s2] =	dma.local @!p0 [hbm:s0], s1  }
0x11b: {  	s0 =	simm.s32 @!p0 $0xD  }
0x11c: {  	_ =	swait.ge @!p0 [sflag:s0], s1  }
0x11d: {  	s1 =	ssub.s32 @!p0 $0x0, s1;
	[sflag:s0] =	ssyncset.done @!p0 $0x0  }
0x11e: {  	[sflag:s0] =	ssyncadd.s32 @!p0 s1  }
0x11f: {  	[bflag:$0x3] =	sbarrier.arrive $0xFFFF  }
0x120: {  	_ =	shalt  }

// kernel: kernel.16.cloned.1.call-start
scs
__scs_entry_jumppad:
0x0: {  	(pc) =	sbr.rel $0x88, $3  }
0x1: {  	(tag) =	ssettag $0x0;
	lr =	simm.s32 $0x1  }
0x2: {  	[smem:$0x3F95] =	sst lr;
	_ =	strace $0xD0000000  }
0x3: {  	_ = 	snop  }
0x4: {  	_ = 	snop  }
0x5: {  	_ = 	snop  }
0x6: {  	_ = 	snop  }
0x7: {  	_ = 	snop  }
__scs_overlays_trampoline_lowered:
0x8: {  	[smem:$0x3FA4] =	sst s0  }
0x9: {  	[smem:$0x3FA5] =	sst s1  }
0xa: {  	[smem:$0x3FA6] =	sst s2  }
0xb: {  	[smem:$0x3FA7] =	sst s3  }
0xc: {  	[smem:$0x3FA8] =	sst s4  }
0xd: {  	[smem:$0x3FA9] =	sst s5  }
0xe: {  	[smem:$0x3FAA] =	sst s6  }
0xf: {  	[smem:$0x3FAB] =	sst s7  }
0x10: {  	[smem:$0x3FAC] =	sst s8  }
0x11: {  	[smem:$0x3FAD] =	sst s9;
	s0 =	simm.s32 @!p0 $0x0  }
0x12: {  	s1 =	sld [smem:$0x3F93];
	s0 =	simm.s32 @p0 $0x1  }
0x13: {  	[smem:$0x3FAE] =	sst s0;
	s0 =	simm.s32 @!p1 $0x0  }
0x14: {  	s2 =	sld [smem:$0x3F92];
	s0 =	simm.s32 @p1 $0x1  }
0x15: {  	[smem:$0x3FAF] =	sst s0;
	s0 =	simm.s32 @!p2 $0x0  }
0x16: {  	s3 =	sld [smem:$0x3FDB];
	s0 =	simm.s32 @p2 $0x1  }
0x17: {  	s4 =	simm.s32 $0x1BF5;
	[smem:$0x3FB1] =	sst s0  }
0x18: {  	s0 =	sld [smem:$0x3F94];
	_ =	swait.ge [sflag:s4], $0x0  }
0x19: {  	s7 =	sld [smem:$0x3F95]  }
0x1a: {  	s8 =	sadd.s32 $0xFFFFE003, lr  }
0x1b: {  	s9 =	sadd.s32 $0xFFFFFEF7, lr;
	s5 =	simm.s32 $0xFFFFFFFF;
	p2 =	slt.u32 s8, $0xFFFFF086  }
0x1c: {  	p1 =	slt.u32 s9, $0xF7A;
	s5 =	simm.s32 @!p2 $0x0  }
0x1d: {  	s5 =	simm.s32 @p1 $0x1;
	p0 =	seq.s32 s7, s2  }
0x1e: {  	s7 =	smul.u32 @!p0 $0xF7A, s2;
	p2 =	seq.s32 @!p0 s5, $0x0  }
0x1f: {  	s9 =	smul.u32 $0xF7A, s1;
	s8 =	simm.s32 @!p0 $0x1BF5;
	p2 =	por !p2, p0  }
0x20: {  	[sflag:s8] =	ssyncset.s32 @!p0 $0xFFFFF086;
	s6 =	sadd.s32 @!p0 s3, s7;
	s7 =	simm.s32 @!p0 $0x108  }
0x21: {  	s3 =	sadd.s32 s3, s9;
	s6 =	sadd.s32 @!p0 $0x88, s6;
	s7 =	simm.s32 @p2 $0x1082  }
0x22: {  	[simem:s7], [sflag:s8] =	dma.local @!p0 [hbm:s6], $0xF7A  }
0x23: {  	s9 =	sor.u32 $0xD0000000, s2;
	s6 =	simm.s32 $0x108;
	_ =	swait.ge @!p0 [sflag:s8], $0x0  }
0x24: {  	s3 =	sadd.s32 $0x88, s3;
	s6 =	simm.s32 @!p1 $0x1082;
	[sflag:s4] =	ssyncset.s32 $0xFFFFF086  }
0x25: {  	[simem:s6], [sflag:s4] =	dma.local [hbm:s3], $0xF7A  }
0x26: {  	[smem:$0x3F95] =	sst s1;
	(tag) =	ssettag s2;
	_ =	strace s9  }
0x27: {  	s1 =	sld [smem:$0x3FA5]  }
0x28: {  	s2 =	sld [smem:$0x3FA6]  }
0x29: {  	s4 =	sld [smem:$0x3FA8]  }
0x2a: {  	p0 =	seq.s32 s5, $0x0;
	s5 =	sld [smem:$0x3FA9]  }
0x2b: {  	s6 =	sld [smem:$0x3FAA]  }
0x2c: {  	s7 =	sld [smem:$0x3FAB]  }
0x2d: {  	s3 =	simm.s32 $0x108;
	s8 =	sld [smem:$0x3FAC]  }
0x2e: {  	s3 =	simm.s32 @!p0 $0x1082;
	s9 =	sld [smem:$0x3FAD]  }
0x2f: {  	lr =	sadd.s32 s0, s3;
	s0 =	sld [smem:$0x3FA4]  }
0x30: {  	s3 =	sld [smem:$0x3FA7]  }
0x31: {  	[smem:$0x3FB0] =	sst s10  }
0x32: {  	s10 =	sld [smem:$0x3FAE];
	_ =	sdelay $0x3  }
0x33: {  	p0 =	seq.s32 s10, $0x1;
	s10 =	sld [smem:$0x3FB0];
	_ =	sdelay $0x3  }
0x34: {  	[smem:$0x3FB0] =	sst s10  }
0x35: {  	s10 =	sld [smem:$0x3FAF];
	_ =	sdelay $0x3  }
0x36: {  	p1 =	seq.s32 s10, $0x1;
	s10 =	sld [smem:$0x3FB0];
	_ =	sdelay $0x3  }
0x37: {  	[smem:$0x3FB0] =	sst s10  }
0x38: {  	s10 =	sld [smem:$0x3FB1]  }
0x39: {  	_ = 	snop;
	(pc) =	sbr.ind lr, $3  }
0x3a: {  	_ = 	snop  }
0x3b: {  	_ = 	snop  }
0x3c: {  	p2 =	seq.s32 s10, $0x1;
	s10 =	sld [smem:$0x3FB0]  }
0x3d: {  	_ =	shalt  }
0x3e: {  	_ =	shalt  }
0x3f: {  	_ =	shalt  }
0x40: {  	_ =	shalt  }
0x41: {  	_ =	shalt  }
0x42: {  	_ =	shalt  }
0x43: {  	_ =	shalt  }
0x44: {  	_ =	shalt  }
0x45: {  	_ =	shalt  }
0x46: {  	_ =	shalt  }
0x47: {  	_ =	shalt  }
0x48: {  	_ =	shalt  }
0x49: {  	_ =	shalt  }
0x4a: {  	_ =	shalt  }
0x4b: {  	_ =	shalt  }
0x4c: {  	_ =	shalt  }
0x4d: {  	_ =	shalt  }
0x4e: {  	_ =	shalt  }
0x4f: {  	_ =	shalt  }
0x50: {  	_ =	shalt  }
0x51: {  	_ =	shalt  }
0x52: {  	_ =	shalt  }
0x53: {  	_ =	shalt  }
0x54: {  	_ =	shalt  }
0x55: {  	_ =	shalt  }
0x56: {  	_ =	shalt  }
0x57: {  	_ =	shalt  }
0x58: {  	_ =	shalt  }
0x59: {  	_ =	shalt  }
0x5a: {  	_ =	shalt  }
0x5b: {  	_ =	shalt  }
0x5c: {  	_ =	shalt  }
0x5d: {  	_ =	shalt  }
0x5e: {  	_ =	shalt  }
0x5f: {  	_ =	shalt  }
0x60: {  	_ =	shalt  }
0x61: {  	_ =	shalt  }
0x62: {  	_ =	shalt  }
0x63: {  	_ =	shalt  }
0x64: {  	_ =	shalt  }
0x65: {  	_ =	shalt  }
0x66: {  	_ =	shalt  }
0x67: {  	_ =	shalt  }
0x68: {  	_ =	shalt  }
0x69: {  	_ =	shalt  }
0x6a: {  	_ =	shalt  }
0x6b: {  	_ =	shalt  }
0x6c: {  	_ =	shalt  }
0x6d: {  	_ =	shalt  }
0x6e: {  	_ =	shalt  }
0x6f: {  	_ =	shalt  }
0x70: {  	_ =	shalt  }
0x71: {  	_ =	shalt  }
0x72: {  	_ =	shalt  }
0x73: {  	_ =	shalt  }
0x74: {  	_ =	shalt  }
0x75: {  	_ =	shalt  }
0x76: {  	_ =	shalt  }
0x77: {  	_ =	shalt  }
0x78: {  	_ =	shalt  }
0x79: {  	_ =	shalt  }
0x7a: {  	_ =	shalt  }
0x7b: {  	_ =	shalt  }
0x7c: {  	_ =	shalt  }
0x7d: {  	_ =	shalt  }
0x7e: {  	_ =	shalt  }
0x7f: {  	_ =	shalt  }
0x80: {  	_ =	shalt  }
0x81: {  	_ =	shalt  }
0x82: {  	_ =	shalt  }
0x83: {  	_ =	shalt  }
0x84: {  	_ =	shalt  }
0x85: {  	_ =	shalt  }
0x86: {  	_ =	shalt  }
0x87: {  	_ =	shalt  }
.Lfunc_end0:
.L_simem_size_0:
called_computation.2_lowered:
.L_overlay_start_0:
0x88: {  	s2 =	sld [smem:$0x3FD9]  }
0x89: {  	s3 =	sld [smem:$0x3FFE];
	_ =	sdelay $0x1  }
0x8a: {  	s1 =	srdreg.scid  }
0x8b: {  	s0 =	sand.u32 $0x1, s1  }
0x8c: {  	s17 =	sshll.u32 s0, $0xA;
	s2 =	sadd.s32 s3, s2  }
0x8d: {  	s2 =	sadd.s32 s2, s17  }
0x8e: {  	[smem:$0x3FBC] =	sst s2  }
0x8f: {  	_ = 	snop  }
0x90: {  	s2 =	sld [smem:$0x3FD0];
	(tm) =	ssettm $0x1  }
0x91: {  	s18 =	sld [smem:$0x3FFB];
	_ =	sdelay $0x3  }
0x92: {  	_ =	strace s18  }
0x93: {  	s3 =	sld [smem:$0x3FFC];
	_ =	sdelay $0x3  }
0x94: {  	_ =	strace s3  }
0x95: {  	s3 =	sld [smem:$0x3FFD];
	_ =	sdelay $0x3  }
0x96: {  	_ =	strace s3  }
0x97: {  	_ =	strace $0x8FFFFFFF  }
0x98: {  	s19 =	sld [smem:$0x3FDB];
	_ =	sdelay $0x1  }
0x99: {  	s4 =	simm.s32 $_scs_section_size  }
0x9a: {  	s5 =	simm.s32 $_size__tile_overlayer_lowered;
	s6 =	simm.s32 $_tile_overlayer_lowered  }
0x9b: {  	s22 =	simm.s32 $0x1BFF;
	s21 =	sshll.u32 s6, $0x1;
	s3 =	sadd.s32 s4, s19  }
0x9c: {  	s7 =	simm.s32 $0x0;
	s20 =	sshll.u32 s5, $0x1;
	s5 =	sadd.s32 s21, s3  }
0x9d: {  	[timem:s7], [sflag:s22] =	dma.local [hbm:s5], s20  }
0x9e: {  	_ =	swait.ge [sflag:s22], s20  }
0x9f: {  	s4 =	ssub.s32 $0x0, s20;
	[sflag:s22] =	ssyncset.done $0x0  }
0xa0: {  	[sflag:s22] =	ssyncadd.s32 s4;
	_ =	sdelay $0x1  }
0xa1: {  	s23 =	simm.s32 $0x1B8B  }
0xa2: {  	_ =	swait.ge [sflag:s23], $0x1  }
0xa3: {  	[sflag:s23] =	ssyncset.done $0x0  }
0xa4: {  	s25 =	simm.s32 $0x1B8E;
	s24 =	sld [smem:$0x3FFE];
	[sflag:s23] =	ssyncadd.s32 $0xFFFFFFFF  }
0xa5: {  	s26 =	simm.s32 $execute0_lowered;
	[smem:$0x3FD2] =	sst s25  }
0xa6: {  	s5 =	sshll.u32 s26, $0x1;
	_ =	strace $0x8000004C;
	[dreg:$0x1] =	wrdreg $0xFFFFFFFF  }
0xa7: {  	s28 =	simm.s32 $_size_execute0_lowered;
	s3 =	sadd.s32 s3, s5;
	[dreg:$0x0] =	wrdreg $0x0  }
0xa8: {  	s5 =	sshll.u32 s28, $0x1;
	[dreg:$0x2] =	wrdreg s3  }
0xa9: {  	[dreg:$0x3] =	wrdreg s5  }
0xaa: {  	[dreg:$0x4] =	wrdreg $0xC0  }
0xab: {  	_ =	task [dreg:s7], $0x5FFFF  }
0xac: {  	[dreg:$0x1] =	wrdreg $0xFFFFFFFF  }
0xad: {  	[dreg:$0x0] =	wrdreg $0x60  }
0xae: {  	[dreg:$0x2] =	wrdreg s2  }
0xaf: {  	[dreg:$0x3] =	wrdreg s24  }
0xb0: {  	[dreg:$0x4] =	wrdreg $0xC3000  }
0xb1: {  	[dreg:$0x5] =	wrdreg $0x9  }
0xb2: {  	_ =	task.clear_ibuf [dreg:s7], $0x6FFFF;
	_ =	strace $0x9000004C  }
0xb3: {  	s29 =	simm.s32 $0x9;
	_ =	strace $0x8000004E  }
0xb4: {  	_ =	swait.ge [sflag:s29], $0x1  }
0xb5: {  	[sflag:s29] =	ssyncadd.s32 $0xFFFFFFFF  }
0xb6: {  	_ =	strace $0x9000004E  }
0xb7: {  	_ =	sfence  }
0xb8: {  	s30 =	sld [smem:$0x0];
	_ =	sdelay $0x2  }
0xb9: {  	s31 =	sshll.u32 s1, $0xD;
	s1 =	sshrl.u32 s1, $0x2  }
0xba: {  	s3 =	sand.u32 $0x4000, s31;
	s1 =	sadd.s32 s1, s30  }
0xbb: {  	s0 =	sor.u32 s3, s0;
	s1 =	sshll.u32 s1, $0x11  }
0xbc: {  	s0 =	sor.u32 s1, s0  }
0xbd: {  	s0 =	sadd.s32 $0x8F2B, s0  }
0xbe: {  	[sflag:s0] =	ssyncadd.remote.s32 $0x1  }
0xbf: {  	_ =	sfence.sel $0xFFFF  }
0xc0: {  	[dreg:$0x0] =	wrdreg $0xFFFFFFFF;
	(pc) =	sbr.abs _section_cstart, $3  }
0xc1: {  	[dreg:$0x1] =	wrdreg $0xFFFFFFFF  }
0xc2: {  	_ =	task.clear_ibuf [dreg:s7], $0x2FFFF;
	_ =	strace $0x9FFFFFFF  }
0xc3: {  	(tm) =	ssettm $0x7FFFFFFF  }
tec
execute0_lowered:
.L_overlay_start_1:
0x0: {  	(tag) =	ssettag $0x1  }
0x1: {  	s1 =	rddreg [dreg:$0x0]  }
0x2: {  	s0 =	rddreg [dreg:$0x1]  }
0x3: {  	s2 =	rddreg [dreg:$0x2]  }
0x4: {  	s3 =	srdreg.scid;
	s4 =	simm.s32 $0x0;
	s11 =	stileid.u32  }
0x5: {  	s29 =	simm.s32 $0x80;
	s30 =	simm.s32 $0x100;
	s31 =	simm.s32 $0x180  }
0x6: {  	s3 =	sand.u32 $0x1, s3;
	[smem:$0x7FF] =	sst s4;
	s8 =	smul.u32 $0x13C00, s11  }
0x7: {  	s5 =	sadd.s32 $0xDC00, s0;
	s6 =	sadd.s32 $0x3C00, s0;
	s17 =	sadd.s32 $0x17C00, s0  }
0x8: {  	s18 =	smul.u32 $0x4F000, s11;
	s9 =	sshll.u32 s11, $0x1;
	s20 =	sshll.u32 s11, $0x6  }
0x9: {  	s7 =	smul.u32 $0x13C000, s3;
	_ =	strace $0x8000004D;
	[dreg:$0x4] =	wrdreg s17  }
0xa: {  	s19 =	ssub.s32 $0x2, s3;
	s3 =	sor.u32 s3, s9;
	s26 =	sor.u32 $0x1C0D, s20  }
0xb: {  	s10 =	sshrl.u32 s19, $0x1;
	s9 =	smul.u32 $0x2800, s3;
	s3 =	simm.s32 $0x1  }
0xc: {  	[dreg:$0x6] =	wrdreg s26;
	s7 =	sadd.s32 s8, s7;
	s8 =	sshrl.u32 s18, $0x2  }
0xd: {  	s21 =	ssub.s32 s19, s10;
	s10 =	simm.s32 $0xD;
	s12 =	sadd.s32 s8, s2  }
0xe: {  	s25 =	sshrl.u32 s9, $0x3;
	s21 =	smax.u32 s21, $0x1;
	[dreg:$0x5] =	wrdreg s12  }
0xf: {  	s7 =	sshrl.u32 s7, $0x3;
	s15 =	sadd.s32 s5, s25;
	[dreg:$0x11] =	wrdreg s21  }
0x10: {  	s13 =	sor.u32 $0x10, s25;
	s17 =	sadd.s32 s6, s25;
	[dreg:$0x7] =	wrdreg s15  }
0x11: {  	s14 =	sor.u32 $0x20, s25;
	s16 =	sadd.s32 s5, s13;
	[dreg:$0xa] =	wrdreg s17  }
0x12: {  	s8 =	simm.s32 $0x0;
	s28 =	sadd.s32 s5, s14;
	[dreg:$0x8] =	wrdreg s16  }
0x13: {  	s0 =	sadd.s32 s7, s0;
	s13 =	sadd.s32 s6, s13;
	[dreg:$0x9] =	wrdreg s28  }
0x14: {  	s22 =	sadd.s32 $0x4000, s12;
	s18 =	sadd.s32 s6, s14;
	[dreg:$0xb] =	wrdreg s13  }
0x15: {  	s11 =	sadd.s32 $0x4F0, s25;
	s19 =	sadd.s32 $0x30, s15;
	[dreg:$0xc] =	wrdreg s18  }
0x16: {  	s23 =	sadd.s32 $0x8000, s12;
	s20 =	sadd.s32 s5, s11;
	[dreg:$0xd] =	wrdreg s19  }
0x17: {  	s24 =	sadd.s32 $0xC000, s12;
	s11 =	sadd.s32 s6, s11;
	[dreg:$0xe] =	wrdreg s20  }
0x18: {  	s12 =	sadd.s32 $0x10000, s12;
	s0 =	sadd.s32 $0x18400, s0;
	[dreg:$0xf] =	wrdreg s11  }
0x19: {  	s21 =	simm.s32 $0x5;
	s22 =	sshrl.u32 s22, $0x3;
	[dreg:$0x10] =	wrdreg s0  }
0x1a: {  	s23 =	sshrl.u32 s23, $0x3;
	s24 =	sshrl.u32 s24, $0x3;
	[dreg:$0x12] =	wrdreg s22  }
0x1b: {  	s25 =	sshrl.u32 s12, $0x3;
	s12 =	simm.s32 $0x2;
	[dreg:$0x13] =	wrdreg s23  }
0x1c: {  	s15 =	simm.s32 $0x7;
	s14 =	simm.s32 $0xB;
	[dreg:$0x14] =	wrdreg s24  }
0x1d: {  	[dreg:$0x15] =	wrdreg s25;
	s28 =	sadd.s32 $0x4E0, s17;
	s0 =	simm.s32 $0x200  }
0x1e: {  	s13 =	simm.s32 $0x4300;
	s16 =	simm.s32 $0x4;
	s17 =	simm.s32 $0x3  }
0x1f: {  	s18 =	simm.s32 $0x8300;
	s19 =	simm.s32 $0x280;
	s20 =	simm.s32 $0x8  }
0x20: {  	s11 =	simm.s32 $0xA;
	s22 =	simm.s32 $0x300;
	s23 =	simm.s32 $0x9  }
0x21: {  	s24 =	simm.s32 $0x6;
	s25 =	simm.s32 $0xC;
	[dreg:$0x16] =	wrdreg s28  }
.LBB2_1:
0x22: {  	[dreg:$0x17] =	wrdreg s8  }
0x23: {  	s7 =	rddreg [dreg:$0x5]  }
0x24: {  	s28 =	sshrl.u32 s7, $0x3;
	s7 =	rddreg [dreg:$0x4]  }
0x25: {  	[dreg:$0x18] =	wrdreg s28  }
0x26: {  	[spmem:s28], [sflag:s26] =	dma.local [hbm:s7], $0x800  }
0x27: {  	_ =	swait.ge [sflag:s10], $0x800  }
0x28: {  	[sflag:s10] =	ssyncset.done $0x0  }
0x29: {  	s28 =	rddreg [dreg:$0x12];
	[sflag:s10] =	ssyncadd.s32 $0xFFFFF800  }
0x2a: {  	[spmem:s28], [sflag:s26] =	dma.local [hbm:s7], $0x800  }
0x2b: {  	_ =	swait.ge [sflag:s10], $0x800  }
0x2c: {  	[sflag:s10] =	ssyncset.done $0x0  }
0x2d: {  	s28 =	rddreg [dreg:$0x13];
	[sflag:s10] =	ssyncadd.s32 $0xFFFFF800  }
0x2e: {  	[spmem:s28], [sflag:s26] =	dma.local [hbm:s7], $0x800  }
0x2f: {  	_ =	swait.ge [sflag:s10], $0x800  }
0x30: {  	[sflag:s10] =	ssyncset.done $0x0  }
0x31: {  	s28 =	rddreg [dreg:$0x14];
	[sflag:s10] =	ssyncadd.s32 $0xFFFFF800  }
0x32: {  	[spmem:s28], [sflag:s26] =	dma.local [hbm:s7], $0x800  }
0x33: {  	_ =	swait.ge [sflag:s10], $0x800  }
0x34: {  	[sflag:s10] =	ssyncset.done $0x0  }
0x35: {  	s28 =	rddreg [dreg:$0x15];
	[sflag:s10] =	ssyncadd.s32 $0xFFFFF800  }
0x36: {  	[spmem:s28], [sflag:s26] =	dma.local [hbm:s7], $0x780  }
0x37: {  	_ =	swait.ge [sflag:s10], $0x780  }
0x38: {  	[sflag:s10] =	ssyncset.done $0x0  }
0x39: {  	s8 =	rddreg [dreg:$0x7];
	[sflag:s10] =	ssyncadd.s32 $0xFFFFF880  }
0x3a: {  	[tilespmem:s4], [sflag:$0x1] =	stream.linear.gather [hbm4b:s8+s4], $0x80, $0x38;
	[tilespmem:$0x1FF00] =	vst v63  }
0x3b: {  	s10 =	rddreg [dreg:$0x8]  }
0x3c: {  	[tilespmem:s29], [sflag:$0x2] =	stream.linear.gather [hbm4b:s10+s4], $0x80, $0x38;
	[tilespmem:$0x1FF00] =	vst v63  }
0x3d: {  	s26 =	rddreg [dreg:$0x9]  }
0x3e: {  	[tilespmem:s30], [sflag:$0x3] =	stream.linear.gather [hbm4b:s26+s4], $0x80, $0x38;
	[tilespmem:$0x1FF00] =	vst v63  }
0x3f: {  	s28 =	rddreg [dreg:$0xa]  }
0x40: {  	[tilespmem:s31], [sflag:$0x4] =	stream.linear.gather [hbm4b:s28+s4], $0x80, $0x38;
	[tilespmem:$0x1FF00] =	vst v63  }
0x41: {  	s8 =	rddreg [dreg:$0xb]  }
0x42: {  	[tilespmem:s0], [sflag:$0x5] =	stream.linear.gather [hbm4b:s8+s4], $0x80, $0x38;
	[tilespmem:$0x1FF00] =	vst v63  }
0x43: {  	_ =	swait.ge [sflag:s3], $0x80  }
0x44: {  	[sflag:s3] =	ssyncset.done $0x0  }
0x45: {  	[sflag:s3] =	ssyncadd.s32 $0xFFFFFF80  }
0x46: {  	[tilespmem:s22], [sflag:$0x7] =	stream.indirect.gather [hbm4b:s1+s29], $0x80, s4, s29, $0xb8;
	[tilespmem:$0x1FF00] =	vst v63  }
0x47: {  	_ =	swait.ge [sflag:s12], $0x80  }
0x48: {  	[sflag:s12] =	ssyncset.done $0x0  }
0x49: {  	[sflag:s12] =	ssyncadd.s32 $0xFFFFFF80  }
0x4a: {  	[tilespmem:s13], [sflag:$0x8] =	stream.indirect.gather [hbm4b:s1+s29], $0x80, s29, s29, $0xb8;
	[tilespmem:$0x1FF00] =	vst v63  }
0x4b: {  	[bflag:$0x0] =	sbarrier.arrive $0xFFFF  }
0x4c: {  	_ =	swait.ge [sflag:s15], $0x4000  }
0x4d: {  	[sflag:s15] =	ssyncset.done $0x0  }
0x4e: {  	[sflag:s15] =	ssyncadd.s32 $0xFFFFC000  }
0x4f: {  	_ =	swait.ge [sflag:s16], $0x80  }
0x50: {  	[sflag:s16] =	ssyncset.done $0x0  }
0x51: {  	[sflag:s16] =	ssyncadd.s32 $0xFFFFFF80  }
0x52: {  	[spmem:s2] =	stream.indirect.scatter.add.f32 [tilespmem:s22], [sflag:$0xA], $0x80, s31, s29, $0xb8;
	[tilespmem:$0x1FF00] =	vst v63  }
0x53: {  	_ =	swait.ge [sflag:s17], $0x80  }
0x54: {  	[sflag:s17] =	ssyncset.done $0x0  }
0x55: {  	[sflag:s17] =	ssyncadd.s32 $0xFFFFFF80  }
0x56: {  	[tilespmem:s18], [sflag:$0x9] =	stream.indirect.gather [hbm4b:s1+s29], $0x80, s30, s29, $0xb8;
	[tilespmem:$0x1FF00] =	vst v63  }
0x57: {  	s10 =	rddreg [dreg:$0xc]  }
0x58: {  	[tilespmem:s19], [sflag:$0x6] =	stream.linear.gather [hbm4b:s10+s4], $0x80, $0x38;
	[tilespmem:$0x1FF00] =	vst v63  }
0x59: {  	s26 =	rddreg [dreg:$0xd]  }
0x5a: {  	[tilespmem:s4], [sflag:$0x1] =	stream.linear.gather [hbm4b:s26+s4], $0x80, $0x38;
	[tilespmem:$0x1FF00] =	vst v63  }
0x5b: {  	_ =	swait.ge [sflag:s20], $0x4000  }
0x5c: {  	[sflag:s20] =	ssyncset.done $0x0  }
0x5d: {  	[sflag:s20] =	ssyncadd.s32 $0xFFFFC000  }
0x5e: {  	_ =	swait.ge [sflag:s21], $0x80  }
0x5f: {  	[sflag:s21] =	ssyncset.done $0x0  }
0x60: {  	[sflag:s21] =	ssyncadd.s32 $0xFFFFFF80  }
0x61: {  	[spmem:s2] =	stream.indirect.scatter.add.f32 [tilespmem:s13], [sflag:$0xB], $0x80, s0, s29, $0xb8;
	[tilespmem:$0x1FF00] =	vst v63  }
0x62: {  	s28 =	simm.s32 $0x180;
	_ =	swait.ge [sflag:s11], $0x4000  }
0x63: {  	s7 =	sand.u32 $0x380, s28;
	s10 =	sand.u32 $0x7C00, s28;
	[sflag:s11] =	ssyncset.done $0x0  }
0x64: {  	s8 =	sadd.s32 s9, s10;
	s26 =	simm.s32 $0x200;
	[sflag:s11] =	ssyncadd.s32 $0xFFFFC000  }
0x65: {  	s7 =	sor.u32 s7, s8;
	s28 =	sand.u32 $0x7C00, s26;
	_ =	swait.ge [sflag:s3], $0x80  }
0x66: {  	s10 =	sand.u32 $0x380, s26;
	s8 =	sadd.s32 s9, s28;
	[sflag:s3] =	ssyncset.done $0x0  }
0x67: {  	s7 =	sshrl.u32 s7, $0x3;
	s8 =	sor.u32 s10, s8;
	[sflag:s3] =	ssyncadd.s32 $0xFFFFFF80  }
0x68: {  	[tilespmem:s22], [sflag:$0x7] =	stream.indirect.gather [hbm4b:s1+s29], $0x80, s4, s29, $0xb8;
	[tilespmem:$0x1FF00] =	vst v63  }
0x69: {  	s7 =	sadd.s32 s6, s7;
	s8 =	sshrl.u32 s8, $0x3  }
0x6a: {  	[tilespmem:s31], [sflag:$0x4] =	stream.linear.gather [hbm4b:s7+s4], $0x80, $0x38;
	[tilespmem:$0x1FF00] =	vst v63  }
0x6b: {  	s10 =	sadd.s32 s5, s8  }
0x6c: {  	[tilespmem:s29], [sflag:$0x2] =	stream.linear.gather [hbm4b:s10+s4], $0x80, $0x38;
	[tilespmem:$0x1FF00] =	vst v63  }
0x6d: {  	_ =	swait.ge [sflag:s23], $0x4000  }
0x6e: {  	[sflag:s23] =	ssyncset.done $0x0  }
0x6f: {  	[sflag:s23] =	ssyncadd.s32 $0xFFFFC000  }
0x70: {  	_ =	swait.ge [sflag:s24], $0x80  }
0x71: {  	[sflag:s24] =	ssyncset.done $0x0  }
0x72: {  	[sflag:s24] =	ssyncadd.s32 $0xFFFFFF80  }
0x73: {  	[spmem:s2] =	stream.indirect.scatter.add.f32 [tilespmem:s18], [sflag:$0xC], $0x80, s19, s29, $0xb8;
	[tilespmem:$0x1FF00] =	vst v63  }
0x74: {  	_ =	swait.ge [sflag:s14], $0x4000  }
0x75: {  	[sflag:s14] =	ssyncset.done $0x0  }
0x76: {  	s26 =	simm.s32 $0x280;
	[sflag:s14] =	ssyncadd.s32 $0xFFFFC000  }
0x77: {  	s28 =	sand.u32 $0x7C00, s26;
	_ =	swait.ge [sflag:s12], $0x80  }
0x78: {  	s7 =	sand.u32 $0x380, s26;
	s10 =	sadd.s32 s9, s28;
	[sflag:s12] =	ssyncset.done $0x0  }
0x79: {  	s7 =	sor.u32 s7, s10;
	[sflag:s12] =	ssyncadd.s32 $0xFFFFFF80  }
0x7a: {  	[tilespmem:s13], [sflag:$0x8] =	stream.indirect.gather [hbm4b:s1+s29], $0x80, s29, s29, $0xb8;
	[tilespmem:$0x1FF00] =	vst v63  }
0x7b: {  	s8 =	sadd.s32 s6, s8;
	s10 =	sshrl.u32 s7, $0x3  }
0x7c: {  	[tilespmem:s0], [sflag:$0x5] =	stream.linear.gather [hbm4b:s8+s4], $0x80, $0x38;
	[tilespmem:$0x1FF00] =	vst v63  }
0x7d: {  	s7 =	sadd.s32 s5, s10  }
0x7e: {  	[tilespmem:s30], [sflag:$0x3] =	stream.linear.gather [hbm4b:s7+s4], $0x80, $0x38;
	[tilespmem:$0x1FF00] =	vst v63  }
0x7f: {  	_ =	swait.ge [sflag:s15], $0x4000  }
0x80: {  	[sflag:s15] =	ssyncset.done $0x0  }
0x81: {  	[sflag:s15] =	ssyncadd.s32 $0xFFFFC000  }
0x82: {  	_ =	swait.ge [sflag:s16], $0x80  }
0x83: {  	[sflag:s16] =	ssyncset.done $0x0  }
0x84: {  	s8 =	simm.s32 $0x480;
	s7 =	simm.s32 $0x300;
	[sflag:s16] =	ssyncadd.s32 $0xFFFFFF80  }
0x85: {  	[spmem:s2] =	stream.indirect.scatter.add.f32 [tilespmem:s22], [sflag:$0xA], $0x80, s31, s29, $0xb8;
	[tilespmem:$0x1FF00] =	vst v63  }
.LBB2_2:
0x86: {  	p0 =	sne.s32 s8, $0x2700  }
0x87: {  	_ =	swait.ge [sflag:s25], $0x4000;
	s26 =	smov.u32 s8;
	s8 =	sadd.s32 $0x180, s8  }
0x88: {  	[sflag:s25] =	ssyncset.done $0x0  }
0x89: {  	s28 =	sand.u32 $0x7C00, s7;
	[sflag:s25] =	ssyncadd.s32 $0xFFFFC000  }
0x8a: {  	s7 =	sand.u32 $0x380, s7;
	s28 =	sadd.s32 s9, s28;
	_ =	swait.ge [sflag:s17], $0x80  }
0x8b: {  	s10 =	sadd.s32 s6, s10;
	s7 =	sor.u32 s7, s28;
	[sflag:s17] =	ssyncset.done $0x0  }
0x8c: {  	s28 =	sshrl.u32 s7, $0x3;
	s7 =	smov.u32 s26;
	[sflag:s17] =	ssyncadd.s32 $0xFFFFFF80  }
0x8d: {  	[tilespmem:s18], [sflag:$0x9] =	stream.indirect.gather [hbm4b:s1+s29], $0x80, s30, s29, $0xb8;
	[tilespmem:$0x1FF00] =	vst v63  }
0x8e: {  	_ = 	snop  }
0x8f: {  	[tilespmem:s19], [sflag:$0x6] =	stream.linear.gather [hbm4b:s10+s4], $0x80, $0x38;
	[tilespmem:$0x1FF00] =	vst v63  }
0x90: {  	s26 =	sadd.s32 s5, s28;
	s10 =	sadd.s32 $0xFFFFFE80, s7  }
0x91: {  	[tilespmem:s4], [sflag:$0x1] =	stream.linear.gather [hbm4b:s26+s4], $0x80, $0x38;
	[tilespmem:$0x1FF00] =	vst v63  }
0x92: {  	s26 =	sand.u32 $0x7C00, s10;
	_ =	swait.ge [sflag:s20], $0x4000  }
0x93: {  	s10 =	sand.u32 $0x380, s10;
	s26 =	sadd.s32 s9, s26;
	[sflag:s20] =	ssyncset.done $0x0  }
0x94: {  	s10 =	sor.u32 s10, s26;
	s26 =	sadd.s32 $0xFFFFFF00, s7;
	[sflag:s20] =	ssyncadd.s32 $0xFFFFC000  }
0x95: {  	s10 =	sshrl.u32 s10, $0x3;
	s28 =	sand.u32 $0x7C00, s26;
	_ =	swait.ge [sflag:s21], $0x80  }
0x96: {  	s26 =	sand.u32 $0x380, s26;
	s28 =	sadd.s32 s9, s28;
	[sflag:s21] =	ssyncset.done $0x0  }
0x97: {  	s26 =	sor.u32 s26, s28;
	[sflag:s21] =	ssyncadd.s32 $0xFFFFFF80  }
0x98: {  	[spmem:s2] =	stream.indirect.scatter.add.f32 [tilespmem:s13], [sflag:$0xB], $0x80, s0, s29, $0xb8;
	[tilespmem:$0x1FF00] =	vst v63  }
0x99: {  	s26 =	sshrl.u32 s26, $0x3;
	_ =	swait.ge [sflag:s11], $0x4000  }
0x9a: {  	s28 =	sadd.s32 s5, s26;
	[sflag:s11] =	ssyncset.done $0x0  }
0x9b: {  	[sflag:s11] =	ssyncadd.s32 $0xFFFFC000  }
0x9c: {  	_ =	swait.ge [sflag:s3], $0x80  }
0x9d: {  	[sflag:s3] =	ssyncset.done $0x0  }
0x9e: {  	s10 =	sadd.s32 s6, s10;
	[sflag:s3] =	ssyncadd.s32 $0xFFFFFF80  }
0x9f: {  	[tilespmem:s22], [sflag:$0x7] =	stream.indirect.gather [hbm4b:s1+s29], $0x80, s4, s29, $0xb8;
	[tilespmem:$0x1FF00] =	vst v63  }
0xa0: {  	_ = 	snop  }
0xa1: {  	[tilespmem:s31], [sflag:$0x4] =	stream.linear.gather [hbm4b:s10+s4], $0x80, $0x38;
	[tilespmem:$0x1FF00] =	vst v63  }
0xa2: {  	_ = 	snop  }
0xa3: {  	[tilespmem:s29], [sflag:$0x2] =	stream.linear.gather [hbm4b:s28+s4], $0x80, $0x38;
	[tilespmem:$0x1FF00] =	vst v63  }
0xa4: {  	_ =	swait.ge [sflag:s23], $0x4000  }
0xa5: {  	[sflag:s23] =	ssyncset.done $0x0  }
0xa6: {  	[sflag:s23] =	ssyncadd.s32 $0xFFFFC000  }
0xa7: {  	_ =	swait.ge [sflag:s24], $0x80  }
0xa8: {  	[sflag:s24] =	ssyncset.done $0x0  }
0xa9: {  	[sflag:s24] =	ssyncadd.s32 $0xFFFFFF80  }
0xaa: {  	[spmem:s2] =	stream.indirect.scatter.add.f32 [tilespmem:s18], [sflag:$0xC], $0x80, s19, s29, $0xb8;
	[tilespmem:$0x1FF00] =	vst v63  }
0xab: {  	_ =	swait.ge [sflag:s14], $0x4000  }
0xac: {  	s10 =	sadd.s32 $0xFFFFFF80, s7;
	[sflag:s14] =	ssyncset.done $0x0  }
0xad: {  	s28 =	sand.u32 $0x7C00, s10;
	[sflag:s14] =	ssyncadd.s32 $0xFFFFC000  }
0xae: {  	s10 =	sand.u32 $0x380, s10;
	s28 =	sadd.s32 s9, s28;
	_ =	swait.ge [sflag:s12], $0x80  }
0xaf: {  	s26 =	sadd.s32 s6, s26;
	s10 =	sor.u32 s10, s28;
	[sflag:s12] =	ssyncset.done $0x0  }
0xb0: {  	s10 =	sshrl.u32 s10, $0x3;
	[sflag:s12] =	ssyncadd.s32 $0xFFFFFF80  }
0xb1: {  	[tilespmem:s13], [sflag:$0x8] =	stream.indirect.gather [hbm4b:s1+s29], $0x80, s29, s29, $0xb8;
	[tilespmem:$0x1FF00] =	vst v63  }
0xb2: {  	_ = 	snop  }
0xb3: {  	[tilespmem:s0], [sflag:$0x5] =	stream.linear.gather [hbm4b:s26+s4], $0x80, $0x38;
	[tilespmem:$0x1FF00] =	vst v63  }
0xb4: {  	s26 =	sadd.s32 s5, s10  }
0xb5: {  	[tilespmem:s30], [sflag:$0x3] =	stream.linear.gather [hbm4b:s26+s4], $0x80, $0x38;
	[tilespmem:$0x1FF00] =	vst v63  }
0xb6: {  	_ =	swait.ge [sflag:s15], $0x4000  }
0xb7: {  	[sflag:s15] =	ssyncset.done $0x0  }
.Ltmp0:
0xb8: {  	[sflag:s15] =	ssyncadd.s32 $0xFFFFC000;
	(pc) =	sbr.rel @p0 .LBB2_2-.Ltmp0, $4  }
0xb9: {  	_ =	swait.ge [sflag:s16], $0x80  }
0xba: {  	[sflag:s16] =	ssyncset.done $0x0  }
0xbb: {  	[sflag:s16] =	ssyncadd.s32 $0xFFFFFF80  }
0xbc: {  	[spmem:s2] =	stream.indirect.scatter.add.f32 [tilespmem:s22], [sflag:$0xA], $0x80, s31, s29, $0xb8;
	[tilespmem:$0x1FF00] =	vst v63  }
0xbd: {  	_ =	swait.ge [sflag:s25], $0x4000  }
0xbe: {  	[sflag:s25] =	ssyncset.done $0x0  }
0xbf: {  	[sflag:s25] =	ssyncadd.s32 $0xFFFFC000  }
0xc0: {  	s8 =	sand.u32 $0x7C00, s7;
	_ =	swait.ge [sflag:s17], $0x80  }
0xc1: {  	s28 =	sand.u32 $0x380, s7;
	s8 =	sadd.s32 s9, s8;
	[sflag:s17] =	ssyncset.done $0x0  }
0xc2: {  	s7 =	sor.u32 s28, s8;
	[sflag:s17] =	ssyncadd.s32 $0xFFFFFF80  }
0xc3: {  	[tilespmem:s18], [sflag:$0x9] =	stream.indirect.gather [hbm4b:s1+s29], $0x80, s30, s29, $0xb8;
	[tilespmem:$0x1FF00] =	vst v63  }
0xc4: {  	s10 =	sadd.s32 s6, s10;
	s7 =	sshrl.u32 s7, $0x3  }
0xc5: {  	[tilespmem:s19], [sflag:$0x6] =	stream.linear.gather [hbm4b:s10+s4], $0x80, $0x38;
	[tilespmem:$0x1FF00] =	vst v63  }
0xc6: {  	s7 =	sadd.s32 s5, s7  }
0xc7: {  	[tilespmem:s4], [sflag:$0x1] =	stream.linear.gather [hbm4b:s7+s4], $0x80, $0x38;
	[tilespmem:$0x1FF00] =	vst v63  }
0xc8: {  	_ =	swait.ge [sflag:s20], $0x4000  }
0xc9: {  	[sflag:s20] =	ssyncset.done $0x0  }
0xca: {  	[sflag:s20] =	ssyncadd.s32 $0xFFFFC000  }
0xcb: {  	_ =	swait.ge [sflag:s21], $0x80  }
0xcc: {  	[sflag:s21] =	ssyncset.done $0x0  }
0xcd: {  	[sflag:s21] =	ssyncadd.s32 $0xFFFFFF80  }
0xce: {  	[spmem:s2] =	stream.indirect.scatter.add.f32 [tilespmem:s13], [sflag:$0xB], $0x80, s0, s29, $0xb8;
	[tilespmem:$0x1FF00] =	vst v63  }
0xcf: {  	_ =	swait.ge [sflag:s11], $0x4000  }
0xd0: {  	[sflag:s11] =	ssyncset.done $0x0  }
0xd1: {  	[sflag:s11] =	ssyncadd.s32 $0xFFFFC000  }
0xd2: {  	_ =	swait.ge [sflag:s3], $0x80  }
0xd3: {  	[sflag:s3] =	ssyncset.done $0x0  }
0xd4: {  	[sflag:s3] =	ssyncadd.s32 $0xFFFFFF80  }
0xd5: {  	[tilespmem:s22], [sflag:$0x7] =	stream.indirect.gather [hbm4b:s1+s29], $0x80, s4, s29, $0xb8;
	[tilespmem:$0x1FF00] =	vst v63  }
0xd6: {  	s26 =	rddreg [dreg:$0x16]  }
0xd7: {  	[tilespmem:s31], [sflag:$0x4] =	stream.linear.gather [hbm4b:s26+s4], $0x80, $0x38;
	[tilespmem:$0x1FF00] =	vst v63  }
0xd8: {  	s28 =	rddreg [dreg:$0xe]  }
0xd9: {  	[tilespmem:s29], [sflag:$0x2] =	stream.linear.gather [hbm4b:s28+s4], $0x80, $0x38;
	[tilespmem:$0x1FF00] =	vst v63  }
0xda: {  	_ =	swait.ge [sflag:s23], $0x4000  }
0xdb: {  	[sflag:s23] =	ssyncset.done $0x0  }
0xdc: {  	[sflag:s23] =	ssyncadd.s32 $0xFFFFC000  }
0xdd: {  	_ =	swait.ge [sflag:s24], $0x80  }
0xde: {  	[sflag:s24] =	ssyncset.done $0x0  }
0xdf: {  	[sflag:s24] =	ssyncadd.s32 $0xFFFFFF80  }
0xe0: {  	[spmem:s2] =	stream.indirect.scatter.add.f32 [tilespmem:s18], [sflag:$0xC], $0x80, s19, s29, $0xb8;
	[tilespmem:$0x1FF00] =	vst v63  }
0xe1: {  	_ =	swait.ge [sflag:s14], $0x4000  }
0xe2: {  	[sflag:s14] =	ssyncset.done $0x0  }
0xe3: {  	[sflag:s14] =	ssyncadd.s32 $0xFFFFC000  }
0xe4: {  	_ =	swait.ge [sflag:s12], $0x80  }
0xe5: {  	[sflag:s12] =	ssyncset.done $0x0  }
0xe6: {  	[sflag:s12] =	ssyncadd.s32 $0xFFFFFF80  }
0xe7: {  	[tilespmem:s13], [sflag:$0x8] =	stream.indirect.gather [hbm4b:s1+s29], $0x80, s29, s29, $0xb8;
	[tilespmem:$0x1FF00] =	vst v63  }
0xe8: {  	s8 =	rddreg [dreg:$0xf]  }
0xe9: {  	[tilespmem:s0], [sflag:$0x5] =	stream.linear.gather [hbm4b:s8+s4], $0x80, $0x38;
	[tilespmem:$0x1FF00] =	vst v63  }
0xea: {  	_ =	swait.ge [sflag:s15], $0x4000  }
0xeb: {  	[sflag:s15] =	ssyncset.done $0x0  }
0xec: {  	[sflag:s15] =	ssyncadd.s32 $0xFFFFC000  }
0xed: {  	_ =	swait.ge [sflag:s16], $0x80  }
0xee: {  	[sflag:s16] =	ssyncset.done $0x0  }
0xef: {  	[sflag:s16] =	ssyncadd.s32 $0xFFFFFF80  }
0xf0: {  	[spmem:s2] =	stream.indirect.scatter.add.f32 [tilespmem:s22], [sflag:$0xA], $0x80, s31, s29, $0xb8;
	[tilespmem:$0x1FF00] =	vst v63  }
0xf1: {  	_ =	swait.ge [sflag:s25], $0x4000  }
0xf2: {  	[sflag:s25] =	ssyncset.done $0x0  }
0xf3: {  	[sflag:s25] =	ssyncadd.s32 $0xFFFFC000  }
0xf4: {  	_ =	swait.ge [sflag:s20], $0x4000  }
0xf5: {  	[sflag:s20] =	ssyncset.done $0x0  }
0xf6: {  	[sflag:s20] =	ssyncadd.s32 $0xFFFFC000  }
0xf7: {  	_ =	swait.ge [sflag:s21], $0x80  }
0xf8: {  	[sflag:s21] =	ssyncset.done $0x0  }
0xf9: {  	[sflag:s21] =	ssyncadd.s32 $0xFFFFFF80  }
0xfa: {  	[spmem:s2] =	stream.indirect.scatter.add.f32 [tilespmem:s13], [sflag:$0xB], $0x80, s0, s29, $0xb8;
	[tilespmem:$0x1FF00] =	vst v63  }
0xfb: {  	_ =	swait.ge [sflag:s11], $0x4000  }
0xfc: {  	[sflag:s11] =	ssyncset.done $0x0  }
0xfd: {  	[sflag:s11] =	ssyncadd.s32 $0xFFFFC000  }
0xfe: {  	_ =	swait.ge [sflag:s14], $0x4000  }
0xff: {  	[sflag:s14] =	ssyncset.done $0x0  }
0x100: {  	[sflag:s14] =	ssyncadd.s32 $0xFFFFC000  }
0x101: {  	[bflag:$0x0] =	sbarrier.arrive $0xFFFF  }
0x102: {  	s26 =	rddreg [dreg:$0x6]  }
0x103: {  	s10 =	rddreg [dreg:$0x10]  }
0x104: {  	s28 =	rddreg [dreg:$0x18]  }
0x105: {  	[hbm:s10], [sflag:s26] =	dma.local [spmem:s28], $0x2780  }
0x106: {  	s10 =	simm.s32 $0xD  }
0x107: {  	_ =	swait.ge [sflag:s10], $0x2780  }
0x108: {  	s7 =	rddreg [dreg:$0x17]  }
0x109: {  	s28 =	rddreg [dreg:$0x11];
	s8 =	sadd.s32 $0x1, s7  }
0x10a: {  	p0 =	sne.s32 s8, s28  }
.Ltmp1:
0x10b: {  	_ = 	snop;
	(pc) =	sbr.rel @p0 .LBB2_1-.Ltmp1, $3  }
0x10c: {  	_ =	sdelay $0x1  }
0x10d: {  	[sflag:s10] =	ssyncset.done $0x0  }
0x10e: {  	[sflag:s10] =	ssyncadd.s32 $0xFFFFD880  }
0x10f: {  	_ =	sfence.sel $0x180000  }
0x110: {  	[bflag:$0x0] =	sbarrier.arrive $0xFFFF  }
0x111: {  	_ =	strace $0x9000004D  }
0x112: {  	s0 =	stileid.u32;
	[bflag:$0x2] =	sbarrier.arrive $0xFFFF  }
0x113: {  	p0 =	sne.s32 s0, $0x0;
	s0 =	rddreg [dreg:$0x3]  }
0x114: {  	s0 =	sadd.s32 @!p0 $0x100000, s0  }
0x115: {  	[sflag:s0] =	ssyncadd.tile.s32 @!p0 $0x1;
	_ =	shalt  }
.Lfunc_end2:
_tile_overlayer_lowered:
.L_overlay_start_2:
0x116: {  	(tag) =	ssettag $0x2  }
0x117: {  	s0 =	rddreg [dreg:$0x0];
	s2 =	stileid.u32  }
0x118: {  	s1 =	rddreg [dreg:$0x1];
	p0 =	sne.s32 s2, $0x0  }
0x119: {  	s3 =	rddreg [dreg:$0x2];
	[bflag:$0x3] =	sbarrier.arrive $0xFFFF;
	s2 =	simm.s32 @!p0 $0x1C0D  }
0x11a: {  	[timem:s3], [sflag:s2] =	dma.local @!p0 [hbm:s0], s1  }
0x11b: {  	s0 =	simm.s32 @!p0 $0xD  }
0x11c: {  	_ =	swait.ge @!p0 [sflag:s0], s1  }
0x11d: {  	s1 =	ssub.s32 @!p0 $0x0, s1;
	[sflag:s0] =	ssyncset.done @!p0 $0x0  }
0x11e: {  	[sflag:s0] =	ssyncadd.s32 @!p0 s1  }
0x11f: {  	[bflag:$0x3] =	sbarrier.arrive $0xFFFF  }
0x120: {  	_ =	shalt  }

// kernel: kernel.19.cloned.1.call-start
scs
__scs_entry_jumppad:
0x0: {  	(pc) =	sbr.rel $0x88, $3  }
0x1: {  	(tag) =	ssettag $0x0;
	lr =	simm.s32 $0x1  }
0x2: {  	[smem:$0x3F95] =	sst lr;
	_ =	strace $0xD0000000  }
0x3: {  	_ = 	snop  }
0x4: {  	_ = 	snop  }
0x5: {  	_ = 	snop  }
0x6: {  	_ = 	snop  }
0x7: {  	_ = 	snop  }
__scs_overlays_trampoline_lowered:
0x8: {  	[smem:$0x3FA4] =	sst s0  }
0x9: {  	[smem:$0x3FA5] =	sst s1  }
0xa: {  	[smem:$0x3FA6] =	sst s2  }
0xb: {  	[smem:$0x3FA7] =	sst s3  }
0xc: {  	[smem:$0x3FA8] =	sst s4  }
0xd: {  	[smem:$0x3FA9] =	sst s5  }
0xe: {  	[smem:$0x3FAA] =	sst s6  }
0xf: {  	[smem:$0x3FAB] =	sst s7  }
0x10: {  	[smem:$0x3FAC] =	sst s8  }
0x11: {  	[smem:$0x3FAD] =	sst s9;
	s0 =	simm.s32 @!p0 $0x0  }
0x12: {  	s1 =	sld [smem:$0x3F93];
	s0 =	simm.s32 @p0 $0x1  }
0x13: {  	[smem:$0x3FAE] =	sst s0;
	s0 =	simm.s32 @!p1 $0x0  }
0x14: {  	s2 =	sld [smem:$0x3F92];
	s0 =	simm.s32 @p1 $0x1  }
0x15: {  	[smem:$0x3FAF] =	sst s0;
	s0 =	simm.s32 @!p2 $0x0  }
0x16: {  	s3 =	sld [smem:$0x3FDB];
	s0 =	simm.s32 @p2 $0x1  }
0x17: {  	s4 =	simm.s32 $0x1BF5;
	[smem:$0x3FB1] =	sst s0  }
0x18: {  	s0 =	sld [smem:$0x3F94];
	_ =	swait.ge [sflag:s4], $0x0  }
0x19: {  	s7 =	sld [smem:$0x3F95]  }
0x1a: {  	s8 =	sadd.s32 $0xFFFFE003, lr  }
0x1b: {  	s9 =	sadd.s32 $0xFFFFFEF7, lr;
	s5 =	simm.s32 $0xFFFFFFFF;
	p2 =	slt.u32 s8, $0xFFFFF086  }
0x1c: {  	p1 =	slt.u32 s9, $0xF7A;
	s5 =	simm.s32 @!p2 $0x0  }
0x1d: {  	s5 =	simm.s32 @p1 $0x1;
	p0 =	seq.s32 s7, s2  }
0x1e: {  	s7 =	smul.u32 @!p0 $0xF7A, s2;
	p2 =	seq.s32 @!p0 s5, $0x0  }
0x1f: {  	s9 =	smul.u32 $0xF7A, s1;
	s8 =	simm.s32 @!p0 $0x1BF5;
	p2 =	por !p2, p0  }
0x20: {  	[sflag:s8] =	ssyncset.s32 @!p0 $0xFFFFF086;
	s6 =	sadd.s32 @!p0 s3, s7;
	s7 =	simm.s32 @!p0 $0x108  }
0x21: {  	s3 =	sadd.s32 s3, s9;
	s6 =	sadd.s32 @!p0 $0x88, s6;
	s7 =	simm.s32 @p2 $0x1082  }
0x22: {  	[simem:s7], [sflag:s8] =	dma.local @!p0 [hbm:s6], $0xF7A  }
0x23: {  	s9 =	sor.u32 $0xD0000000, s2;
	s6 =	simm.s32 $0x108;
	_ =	swait.ge @!p0 [sflag:s8], $0x0  }
0x24: {  	s3 =	sadd.s32 $0x88, s3;
	s6 =	simm.s32 @!p1 $0x1082;
	[sflag:s4] =	ssyncset.s32 $0xFFFFF086  }
0x25: {  	[simem:s6], [sflag:s4] =	dma.local [hbm:s3], $0xF7A  }
0x26: {  	[smem:$0x3F95] =	sst s1;
	(tag) =	ssettag s2;
	_ =	strace s9  }
0x27: {  	s1 =	sld [smem:$0x3FA5]  }
0x28: {  	s2 =	sld [smem:$0x3FA6]  }
0x29: {  	s4 =	sld [smem:$0x3FA8]  }
0x2a: {  	p0 =	seq.s32 s5, $0x0;
	s5 =	sld [smem:$0x3FA9]  }
0x2b: {  	s6 =	sld [smem:$0x3FAA]  }
0x2c: {  	s7 =	sld [smem:$0x3FAB]  }
0x2d: {  	s3 =	simm.s32 $0x108;
	s8 =	sld [smem:$0x3FAC]  }
0x2e: {  	s3 =	simm.s32 @!p0 $0x1082;
	s9 =	sld [smem:$0x3FAD]  }
0x2f: {  	lr =	sadd.s32 s0, s3;
	s0 =	sld [smem:$0x3FA4]  }
0x30: {  	s3 =	sld [smem:$0x3FA7]  }
0x31: {  	[smem:$0x3FB0] =	sst s10  }
0x32: {  	s10 =	sld [smem:$0x3FAE];
	_ =	sdelay $0x3  }
0x33: {  	p0 =	seq.s32 s10, $0x1;
	s10 =	sld [smem:$0x3FB0];
	_ =	sdelay $0x3  }
0x34: {  	[smem:$0x3FB0] =	sst s10  }
0x35: {  	s10 =	sld [smem:$0x3FAF];
	_ =	sdelay $0x3  }
0x36: {  	p1 =	seq.s32 s10, $0x1;
	s10 =	sld [smem:$0x3FB0];
	_ =	sdelay $0x3  }
0x37: {  	[smem:$0x3FB0] =	sst s10  }
0x38: {  	s10 =	sld [smem:$0x3FB1]  }
0x39: {  	_ = 	snop;
	(pc) =	sbr.ind lr, $3  }
0x3a: {  	_ = 	snop  }
0x3b: {  	_ = 	snop  }
0x3c: {  	p2 =	seq.s32 s10, $0x1;
	s10 =	sld [smem:$0x3FB0]  }
0x3d: {  	_ =	shalt  }
0x3e: {  	_ =	shalt  }
0x3f: {  	_ =	shalt  }
0x40: {  	_ =	shalt  }
0x41: {  	_ =	shalt  }
0x42: {  	_ =	shalt  }
0x43: {  	_ =	shalt  }
0x44: {  	_ =	shalt  }
0x45: {  	_ =	shalt  }
0x46: {  	_ =	shalt  }
0x47: {  	_ =	shalt  }
0x48: {  	_ =	shalt  }
0x49: {  	_ =	shalt  }
0x4a: {  	_ =	shalt  }
0x4b: {  	_ =	shalt  }
0x4c: {  	_ =	shalt  }
0x4d: {  	_ =	shalt  }
0x4e: {  	_ =	shalt  }
0x4f: {  	_ =	shalt  }
0x50: {  	_ =	shalt  }
0x51: {  	_ =	shalt  }
0x52: {  	_ =	shalt  }
0x53: {  	_ =	shalt  }
0x54: {  	_ =	shalt  }
0x55: {  	_ =	shalt  }
0x56: {  	_ =	shalt  }
0x57: {  	_ =	shalt  }
0x58: {  	_ =	shalt  }
0x59: {  	_ =	shalt  }
0x5a: {  	_ =	shalt  }
0x5b: {  	_ =	shalt  }
0x5c: {  	_ =	shalt  }
0x5d: {  	_ =	shalt  }
0x5e: {  	_ =	shalt  }
0x5f: {  	_ =	shalt  }
0x60: {  	_ =	shalt  }
0x61: {  	_ =	shalt  }
0x62: {  	_ =	shalt  }
0x63: {  	_ =	shalt  }
0x64: {  	_ =	shalt  }
0x65: {  	_ =	shalt  }
0x66: {  	_ =	shalt  }
0x67: {  	_ =	shalt  }
0x68: {  	_ =	shalt  }
0x69: {  	_ =	shalt  }
0x6a: {  	_ =	shalt  }
0x6b: {  	_ =	shalt  }
0x6c: {  	_ =	shalt  }
0x6d: {  	_ =	shalt  }
0x6e: {  	_ =	shalt  }
0x6f: {  	_ =	shalt  }
0x70: {  	_ =	shalt  }
0x71: {  	_ =	shalt  }
0x72: {  	_ =	shalt  }
0x73: {  	_ =	shalt  }
0x74: {  	_ =	shalt  }
0x75: {  	_ =	shalt  }
0x76: {  	_ =	shalt  }
0x77: {  	_ =	shalt  }
0x78: {  	_ =	shalt  }
0x79: {  	_ =	shalt  }
0x7a: {  	_ =	shalt  }
0x7b: {  	_ =	shalt  }
0x7c: {  	_ =	shalt  }
0x7d: {  	_ =	shalt  }
0x7e: {  	_ =	shalt  }
0x7f: {  	_ =	shalt  }
0x80: {  	_ =	shalt  }
0x81: {  	_ =	shalt  }
0x82: {  	_ =	shalt  }
0x83: {  	_ =	shalt  }
0x84: {  	_ =	shalt  }
0x85: {  	_ =	shalt  }
0x86: {  	_ =	shalt  }
0x87: {  	_ =	shalt  }
.Lfunc_end0:
.L_simem_size_0:
called_computation.3_lowered:
.L_overlay_start_0:
0x88: {  	s2 =	sld [smem:$0x3FD9]  }
0x89: {  	s3 =	sld [smem:$0x3FFE];
	_ =	sdelay $0x1  }
0x8a: {  	s1 =	srdreg.scid  }
0x8b: {  	s0 =	sand.u32 $0x1, s1  }
0x8c: {  	s17 =	sshll.u32 s0, $0xA;
	s2 =	sadd.s32 s3, s2  }
0x8d: {  	s2 =	sadd.s32 s2, s17  }
0x8e: {  	[smem:$0x3FBC] =	sst s2  }
0x8f: {  	_ = 	snop  }
0x90: {  	s2 =	sld [smem:$0x3FD0];
	(tm) =	ssettm $0x1  }
0x91: {  	s18 =	sld [smem:$0x3FFB];
	_ =	sdelay $0x3  }
0x92: {  	_ =	strace s18  }
0x93: {  	s3 =	sld [smem:$0x3FFC];
	_ =	sdelay $0x3  }
0x94: {  	_ =	strace s3  }
0x95: {  	s3 =	sld [smem:$0x3FFD];
	_ =	sdelay $0x3  }
0x96: {  	_ =	strace s3  }
0x97: {  	_ =	strace $0x8FFFFFFF  }
0x98: {  	s19 =	sld [smem:$0x3FDB];
	_ =	sdelay $0x1  }
0x99: {  	s4 =	simm.s32 $_scs_section_size  }
0x9a: {  	s5 =	simm.s32 $_size__tile_overlayer_lowered;
	s6 =	simm.s32 $_tile_overlayer_lowered  }
0x9b: {  	s22 =	simm.s32 $0x1BFF;
	s21 =	sshll.u32 s6, $0x1;
	s3 =	sadd.s32 s4, s19  }
0x9c: {  	s7 =	simm.s32 $0x0;
	s20 =	sshll.u32 s5, $0x1;
	s5 =	sadd.s32 s21, s3  }
0x9d: {  	[timem:s7], [sflag:s22] =	dma.local [hbm:s5], s20  }
0x9e: {  	_ =	swait.ge [sflag:s22], s20  }
0x9f: {  	s4 =	ssub.s32 $0x0, s20;
	[sflag:s22] =	ssyncset.done $0x0  }
0xa0: {  	[sflag:s22] =	ssyncadd.s32 s4;
	_ =	sdelay $0x1  }
0xa1: {  	s23 =	simm.s32 $0x1B8B  }
0xa2: {  	_ =	swait.ge [sflag:s23], $0x1  }
0xa3: {  	[sflag:s23] =	ssyncset.done $0x0  }
0xa4: {  	s25 =	simm.s32 $0x1B8E;
	s24 =	sld [smem:$0x3FFE];
	[sflag:s23] =	ssyncadd.s32 $0xFFFFFFFF  }
0xa5: {  	s26 =	simm.s32 $execute0_lowered;
	[smem:$0x3FD2] =	sst s25  }
0xa6: {  	s5 =	sshll.u32 s26, $0x1;
	_ =	strace $0x8000004F;
	[dreg:$0x1] =	wrdreg $0xFFFFFFFF  }
0xa7: {  	s28 =	simm.s32 $_size_execute0_lowered;
	s3 =	sadd.s32 s3, s5;
	[dreg:$0x0] =	wrdreg $0x0  }
0xa8: {  	s5 =	sshll.u32 s28, $0x1;
	[dreg:$0x2] =	wrdreg s3  }
0xa9: {  	[dreg:$0x3] =	wrdreg s5  }
0xaa: {  	[dreg:$0x4] =	wrdreg $0xC0  }
0xab: {  	_ =	task [dreg:s7], $0x5FFFF  }
0xac: {  	[dreg:$0x1] =	wrdreg $0xFFFFFFFF  }
0xad: {  	[dreg:$0x0] =	wrdreg $0x60  }
0xae: {  	[dreg:$0x2] =	wrdreg s2  }
0xaf: {  	[dreg:$0x3] =	wrdreg s24  }
0xb0: {  	[dreg:$0x4] =	wrdreg $0xC3000  }
0xb1: {  	[dreg:$0x5] =	wrdreg $0x9  }
0xb2: {  	_ =	task.clear_ibuf [dreg:s7], $0x6FFFF;
	_ =	strace $0x9000004F  }
0xb3: {  	s29 =	simm.s32 $0x9;
	_ =	strace $0x80000051  }
0xb4: {  	_ =	swait.ge [sflag:s29], $0x1  }
0xb5: {  	[sflag:s29] =	ssyncadd.s32 $0xFFFFFFFF  }
0xb6: {  	_ =	strace $0x90000051  }
0xb7: {  	_ =	sfence  }
0xb8: {  	s30 =	sld [smem:$0x0];
	_ =	sdelay $0x2  }
0xb9: {  	s31 =	sshll.u32 s1, $0xD;
	s1 =	sshrl.u32 s1, $0x2  }
0xba: {  	s3 =	sand.u32 $0x4000, s31;
	s1 =	sadd.s32 s1, s30  }
0xbb: {  	s0 =	sor.u32 s3, s0;
	s1 =	sshll.u32 s1, $0x11  }
0xbc: {  	s0 =	sor.u32 s1, s0  }
0xbd: {  	s0 =	sadd.s32 $0x8F2B, s0  }
0xbe: {  	[sflag:s0] =	ssyncadd.remote.s32 $0x1  }
0xbf: {  	_ =	sfence.sel $0xFFFF  }
0xc0: {  	[dreg:$0x0] =	wrdreg $0xFFFFFFFF;
	(pc) =	sbr.abs _section_cstart, $3  }
0xc1: {  	[dreg:$0x1] =	wrdreg $0xFFFFFFFF  }
0xc2: {  	_ =	task.clear_ibuf [dreg:s7], $0x2FFFF;
	_ =	strace $0x9FFFFFFF  }
0xc3: {  	(tm) =	ssettm $0x7FFFFFFF  }
tec
execute0_lowered:
.L_overlay_start_1:
0x0: {  	(tag) =	ssettag $0x1  }
0x1: {  	s1 =	rddreg [dreg:$0x0]  }
0x2: {  	s0 =	rddreg [dreg:$0x1]  }
0x3: {  	s2 =	rddreg [dreg:$0x2]  }
0x4: {  	s3 =	srdreg.scid;
	s4 =	simm.s32 $0x0;
	s11 =	stileid.u32  }
0x5: {  	s29 =	simm.s32 $0x80;
	s30 =	simm.s32 $0x100;
	s31 =	simm.s32 $0x180  }
0x6: {  	s3 =	sand.u32 $0x1, s3;
	[smem:$0x7FF] =	sst s4;
	s8 =	smul.u32 $0x13C00, s11  }
0x7: {  	s5 =	sadd.s32 $0xDC00, s0;
	s6 =	sadd.s32 $0x3C00, s0;
	s17 =	sadd.s32 $0x17C00, s0  }
0x8: {  	s18 =	smul.u32 $0x4F000, s11;
	s9 =	sshll.u32 s11, $0x1;
	s20 =	sshll.u32 s11, $0x6  }
0x9: {  	s7 =	smul.u32 $0x13C000, s3;
	_ =	strace $0x80000050;
	[dreg:$0x4] =	wrdreg s17  }
0xa: {  	s19 =	ssub.s32 $0x2, s3;
	s3 =	sor.u32 s3, s9;
	s26 =	sor.u32 $0x1C0D, s20  }
0xb: {  	s10 =	sshrl.u32 s19, $0x1;
	s9 =	smul.u32 $0x2800, s3;
	s3 =	simm.s32 $0x1  }
0xc: {  	[dreg:$0x6] =	wrdreg s26;
	s7 =	sadd.s32 s8, s7;
	s8 =	sshrl.u32 s18, $0x2  }
0xd: {  	s21 =	ssub.s32 s19, s10;
	s10 =	simm.s32 $0xD;
	s12 =	sadd.s32 s8, s2  }
0xe: {  	s25 =	sshrl.u32 s9, $0x3;
	s21 =	smax.u32 s21, $0x1;
	[dreg:$0x5] =	wrdreg s12  }
0xf: {  	s7 =	sshrl.u32 s7, $0x3;
	s15 =	sadd.s32 s5, s25;
	[dreg:$0x11] =	wrdreg s21  }
0x10: {  	s13 =	sor.u32 $0x10, s25;
	s17 =	sadd.s32 s6, s25;
	[dreg:$0x7] =	wrdreg s15  }
0x11: {  	s14 =	sor.u32 $0x20, s25;
	s16 =	sadd.s32 s5, s13;
	[dreg:$0xa] =	wrdreg s17  }
0x12: {  	s8 =	simm.s32 $0x0;
	s28 =	sadd.s32 s5, s14;
	[dreg:$0x8] =	wrdreg s16  }
0x13: {  	s0 =	sadd.s32 s7, s0;
	s13 =	sadd.s32 s6, s13;
	[dreg:$0x9] =	wrdreg s28  }
0x14: {  	s22 =	sadd.s32 $0x4000, s12;
	s18 =	sadd.s32 s6, s14;
	[dreg:$0xb] =	wrdreg s13  }
0x15: {  	s11 =	sadd.s32 $0x4F0, s25;
	s19 =	sadd.s32 $0x30, s15;
	[dreg:$0xc] =	wrdreg s18  }
0x16: {  	s23 =	sadd.s32 $0x8000, s12;
	s20 =	sadd.s32 s5, s11;
	[dreg:$0xd] =	wrdreg s19  }
0x17: {  	s24 =	sadd.s32 $0xC000, s12;
	s11 =	sadd.s32 s6, s11;
	[dreg:$0xe] =	wrdreg s20  }
0x18: {  	s12 =	sadd.s32 $0x10000, s12;
	s0 =	sadd.s32 $0x18400, s0;
	[dreg:$0xf] =	wrdreg s11  }
0x19: {  	s21 =	simm.s32 $0x5;
	s22 =	sshrl.u32 s22, $0x3;
	[dreg:$0x10] =	wrdreg s0  }
0x1a: {  	s23 =	sshrl.u32 s23, $0x3;
	s24 =	sshrl.u32 s24, $0x3;
	[dreg:$0x12] =	wrdreg s22  }
0x1b: {  	s25 =	sshrl.u32 s12, $0x3;
	s12 =	simm.s32 $0x2;
	[dreg:$0x13] =	wrdreg s23  }
0x1c: {  	s15 =	simm.s32 $0x7;
	s14 =	simm.s32 $0xB;
	[dreg:$0x14] =	wrdreg s24  }
0x1d: {  	[dreg:$0x15] =	wrdreg s25;
	s28 =	sadd.s32 $0x4E0, s17;
	s0 =	simm.s32 $0x200  }
0x1e: {  	s13 =	simm.s32 $0x4300;
	s16 =	simm.s32 $0x4;
	s17 =	simm.s32 $0x3  }
0x1f: {  	s18 =	simm.s32 $0x8300;
	s19 =	simm.s32 $0x280;
	s20 =	simm.s32 $0x8  }
0x20: {  	s11 =	simm.s32 $0xA;
	s22 =	simm.s32 $0x300;
	s23 =	simm.s32 $0x9  }
0x21: {  	s24 =	simm.s32 $0x6;
	s25 =	simm.s32 $0xC;
	[dreg:$0x16] =	wrdreg s28  }
.LBB2_1:
0x22: {  	[dreg:$0x17] =	wrdreg s8  }
0x23: {  	s7 =	rddreg [dreg:$0x5]  }
0x24: {  	s28 =	sshrl.u32 s7, $0x3;
	s7 =	rddreg [dreg:$0x4]  }
0x25: {  	[dreg:$0x18] =	wrdreg s28  }
0x26: {  	[spmem:s28], [sflag:s26] =	dma.local [hbm:s7], $0x800  }
0x27: {  	_ =	swait.ge [sflag:s10], $0x800  }
0x28: {  	[sflag:s10] =	ssyncset.done $0x0  }
0x29: {  	s28 =	rddreg [dreg:$0x12];
	[sflag:s10] =	ssyncadd.s32 $0xFFFFF800  }
0x2a: {  	[spmem:s28], [sflag:s26] =	dma.local [hbm:s7], $0x800  }
0x2b: {  	_ =	swait.ge [sflag:s10], $0x800  }
0x2c: {  	[sflag:s10] =	ssyncset.done $0x0  }
0x2d: {  	s28 =	rddreg [dreg:$0x13];
	[sflag:s10] =	ssyncadd.s32 $0xFFFFF800  }
0x2e: {  	[spmem:s28], [sflag:s26] =	dma.local [hbm:s7], $0x800  }
0x2f: {  	_ =	swait.ge [sflag:s10], $0x800  }
0x30: {  	[sflag:s10] =	ssyncset.done $0x0  }
0x31: {  	s28 =	rddreg [dreg:$0x14];
	[sflag:s10] =	ssyncadd.s32 $0xFFFFF800  }
0x32: {  	[spmem:s28], [sflag:s26] =	dma.local [hbm:s7], $0x800  }
0x33: {  	_ =	swait.ge [sflag:s10], $0x800  }
0x34: {  	[sflag:s10] =	ssyncset.done $0x0  }
0x35: {  	s28 =	rddreg [dreg:$0x15];
	[sflag:s10] =	ssyncadd.s32 $0xFFFFF800  }
0x36: {  	[spmem:s28], [sflag:s26] =	dma.local [hbm:s7], $0x780  }
0x37: {  	_ =	swait.ge [sflag:s10], $0x780  }
0x38: {  	[sflag:s10] =	ssyncset.done $0x0  }
0x39: {  	s8 =	rddreg [dreg:$0x7];
	[sflag:s10] =	ssyncadd.s32 $0xFFFFF880  }
0x3a: {  	[tilespmem:s4], [sflag:$0x1] =	stream.linear.gather [hbm4b:s8+s4], $0x80, $0x38;
	[tilespmem:$0x1FF00] =	vst v63  }
0x3b: {  	s10 =	rddreg [dreg:$0x8]  }
0x3c: {  	[tilespmem:s29], [sflag:$0x2] =	stream.linear.gather [hbm4b:s10+s4], $0x80, $0x38;
	[tilespmem:$0x1FF00] =	vst v63  }
0x3d: {  	s26 =	rddreg [dreg:$0x9]  }
0x3e: {  	[tilespmem:s30], [sflag:$0x3] =	stream.linear.gather [hbm4b:s26+s4], $0x80, $0x38;
	[tilespmem:$0x1FF00] =	vst v63  }
0x3f: {  	s28 =	rddreg [dreg:$0xa]  }
0x40: {  	[tilespmem:s31], [sflag:$0x4] =	stream.linear.gather [hbm4b:s28+s4], $0x80, $0x38;
	[tilespmem:$0x1FF00] =	vst v63  }
0x41: {  	s8 =	rddreg [dreg:$0xb]  }
0x42: {  	[tilespmem:s0], [sflag:$0x5] =	stream.linear.gather [hbm4b:s8+s4], $0x80, $0x38;
	[tilespmem:$0x1FF00] =	vst v63  }
0x43: {  	_ =	swait.ge [sflag:s3], $0x80  }
0x44: {  	[sflag:s3] =	ssyncset.done $0x0  }
0x45: {  	[sflag:s3] =	ssyncadd.s32 $0xFFFFFF80  }
0x46: {  	[tilespmem:s22], [sflag:$0x7] =	stream.indirect.gather [hbm4b:s1+s29], $0x80, s4, s29, $0xb8;
	[tilespmem:$0x1FF00] =	vst v63  }
0x47: {  	_ =	swait.ge [sflag:s12], $0x80  }
0x48: {  	[sflag:s12] =	ssyncset.done $0x0  }
0x49: {  	[sflag:s12] =	ssyncadd.s32 $0xFFFFFF80  }
0x4a: {  	[tilespmem:s13], [sflag:$0x8] =	stream.indirect.gather [hbm4b:s1+s29], $0x80, s29, s29, $0xb8;
	[tilespmem:$0x1FF00] =	vst v63  }
0x4b: {  	[bflag:$0x0] =	sbarrier.arrive $0xFFFF  }
0x4c: {  	_ =	swait.ge [sflag:s15], $0x4000  }
0x4d: {  	[sflag:s15] =	ssyncset.done $0x0  }
0x4e: {  	[sflag:s15] =	ssyncadd.s32 $0xFFFFC000  }
0x4f: {  	_ =	swait.ge [sflag:s16], $0x80  }
0x50: {  	[sflag:s16] =	ssyncset.done $0x0  }
0x51: {  	[sflag:s16] =	ssyncadd.s32 $0xFFFFFF80  }
0x52: {  	[spmem:s2] =	stream.indirect.scatter.add.f32 [tilespmem:s22], [sflag:$0xA], $0x80, s31, s29, $0xb8;
	[tilespmem:$0x1FF00] =	vst v63  }
0x53: {  	_ =	swait.ge [sflag:s17], $0x80  }
0x54: {  	[sflag:s17] =	ssyncset.done $0x0  }
0x55: {  	[sflag:s17] =	ssyncadd.s32 $0xFFFFFF80  }
0x56: {  	[tilespmem:s18], [sflag:$0x9] =	stream.indirect.gather [hbm4b:s1+s29], $0x80, s30, s29, $0xb8;
	[tilespmem:$0x1FF00] =	vst v63  }
0x57: {  	s10 =	rddreg [dreg:$0xc]  }
0x58: {  	[tilespmem:s19], [sflag:$0x6] =	stream.linear.gather [hbm4b:s10+s4], $0x80, $0x38;
	[tilespmem:$0x1FF00] =	vst v63  }
0x59: {  	s26 =	rddreg [dreg:$0xd]  }
0x5a: {  	[tilespmem:s4], [sflag:$0x1] =	stream.linear.gather [hbm4b:s26+s4], $0x80, $0x38;
	[tilespmem:$0x1FF00] =	vst v63  }
0x5b: {  	_ =	swait.ge [sflag:s20], $0x4000  }
0x5c: {  	[sflag:s20] =	ssyncset.done $0x0  }
0x5d: {  	[sflag:s20] =	ssyncadd.s32 $0xFFFFC000  }
0x5e: {  	_ =	swait.ge [sflag:s21], $0x80  }
0x5f: {  	[sflag:s21] =	ssyncset.done $0x0  }
0x60: {  	[sflag:s21] =	ssyncadd.s32 $0xFFFFFF80  }
0x61: {  	[spmem:s2] =	stream.indirect.scatter.add.f32 [tilespmem:s13], [sflag:$0xB], $0x80, s0, s29, $0xb8;
	[tilespmem:$0x1FF00] =	vst v63  }
0x62: {  	s28 =	simm.s32 $0x180;
	_ =	swait.ge [sflag:s11], $0x4000  }
0x63: {  	s7 =	sand.u32 $0x380, s28;
	s10 =	sand.u32 $0x7C00, s28;
	[sflag:s11] =	ssyncset.done $0x0  }
0x64: {  	s8 =	sadd.s32 s9, s10;
	s26 =	simm.s32 $0x200;
	[sflag:s11] =	ssyncadd.s32 $0xFFFFC000  }
0x65: {  	s7 =	sor.u32 s7, s8;
	s28 =	sand.u32 $0x7C00, s26;
	_ =	swait.ge [sflag:s3], $0x80  }
0x66: {  	s10 =	sand.u32 $0x380, s26;
	s8 =	sadd.s32 s9, s28;
	[sflag:s3] =	ssyncset.done $0x0  }
0x67: {  	s7 =	sshrl.u32 s7, $0x3;
	s8 =	sor.u32 s10, s8;
	[sflag:s3] =	ssyncadd.s32 $0xFFFFFF80  }
0x68: {  	[tilespmem:s22], [sflag:$0x7] =	stream.indirect.gather [hbm4b:s1+s29], $0x80, s4, s29, $0xb8;
	[tilespmem:$0x1FF00] =	vst v63  }
0x69: {  	s7 =	sadd.s32 s6, s7;
	s8 =	sshrl.u32 s8, $0x3  }
0x6a: {  	[tilespmem:s31], [sflag:$0x4] =	stream.linear.gather [hbm4b:s7+s4], $0x80, $0x38;
	[tilespmem:$0x1FF00] =	vst v63  }
0x6b: {  	s10 =	sadd.s32 s5, s8  }
0x6c: {  	[tilespmem:s29], [sflag:$0x2] =	stream.linear.gather [hbm4b:s10+s4], $0x80, $0x38;
	[tilespmem:$0x1FF00] =	vst v63  }
0x6d: {  	_ =	swait.ge [sflag:s23], $0x4000  }
0x6e: {  	[sflag:s23] =	ssyncset.done $0x0  }
0x6f: {  	[sflag:s23] =	ssyncadd.s32 $0xFFFFC000  }
0x70: {  	_ =	swait.ge [sflag:s24], $0x80  }
0x71: {  	[sflag:s24] =	ssyncset.done $0x0  }
0x72: {  	[sflag:s24] =	ssyncadd.s32 $0xFFFFFF80  }
0x73: {  	[spmem:s2] =	stream.indirect.scatter.add.f32 [tilespmem:s18], [sflag:$0xC], $0x80, s19, s29, $0xb8;
	[tilespmem:$0x1FF00] =	vst v63  }
0x74: {  	_ =	swait.ge [sflag:s14], $0x4000  }
0x75: {  	[sflag:s14] =	ssyncset.done $0x0  }
0x76: {  	s26 =	simm.s32 $0x280;
	[sflag:s14] =	ssyncadd.s32 $0xFFFFC000  }
0x77: {  	s28 =	sand.u32 $0x7C00, s26;
	_ =	swait.ge [sflag:s12], $0x80  }
0x78: {  	s7 =	sand.u32 $0x380, s26;
	s10 =	sadd.s32 s9, s28;
	[sflag:s12] =	ssyncset.done $0x0  }
0x79: {  	s7 =	sor.u32 s7, s10;
	[sflag:s12] =	ssyncadd.s32 $0xFFFFFF80  }
0x7a: {  	[tilespmem:s13], [sflag:$0x8] =	stream.indirect.gather [hbm4b:s1+s29], $0x80, s29, s29, $0xb8;
	[tilespmem:$0x1FF00] =	vst v63  }
0x7b: {  	s8 =	sadd.s32 s6, s8;
	s10 =	sshrl.u32 s7, $0x3  }
0x7c: {  	[tilespmem:s0], [sflag:$0x5] =	stream.linear.gather [hbm4b:s8+s4], $0x80, $0x38;
	[tilespmem:$0x1FF00] =	vst v63  }
0x7d: {  	s7 =	sadd.s32 s5, s10  }
0x7e: {  	[tilespmem:s30], [sflag:$0x3] =	stream.linear.gather [hbm4b:s7+s4], $0x80, $0x38;
	[tilespmem:$0x1FF00] =	vst v63  }
0x7f: {  	_ =	swait.ge [sflag:s15], $0x4000  }
0x80: {  	[sflag:s15] =	ssyncset.done $0x0  }
0x81: {  	[sflag:s15] =	ssyncadd.s32 $0xFFFFC000  }
0x82: {  	_ =	swait.ge [sflag:s16], $0x80  }
0x83: {  	[sflag:s16] =	ssyncset.done $0x0  }
0x84: {  	s8 =	simm.s32 $0x480;
	s7 =	simm.s32 $0x300;
	[sflag:s16] =	ssyncadd.s32 $0xFFFFFF80  }
0x85: {  	[spmem:s2] =	stream.indirect.scatter.add.f32 [tilespmem:s22], [sflag:$0xA], $0x80, s31, s29, $0xb8;
	[tilespmem:$0x1FF00] =	vst v63  }
.LBB2_2:
0x86: {  	p0 =	sne.s32 s8, $0x2700  }
0x87: {  	_ =	swait.ge [sflag:s25], $0x4000;
	s26 =	smov.u32 s8;
	s8 =	sadd.s32 $0x180, s8  }
0x88: {  	[sflag:s25] =	ssyncset.done $0x0  }
0x89: {  	s28 =	sand.u32 $0x7C00, s7;
	[sflag:s25] =	ssyncadd.s32 $0xFFFFC000  }
0x8a: {  	s7 =	sand.u32 $0x380, s7;
	s28 =	sadd.s32 s9, s28;
	_ =	swait.ge [sflag:s17], $0x80  }
0x8b: {  	s10 =	sadd.s32 s6, s10;
	s7 =	sor.u32 s7, s28;
	[sflag:s17] =	ssyncset.done $0x0  }
0x8c: {  	s28 =	sshrl.u32 s7, $0x3;
	s7 =	smov.u32 s26;
	[sflag:s17] =	ssyncadd.s32 $0xFFFFFF80  }
0x8d: {  	[tilespmem:s18], [sflag:$0x9] =	stream.indirect.gather [hbm4b:s1+s29], $0x80, s30, s29, $0xb8;
	[tilespmem:$0x1FF00] =	vst v63  }
0x8e: {  	_ = 	snop  }
0x8f: {  	[tilespmem:s19], [sflag:$0x6] =	stream.linear.gather [hbm4b:s10+s4], $0x80, $0x38;
	[tilespmem:$0x1FF00] =	vst v63  }
0x90: {  	s26 =	sadd.s32 s5, s28;
	s10 =	sadd.s32 $0xFFFFFE80, s7  }
0x91: {  	[tilespmem:s4], [sflag:$0x1] =	stream.linear.gather [hbm4b:s26+s4], $0x80, $0x38;
	[tilespmem:$0x1FF00] =	vst v63  }
0x92: {  	s26 =	sand.u32 $0x7C00, s10;
	_ =	swait.ge [sflag:s20], $0x4000  }
0x93: {  	s10 =	sand.u32 $0x380, s10;
	s26 =	sadd.s32 s9, s26;
	[sflag:s20] =	ssyncset.done $0x0  }
0x94: {  	s10 =	sor.u32 s10, s26;
	s26 =	sadd.s32 $0xFFFFFF00, s7;
	[sflag:s20] =	ssyncadd.s32 $0xFFFFC000  }
0x95: {  	s10 =	sshrl.u32 s10, $0x3;
	s28 =	sand.u32 $0x7C00, s26;
	_ =	swait.ge [sflag:s21], $0x80  }
0x96: {  	s26 =	sand.u32 $0x380, s26;
	s28 =	sadd.s32 s9, s28;
	[sflag:s21] =	ssyncset.done $0x0  }
0x97: {  	s26 =	sor.u32 s26, s28;
	[sflag:s21] =	ssyncadd.s32 $0xFFFFFF80  }
0x98: {  	[spmem:s2] =	stream.indirect.scatter.add.f32 [tilespmem:s13], [sflag:$0xB], $0x80, s0, s29, $0xb8;
	[tilespmem:$0x1FF00] =	vst v63  }
0x99: {  	s26 =	sshrl.u32 s26, $0x3;
	_ =	swait.ge [sflag:s11], $0x4000  }
0x9a: {  	s28 =	sadd.s32 s5, s26;
	[sflag:s11] =	ssyncset.done $0x0  }
0x9b: {  	[sflag:s11] =	ssyncadd.s32 $0xFFFFC000  }
0x9c: {  	_ =	swait.ge [sflag:s3], $0x80  }
0x9d: {  	[sflag:s3] =	ssyncset.done $0x0  }
0x9e: {  	s10 =	sadd.s32 s6, s10;
	[sflag:s3] =	ssyncadd.s32 $0xFFFFFF80  }
0x9f: {  	[tilespmem:s22], [sflag:$0x7] =	stream.indirect.gather [hbm4b:s1+s29], $0x80, s4, s29, $0xb8;
	[tilespmem:$0x1FF00] =	vst v63  }
0xa0: {  	_ = 	snop  }
0xa1: {  	[tilespmem:s31], [sflag:$0x4] =	stream.linear.gather [hbm4b:s10+s4], $0x80, $0x38;
	[tilespmem:$0x1FF00] =	vst v63  }
0xa2: {  	_ = 	snop  }
0xa3: {  	[tilespmem:s29], [sflag:$0x2] =	stream.linear.gather [hbm4b:s28+s4], $0x80, $0x38;
	[tilespmem:$0x1FF00] =	vst v63  }
0xa4: {  	_ =	swait.ge [sflag:s23], $0x4000  }
0xa5: {  	[sflag:s23] =	ssyncset.done $0x0  }
0xa6: {  	[sflag:s23] =	ssyncadd.s32 $0xFFFFC000  }
0xa7: {  	_ =	swait.ge [sflag:s24], $0x80  }
0xa8: {  	[sflag:s24] =	ssyncset.done $0x0  }
0xa9: {  	[sflag:s24] =	ssyncadd.s32 $0xFFFFFF80  }
0xaa: {  	[spmem:s2] =	stream.indirect.scatter.add.f32 [tilespmem:s18], [sflag:$0xC], $0x80, s19, s29, $0xb8;
	[tilespmem:$0x1FF00] =	vst v63  }
0xab: {  	_ =	swait.ge [sflag:s14], $0x4000  }
0xac: {  	s10 =	sadd.s32 $0xFFFFFF80, s7;
	[sflag:s14] =	ssyncset.done $0x0  }
0xad: {  	s28 =	sand.u32 $0x7C00, s10;
	[sflag:s14] =	ssyncadd.s32 $0xFFFFC000  }
0xae: {  	s10 =	sand.u32 $0x380, s10;
	s28 =	sadd.s32 s9, s28;
	_ =	swait.ge [sflag:s12], $0x80  }
0xaf: {  	s26 =	sadd.s32 s6, s26;
	s10 =	sor.u32 s10, s28;
	[sflag:s12] =	ssyncset.done $0x0  }
0xb0: {  	s10 =	sshrl.u32 s10, $0x3;
	[sflag:s12] =	ssyncadd.s32 $0xFFFFFF80  }
0xb1: {  	[tilespmem:s13], [sflag:$0x8] =	stream.indirect.gather [hbm4b:s1+s29], $0x80, s29, s29, $0xb8;
	[tilespmem:$0x1FF00] =	vst v63  }
0xb2: {  	_ = 	snop  }
0xb3: {  	[tilespmem:s0], [sflag:$0x5] =	stream.linear.gather [hbm4b:s26+s4], $0x80, $0x38;
	[tilespmem:$0x1FF00] =	vst v63  }
0xb4: {  	s26 =	sadd.s32 s5, s10  }
0xb5: {  	[tilespmem:s30], [sflag:$0x3] =	stream.linear.gather [hbm4b:s26+s4], $0x80, $0x38;
	[tilespmem:$0x1FF00] =	vst v63  }
0xb6: {  	_ =	swait.ge [sflag:s15], $0x4000  }
0xb7: {  	[sflag:s15] =	ssyncset.done $0x0  }
.Ltmp0:
0xb8: {  	[sflag:s15] =	ssyncadd.s32 $0xFFFFC000;
	(pc) =	sbr.rel @p0 .LBB2_2-.Ltmp0, $4  }
0xb9: {  	_ =	swait.ge [sflag:s16], $0x80  }
0xba: {  	[sflag:s16] =	ssyncset.done $0x0  }
0xbb: {  	[sflag:s16] =	ssyncadd.s32 $0xFFFFFF80  }
0xbc: {  	[spmem:s2] =	stream.indirect.scatter.add.f32 [tilespmem:s22], [sflag:$0xA], $0x80, s31, s29, $0xb8;
	[tilespmem:$0x1FF00] =	vst v63  }
0xbd: {  	_ =	swait.ge [sflag:s25], $0x4000  }
0xbe: {  	[sflag:s25] =	ssyncset.done $0x0  }
0xbf: {  	[sflag:s25] =	ssyncadd.s32 $0xFFFFC000  }
0xc0: {  	s8 =	sand.u32 $0x7C00, s7;
	_ =	swait.ge [sflag:s17], $0x80  }
0xc1: {  	s28 =	sand.u32 $0x380, s7;
	s8 =	sadd.s32 s9, s8;
	[sflag:s17] =	ssyncset.done $0x0  }
0xc2: {  	s7 =	sor.u32 s28, s8;
	[sflag:s17] =	ssyncadd.s32 $0xFFFFFF80  }
0xc3: {  	[tilespmem:s18], [sflag:$0x9] =	stream.indirect.gather [hbm4b:s1+s29], $0x80, s30, s29, $0xb8;
	[tilespmem:$0x1FF00] =	vst v63  }
0xc4: {  	s10 =	sadd.s32 s6, s10;
	s7 =	sshrl.u32 s7, $0x3  }
0xc5: {  	[tilespmem:s19], [sflag:$0x6] =	stream.linear.gather [hbm4b:s10+s4], $0x80, $0x38;
	[tilespmem:$0x1FF00] =	vst v63  }
0xc6: {  	s7 =	sadd.s32 s5, s7  }
0xc7: {  	[tilespmem:s4], [sflag:$0x1] =	stream.linear.gather [hbm4b:s7+s4], $0x80, $0x38;
	[tilespmem:$0x1FF00] =	vst v63  }
0xc8: {  	_ =	swait.ge [sflag:s20], $0x4000  }
0xc9: {  	[sflag:s20] =	ssyncset.done $0x0  }
0xca: {  	[sflag:s20] =	ssyncadd.s32 $0xFFFFC000  }
0xcb: {  	_ =	swait.ge [sflag:s21], $0x80  }
0xcc: {  	[sflag:s21] =	ssyncset.done $0x0  }
0xcd: {  	[sflag:s21] =	ssyncadd.s32 $0xFFFFFF80  }
0xce: {  	[spmem:s2] =	stream.indirect.scatter.add.f32 [tilespmem:s13], [sflag:$0xB], $0x80, s0, s29, $0xb8;
	[tilespmem:$0x1FF00] =	vst v63  }
0xcf: {  	_ =	swait.ge [sflag:s11], $0x4000  }
0xd0: {  	[sflag:s11] =	ssyncset.done $0x0  }
0xd1: {  	[sflag:s11] =	ssyncadd.s32 $0xFFFFC000  }
0xd2: {  	_ =	swait.ge [sflag:s3], $0x80  }
0xd3: {  	[sflag:s3] =	ssyncset.done $0x0  }
0xd4: {  	[sflag:s3] =	ssyncadd.s32 $0xFFFFFF80  }
0xd5: {  	[tilespmem:s22], [sflag:$0x7] =	stream.indirect.gather [hbm4b:s1+s29], $0x80, s4, s29, $0xb8;
	[tilespmem:$0x1FF00] =	vst v63  }
0xd6: {  	s26 =	rddreg [dreg:$0x16]  }
0xd7: {  	[tilespmem:s31], [sflag:$0x4] =	stream.linear.gather [hbm4b:s26+s4], $0x80, $0x38;
	[tilespmem:$0x1FF00] =	vst v63  }
0xd8: {  	s28 =	rddreg [dreg:$0xe]  }
0xd9: {  	[tilespmem:s29], [sflag:$0x2] =	stream.linear.gather [hbm4b:s28+s4], $0x80, $0x38;
	[tilespmem:$0x1FF00] =	vst v63  }
0xda: {  	_ =	swait.ge [sflag:s23], $0x4000  }
0xdb: {  	[sflag:s23] =	ssyncset.done $0x0  }
0xdc: {  	[sflag:s23] =	ssyncadd.s32 $0xFFFFC000  }
0xdd: {  	_ =	swait.ge [sflag:s24], $0x80  }
0xde: {  	[sflag:s24] =	ssyncset.done $0x0  }
0xdf: {  	[sflag:s24] =	ssyncadd.s32 $0xFFFFFF80  }
0xe0: {  	[spmem:s2] =	stream.indirect.scatter.add.f32 [tilespmem:s18], [sflag:$0xC], $0x80, s19, s29, $0xb8;
	[tilespmem:$0x1FF00] =	vst v63  }
0xe1: {  	_ =	swait.ge [sflag:s14], $0x4000  }
0xe2: {  	[sflag:s14] =	ssyncset.done $0x0  }
0xe3: {  	[sflag:s14] =	ssyncadd.s32 $0xFFFFC000  }
0xe4: {  	_ =	swait.ge [sflag:s12], $0x80  }
0xe5: {  	[sflag:s12] =	ssyncset.done $0x0  }
0xe6: {  	[sflag:s12] =	ssyncadd.s32 $0xFFFFFF80  }
0xe7: {  	[tilespmem:s13], [sflag:$0x8] =	stream.indirect.gather [hbm4b:s1+s29], $0x80, s29, s29, $0xb8;
	[tilespmem:$0x1FF00] =	vst v63  }
0xe8: {  	s8 =	rddreg [dreg:$0xf]  }
0xe9: {  	[tilespmem:s0], [sflag:$0x5] =	stream.linear.gather [hbm4b:s8+s4], $0x80, $0x38;
	[tilespmem:$0x1FF00] =	vst v63  }
0xea: {  	_ =	swait.ge [sflag:s15], $0x4000  }
0xeb: {  	[sflag:s15] =	ssyncset.done $0x0  }
0xec: {  	[sflag:s15] =	ssyncadd.s32 $0xFFFFC000  }
0xed: {  	_ =	swait.ge [sflag:s16], $0x80  }
0xee: {  	[sflag:s16] =	ssyncset.done $0x0  }
0xef: {  	[sflag:s16] =	ssyncadd.s32 $0xFFFFFF80  }
0xf0: {  	[spmem:s2] =	stream.indirect.scatter.add.f32 [tilespmem:s22], [sflag:$0xA], $0x80, s31, s29, $0xb8;
	[tilespmem:$0x1FF00] =	vst v63  }
0xf1: {  	_ =	swait.ge [sflag:s25], $0x4000  }
0xf2: {  	[sflag:s25] =	ssyncset.done $0x0  }
0xf3: {  	[sflag:s25] =	ssyncadd.s32 $0xFFFFC000  }
0xf4: {  	_ =	swait.ge [sflag:s20], $0x4000  }
0xf5: {  	[sflag:s20] =	ssyncset.done $0x0  }
0xf6: {  	[sflag:s20] =	ssyncadd.s32 $0xFFFFC000  }
0xf7: {  	_ =	swait.ge [sflag:s21], $0x80  }
0xf8: {  	[sflag:s21] =	ssyncset.done $0x0  }
0xf9: {  	[sflag:s21] =	ssyncadd.s32 $0xFFFFFF80  }
0xfa: {  	[spmem:s2] =	stream.indirect.scatter.add.f32 [tilespmem:s13], [sflag:$0xB], $0x80, s0, s29, $0xb8;
	[tilespmem:$0x1FF00] =	vst v63  }
0xfb: {  	_ =	swait.ge [sflag:s11], $0x4000  }
0xfc: {  	[sflag:s11] =	ssyncset.done $0x0  }
0xfd: {  	[sflag:s11] =	ssyncadd.s32 $0xFFFFC000  }
0xfe: {  	_ =	swait.ge [sflag:s14], $0x4000  }
0xff: {  	[sflag:s14] =	ssyncset.done $0x0  }
0x100: {  	[sflag:s14] =	ssyncadd.s32 $0xFFFFC000  }
0x101: {  	[bflag:$0x0] =	sbarrier.arrive $0xFFFF  }
0x102: {  	s26 =	rddreg [dreg:$0x6]  }
0x103: {  	s10 =	rddreg [dreg:$0x10]  }
0x104: {  	s28 =	rddreg [dreg:$0x18]  }
0x105: {  	[hbm:s10], [sflag:s26] =	dma.local [spmem:s28], $0x2780  }
0x106: {  	s10 =	simm.s32 $0xD  }
0x107: {  	_ =	swait.ge [sflag:s10], $0x2780  }
0x108: {  	s7 =	rddreg [dreg:$0x17]  }
0x109: {  	s28 =	rddreg [dreg:$0x11];
	s8 =	sadd.s32 $0x1, s7  }
0x10a: {  	p0 =	sne.s32 s8, s28  }
.Ltmp1:
0x10b: {  	_ = 	snop;
	(pc) =	sbr.rel @p0 .LBB2_1-.Ltmp1, $3  }
0x10c: {  	_ =	sdelay $0x1  }
0x10d: {  	[sflag:s10] =	ssyncset.done $0x0  }
0x10e: {  	[sflag:s10] =	ssyncadd.s32 $0xFFFFD880  }
0x10f: {  	_ =	sfence.sel $0x180000  }
0x110: {  	[bflag:$0x0] =	sbarrier.arrive $0xFFFF  }
0x111: {  	_ =	strace $0x90000050  }
0x112: {  	s0 =	stileid.u32;
	[bflag:$0x2] =	sbarrier.arrive $0xFFFF  }
0x113: {  	p0 =	sne.s32 s0, $0x0;
	s0 =	rddreg [dreg:$0x3]  }
0x114: {  	s0 =	sadd.s32 @!p0 $0x100000, s0  }
0x115: {  	[sflag:s0] =	ssyncadd.tile.s32 @!p0 $0x1;
	_ =	shalt  }
.Lfunc_end2:
_tile_overlayer_lowered:
.L_overlay_start_2:
0x116: {  	(tag) =	ssettag $0x2  }
0x117: {  	s0 =	rddreg [dreg:$0x0];
	s2 =	stileid.u32  }
0x118: {  	s1 =	rddreg [dreg:$0x1];
	p0 =	sne.s32 s2, $0x0  }
0x119: {  	s3 =	rddreg [dreg:$0x2];
	[bflag:$0x3] =	sbarrier.arrive $0xFFFF;
	s2 =	simm.s32 @!p0 $0x1C0D  }
0x11a: {  	[timem:s3], [sflag:s2] =	dma.local @!p0 [hbm:s0], s1  }
0x11b: {  	s0 =	simm.s32 @!p0 $0xD  }
0x11c: {  	_ =	swait.ge @!p0 [sflag:s0], s1  }
0x11d: {  	s1 =	ssub.s32 @!p0 $0x0, s1;
	[sflag:s0] =	ssyncset.done @!p0 $0x0  }
0x11e: {  	[sflag:s0] =	ssyncadd.s32 @!p0 s1  }
0x11f: {  	[bflag:$0x3] =	sbarrier.arrive $0xFFFF  }
0x120: {  	_ =	shalt  }

</sc_bundles>
